<compile_context>
chip_gen: v7x
topology: tpu7x:2x2x1
jax: 0.10.2.dev20260603
libtpu: 0.0.44.dev20260713+nightly
codegen_flags: <defaults>
</compile_context>

<pallas_src>
import functools

import jax
import jax.numpy as jnp
from jax import lax
from jax.experimental import pallas as pl
from jax.experimental.pallas import tpu as pltpu
from jax.experimental.pallas import tpu_sc as plsc

NC, NS = 2, 16
NW = NC * NS
LANES = 128
D = 128
ACC_ROWS = 10112
DEG_W = 8

_MESH = plsc.VectorSubcoreMesh(core_axis_name="c", subcore_axis_name="s")


def _make_deg_kernel(ch):

    @functools.partial(
        pl.kernel,
        out_type=jax.ShapeDtypeStruct((NC, ACC_ROWS, DEG_W), jnp.float32),
        mesh=_MESH,
        scratch_types=[
            pltpu.VMEM((ch, LANES), jnp.int32),
            pltpu.VMEM((LANES, DEG_W), jnp.float32),
            pltpu.VMEM_SHARED((ACC_ROWS, DEG_W), jnp.float32),
        ],
    )
    def kern(didx_hbm, ones_hbm, zeros_hbm, out_hbm, didx_v, ones_v, dacc):
        cid = lax.axis_index("c")
        sid = lax.axis_index("s")
        wid = sid * NC + cid
        rpt = ACC_ROWS // NS
        pltpu.sync_copy(didx_hbm.at[wid], didx_v)
        pltpu.sync_copy(ones_hbm, ones_v)
        pltpu.sync_copy(zeros_hbm.at[pl.ds(sid * rpt, rpt)],
                        dacc.at[pl.ds(sid * rpt, rpt)])
        plsc.subcore_barrier()

        def body(j, carry):
            pltpu.sync_copy(ones_v, dacc.at[didx_v.at[j]], add=True)
            return carry

        lax.fori_loop(0, ch, body, 0)
        plsc.subcore_barrier()
        pltpu.sync_copy(dacc.at[pl.ds(sid * rpt, rpt)],
                        out_hbm.at[cid, pl.ds(sid * rpt, rpt)])

    return kern


SC_K = 8


def _make_edge_pass(ch):
    assert ch % (2 * SC_K) == 0
    nsc = ch // SC_K

    @functools.partial(
        pl.kernel,
        out_type=jax.ShapeDtypeStruct((NC, ACC_ROWS, D), jnp.float32),
        mesh=_MESH,
        scratch_types=[
            pltpu.VMEM((2 * SC_K, LANES), jnp.int32),
            pltpu.VMEM((2 * SC_K, LANES), jnp.int32),
            pltpu.VMEM((LANES, D), jnp.float32),
            pltpu.VMEM((LANES, D), jnp.float32),
            pltpu.VMEM_SHARED((ACC_ROWS, D), jnp.float32),
            pltpu.SemaphoreType.DMA,
            pltpu.SemaphoreType.DMA,
            pltpu.SemaphoreType.DMA,
            pltpu.SemaphoreType.DMA,
        ],
    )
    def kern(table_hbm, cidx_hbm, zeros_hbm, out_hbm,
             ib0, ib1, buf0, buf1, acc, sem0, sem1, sem_i0, sem_i1):
        cid = lax.axis_index("c")
        sid = lax.axis_index("s")
        wid = sid * NC + cid
        rpt = ACC_ROWS // NS
        pltpu.sync_copy(zeros_hbm.at[pl.ds(sid * rpt, rpt)],
                        acc.at[pl.ds(sid * rpt, rpt)])
        pltpu.sync_copy(cidx_hbm.at[wid, pl.ds(0, 2 * SC_K)], ib0)
        plsc.subcore_barrier()

        rbufs = (buf0, buf1)
        rsems = (sem0, sem1)

        def idx_block(m):
            return cidx_hbm.at[wid, pl.ds(m * 2 * SC_K, 2 * SC_K)]

        pltpu.async_copy(table_hbm.at[ib0.at[0]], buf0, sem0)

        def do_block(ib, ib_nxt, sem_i_nxt, m_nxt, nxt_pred):
            for j in range(SC_K):
                bc, bn = rbufs[j % 2], rbufs[(j + 1) % 2]
                sc, sn = rsems[j % 2], rsems[(j + 1) % 2]
                pltpu.make_async_copy(table_hbm.at[ib.at[2 * j]], bc, sc).wait()
                if j < SC_K - 1:
                    pltpu.async_copy(table_hbm.at[ib.at[2 * (j + 1)]], bn, sn)
                else:
                    @pl.when(nxt_pred)
                    def _():
                        pltpu.make_async_copy(idx_block(m_nxt), ib_nxt,
                                              sem_i_nxt).wait()
                        pltpu.async_copy(table_hbm.at[ib_nxt.at[0]], bn, sn)
                pltpu.sync_copy(bc, acc.at[ib.at[2 * j + 1]], add=True)

        def body(i, carry):
            m0 = 2 * i
            pltpu.async_copy(idx_block(m0 + 1), ib1, sem_i1)
            do_block(ib0, ib1, sem_i1, m0 + 1, m0 + 1 < nsc)
            nxt = m0 + 2 < nsc

            @pl.when(nxt)
            def _():
                pltpu.async_copy(idx_block(m0 + 2), ib0, sem_i0)

            do_block(ib1, ib0, sem_i0, m0 + 2, nxt)
            return carry

        lax.fori_loop(0, nsc // 2, body, 0)
        plsc.subcore_barrier()
        pltpu.sync_copy(acc.at[pl.ds(sid * rpt, rpt)],
                        out_hbm.at[cid, pl.ds(sid * rpt, rpt)])

    return kern


def _scale_body(x_ref, dp_ref, y_ref):
    deg = dp_ref[0, :, 0:1] + dp_ref[1, :, 0:1] + 1.0
    dinv = lax.rsqrt(deg)
    y_ref[...] = x_ref[...] * dinv


def _scale_y(x, deg_p, blk):
    n = x.shape[0]
    return pl.pallas_call(
        _scale_body,
        grid=(n // blk,),
        in_specs=[
            pl.BlockSpec((blk, D), lambda i: (i, 0)),
            pl.BlockSpec((NC, blk, DEG_W), lambda i: (0, i, 0)),
        ],
        out_specs=pl.BlockSpec((blk, D), lambda i: (i, 0)),
        out_shape=jax.ShapeDtypeStruct((n, D), jnp.float32),
    )(x, deg_p)


def _fused_body(acc_ref, dp_ref, x_ref, w_ref, b_ref, s_ref, xp_ref):
    i = pl.program_id(0)
    deg = dp_ref[0, :, 0:1] + dp_ref[1, :, 0:1] + 1.0
    dinv = lax.rsqrt(deg)
    xa = dinv * (acc_ref[0] + acc_ref[1]) + (dinv * dinv) * x_ref[...]
    agg = jnp.dot(xa, w_ref[...], preferred_element_type=jnp.float32) + b_ref[...]
    e = jnp.maximum(agg[:, :D], 0.0)
    lg = agg[:, D:]
    lg = lg - jnp.max(lg, axis=-1, keepdims=True)
    p = jnp.exp(lg)
    s = p / jnp.sum(p, axis=-1, keepdims=True)
    s_ref[...] = s

    @pl.when(i == 0)
    def _():
        xp_ref[...] = jnp.zeros_like(xp_ref)

    xp_ref[...] += lax.dot_general(s, e, (((0,), (0,)), ((), ())),
                                   preferred_element_type=jnp.float32)


def _fused_tc(acc_p, deg_p, x, w_cat, b_cat, blk):
    n = x.shape[0]
    return pl.pallas_call(
        _fused_body,
        grid=(n // blk,),
        in_specs=[
            pl.BlockSpec((NC, blk, D), lambda i: (0, i, 0)),
            pl.BlockSpec((NC, blk, DEG_W), lambda i: (0, i, 0)),
            pl.BlockSpec((blk, D), lambda i: (i, 0)),
            pl.BlockSpec((D, 2 * D), lambda i: (0, 0)),
            pl.BlockSpec((1, 2 * D), lambda i: (0, 0)),
        ],
        out_specs=[
            pl.BlockSpec((blk, D), lambda i: (i, 0)),
            pl.BlockSpec((D, D), lambda i: (0, 0)),
        ],
        out_shape=[
            jax.ShapeDtypeStruct((n, D), jnp.float32),
            jax.ShapeDtypeStruct((D, D), jnp.float32),
        ],
    )(acc_p, deg_p, x, w_cat, b_cat)


def _mm_body(s_ref, b_ref, m_ref):
    i = pl.program_id(0)

    @pl.when(i == 0)
    def _():
        m_ref[...] = jnp.zeros_like(m_ref)

    bsum = b_ref[0] + b_ref[1]
    m_ref[...] += lax.dot_general(s_ref[...], bsum, (((0,), (0,)), ((), ())),
                                  preferred_element_type=jnp.float32)


def _mm_tc(s, b_p, blk):
    n = s.shape[0]
    return pl.pallas_call(
        _mm_body,
        grid=(n // blk,),
        in_specs=[
            pl.BlockSpec((blk, D), lambda i: (i, 0)),
            pl.BlockSpec((NC, blk, D), lambda i: (0, i, 0)),
        ],
        out_specs=pl.BlockSpec((D, D), lambda i: (0, 0)),
        out_shape=jax.ShapeDtypeStruct((D, D), jnp.float32),
    )(s, b_p)


def kernel(x, edge_index, W_embed, b_embed, W_assign, b_assign):
    n = x.shape[0]
    e = edge_index.shape[1]
    src = edge_index[0]
    dst = edge_index[1]

    ch = -(-e // (NW * LANES))
    ch += (-ch) % (2 * SC_K)
    epad = NW * ch * LANES - e
    gpad = jnp.zeros((epad,), jnp.int32)
    spad = jnp.full((epad,), n, jnp.int32)

    def lay(a):
        return a.reshape(NW, ch, LANES)

    def interleave(g, s):
        return jnp.stack([lay(g), lay(s)], axis=2).reshape(NW, 2 * ch, LANES)

    src_p = jnp.concatenate([src, gpad])
    dst_p = jnp.concatenate([dst, spad])
    dst_g = jnp.concatenate([dst, gpad])
    src_s = jnp.concatenate([src, spad])
    c_fwd = interleave(src_p, dst_p)
    c_bwd = interleave(dst_g, src_s)
    s_fwd = lay(dst_p)

    zeros_big = jnp.zeros((ACC_ROWS, D), jnp.float32)
    zeros_deg = jnp.zeros((ACC_ROWS, DEG_W), jnp.float32)
    ones_deg = jnp.ones((LANES, DEG_W), jnp.float32)

    deg_p = _make_deg_kernel(ch)(s_fwd, ones_deg, zeros_deg)
    dp = deg_p[:, :n]

    blk = 1000
    y = _scale_y(x, dp, blk)

    edge_pass = _make_edge_pass(ch)
    acc_p = edge_pass(y, c_fwd, zeros_big)

    w_cat = jnp.concatenate([W_embed, W_assign], axis=1)
    b_cat = jnp.concatenate([b_embed, b_assign]).reshape(1, 2 * D)
    s_mat, x_pooled = _fused_tc(acc_p[:, :n], dp, x, w_cat, b_cat, blk)

    b_p = edge_pass(s_mat, c_bwd, zeros_big)
    m = _mm_tc(s_mat, b_p[:, :n], blk)

    eip = jnp.stack(
        jnp.nonzero(m, size=m.shape[0] * m.shape[1])
    ).astype(edge_index.dtype)
    return (x_pooled, eip, s_mat)

# --- scband reference (transcript-rebuilt; emitter-appended) ---
"""Pipeline reference for scband-diff-pool-layer-32384053412284 (READ-ONLY COPY).

The authoritative reference and input builder live on the scoring server;
editing this copy changes nothing except your own understanding.
"""

import jax, jax.numpy as jnp
import numpy as np


def gcn_conv(x, edge_index, W, b):
    # PyG-style GCNConv: add self-loops, symmetric deg normalization, linear transform, scatter-add aggregate
    n = x.shape[0]
    loop = jnp.arange(n, dtype=edge_index.dtype)
    src = jnp.concatenate([edge_index[0], loop])
    dst = jnp.concatenate([edge_index[1], loop])
    deg = jnp.zeros((n,), x.dtype).at[dst].add(1.0)
    dinv = jnp.where(deg > 0, deg ** -0.5, 0.0)
    norm = dinv[src] * dinv[dst]
    h = x @ W
    out = jnp.zeros((n, W.shape[1]), x.dtype).at[dst].add(h[src] * norm[:, None])
    return out + b


def setup_inputs(seed: int = 0) -> dict:
    key = jax.random.key(seed)
    ks = jax.random.split(key, 6)
    N, E, d, h, K = 10000, 640000, 128, 128, 128
    x = jax.random.normal(ks[0], (N, d), dtype=jnp.float32)
    edge_index = jax.random.randint(ks[1], (2, E), 0, N, dtype=jnp.int32)
    W_embed = jax.random.normal(ks[2], (d, h), dtype=jnp.float32) * 0.05
    b_embed = jnp.zeros((h,), dtype=jnp.float32)
    W_assign = jax.random.normal(ks[3], (d, K), dtype=jnp.float32) * 0.05
    b_assign = jnp.zeros((K,), dtype=jnp.float32)
    return {"x": x, "edge_index": edge_index, "W_embed": W_embed, "b_embed": b_embed, "W_assign": W_assign, "b_assign": b_assign}


def reference(x, edge_index, W_embed, b_embed, W_assign, b_assign):
    x_emb = jax.nn.relu(gcn_conv(x, edge_index, W_embed, b_embed))
    S = jax.nn.softmax(gcn_conv(x, edge_index, W_assign, b_assign), axis=-1)
    x_pooled = S.T @ x_emb
    N = x.shape[0]
    A = jnp.zeros((N, N), x.dtype).at[edge_index[0], edge_index[1]].set(1.0)
    A_pooled = (S.T @ A) @ S
    edge_index_pooled = jnp.stack(
        jnp.nonzero(A_pooled, size=A_pooled.shape[0] * A_pooled.shape[1])
    ).astype(edge_index.dtype)
    return (x_pooled, edge_index_pooled, S)

if __name__ == "__main__":
    import jax
    _d = setup_inputs()
    print(jax.jit(kernel)(*tuple(_d.values())))

</pallas_src>

<mosaic_0001>
#map = affine_map<(d0, d1) -> (0, 0)>
#map1 = affine_map<(d0, d1) -> (0, 0, 0)>
module attributes {stable_mosaic.version = 14 : i64} {
  func.func @kern(%arg0: i32, %arg1: i32, %arg2: memref<10000x128xf32, #tpu.memory_space<hbm>>, %arg3: memref<32x320x128xi32, #tpu.memory_space<hbm>>, %arg4: memref<10112x128xf32, #tpu.memory_space<hbm>>, %arg5: memref<2x10112x128xf32, #tpu.memory_space<hbm>>, %arg6: memref<16x128xi32, #tpu.memory_space<vmem>>, %arg7: memref<16x128xi32, #tpu.memory_space<vmem>>, %arg8: memref<128x128xf32, #tpu.memory_space<vmem>>, %arg9: memref<128x128xf32, #tpu.memory_space<vmem>>, %arg10: memref<10112x128xf32, #tpu.memory_space<vmem_shared>>, %arg11: memref<!tpu.dma_semaphore, #tpu.memory_space<semaphore_mem>>, %arg12: memref<!tpu.dma_semaphore, #tpu.memory_space<semaphore_mem>>, %arg13: memref<!tpu.dma_semaphore, #tpu.memory_space<semaphore_mem>>, %arg14: memref<!tpu.dma_semaphore, #tpu.memory_space<semaphore_mem>>) attributes {dimension_semantics = [#tpu.dimension_semantics<core_parallel>, #tpu.dimension_semantics<subcore_parallel>], iteration_bounds = array<i64: 2, 16>, scalar_prefetch = 0 : i64, scratch_operands = 9 : i64, tpu.core_type = #tpu.core_type<sc_vector_subcore>, window_params = [{transform_indices = #map}, {transform_indices = #map1}, {transform_indices = #map}, {transform_indices = #map1}]} {
    %mul3A = arith.constant 2 : i32
    %mul3A_0 = arith.muli %arg1, %mul3A : i32
    %add3A = arith.addi %mul3A_0, %arg0 : i32
    %mul3A_1 = arith.constant 632 : i32
    %mul3A_2 = arith.muli %arg1, %mul3A_1 : i32
    %mul3A_3 = arith.constant 632 : i32
    %mul3A_4 = arith.muli %arg1, %mul3A_3 : i32
    "tpu.region"() ({
      %run_scoped3A = tpu.sem_alloc : memref<!tpu.dma_semaphore, #tpu.memory_space<semaphore_mem>>
      %dma_start3A_21 = arith.constant 0 : i32
      %dma_start3A_22 = tpu.memref_slice %arg10[%mul3A_4, %dma_start3A_21] : memref<10112x128xf32, #tpu.memory_space<vmem_shared>> -> memref<632x128xf32, #tpu.memory_space<vmem_shared>>
      %dma_start3A_23 = arith.constant 0 : i32
      %dma_start3A_24 = tpu.memref_slice %arg4[%mul3A_2, %dma_start3A_23] : memref<10112x128xf32, #tpu.memory_space<hbm>> -> memref<632x128xf32, #tpu.memory_space<hbm>>
      tpu.enqueue_dma source(%dma_start3A_24 : memref<632x128xf32, #tpu.memory_space<hbm>>) target(%dma_start3A_22 : memref<632x128xf32, #tpu.memory_space<vmem_shared>>) target_semaphore(%run_scoped3A : memref<!tpu.dma_semaphore, #tpu.memory_space<semaphore_mem>>)
      %dma_wait3A = arith.constant 0 : i32
      %dma_wait3A_25 = tpu.memref_slice %arg10[%mul3A_4, %dma_wait3A] : memref<10112x128xf32, #tpu.memory_space<vmem_shared>> -> memref<632x128xf32, #tpu.memory_space<vmem_shared>>
      %dma_wait3A_26 = arith.constant 0 : i32
      %dma_wait3A_27 = tpu.memref_slice %arg4[%mul3A_2, %dma_wait3A_26] : memref<10112x128xf32, #tpu.memory_space<hbm>> -> memref<632x128xf32, #tpu.memory_space<hbm>>
      tpu.wait_dma2 semaphore(%run_scoped3A : memref<!tpu.dma_semaphore, #tpu.memory_space<semaphore_mem>>) src(%dma_wait3A_27 : memref<632x128xf32, #tpu.memory_space<hbm>>) dst(%dma_wait3A_25 : memref<632x128xf32, #tpu.memory_space<vmem_shared>>)
      tpu.yield
    }) : () -> ()
    "tpu.region"() ({
      %run_scoped3A = tpu.sem_alloc : memref<!tpu.dma_semaphore, #tpu.memory_space<semaphore_mem>>
      %dma_start3A_21 = arith.constant 0 : i32
      %dma_start3A_22 = arith.constant 0 : i32
      %dma_start3A_23 = tpu.memref_slice %arg3[%add3A, %dma_start3A_21, %dma_start3A_22] : memref<32x320x128xi32, #tpu.memory_space<hbm>> -> memref<1x16x128xi32, #tpu.memory_space<hbm>>
      %dma_start3A_24 = tpu.memref_squeeze %dma_start3A_23 : memref<1x16x128xi32, #tpu.memory_space<hbm>> -> memref<16x128xi32, #tpu.memory_space<hbm>>
      %dma_start3A_25 = arith.constant 0 : i32
      %dma_start3A_26 = arith.constant 0 : i32
      %dma_start3A_27 = tpu.memref_slice %arg3[%add3A, %dma_start3A_25, %dma_start3A_26] : memref<32x320x128xi32, #tpu.memory_space<hbm>> -> memref<1x16x128xi32, #tpu.memory_space<hbm>>
      %dma_start3A_28 = tpu.memref_squeeze %dma_start3A_27 : memref<1x16x128xi32, #tpu.memory_space<hbm>> -> memref<16x128xi32, #tpu.memory_space<hbm>>
      tpu.enqueue_dma source(%dma_start3A_28 : memref<16x128xi32, #tpu.memory_space<hbm>>) target(%arg6 : memref<16x128xi32, #tpu.memory_space<vmem>>) target_semaphore(%run_scoped3A : memref<!tpu.dma_semaphore, #tpu.memory_space<semaphore_mem>>)
      %dma_wait3A = arith.constant 0 : i32
      %dma_wait3A_29 = arith.constant 0 : i32
      %dma_wait3A_30 = tpu.memref_slice %arg3[%add3A, %dma_wait3A, %dma_wait3A_29] : memref<32x320x128xi32, #tpu.memory_space<hbm>> -> memref<1x16x128xi32, #tpu.memory_space<hbm>>
      %dma_wait3A_31 = tpu.memref_squeeze %dma_wait3A_30 : memref<1x16x128xi32, #tpu.memory_space<hbm>> -> memref<16x128xi32, #tpu.memory_space<hbm>>
      %dma_wait3A_32 = arith.constant 0 : i32
      %dma_wait3A_33 = arith.constant 0 : i32
      %dma_wait3A_34 = tpu.memref_slice %arg3[%add3A, %dma_wait3A_32, %dma_wait3A_33] : memref<32x320x128xi32, #tpu.memory_space<hbm>> -> memref<1x16x128xi32, #tpu.memory_space<hbm>>
      %dma_wait3A_35 = tpu.memref_squeeze %dma_wait3A_34 : memref<1x16x128xi32, #tpu.memory_space<hbm>> -> memref<16x128xi32, #tpu.memory_space<hbm>>
      tpu.wait_dma2 semaphore(%run_scoped3A : memref<!tpu.dma_semaphore, #tpu.memory_space<semaphore_mem>>) src(%dma_wait3A_35 : memref<16x128xi32, #tpu.memory_space<hbm>>) dst(%arg6 : memref<16x128xi32, #tpu.memory_space<vmem>>)
      tpu.yield
    }) : () -> ()
    %barrier3A = arith.constant 0 : index
    tpu.barrier barrier_id(%barrier3A)
    %dma_start3A = arith.constant 0 : i32
    %dma_start3A_5 = arith.constant 0 : i32
    %dma_start3A_6 = tpu.memref_slice %arg6[%dma_start3A, %dma_start3A_5] : memref<16x128xi32, #tpu.memory_space<vmem>> -> memref<1x128xi32, #tpu.memory_space<vmem>>
    %dma_start3A_7 = tpu.memref_squeeze %dma_start3A_6 : memref<1x128xi32, #tpu.memory_space<vmem>> -> memref<128xi32, #tpu.memory_space<vmem>>
    %dma_start3A_8 = arith.constant 0 : i32
    %dma_start3A_9 = arith.constant 0 : i32
    %dma_start3A_10 = tpu.memref_slice %arg2[%dma_start3A_8, %dma_start3A_9] : memref<10000x128xf32, #tpu.memory_space<hbm>> -> memref<10000x128xf32, #tpu.memory_space<hbm>>
    tpu.enqueue_indirect_dma source(%dma_start3A_10 : memref<10000x128xf32, #tpu.memory_space<hbm>>) target(%arg8 : memref<128x128xf32, #tpu.memory_space<vmem>>) offsets(%dma_start3A_7 : memref<128xi32, #tpu.memory_space<vmem>>) semaphore(%arg11 : memref<!tpu.dma_semaphore, #tpu.memory_space<semaphore_mem>>)
    %scan3A = arith.constant 0 : i32
    %scan3A_11 = arith.constant 0 : i32
    %scan3A_12 = arith.constant 10 : i32
    %scan3A_13 = arith.addi %scan3A_11, %scan3A_12 : i32
    %scan3A_14 = arith.constant 1 : i32
    scf.for %scan3A_21 = %scan3A_11 to %scan3A_13 step %scan3A_14  : i32 {
      %mul3A_22 = arith.constant 2 : i32
      %mul3A_23 = arith.muli %mul3A_22, %scan3A_21 : i32
      %add3A_24 = arith.constant 1 : i32
      %add3A_25 = arith.addi %mul3A_23, %add3A_24 : i32
      %mul3A_26 = arith.constant 2 : i32
      %mul3A_27 = arith.muli %add3A_25, %mul3A_26 : i32
      %mul3A_28 = arith.constant 8 : i32
      %mul3A_29 = arith.muli %mul3A_27, %mul3A_28 : i32
      %dma_start3A_30 = arith.constant 0 : i32
      %dma_start3A_31 = tpu.memref_slice %arg3[%add3A, %mul3A_29, %dma_start3A_30] : memref<32x320x128xi32, #tpu.memory_space<hbm>> -> memref<1x16x128xi32, #tpu.memory_space<hbm>>
      %dma_start3A_32 = tpu.memref_squeeze %dma_start3A_31 : memref<1x16x128xi32, #tpu.memory_space<hbm>> -> memref<16x128xi32, #tpu.memory_space<hbm>>
      %dma_start3A_33 = arith.constant 0 : i32
      %dma_start3A_34 = tpu.memref_slice %arg3[%add3A, %mul3A_29, %dma_start3A_33] : memref<32x320x128xi32, #tpu.memory_space<hbm>> -> memref<1x16x128xi32, #tpu.memory_space<hbm>>
      %dma_start3A_35 = tpu.memref_squeeze %dma_start3A_34 : memref<1x16x128xi32, #tpu.memory_space<hbm>> -> memref<16x128xi32, #tpu.memory_space<hbm>>
      tpu.enqueue_dma source(%dma_start3A_35 : memref<16x128xi32, #tpu.memory_space<hbm>>) target(%arg7 : memref<16x128xi32, #tpu.memory_space<vmem>>) target_semaphore(%arg14 : memref<!tpu.dma_semaphore, #tpu.memory_space<semaphore_mem>>)
      %add3A_36 = arith.constant 1 : i32
      %add3A_37 = arith.addi %mul3A_23, %add3A_36 : i32
      %add3A_38 = arith.constant 1 : i32
      %add3A_39 = arith.addi %mul3A_23, %add3A_38 : i32
      %lt3A = arith.constant 20 : i32
      %lt3A_40 = arith.cmpi slt, %add3A_39, %lt3A : i32
      %dma_wait3A = arith.constant 0 : i32
      %dma_wait3A_41 = arith.constant 0 : i32
      %dma_wait3A_42 = tpu.memref_slice %arg6[%dma_wait3A, %dma_wait3A_41] : memref<16x128xi32, #tpu.memory_space<vmem>> -> memref<1x128xi32, #tpu.memory_space<vmem>>
      %dma_wait3A_43 = tpu.memref_squeeze %dma_wait3A_42 : memref<1x128xi32, #tpu.memory_space<vmem>> -> memref<128xi32, #tpu.memory_space<vmem>>
      %dma_wait3A_44 = arith.constant 0 : i32
      %dma_wait3A_45 = arith.constant 0 : i32
      %dma_wait3A_46 = tpu.memref_slice %arg2[%dma_wait3A_44, %dma_wait3A_45] : memref<10000x128xf32, #tpu.memory_space<hbm>> -> memref<10000x128xf32, #tpu.memory_space<hbm>>
      tpu.wait_indirect_dma semaphore(%arg11 : memref<!tpu.dma_semaphore, #tpu.memory_space<semaphore_mem>>) src(%dma_wait3A_46 : memref<10000x128xf32, #tpu.memory_space<hbm>>) dst(%arg8 : memref<128x128xf32, #tpu.memory_space<vmem>>)
      %dma_start3A_47 = arith.constant 2 : i32
      %dma_start3A_48 = arith.constant 0 : i32
      %dma_start3A_49 = tpu.memref_slice %arg6[%dma_start3A_47, %dma_start3A_48] : memref<16x128xi32, #tpu.memory_space<vmem>> -> memref<1x128xi32, #tpu.memory_space<vmem>>
      %dma_start3A_50 = tpu.memref_squeeze %dma_start3A_49 : memref<1x128xi32, #tpu.memory_space<vmem>> -> memref<128xi32, #tpu.memory_space<vmem>>
      %dma_start3A_51 = arith.constant 0 : i32
      %dma_start3A_52 = arith.constant 0 : i32
      %dma_start3A_53 = tpu.memref_slice %arg2[%dma_start3A_51, %dma_start3A_52] : memref<10000x128xf32, #tpu.memory_space<hbm>> -> memref<10000x128xf32, #tpu.memory_space<hbm>>
      tpu.enqueue_indirect_dma source(%dma_start3A_53 : memref<10000x128xf32, #tpu.memory_space<hbm>>) target(%arg9 : memref<128x128xf32, #tpu.memory_space<vmem>>) offsets(%dma_start3A_50 : memref<128xi32, #tpu.memory_space<vmem>>) semaphore(%arg12 : memref<!tpu.dma_semaphore, #tpu.memory_space<semaphore_mem>>)
      %run_scoped3A = arith.constant 1 : i32
      "tpu.region"() ({
        %run_scoped3A_278 = tpu.sem_alloc : memref<!tpu.dma_semaphore, #tpu.memory_space<semaphore_mem>>
        %dma_start3A_279 = arith.constant 0 : i32
        %dma_start3A_280 = tpu.memref_slice %arg6[%run_scoped3A, %dma_start3A_279] : memref<16x128xi32, #tpu.memory_space<vmem>> -> memref<1x128xi32, #tpu.memory_space<vmem>>
        %dma_start3A_281 = tpu.memref_squeeze %dma_start3A_280 : memref<1x128xi32, #tpu.memory_space<vmem>> -> memref<128xi32, #tpu.memory_space<vmem>>
        %dma_start3A_282 = arith.constant 0 : i32
        %dma_start3A_283 = arith.constant 0 : i32
        %dma_start3A_284 = tpu.memref_slice %arg10[%dma_start3A_282, %dma_start3A_283] : memref<10112x128xf32, #tpu.memory_space<vmem_shared>> -> memref<10112x128xf32, #tpu.memory_space<vmem_shared>>
        tpu.enqueue_indirect_dma source(%arg8 : memref<128x128xf32, #tpu.memory_space<vmem>>) target(%dma_start3A_284 : memref<10112x128xf32, #tpu.memory_space<vmem_shared>>) offsets(%dma_start3A_281 : memref<128xi32, #tpu.memory_space<vmem>>) semaphore(%run_scoped3A_278 : memref<!tpu.dma_semaphore, #tpu.memory_space<semaphore_mem>>) {add = true}
        %dma_wait3A_285 = arith.constant 0 : i32
        %dma_wait3A_286 = tpu.memref_slice %arg6[%run_scoped3A, %dma_wait3A_285] : memref<16x128xi32, #tpu.memory_space<vmem>> -> memref<1x128xi32, #tpu.memory_space<vmem>>
        %dma_wait3A_287 = tpu.memref_squeeze %dma_wait3A_286 : memref<1x128xi32, #tpu.memory_space<vmem>> -> memref<128xi32, #tpu.memory_space<vmem>>
        %dma_wait3A_288 = arith.constant 0 : i32
        %dma_wait3A_289 = arith.constant 0 : i32
        %dma_wait3A_290 = tpu.memref_slice %arg10[%dma_wait3A_288, %dma_wait3A_289] : memref<10112x128xf32, #tpu.memory_space<vmem_shared>> -> memref<10112x128xf32, #tpu.memory_space<vmem_shared>>
        tpu.wait_indirect_dma semaphore(%run_scoped3A_278 : memref<!tpu.dma_semaphore, #tpu.memory_space<semaphore_mem>>) src(%arg8 : memref<128x128xf32, #tpu.memory_space<vmem>>) dst(%dma_wait3A_290 : memref<10112x128xf32, #tpu.memory_space<vmem_shared>>)
        tpu.yield
      }) : () -> ()
      %dma_wait3A_54 = arith.constant 2 : i32
      %dma_wait3A_55 = arith.constant 0 : i32
      %dma_wait3A_56 = tpu.memref_slice %arg6[%dma_wait3A_54, %dma_wait3A_55] : memref<16x128xi32, #tpu.memory_space<vmem>> -> memref<1x128xi32, #tpu.memory_space<vmem>>
      %dma_wait3A_57 = tpu.memref_squeeze %dma_wait3A_56 : memref<1x128xi32, #tpu.memory_space<vmem>> -> memref<128xi32, #tpu.memory_space<vmem>>
      %dma_wait3A_58 = arith.constant 0 : i32
      %dma_wait3A_59 = arith.constant 0 : i32
      %dma_wait3A_60 = tpu.memref_slice %arg2[%dma_wait3A_58, %dma_wait3A_59] : memref<10000x128xf32, #tpu.memory_space<hbm>> -> memref<10000x128xf32, #tpu.memory_space<hbm>>
      tpu.wait_indirect_dma semaphore(%arg12 : memref<!tpu.dma_semaphore, #tpu.memory_space<semaphore_mem>>) src(%dma_wait3A_60 : memref<10000x128xf32, #tpu.memory_space<hbm>>) dst(%arg9 : memref<128x128xf32, #tpu.memory_space<vmem>>)
      %dma_start3A_61 = arith.constant 4 : i32
      %dma_start3A_62 = arith.constant 0 : i32
      %dma_start3A_63 = tpu.memref_slice %arg6[%dma_start3A_61, %dma_start3A_62] : memref<16x128xi32, #tpu.memory_space<vmem>> -> memref<1x128xi32, #tpu.memory_space<vmem>>
      %dma_start3A_64 = tpu.memref_squeeze %dma_start3A_63 : memref<1x128xi32, #tpu.memory_space<vmem>> -> memref<128xi32, #tpu.memory_space<vmem>>
      %dma_start3A_65 = arith.constant 0 : i32
      %dma_start3A_66 = arith.constant 0 : i32
      %dma_start3A_67 = tpu.memref_slice %arg2[%dma_start3A_65, %dma_start3A_66] : memref<10000x128xf32, #tpu.memory_space<hbm>> -> memref<10000x128xf32, #tpu.memory_space<hbm>>
      tpu.enqueue_indirect_dma source(%dma_start3A_67 : memref<10000x128xf32, #tpu.memory_space<hbm>>) target(%arg8 : memref<128x128xf32, #tpu.memory_space<vmem>>) offsets(%dma_start3A_64 : memref<128xi32, #tpu.memory_space<vmem>>) semaphore(%arg11 : memref<!tpu.dma_semaphore, #tpu.memory_space<semaphore_mem>>)
      %run_scoped3A_68 = arith.constant 3 : i32
      "tpu.region"() ({
        %run_scoped3A_278 = tpu.sem_alloc : memref<!tpu.dma_semaphore, #tpu.memory_space<semaphore_mem>>
        %dma_start3A_279 = arith.constant 0 : i32
        %dma_start3A_280 = tpu.memref_slice %arg6[%run_scoped3A_68, %dma_start3A_279] : memref<16x128xi32, #tpu.memory_space<vmem>> -> memref<1x128xi32, #tpu.memory_space<vmem>>
        %dma_start3A_281 = tpu.memref_squeeze %dma_start3A_280 : memref<1x128xi32, #tpu.memory_space<vmem>> -> memref<128xi32, #tpu.memory_space<vmem>>
        %dma_start3A_282 = arith.constant 0 : i32
        %dma_start3A_283 = arith.constant 0 : i32
        %dma_start3A_284 = tpu.memref_slice %arg10[%dma_start3A_282, %dma_start3A_283] : memref<10112x128xf32, #tpu.memory_space<vmem_shared>> -> memref<10112x128xf32, #tpu.memory_space<vmem_shared>>
        tpu.enqueue_indirect_dma source(%arg9 : memref<128x128xf32, #tpu.memory_space<vmem>>) target(%dma_start3A_284 : memref<10112x128xf32, #tpu.memory_space<vmem_shared>>) offsets(%dma_start3A_281 : memref<128xi32, #tpu.memory_space<vmem>>) semaphore(%run_scoped3A_278 : memref<!tpu.dma_semaphore, #tpu.memory_space<semaphore_mem>>) {add = true}
        %dma_wait3A_285 = arith.constant 0 : i32
        %dma_wait3A_286 = tpu.memref_slice %arg6[%run_scoped3A_68, %dma_wait3A_285] : memref<16x128xi32, #tpu.memory_space<vmem>> -> memref<1x128xi32, #tpu.memory_space<vmem>>
        %dma_wait3A_287 = tpu.memref_squeeze %dma_wait3A_286 : memref<1x128xi32, #tpu.memory_space<vmem>> -> memref<128xi32, #tpu.memory_space<vmem>>
        %dma_wait3A_288 = arith.constant 0 : i32
        %dma_wait3A_289 = arith.constant 0 : i32
        %dma_wait3A_290 = tpu.memref_slice %arg10[%dma_wait3A_288, %dma_wait3A_289] : memref<10112x128xf32, #tpu.memory_space<vmem_shared>> -> memref<10112x128xf32, #tpu.memory_space<vmem_shared>>
        tpu.wait_indirect_dma semaphore(%run_scoped3A_278 : memref<!tpu.dma_semaphore, #tpu.memory_space<semaphore_mem>>) src(%arg9 : memref<128x128xf32, #tpu.memory_space<vmem>>) dst(%dma_wait3A_290 : memref<10112x128xf32, #tpu.memory_space<vmem_shared>>)
        tpu.yield
      }) : () -> ()
      %dma_wait3A_69 = arith.constant 4 : i32
      %dma_wait3A_70 = arith.constant 0 : i32
      %dma_wait3A_71 = tpu.memref_slice %arg6[%dma_wait3A_69, %dma_wait3A_70] : memref<16x128xi32, #tpu.memory_space<vmem>> -> memref<1x128xi32, #tpu.memory_space<vmem>>
      %dma_wait3A_72 = tpu.memref_squeeze %dma_wait3A_71 : memref<1x128xi32, #tpu.memory_space<vmem>> -> memref<128xi32, #tpu.memory_space<vmem>>
      %dma_wait3A_73 = arith.constant 0 : i32
      %dma_wait3A_74 = arith.constant 0 : i32
      %dma_wait3A_75 = tpu.memref_slice %arg2[%dma_wait3A_73, %dma_wait3A_74] : memref<10000x128xf32, #tpu.memory_space<hbm>> -> memref<10000x128xf32, #tpu.memory_space<hbm>>
      tpu.wait_indirect_dma semaphore(%arg11 : memref<!tpu.dma_semaphore, #tpu.memory_space<semaphore_mem>>) src(%dma_wait3A_75 : memref<10000x128xf32, #tpu.memory_space<hbm>>) dst(%arg8 : memref<128x128xf32, #tpu.memory_space<vmem>>)
      %dma_start3A_76 = arith.constant 6 : i32
      %dma_start3A_77 = arith.constant 0 : i32
      %dma_start3A_78 = tpu.memref_slice %arg6[%dma_start3A_76, %dma_start3A_77] : memref<16x128xi32, #tpu.memory_space<vmem>> -> memref<1x128xi32, #tpu.memory_space<vmem>>
      %dma_start3A_79 = tpu.memref_squeeze %dma_start3A_78 : memref<1x128xi32, #tpu.memory_space<vmem>> -> memref<128xi32, #tpu.memory_space<vmem>>
      %dma_start3A_80 = arith.constant 0 : i32
      %dma_start3A_81 = arith.constant 0 : i32
      %dma_start3A_82 = tpu.memref_slice %arg2[%dma_start3A_80, %dma_start3A_81] : memref<10000x128xf32, #tpu.memory_space<hbm>> -> memref<10000x128xf32, #tpu.memory_space<hbm>>
      tpu.enqueue_indirect_dma source(%dma_start3A_82 : memref<10000x128xf32, #tpu.memory_space<hbm>>) target(%arg9 : memref<128x128xf32, #tpu.memory_space<vmem>>) offsets(%dma_start3A_79 : memref<128xi32, #tpu.memory_space<vmem>>) semaphore(%arg12 : memref<!tpu.dma_semaphore, #tpu.memory_space<semaphore_mem>>)
      %run_scoped3A_83 = arith.constant 5 : i32
      "tpu.region"() ({
        %run_scoped3A_278 = tpu.sem_alloc : memref<!tpu.dma_semaphore, #tpu.memory_space<semaphore_mem>>
        %dma_start3A_279 = arith.constant 0 : i32
        %dma_start3A_280 = tpu.memref_slice %arg6[%run_scoped3A_83, %dma_start3A_279] : memref<16x128xi32, #tpu.memory_space<vmem>> -> memref<1x128xi32, #tpu.memory_space<vmem>>
        %dma_start3A_281 = tpu.memref_squeeze %dma_start3A_280 : memref<1x128xi32, #tpu.memory_space<vmem>> -> memref<128xi32, #tpu.memory_space<vmem>>
        %dma_start3A_282 = arith.constant 0 : i32
        %dma_start3A_283 = arith.constant 0 : i32
        %dma_start3A_284 = tpu.memref_slice %arg10[%dma_start3A_282, %dma_start3A_283] : memref<10112x128xf32, #tpu.memory_space<vmem_shared>> -> memref<10112x128xf32, #tpu.memory_space<vmem_shared>>
        tpu.enqueue_indirect_dma source(%arg8 : memref<128x128xf32, #tpu.memory_space<vmem>>) target(%dma_start3A_284 : memref<10112x128xf32, #tpu.memory_space<vmem_shared>>) offsets(%dma_start3A_281 : memref<128xi32, #tpu.memory_space<vmem>>) semaphore(%run_scoped3A_278 : memref<!tpu.dma_semaphore, #tpu.memory_space<semaphore_mem>>) {add = true}
        %dma_wait3A_285 = arith.constant 0 : i32
        %dma_wait3A_286 = tpu.memref_slice %arg6[%run_scoped3A_83, %dma_wait3A_285] : memref<16x128xi32, #tpu.memory_space<vmem>> -> memref<1x128xi32, #tpu.memory_space<vmem>>
        %dma_wait3A_287 = tpu.memref_squeeze %dma_wait3A_286 : memref<1x128xi32, #tpu.memory_space<vmem>> -> memref<128xi32, #tpu.memory_space<vmem>>
        %dma_wait3A_288 = arith.constant 0 : i32
        %dma_wait3A_289 = arith.constant 0 : i32
        %dma_wait3A_290 = tpu.memref_slice %arg10[%dma_wait3A_288, %dma_wait3A_289] : memref<10112x128xf32, #tpu.memory_space<vmem_shared>> -> memref<10112x128xf32, #tpu.memory_space<vmem_shared>>
        tpu.wait_indirect_dma semaphore(%run_scoped3A_278 : memref<!tpu.dma_semaphore, #tpu.memory_space<semaphore_mem>>) src(%arg8 : memref<128x128xf32, #tpu.memory_space<vmem>>) dst(%dma_wait3A_290 : memref<10112x128xf32, #tpu.memory_space<vmem_shared>>)
        tpu.yield
      }) : () -> ()
      %dma_wait3A_84 = arith.constant 6 : i32
      %dma_wait3A_85 = arith.constant 0 : i32
      %dma_wait3A_86 = tpu.memref_slice %arg6[%dma_wait3A_84, %dma_wait3A_85] : memref<16x128xi32, #tpu.memory_space<vmem>> -> memref<1x128xi32, #tpu.memory_space<vmem>>
      %dma_wait3A_87 = tpu.memref_squeeze %dma_wait3A_86 : memref<1x128xi32, #tpu.memory_space<vmem>> -> memref<128xi32, #tpu.memory_space<vmem>>
      %dma_wait3A_88 = arith.constant 0 : i32
      %dma_wait3A_89 = arith.constant 0 : i32
      %dma_wait3A_90 = tpu.memref_slice %arg2[%dma_wait3A_88, %dma_wait3A_89] : memref<10000x128xf32, #tpu.memory_space<hbm>> -> memref<10000x128xf32, #tpu.memory_space<hbm>>
      tpu.wait_indirect_dma semaphore(%arg12 : memref<!tpu.dma_semaphore, #tpu.memory_space<semaphore_mem>>) src(%dma_wait3A_90 : memref<10000x128xf32, #tpu.memory_space<hbm>>) dst(%arg9 : memref<128x128xf32, #tpu.memory_space<vmem>>)
      %dma_start3A_91 = arith.constant 8 : i32
      %dma_start3A_92 = arith.constant 0 : i32
      %dma_start3A_93 = tpu.memref_slice %arg6[%dma_start3A_91, %dma_start3A_92] : memref<16x128xi32, #tpu.memory_space<vmem>> -> memref<1x128xi32, #tpu.memory_space<vmem>>
      %dma_start3A_94 = tpu.memref_squeeze %dma_start3A_93 : memref<1x128xi32, #tpu.memory_space<vmem>> -> memref<128xi32, #tpu.memory_space<vmem>>
      %dma_start3A_95 = arith.constant 0 : i32
      %dma_start3A_96 = arith.constant 0 : i32
      %dma_start3A_97 = tpu.memref_slice %arg2[%dma_start3A_95, %dma_start3A_96] : memref<10000x128xf32, #tpu.memory_space<hbm>> -> memref<10000x128xf32, #tpu.memory_space<hbm>>
      tpu.enqueue_indirect_dma source(%dma_start3A_97 : memref<10000x128xf32, #tpu.memory_space<hbm>>) target(%arg8 : memref<128x128xf32, #tpu.memory_space<vmem>>) offsets(%dma_start3A_94 : memref<128xi32, #tpu.memory_space<vmem>>) semaphore(%arg11 : memref<!tpu.dma_semaphore, #tpu.memory_space<semaphore_mem>>)
      %run_scoped3A_98 = arith.constant 7 : i32
      "tpu.region"() ({
        %run_scoped3A_278 = tpu.sem_alloc : memref<!tpu.dma_semaphore, #tpu.memory_space<semaphore_mem>>
        %dma_start3A_279 = arith.constant 0 : i32
        %dma_start3A_280 = tpu.memref_slice %arg6[%run_scoped3A_98, %dma_start3A_279] : memref<16x128xi32, #tpu.memory_space<vmem>> -> memref<1x128xi32, #tpu.memory_space<vmem>>
        %dma_start3A_281 = tpu.memref_squeeze %dma_start3A_280 : memref<1x128xi32, #tpu.memory_space<vmem>> -> memref<128xi32, #tpu.memory_space<vmem>>
        %dma_start3A_282 = arith.constant 0 : i32
        %dma_start3A_283 = arith.constant 0 : i32
        %dma_start3A_284 = tpu.memref_slice %arg10[%dma_start3A_282, %dma_start3A_283] : memref<10112x128xf32, #tpu.memory_space<vmem_shared>> -> memref<10112x128xf32, #tpu.memory_space<vmem_shared>>
        tpu.enqueue_indirect_dma source(%arg9 : memref<128x128xf32, #tpu.memory_space<vmem>>) target(%dma_start3A_284 : memref<10112x128xf32, #tpu.memory_space<vmem_shared>>) offsets(%dma_start3A_281 : memref<128xi32, #tpu.memory_space<vmem>>) semaphore(%run_scoped3A_278 : memref<!tpu.dma_semaphore, #tpu.memory_space<semaphore_mem>>) {add = true}
        %dma_wait3A_285 = arith.constant 0 : i32
        %dma_wait3A_286 = tpu.memref_slice %arg6[%run_scoped3A_98, %dma_wait3A_285] : memref<16x128xi32, #tpu.memory_space<vmem>> -> memref<1x128xi32, #tpu.memory_space<vmem>>
        %dma_wait3A_287 = tpu.memref_squeeze %dma_wait3A_286 : memref<1x128xi32, #tpu.memory_space<vmem>> -> memref<128xi32, #tpu.memory_space<vmem>>
        %dma_wait3A_288 = arith.constant 0 : i32
        %dma_wait3A_289 = arith.constant 0 : i32
        %dma_wait3A_290 = tpu.memref_slice %arg10[%dma_wait3A_288, %dma_wait3A_289] : memref<10112x128xf32, #tpu.memory_space<vmem_shared>> -> memref<10112x128xf32, #tpu.memory_space<vmem_shared>>
        tpu.wait_indirect_dma semaphore(%run_scoped3A_278 : memref<!tpu.dma_semaphore, #tpu.memory_space<semaphore_mem>>) src(%arg9 : memref<128x128xf32, #tpu.memory_space<vmem>>) dst(%dma_wait3A_290 : memref<10112x128xf32, #tpu.memory_space<vmem_shared>>)
        tpu.yield
      }) : () -> ()
      %dma_wait3A_99 = arith.constant 8 : i32
      %dma_wait3A_100 = arith.constant 0 : i32
      %dma_wait3A_101 = tpu.memref_slice %arg6[%dma_wait3A_99, %dma_wait3A_100] : memref<16x128xi32, #tpu.memory_space<vmem>> -> memref<1x128xi32, #tpu.memory_space<vmem>>
      %dma_wait3A_102 = tpu.memref_squeeze %dma_wait3A_101 : memref<1x128xi32, #tpu.memory_space<vmem>> -> memref<128xi32, #tpu.memory_space<vmem>>
      %dma_wait3A_103 = arith.constant 0 : i32
      %dma_wait3A_104 = arith.constant 0 : i32
      %dma_wait3A_105 = tpu.memref_slice %arg2[%dma_wait3A_103, %dma_wait3A_104] : memref<10000x128xf32, #tpu.memory_space<hbm>> -> memref<10000x128xf32, #tpu.memory_space<hbm>>
      tpu.wait_indirect_dma semaphore(%arg11 : memref<!tpu.dma_semaphore, #tpu.memory_space<semaphore_mem>>) src(%dma_wait3A_105 : memref<10000x128xf32, #tpu.memory_space<hbm>>) dst(%arg8 : memref<128x128xf32, #tpu.memory_space<vmem>>)
      %dma_start3A_106 = arith.constant 10 : i32
      %dma_start3A_107 = arith.constant 0 : i32
      %dma_start3A_108 = tpu.memref_slice %arg6[%dma_start3A_106, %dma_start3A_107] : memref<16x128xi32, #tpu.memory_space<vmem>> -> memref<1x128xi32, #tpu.memory_space<vmem>>
      %dma_start3A_109 = tpu.memref_squeeze %dma_start3A_108 : memref<1x128xi32, #tpu.memory_space<vmem>> -> memref<128xi32, #tpu.memory_space<vmem>>
      %dma_start3A_110 = arith.constant 0 : i32
      %dma_start3A_111 = arith.constant 0 : i32
      %dma_start3A_112 = tpu.memref_slice %arg2[%dma_start3A_110, %dma_start3A_111] : memref<10000x128xf32, #tpu.memory_space<hbm>> -> memref<10000x128xf32, #tpu.memory_space<hbm>>
      tpu.enqueue_indirect_dma source(%dma_start3A_112 : memref<10000x128xf32, #tpu.memory_space<hbm>>) target(%arg9 : memref<128x128xf32, #tpu.memory_space<vmem>>) offsets(%dma_start3A_109 : memref<128xi32, #tpu.memory_space<vmem>>) semaphore(%arg12 : memref<!tpu.dma_semaphore, #tpu.memory_space<semaphore_mem>>)
      %run_scoped3A_113 = arith.constant 9 : i32
      "tpu.region"() ({
        %run_scoped3A_278 = tpu.sem_alloc : memref<!tpu.dma_semaphore, #tpu.memory_space<semaphore_mem>>
        %dma_start3A_279 = arith.constant 0 : i32
        %dma_start3A_280 = tpu.memref_slice %arg6[%run_scoped3A_113, %dma_start3A_279] : memref<16x128xi32, #tpu.memory_space<vmem>> -> memref<1x128xi32, #tpu.memory_space<vmem>>
        %dma_start3A_281 = tpu.memref_squeeze %dma_start3A_280 : memref<1x128xi32, #tpu.memory_space<vmem>> -> memref<128xi32, #tpu.memory_space<vmem>>
        %dma_start3A_282 = arith.constant 0 : i32
        %dma_start3A_283 = arith.constant 0 : i32
        %dma_start3A_284 = tpu.memref_slice %arg10[%dma_start3A_282, %dma_start3A_283] : memref<10112x128xf32, #tpu.memory_space<vmem_shared>> -> memref<10112x128xf32, #tpu.memory_space<vmem_shared>>
        tpu.enqueue_indirect_dma source(%arg8 : memref<128x128xf32, #tpu.memory_space<vmem>>) target(%dma_start3A_284 : memref<10112x128xf32, #tpu.memory_space<vmem_shared>>) offsets(%dma_start3A_281 : memref<128xi32, #tpu.memory_space<vmem>>) semaphore(%run_scoped3A_278 : memref<!tpu.dma_semaphore, #tpu.memory_space<semaphore_mem>>) {add = true}
        %dma_wait3A_285 = arith.constant 0 : i32
        %dma_wait3A_286 = tpu.memref_slice %arg6[%run_scoped3A_113, %dma_wait3A_285] : memref<16x128xi32, #tpu.memory_space<vmem>> -> memref<1x128xi32, #tpu.memory_space<vmem>>
        %dma_wait3A_287 = tpu.memref_squeeze %dma_wait3A_286 : memref<1x128xi32, #tpu.memory_space<vmem>> -> memref<128xi32, #tpu.memory_space<vmem>>
        %dma_wait3A_288 = arith.constant 0 : i32
        %dma_wait3A_289 = arith.constant 0 : i32
        %dma_wait3A_290 = tpu.memref_slice %arg10[%dma_wait3A_288, %dma_wait3A_289] : memref<10112x128xf32, #tpu.memory_space<vmem_shared>> -> memref<10112x128xf32, #tpu.memory_space<vmem_shared>>
        tpu.wait_indirect_dma semaphore(%run_scoped3A_278 : memref<!tpu.dma_semaphore, #tpu.memory_space<semaphore_mem>>) src(%arg8 : memref<128x128xf32, #tpu.memory_space<vmem>>) dst(%dma_wait3A_290 : memref<10112x128xf32, #tpu.memory_space<vmem_shared>>)
        tpu.yield
      }) : () -> ()
      %dma_wait3A_114 = arith.constant 10 : i32
      %dma_wait3A_115 = arith.constant 0 : i32
      %dma_wait3A_116 = tpu.memref_slice %arg6[%dma_wait3A_114, %dma_wait3A_115] : memref<16x128xi32, #tpu.memory_space<vmem>> -> memref<1x128xi32, #tpu.memory_space<vmem>>
      %dma_wait3A_117 = tpu.memref_squeeze %dma_wait3A_116 : memref<1x128xi32, #tpu.memory_space<vmem>> -> memref<128xi32, #tpu.memory_space<vmem>>
      %dma_wait3A_118 = arith.constant 0 : i32
      %dma_wait3A_119 = arith.constant 0 : i32
      %dma_wait3A_120 = tpu.memref_slice %arg2[%dma_wait3A_118, %dma_wait3A_119] : memref<10000x128xf32, #tpu.memory_space<hbm>> -> memref<10000x128xf32, #tpu.memory_space<hbm>>
      tpu.wait_indirect_dma semaphore(%arg12 : memref<!tpu.dma_semaphore, #tpu.memory_space<semaphore_mem>>) src(%dma_wait3A_120 : memref<10000x128xf32, #tpu.memory_space<hbm>>) dst(%arg9 : memref<128x128xf32, #tpu.memory_space<vmem>>)
      %dma_start3A_121 = arith.constant 12 : i32
      %dma_start3A_122 = arith.constant 0 : i32
      %dma_start3A_123 = tpu.memref_slice %arg6[%dma_start3A_121, %dma_start3A_122] : memref<16x128xi32, #tpu.memory_space<vmem>> -> memref<1x128xi32, #tpu.memory_space<vmem>>
      %dma_start3A_124 = tpu.memref_squeeze %dma_start3A_123 : memref<1x128xi32, #tpu.memory_space<vmem>> -> memref<128xi32, #tpu.memory_space<vmem>>
      %dma_start3A_125 = arith.constant 0 : i32
      %dma_start3A_126 = arith.constant 0 : i32
      %dma_start3A_127 = tpu.memref_slice %arg2[%dma_start3A_125, %dma_start3A_126] : memref<10000x128xf32, #tpu.memory_space<hbm>> -> memref<10000x128xf32, #tpu.memory_space<hbm>>
      tpu.enqueue_indirect_dma source(%dma_start3A_127 : memref<10000x128xf32, #tpu.memory_space<hbm>>) target(%arg8 : memref<128x128xf32, #tpu.memory_space<vmem>>) offsets(%dma_start3A_124 : memref<128xi32, #tpu.memory_space<vmem>>) semaphore(%arg11 : memref<!tpu.dma_semaphore, #tpu.memory_space<semaphore_mem>>)
      %run_scoped3A_128 = arith.constant 11 : i32
      "tpu.region"() ({
        %run_scoped3A_278 = tpu.sem_alloc : memref<!tpu.dma_semaphore, #tpu.memory_space<semaphore_mem>>
        %dma_start3A_279 = arith.constant 0 : i32
        %dma_start3A_280 = tpu.memref_slice %arg6[%run_scoped3A_128, %dma_start3A_279] : memref<16x128xi32, #tpu.memory_space<vmem>> -> memref<1x128xi32, #tpu.memory_space<vmem>>
        %dma_start3A_281 = tpu.memref_squeeze %dma_start3A_280 : memref<1x128xi32, #tpu.memory_space<vmem>> -> memref<128xi32, #tpu.memory_space<vmem>>
        %dma_start3A_282 = arith.constant 0 : i32
        %dma_start3A_283 = arith.constant 0 : i32
        %dma_start3A_284 = tpu.memref_slice %arg10[%dma_start3A_282, %dma_start3A_283] : memref<10112x128xf32, #tpu.memory_space<vmem_shared>> -> memref<10112x128xf32, #tpu.memory_space<vmem_shared>>
        tpu.enqueue_indirect_dma source(%arg9 : memref<128x128xf32, #tpu.memory_space<vmem>>) target(%dma_start3A_284 : memref<10112x128xf32, #tpu.memory_space<vmem_shared>>) offsets(%dma_start3A_281 : memref<128xi32, #tpu.memory_space<vmem>>) semaphore(%run_scoped3A_278 : memref<!tpu.dma_semaphore, #tpu.memory_space<semaphore_mem>>) {add = true}
        %dma_wait3A_285 = arith.constant 0 : i32
        %dma_wait3A_286 = tpu.memref_slice %arg6[%run_scoped3A_128, %dma_wait3A_285] : memref<16x128xi32, #tpu.memory_space<vmem>> -> memref<1x128xi32, #tpu.memory_space<vmem>>
        %dma_wait3A_287 = tpu.memref_squeeze %dma_wait3A_286 : memref<1x128xi32, #tpu.memory_space<vmem>> -> memref<128xi32, #tpu.memory_space<vmem>>
        %dma_wait3A_288 = arith.constant 0 : i32
        %dma_wait3A_289 = arith.constant 0 : i32
        %dma_wait3A_290 = tpu.memref_slice %arg10[%dma_wait3A_288, %dma_wait3A_289] : memref<10112x128xf32, #tpu.memory_space<vmem_shared>> -> memref<10112x128xf32, #tpu.memory_space<vmem_shared>>
        tpu.wait_indirect_dma semaphore(%run_scoped3A_278 : memref<!tpu.dma_semaphore, #tpu.memory_space<semaphore_mem>>) src(%arg9 : memref<128x128xf32, #tpu.memory_space<vmem>>) dst(%dma_wait3A_290 : memref<10112x128xf32, #tpu.memory_space<vmem_shared>>)
        tpu.yield
      }) : () -> ()
      %dma_wait3A_129 = arith.constant 12 : i32
      %dma_wait3A_130 = arith.constant 0 : i32
      %dma_wait3A_131 = tpu.memref_slice %arg6[%dma_wait3A_129, %dma_wait3A_130] : memref<16x128xi32, #tpu.memory_space<vmem>> -> memref<1x128xi32, #tpu.memory_space<vmem>>
      %dma_wait3A_132 = tpu.memref_squeeze %dma_wait3A_131 : memref<1x128xi32, #tpu.memory_space<vmem>> -> memref<128xi32, #tpu.memory_space<vmem>>
      %dma_wait3A_133 = arith.constant 0 : i32
      %dma_wait3A_134 = arith.constant 0 : i32
      %dma_wait3A_135 = tpu.memref_slice %arg2[%dma_wait3A_133, %dma_wait3A_134] : memref<10000x128xf32, #tpu.memory_space<hbm>> -> memref<10000x128xf32, #tpu.memory_space<hbm>>
      tpu.wait_indirect_dma semaphore(%arg11 : memref<!tpu.dma_semaphore, #tpu.memory_space<semaphore_mem>>) src(%dma_wait3A_135 : memref<10000x128xf32, #tpu.memory_space<hbm>>) dst(%arg8 : memref<128x128xf32, #tpu.memory_space<vmem>>)
      %dma_start3A_136 = arith.constant 14 : i32
      %dma_start3A_137 = arith.constant 0 : i32
      %dma_start3A_138 = tpu.memref_slice %arg6[%dma_start3A_136, %dma_start3A_137] : memref<16x128xi32, #tpu.memory_space<vmem>> -> memref<1x128xi32, #tpu.memory_space<vmem>>
      %dma_start3A_139 = tpu.memref_squeeze %dma_start3A_138 : memref<1x128xi32, #tpu.memory_space<vmem>> -> memref<128xi32, #tpu.memory_space<vmem>>
      %dma_start3A_140 = arith.constant 0 : i32
      %dma_start3A_141 = arith.constant 0 : i32
      %dma_start3A_142 = tpu.memref_slice %arg2[%dma_start3A_140, %dma_start3A_141] : memref<10000x128xf32, #tpu.memory_space<hbm>> -> memref<10000x128xf32, #tpu.memory_space<hbm>>
      tpu.enqueue_indirect_dma source(%dma_start3A_142 : memref<10000x128xf32, #tpu.memory_space<hbm>>) target(%arg9 : memref<128x128xf32, #tpu.memory_space<vmem>>) offsets(%dma_start3A_139 : memref<128xi32, #tpu.memory_space<vmem>>) semaphore(%arg12 : memref<!tpu.dma_semaphore, #tpu.memory_space<semaphore_mem>>)
      %run_scoped3A_143 = arith.constant 13 : i32
      "tpu.region"() ({
        %run_scoped3A_278 = tpu.sem_alloc : memref<!tpu.dma_semaphore, #tpu.memory_space<semaphore_mem>>
        %dma_start3A_279 = arith.constant 0 : i32
        %dma_start3A_280 = tpu.memref_slice %arg6[%run_scoped3A_143, %dma_start3A_279] : memref<16x128xi32, #tpu.memory_space<vmem>> -> memref<1x128xi32, #tpu.memory_space<vmem>>
        %dma_start3A_281 = tpu.memref_squeeze %dma_start3A_280 : memref<1x128xi32, #tpu.memory_space<vmem>> -> memref<128xi32, #tpu.memory_space<vmem>>
        %dma_start3A_282 = arith.constant 0 : i32
        %dma_start3A_283 = arith.constant 0 : i32
        %dma_start3A_284 = tpu.memref_slice %arg10[%dma_start3A_282, %dma_start3A_283] : memref<10112x128xf32, #tpu.memory_space<vmem_shared>> -> memref<10112x128xf32, #tpu.memory_space<vmem_shared>>
        tpu.enqueue_indirect_dma source(%arg8 : memref<128x128xf32, #tpu.memory_space<vmem>>) target(%dma_start3A_284 : memref<10112x128xf32, #tpu.memory_space<vmem_shared>>) offsets(%dma_start3A_281 : memref<128xi32, #tpu.memory_space<vmem>>) semaphore(%run_scoped3A_278 : memref<!tpu.dma_semaphore, #tpu.memory_space<semaphore_mem>>) {add = true}
        %dma_wait3A_285 = arith.constant 0 : i32
        %dma_wait3A_286 = tpu.memref_slice %arg6[%run_scoped3A_143, %dma_wait3A_285] : memref<16x128xi32, #tpu.memory_space<vmem>> -> memref<1x128xi32, #tpu.memory_space<vmem>>
        %dma_wait3A_287 = tpu.memref_squeeze %dma_wait3A_286 : memref<1x128xi32, #tpu.memory_space<vmem>> -> memref<128xi32, #tpu.memory_space<vmem>>
        %dma_wait3A_288 = arith.constant 0 : i32
        %dma_wait3A_289 = arith.constant 0 : i32
        %dma_wait3A_290 = tpu.memref_slice %arg10[%dma_wait3A_288, %dma_wait3A_289] : memref<10112x128xf32, #tpu.memory_space<vmem_shared>> -> memref<10112x128xf32, #tpu.memory_space<vmem_shared>>
        tpu.wait_indirect_dma semaphore(%run_scoped3A_278 : memref<!tpu.dma_semaphore, #tpu.memory_space<semaphore_mem>>) src(%arg8 : memref<128x128xf32, #tpu.memory_space<vmem>>) dst(%dma_wait3A_290 : memref<10112x128xf32, #tpu.memory_space<vmem_shared>>)
        tpu.yield
      }) : () -> ()
      %dma_wait3A_144 = arith.constant 14 : i32
      %dma_wait3A_145 = arith.constant 0 : i32
      %dma_wait3A_146 = tpu.memref_slice %arg6[%dma_wait3A_144, %dma_wait3A_145] : memref<16x128xi32, #tpu.memory_space<vmem>> -> memref<1x128xi32, #tpu.memory_space<vmem>>
      %dma_wait3A_147 = tpu.memref_squeeze %dma_wait3A_146 : memref<1x128xi32, #tpu.memory_space<vmem>> -> memref<128xi32, #tpu.memory_space<vmem>>
      %dma_wait3A_148 = arith.constant 0 : i32
      %dma_wait3A_149 = arith.constant 0 : i32
      %dma_wait3A_150 = tpu.memref_slice %arg2[%dma_wait3A_148, %dma_wait3A_149] : memref<10000x128xf32, #tpu.memory_space<hbm>> -> memref<10000x128xf32, #tpu.memory_space<hbm>>
      tpu.wait_indirect_dma semaphore(%arg12 : memref<!tpu.dma_semaphore, #tpu.memory_space<semaphore_mem>>) src(%dma_wait3A_150 : memref<10000x128xf32, #tpu.memory_space<hbm>>) dst(%arg9 : memref<128x128xf32, #tpu.memory_space<vmem>>)
      %convert_element_type3A = arith.extui %lt3A_40 : i1 to i32
      %cond3A = arith.constant 0 : i32
      %cond3A_151 = arith.cmpi ne, %convert_element_type3A, %cond3A : i32
      scf.if %cond3A_151 {
        %mul3A_278 = arith.constant 2 : i32
        %mul3A_279 = arith.muli %add3A_37, %mul3A_278 : i32
        %mul3A_280 = arith.constant 8 : i32
        %mul3A_281 = arith.muli %mul3A_279, %mul3A_280 : i32
        %dma_wait3A_282 = arith.constant 0 : i32
        %dma_wait3A_283 = tpu.memref_slice %arg3[%add3A, %mul3A_281, %dma_wait3A_282] : memref<32x320x128xi32, #tpu.memory_space<hbm>> -> memref<1x16x128xi32, #tpu.memory_space<hbm>>
        %dma_wait3A_284 = tpu.memref_squeeze %dma_wait3A_283 : memref<1x16x128xi32, #tpu.memory_space<hbm>> -> memref<16x128xi32, #tpu.memory_space<hbm>>
        %dma_wait3A_285 = arith.constant 0 : i32
        %dma_wait3A_286 = tpu.memref_slice %arg3[%add3A, %mul3A_281, %dma_wait3A_285] : memref<32x320x128xi32, #tpu.memory_space<hbm>> -> memref<1x16x128xi32, #tpu.memory_space<hbm>>
        %dma_wait3A_287 = tpu.memref_squeeze %dma_wait3A_286 : memref<1x16x128xi32, #tpu.memory_space<hbm>> -> memref<16x128xi32, #tpu.memory_space<hbm>>
        tpu.wait_dma2 semaphore(%arg14 : memref<!tpu.dma_semaphore, #tpu.memory_space<semaphore_mem>>) src(%dma_wait3A_287 : memref<16x128xi32, #tpu.memory_space<hbm>>) dst(%arg7 : memref<16x128xi32, #tpu.memory_space<vmem>>)
        %dma_start3A_288 = arith.constant 0 : i32
        %dma_start3A_289 = arith.constant 0 : i32
        %dma_start3A_290 = tpu.memref_slice %arg7[%dma_start3A_288, %dma_start3A_289] : memref<16x128xi32, #tpu.memory_space<vmem>> -> memref<1x128xi32, #tpu.memory_space<vmem>>
        %dma_start3A_291 = tpu.memref_squeeze %dma_start3A_290 : memref<1x128xi32, #tpu.memory_space<vmem>> -> memref<128xi32, #tpu.memory_space<vmem>>
        %dma_start3A_292 = arith.constant 0 : i32
        %dma_start3A_293 = arith.constant 0 : i32
        %dma_start3A_294 = tpu.memref_slice %arg2[%dma_start3A_292, %dma_start3A_293] : memref<10000x128xf32, #tpu.memory_space<hbm>> -> memref<10000x128xf32, #tpu.memory_space<hbm>>
        tpu.enqueue_indirect_dma source(%dma_start3A_294 : memref<10000x128xf32, #tpu.memory_space<hbm>>) target(%arg8 : memref<128x128xf32, #tpu.memory_space<vmem>>) offsets(%dma_start3A_291 : memref<128xi32, #tpu.memory_space<vmem>>) semaphore(%arg11 : memref<!tpu.dma_semaphore, #tpu.memory_space<semaphore_mem>>)
      } else {
      }
      %run_scoped3A_152 = arith.constant 15 : i32
      "tpu.region"() ({
        %run_scoped3A_278 = tpu.sem_alloc : memref<!tpu.dma_semaphore, #tpu.memory_space<semaphore_mem>>
        %dma_start3A_279 = arith.constant 0 : i32
        %dma_start3A_280 = tpu.memref_slice %arg6[%run_scoped3A_152, %dma_start3A_279] : memref<16x128xi32, #tpu.memory_space<vmem>> -> memref<1x128xi32, #tpu.memory_space<vmem>>
        %dma_start3A_281 = tpu.memref_squeeze %dma_start3A_280 : memref<1x128xi32, #tpu.memory_space<vmem>> -> memref<128xi32, #tpu.memory_space<vmem>>
        %dma_start3A_282 = arith.constant 0 : i32
        %dma_start3A_283 = arith.constant 0 : i32
        %dma_start3A_284 = tpu.memref_slice %arg10[%dma_start3A_282, %dma_start3A_283] : memref<10112x128xf32, #tpu.memory_space<vmem_shared>> -> memref<10112x128xf32, #tpu.memory_space<vmem_shared>>
        tpu.enqueue_indirect_dma source(%arg9 : memref<128x128xf32, #tpu.memory_space<vmem>>) target(%dma_start3A_284 : memref<10112x128xf32, #tpu.memory_space<vmem_shared>>) offsets(%dma_start3A_281 : memref<128xi32, #tpu.memory_space<vmem>>) semaphore(%run_scoped3A_278 : memref<!tpu.dma_semaphore, #tpu.memory_space<semaphore_mem>>) {add = true}
        %dma_wait3A_285 = arith.constant 0 : i32
        %dma_wait3A_286 = tpu.memref_slice %arg6[%run_scoped3A_152, %dma_wait3A_285] : memref<16x128xi32, #tpu.memory_space<vmem>> -> memref<1x128xi32, #tpu.memory_space<vmem>>
        %dma_wait3A_287 = tpu.memref_squeeze %dma_wait3A_286 : memref<1x128xi32, #tpu.memory_space<vmem>> -> memref<128xi32, #tpu.memory_space<vmem>>
        %dma_wait3A_288 = arith.constant 0 : i32
        %dma_wait3A_289 = arith.constant 0 : i32
        %dma_wait3A_290 = tpu.memref_slice %arg10[%dma_wait3A_288, %dma_wait3A_289] : memref<10112x128xf32, #tpu.memory_space<vmem_shared>> -> memref<10112x128xf32, #tpu.memory_space<vmem_shared>>
        tpu.wait_indirect_dma semaphore(%run_scoped3A_278 : memref<!tpu.dma_semaphore, #tpu.memory_space<semaphore_mem>>) src(%arg9 : memref<128x128xf32, #tpu.memory_space<vmem>>) dst(%dma_wait3A_290 : memref<10112x128xf32, #tpu.memory_space<vmem_shared>>)
        tpu.yield
      }) : () -> ()
      %add3A_153 = arith.constant 2 : i32
      %add3A_154 = arith.addi %mul3A_23, %add3A_153 : i32
      %lt3A_155 = arith.constant 20 : i32
      %lt3A_156 = arith.cmpi slt, %add3A_154, %lt3A_155 : i32
      %convert_element_type3A_157 = arith.extui %lt3A_156 : i1 to i32
      %cond3A_158 = arith.constant 0 : i32
      %cond3A_159 = arith.cmpi ne, %convert_element_type3A_157, %cond3A_158 : i32
      scf.if %cond3A_159 {
        %add3A_278 = arith.constant 2 : i32
        %add3A_279 = arith.addi %mul3A_23, %add3A_278 : i32
        %mul3A_280 = arith.constant 2 : i32
        %mul3A_281 = arith.muli %add3A_279, %mul3A_280 : i32
        %mul3A_282 = arith.constant 8 : i32
        %mul3A_283 = arith.muli %mul3A_281, %mul3A_282 : i32
        %dma_start3A_284 = arith.constant 0 : i32
        %dma_start3A_285 = tpu.memref_slice %arg3[%add3A, %mul3A_283, %dma_start3A_284] : memref<32x320x128xi32, #tpu.memory_space<hbm>> -> memref<1x16x128xi32, #tpu.memory_space<hbm>>
        %dma_start3A_286 = tpu.memref_squeeze %dma_start3A_285 : memref<1x16x128xi32, #tpu.memory_space<hbm>> -> memref<16x128xi32, #tpu.memory_space<hbm>>
        %dma_start3A_287 = arith.constant 0 : i32
        %dma_start3A_288 = tpu.memref_slice %arg3[%add3A, %mul3A_283, %dma_start3A_287] : memref<32x320x128xi32, #tpu.memory_space<hbm>> -> memref<1x16x128xi32, #tpu.memory_space<hbm>>
        %dma_start3A_289 = tpu.memref_squeeze %dma_start3A_288 : memref<1x16x128xi32, #tpu.memory_space<hbm>> -> memref<16x128xi32, #tpu.memory_space<hbm>>
        tpu.enqueue_dma source(%dma_start3A_289 : memref<16x128xi32, #tpu.memory_space<hbm>>) target(%arg6 : memref<16x128xi32, #tpu.memory_space<vmem>>) target_semaphore(%arg13 : memref<!tpu.dma_semaphore, #tpu.memory_space<semaphore_mem>>)
      } else {
      }
      %add3A_160 = arith.constant 2 : i32
      %add3A_161 = arith.addi %mul3A_23, %add3A_160 : i32
      %dma_wait3A_162 = arith.constant 0 : i32
      %dma_wait3A_163 = arith.constant 0 : i32
      %dma_wait3A_164 = tpu.memref_slice %arg7[%dma_wait3A_162, %dma_wait3A_163] : memref<16x128xi32, #tpu.memory_space<vmem>> -> memref<1x128xi32, #tpu.memory_space<vmem>>
      %dma_wait3A_165 = tpu.memref_squeeze %dma_wait3A_164 : memref<1x128xi32, #tpu.memory_space<vmem>> -> memref<128xi32, #tpu.memory_space<vmem>>
      %dma_wait3A_166 = arith.constant 0 : i32
      %dma_wait3A_167 = arith.constant 0 : i32
      %dma_wait3A_168 = tpu.memref_slice %arg2[%dma_wait3A_166, %dma_wait3A_167] : memref<10000x128xf32, #tpu.memory_space<hbm>> -> memref<10000x128xf32, #tpu.memory_space<hbm>>
      tpu.wait_indirect_dma semaphore(%arg11 : memref<!tpu.dma_semaphore, #tpu.memory_space<semaphore_mem>>) src(%dma_wait3A_168 : memref<10000x128xf32, #tpu.memory_space<hbm>>) dst(%arg8 : memref<128x128xf32, #tpu.memory_space<vmem>>)
      %dma_start3A_169 = arith.constant 2 : i32
      %dma_start3A_170 = arith.constant 0 : i32
      %dma_start3A_171 = tpu.memref_slice %arg7[%dma_start3A_169, %dma_start3A_170] : memref<16x128xi32, #tpu.memory_space<vmem>> -> memref<1x128xi32, #tpu.memory_space<vmem>>
      %dma_start3A_172 = tpu.memref_squeeze %dma_start3A_171 : memref<1x128xi32, #tpu.memory_space<vmem>> -> memref<128xi32, #tpu.memory_space<vmem>>
      %dma_start3A_173 = arith.constant 0 : i32
      %dma_start3A_174 = arith.constant 0 : i32
      %dma_start3A_175 = tpu.memref_slice %arg2[%dma_start3A_173, %dma_start3A_174] : memref<10000x128xf32, #tpu.memory_space<hbm>> -> memref<10000x128xf32, #tpu.memory_space<hbm>>
      tpu.enqueue_indirect_dma source(%dma_start3A_175 : memref<10000x128xf32, #tpu.memory_space<hbm>>) target(%arg9 : memref<128x128xf32, #tpu.memory_space<vmem>>) offsets(%dma_start3A_172 : memref<128xi32, #tpu.memory_space<vmem>>) semaphore(%arg12 : memref<!tpu.dma_semaphore, #tpu.memory_space<semaphore_mem>>)
      %run_scoped3A_176 = arith.constant 1 : i32
      "tpu.region"() ({
        %run_scoped3A_278 = tpu.sem_alloc : memref<!tpu.dma_semaphore, #tpu.memory_space<semaphore_mem>>
        %dma_start3A_279 = arith.constant 0 : i32
        %dma_start3A_280 = tpu.memref_slice %arg7[%run_scoped3A_176, %dma_start3A_279] : memref<16x128xi32, #tpu.memory_space<vmem>> -> memref<1x128xi32, #tpu.memory_space<vmem>>
        %dma_start3A_281 = tpu.memref_squeeze %dma_start3A_280 : memref<1x128xi32, #tpu.memory_space<vmem>> -> memref<128xi32, #tpu.memory_space<vmem>>
        %dma_start3A_282 = arith.constant 0 : i32
        %dma_start3A_283 = arith.constant 0 : i32
        %dma_start3A_284 = tpu.memref_slice %arg10[%dma_start3A_282, %dma_start3A_283] : memref<10112x128xf32, #tpu.memory_space<vmem_shared>> -> memref<10112x128xf32, #tpu.memory_space<vmem_shared>>
        tpu.enqueue_indirect_dma source(%arg8 : memref<128x128xf32, #tpu.memory_space<vmem>>) target(%dma_start3A_284 : memref<10112x128xf32, #tpu.memory_space<vmem_shared>>) offsets(%dma_start3A_281 : memref<128xi32, #tpu.memory_space<vmem>>) semaphore(%run_scoped3A_278 : memref<!tpu.dma_semaphore, #tpu.memory_space<semaphore_mem>>) {add = true}
        %dma_wait3A_285 = arith.constant 0 : i32
        %dma_wait3A_286 = tpu.memref_slice %arg7[%run_scoped3A_176, %dma_wait3A_285] : memref<16x128xi32, #tpu.memory_space<vmem>> -> memref<1x128xi32, #tpu.memory_space<vmem>>
        %dma_wait3A_287 = tpu.memref_squeeze %dma_wait3A_286 : memref<1x128xi32, #tpu.memory_space<vmem>> -> memref<128xi32, #tpu.memory_space<vmem>>
        %dma_wait3A_288 = arith.constant 0 : i32
        %dma_wait3A_289 = arith.constant 0 : i32
        %dma_wait3A_290 = tpu.memref_slice %arg10[%dma_wait3A_288, %dma_wait3A_289] : memref<10112x128xf32, #tpu.memory_space<vmem_shared>> -> memref<10112x128xf32, #tpu.memory_space<vmem_shared>>
        tpu.wait_indirect_dma semaphore(%run_scoped3A_278 : memref<!tpu.dma_semaphore, #tpu.memory_space<semaphore_mem>>) src(%arg8 : memref<128x128xf32, #tpu.memory_space<vmem>>) dst(%dma_wait3A_290 : memref<10112x128xf32, #tpu.memory_space<vmem_shared>>)
        tpu.yield
      }) : () -> ()
      %dma_wait3A_177 = arith.constant 2 : i32
      %dma_wait3A_178 = arith.constant 0 : i32
      %dma_wait3A_179 = tpu.memref_slice %arg7[%dma_wait3A_177, %dma_wait3A_178] : memref<16x128xi32, #tpu.memory_space<vmem>> -> memref<1x128xi32, #tpu.memory_space<vmem>>
      %dma_wait3A_180 = tpu.memref_squeeze %dma_wait3A_179 : memref<1x128xi32, #tpu.memory_space<vmem>> -> memref<128xi32, #tpu.memory_space<vmem>>
      %dma_wait3A_181 = arith.constant 0 : i32
      %dma_wait3A_182 = arith.constant 0 : i32
      %dma_wait3A_183 = tpu.memref_slice %arg2[%dma_wait3A_181, %dma_wait3A_182] : memref<10000x128xf32, #tpu.memory_space<hbm>> -> memref<10000x128xf32, #tpu.memory_space<hbm>>
      tpu.wait_indirect_dma semaphore(%arg12 : memref<!tpu.dma_semaphore, #tpu.memory_space<semaphore_mem>>) src(%dma_wait3A_183 : memref<10000x128xf32, #tpu.memory_space<hbm>>) dst(%arg9 : memref<128x128xf32, #tpu.memory_space<vmem>>)
      %dma_start3A_184 = arith.constant 4 : i32
      %dma_start3A_185 = arith.constant 0 : i32
      %dma_start3A_186 = tpu.memref_slice %arg7[%dma_start3A_184, %dma_start3A_185] : memref<16x128xi32, #tpu.memory_space<vmem>> -> memref<1x128xi32, #tpu.memory_space<vmem>>
      %dma_start3A_187 = tpu.memref_squeeze %dma_start3A_186 : memref<1x128xi32, #tpu.memory_space<vmem>> -> memref<128xi32, #tpu.memory_space<vmem>>
      %dma_start3A_188 = arith.constant 0 : i32
      %dma_start3A_189 = arith.constant 0 : i32
      %dma_start3A_190 = tpu.memref_slice %arg2[%dma_start3A_188, %dma_start3A_189] : memref<10000x128xf32, #tpu.memory_space<hbm>> -> memref<10000x128xf32, #tpu.memory_space<hbm>>
      tpu.enqueue_indirect_dma source(%dma_start3A_190 : memref<10000x128xf32, #tpu.memory_space<hbm>>) target(%arg8 : memref<128x128xf32, #tpu.memory_space<vmem>>) offsets(%dma_start3A_187 : memref<128xi32, #tpu.memory_space<vmem>>) semaphore(%arg11 : memref<!tpu.dma_semaphore, #tpu.memory_space<semaphore_mem>>)
      %run_scoped3A_191 = arith.constant 3 : i32
      "tpu.region"() ({
        %run_scoped3A_278 = tpu.sem_alloc : memref<!tpu.dma_semaphore, #tpu.memory_space<semaphore_mem>>
        %dma_start3A_279 = arith.constant 0 : i32
        %dma_start3A_280 = tpu.memref_slice %arg7[%run_scoped3A_191, %dma_start3A_279] : memref<16x128xi32, #tpu.memory_space<vmem>> -> memref<1x128xi32, #tpu.memory_space<vmem>>
        %dma_start3A_281 = tpu.memref_squeeze %dma_start3A_280 : memref<1x128xi32, #tpu.memory_space<vmem>> -> memref<128xi32, #tpu.memory_space<vmem>>
        %dma_start3A_282 = arith.constant 0 : i32
        %dma_start3A_283 = arith.constant 0 : i32
        %dma_start3A_284 = tpu.memref_slice %arg10[%dma_start3A_282, %dma_start3A_283] : memref<10112x128xf32, #tpu.memory_space<vmem_shared>> -> memref<10112x128xf32, #tpu.memory_space<vmem_shared>>
        tpu.enqueue_indirect_dma source(%arg9 : memref<128x128xf32, #tpu.memory_space<vmem>>) target(%dma_start3A_284 : memref<10112x128xf32, #tpu.memory_space<vmem_shared>>) offsets(%dma_start3A_281 : memref<128xi32, #tpu.memory_space<vmem>>) semaphore(%run_scoped3A_278 : memref<!tpu.dma_semaphore, #tpu.memory_space<semaphore_mem>>) {add = true}
        %dma_wait3A_285 = arith.constant 0 : i32
        %dma_wait3A_286 = tpu.memref_slice %arg7[%run_scoped3A_191, %dma_wait3A_285] : memref<16x128xi32, #tpu.memory_space<vmem>> -> memref<1x128xi32, #tpu.memory_space<vmem>>
        %dma_wait3A_287 = tpu.memref_squeeze %dma_wait3A_286 : memref<1x128xi32, #tpu.memory_space<vmem>> -> memref<128xi32, #tpu.memory_space<vmem>>
        %dma_wait3A_288 = arith.constant 0 : i32
        %dma_wait3A_289 = arith.constant 0 : i32
        %dma_wait3A_290 = tpu.memref_slice %arg10[%dma_wait3A_288, %dma_wait3A_289] : memref<10112x128xf32, #tpu.memory_space<vmem_shared>> -> memref<10112x128xf32, #tpu.memory_space<vmem_shared>>
        tpu.wait_indirect_dma semaphore(%run_scoped3A_278 : memref<!tpu.dma_semaphore, #tpu.memory_space<semaphore_mem>>) src(%arg9 : memref<128x128xf32, #tpu.memory_space<vmem>>) dst(%dma_wait3A_290 : memref<10112x128xf32, #tpu.memory_space<vmem_shared>>)
        tpu.yield
      }) : () -> ()
      %dma_wait3A_192 = arith.constant 4 : i32
      %dma_wait3A_193 = arith.constant 0 : i32
      %dma_wait3A_194 = tpu.memref_slice %arg7[%dma_wait3A_192, %dma_wait3A_193] : memref<16x128xi32, #tpu.memory_space<vmem>> -> memref<1x128xi32, #tpu.memory_space<vmem>>
      %dma_wait3A_195 = tpu.memref_squeeze %dma_wait3A_194 : memref<1x128xi32, #tpu.memory_space<vmem>> -> memref<128xi32, #tpu.memory_space<vmem>>
      %dma_wait3A_196 = arith.constant 0 : i32
      %dma_wait3A_197 = arith.constant 0 : i32
      %dma_wait3A_198 = tpu.memref_slice %arg2[%dma_wait3A_196, %dma_wait3A_197] : memref<10000x128xf32, #tpu.memory_space<hbm>> -> memref<10000x128xf32, #tpu.memory_space<hbm>>
      tpu.wait_indirect_dma semaphore(%arg11 : memref<!tpu.dma_semaphore, #tpu.memory_space<semaphore_mem>>) src(%dma_wait3A_198 : memref<10000x128xf32, #tpu.memory_space<hbm>>) dst(%arg8 : memref<128x128xf32, #tpu.memory_space<vmem>>)
      %dma_start3A_199 = arith.constant 6 : i32
      %dma_start3A_200 = arith.constant 0 : i32
      %dma_start3A_201 = tpu.memref_slice %arg7[%dma_start3A_199, %dma_start3A_200] : memref<16x128xi32, #tpu.memory_space<vmem>> -> memref<1x128xi32, #tpu.memory_space<vmem>>
      %dma_start3A_202 = tpu.memref_squeeze %dma_start3A_201 : memref<1x128xi32, #tpu.memory_space<vmem>> -> memref<128xi32, #tpu.memory_space<vmem>>
      %dma_start3A_203 = arith.constant 0 : i32
      %dma_start3A_204 = arith.constant 0 : i32
      %dma_start3A_205 = tpu.memref_slice %arg2[%dma_start3A_203, %dma_start3A_204] : memref<10000x128xf32, #tpu.memory_space<hbm>> -> memref<10000x128xf32, #tpu.memory_space<hbm>>
      tpu.enqueue_indirect_dma source(%dma_start3A_205 : memref<10000x128xf32, #tpu.memory_space<hbm>>) target(%arg9 : memref<128x128xf32, #tpu.memory_space<vmem>>) offsets(%dma_start3A_202 : memref<128xi32, #tpu.memory_space<vmem>>) semaphore(%arg12 : memref<!tpu.dma_semaphore, #tpu.memory_space<semaphore_mem>>)
      %run_scoped3A_206 = arith.constant 5 : i32
      "tpu.region"() ({
        %run_scoped3A_278 = tpu.sem_alloc : memref<!tpu.dma_semaphore, #tpu.memory_space<semaphore_mem>>
        %dma_start3A_279 = arith.constant 0 : i32
        %dma_start3A_280 = tpu.memref_slice %arg7[%run_scoped3A_206, %dma_start3A_279] : memref<16x128xi32, #tpu.memory_space<vmem>> -> memref<1x128xi32, #tpu.memory_space<vmem>>
        %dma_start3A_281 = tpu.memref_squeeze %dma_start3A_280 : memref<1x128xi32, #tpu.memory_space<vmem>> -> memref<128xi32, #tpu.memory_space<vmem>>
        %dma_start3A_282 = arith.constant 0 : i32
        %dma_start3A_283 = arith.constant 0 : i32
        %dma_start3A_284 = tpu.memref_slice %arg10[%dma_start3A_282, %dma_start3A_283] : memref<10112x128xf32, #tpu.memory_space<vmem_shared>> -> memref<10112x128xf32, #tpu.memory_space<vmem_shared>>
        tpu.enqueue_indirect_dma source(%arg8 : memref<128x128xf32, #tpu.memory_space<vmem>>) target(%dma_start3A_284 : memref<10112x128xf32, #tpu.memory_space<vmem_shared>>) offsets(%dma_start3A_281 : memref<128xi32, #tpu.memory_space<vmem>>) semaphore(%run_scoped3A_278 : memref<!tpu.dma_semaphore, #tpu.memory_space<semaphore_mem>>) {add = true}
        %dma_wait3A_285 = arith.constant 0 : i32
        %dma_wait3A_286 = tpu.memref_slice %arg7[%run_scoped3A_206, %dma_wait3A_285] : memref<16x128xi32, #tpu.memory_space<vmem>> -> memref<1x128xi32, #tpu.memory_space<vmem>>
        %dma_wait3A_287 = tpu.memref_squeeze %dma_wait3A_286 : memref<1x128xi32, #tpu.memory_space<vmem>> -> memref<128xi32, #tpu.memory_space<vmem>>
        %dma_wait3A_288 = arith.constant 0 : i32
        %dma_wait3A_289 = arith.constant 0 : i32
        %dma_wait3A_290 = tpu.memref_slice %arg10[%dma_wait3A_288, %dma_wait3A_289] : memref<10112x128xf32, #tpu.memory_space<vmem_shared>> -> memref<10112x128xf32, #tpu.memory_space<vmem_shared>>
        tpu.wait_indirect_dma semaphore(%run_scoped3A_278 : memref<!tpu.dma_semaphore, #tpu.memory_space<semaphore_mem>>) src(%arg8 : memref<128x128xf32, #tpu.memory_space<vmem>>) dst(%dma_wait3A_290 : memref<10112x128xf32, #tpu.memory_space<vmem_shared>>)
        tpu.yield
      }) : () -> ()
      %dma_wait3A_207 = arith.constant 6 : i32
      %dma_wait3A_208 = arith.constant 0 : i32
      %dma_wait3A_209 = tpu.memref_slice %arg7[%dma_wait3A_207, %dma_wait3A_208] : memref<16x128xi32, #tpu.memory_space<vmem>> -> memref<1x128xi32, #tpu.memory_space<vmem>>
      %dma_wait3A_210 = tpu.memref_squeeze %dma_wait3A_209 : memref<1x128xi32, #tpu.memory_space<vmem>> -> memref<128xi32, #tpu.memory_space<vmem>>
      %dma_wait3A_211 = arith.constant 0 : i32
      %dma_wait3A_212 = arith.constant 0 : i32
      %dma_wait3A_213 = tpu.memref_slice %arg2[%dma_wait3A_211, %dma_wait3A_212] : memref<10000x128xf32, #tpu.memory_space<hbm>> -> memref<10000x128xf32, #tpu.memory_space<hbm>>
      tpu.wait_indirect_dma semaphore(%arg12 : memref<!tpu.dma_semaphore, #tpu.memory_space<semaphore_mem>>) src(%dma_wait3A_213 : memref<10000x128xf32, #tpu.memory_space<hbm>>) dst(%arg9 : memref<128x128xf32, #tpu.memory_space<vmem>>)
      %dma_start3A_214 = arith.constant 8 : i32
      %dma_start3A_215 = arith.constant 0 : i32
      %dma_start3A_216 = tpu.memref_slice %arg7[%dma_start3A_214, %dma_start3A_215] : memref<16x128xi32, #tpu.memory_space<vmem>> -> memref<1x128xi32, #tpu.memory_space<vmem>>
      %dma_start3A_217 = tpu.memref_squeeze %dma_start3A_216 : memref<1x128xi32, #tpu.memory_space<vmem>> -> memref<128xi32, #tpu.memory_space<vmem>>
      %dma_start3A_218 = arith.constant 0 : i32
      %dma_start3A_219 = arith.constant 0 : i32
      %dma_start3A_220 = tpu.memref_slice %arg2[%dma_start3A_218, %dma_start3A_219] : memref<10000x128xf32, #tpu.memory_space<hbm>> -> memref<10000x128xf32, #tpu.memory_space<hbm>>
      tpu.enqueue_indirect_dma source(%dma_start3A_220 : memref<10000x128xf32, #tpu.memory_space<hbm>>) target(%arg8 : memref<128x128xf32, #tpu.memory_space<vmem>>) offsets(%dma_start3A_217 : memref<128xi32, #tpu.memory_space<vmem>>) semaphore(%arg11 : memref<!tpu.dma_semaphore, #tpu.memory_space<semaphore_mem>>)
      %run_scoped3A_221 = arith.constant 7 : i32
      "tpu.region"() ({
        %run_scoped3A_278 = tpu.sem_alloc : memref<!tpu.dma_semaphore, #tpu.memory_space<semaphore_mem>>
        %dma_start3A_279 = arith.constant 0 : i32
        %dma_start3A_280 = tpu.memref_slice %arg7[%run_scoped3A_221, %dma_start3A_279] : memref<16x128xi32, #tpu.memory_space<vmem>> -> memref<1x128xi32, #tpu.memory_space<vmem>>
        %dma_start3A_281 = tpu.memref_squeeze %dma_start3A_280 : memref<1x128xi32, #tpu.memory_space<vmem>> -> memref<128xi32, #tpu.memory_space<vmem>>
        %dma_start3A_282 = arith.constant 0 : i32
        %dma_start3A_283 = arith.constant 0 : i32
        %dma_start3A_284 = tpu.memref_slice %arg10[%dma_start3A_282, %dma_start3A_283] : memref<10112x128xf32, #tpu.memory_space<vmem_shared>> -> memref<10112x128xf32, #tpu.memory_space<vmem_shared>>
        tpu.enqueue_indirect_dma source(%arg9 : memref<128x128xf32, #tpu.memory_space<vmem>>) target(%dma_start3A_284 : memref<10112x128xf32, #tpu.memory_space<vmem_shared>>) offsets(%dma_start3A_281 : memref<128xi32, #tpu.memory_space<vmem>>) semaphore(%run_scoped3A_278 : memref<!tpu.dma_semaphore, #tpu.memory_space<semaphore_mem>>) {add = true}
        %dma_wait3A_285 = arith.constant 0 : i32
        %dma_wait3A_286 = tpu.memref_slice %arg7[%run_scoped3A_221, %dma_wait3A_285] : memref<16x128xi32, #tpu.memory_space<vmem>> -> memref<1x128xi32, #tpu.memory_space<vmem>>
        %dma_wait3A_287 = tpu.memref_squeeze %dma_wait3A_286 : memref<1x128xi32, #tpu.memory_space<vmem>> -> memref<128xi32, #tpu.memory_space<vmem>>
        %dma_wait3A_288 = arith.constant 0 : i32
        %dma_wait3A_289 = arith.constant 0 : i32
        %dma_wait3A_290 = tpu.memref_slice %arg10[%dma_wait3A_288, %dma_wait3A_289] : memref<10112x128xf32, #tpu.memory_space<vmem_shared>> -> memref<10112x128xf32, #tpu.memory_space<vmem_shared>>
        tpu.wait_indirect_dma semaphore(%run_scoped3A_278 : memref<!tpu.dma_semaphore, #tpu.memory_space<semaphore_mem>>) src(%arg9 : memref<128x128xf32, #tpu.memory_space<vmem>>) dst(%dma_wait3A_290 : memref<10112x128xf32, #tpu.memory_space<vmem_shared>>)
        tpu.yield
      }) : () -> ()
      %dma_wait3A_222 = arith.constant 8 : i32
      %dma_wait3A_223 = arith.constant 0 : i32
      %dma_wait3A_224 = tpu.memref_slice %arg7[%dma_wait3A_222, %dma_wait3A_223] : memref<16x128xi32, #tpu.memory_space<vmem>> -> memref<1x128xi32, #tpu.memory_space<vmem>>
      %dma_wait3A_225 = tpu.memref_squeeze %dma_wait3A_224 : memref<1x128xi32, #tpu.memory_space<vmem>> -> memref<128xi32, #tpu.memory_space<vmem>>
      %dma_wait3A_226 = arith.constant 0 : i32
      %dma_wait3A_227 = arith.constant 0 : i32
      %dma_wait3A_228 = tpu.memref_slice %arg2[%dma_wait3A_226, %dma_wait3A_227] : memref<10000x128xf32, #tpu.memory_space<hbm>> -> memref<10000x128xf32, #tpu.memory_space<hbm>>
      tpu.wait_indirect_dma semaphore(%arg11 : memref<!tpu.dma_semaphore, #tpu.memory_space<semaphore_mem>>) src(%dma_wait3A_228 : memref<10000x128xf32, #tpu.memory_space<hbm>>) dst(%arg8 : memref<128x128xf32, #tpu.memory_space<vmem>>)
      %dma_start3A_229 = arith.constant 10 : i32
      %dma_start3A_230 = arith.constant 0 : i32
      %dma_start3A_231 = tpu.memref_slice %arg7[%dma_start3A_229, %dma_start3A_230] : memref<16x128xi32, #tpu.memory_space<vmem>> -> memref<1x128xi32, #tpu.memory_space<vmem>>
      %dma_start3A_232 = tpu.memref_squeeze %dma_start3A_231 : memref<1x128xi32, #tpu.memory_space<vmem>> -> memref<128xi32, #tpu.memory_space<vmem>>
      %dma_start3A_233 = arith.constant 0 : i32
      %dma_start3A_234 = arith.constant 0 : i32
      %dma_start3A_235 = tpu.memref_slice %arg2[%dma_start3A_233, %dma_start3A_234] : memref<10000x128xf32, #tpu.memory_space<hbm>> -> memref<10000x128xf32, #tpu.memory_space<hbm>>
      tpu.enqueue_indirect_dma source(%dma_start3A_235 : memref<10000x128xf32, #tpu.memory_space<hbm>>) target(%arg9 : memref<128x128xf32, #tpu.memory_space<vmem>>) offsets(%dma_start3A_232 : memref<128xi32, #tpu.memory_space<vmem>>) semaphore(%arg12 : memref<!tpu.dma_semaphore, #tpu.memory_space<semaphore_mem>>)
      %run_scoped3A_236 = arith.constant 9 : i32
      "tpu.region"() ({
        %run_scoped3A_278 = tpu.sem_alloc : memref<!tpu.dma_semaphore, #tpu.memory_space<semaphore_mem>>
        %dma_start3A_279 = arith.constant 0 : i32
        %dma_start3A_280 = tpu.memref_slice %arg7[%run_scoped3A_236, %dma_start3A_279] : memref<16x128xi32, #tpu.memory_space<vmem>> -> memref<1x128xi32, #tpu.memory_space<vmem>>
        %dma_start3A_281 = tpu.memref_squeeze %dma_start3A_280 : memref<1x128xi32, #tpu.memory_space<vmem>> -> memref<128xi32, #tpu.memory_space<vmem>>
        %dma_start3A_282 = arith.constant 0 : i32
        %dma_start3A_283 = arith.constant 0 : i32
        %dma_start3A_284 = tpu.memref_slice %arg10[%dma_start3A_282, %dma_start3A_283] : memref<10112x128xf32, #tpu.memory_space<vmem_shared>> -> memref<10112x128xf32, #tpu.memory_space<vmem_shared>>
        tpu.enqueue_indirect_dma source(%arg8 : memref<128x128xf32, #tpu.memory_space<vmem>>) target(%dma_start3A_284 : memref<10112x128xf32, #tpu.memory_space<vmem_shared>>) offsets(%dma_start3A_281 : memref<128xi32, #tpu.memory_space<vmem>>) semaphore(%run_scoped3A_278 : memref<!tpu.dma_semaphore, #tpu.memory_space<semaphore_mem>>) {add = true}
        %dma_wait3A_285 = arith.constant 0 : i32
        %dma_wait3A_286 = tpu.memref_slice %arg7[%run_scoped3A_236, %dma_wait3A_285] : memref<16x128xi32, #tpu.memory_space<vmem>> -> memref<1x128xi32, #tpu.memory_space<vmem>>
        %dma_wait3A_287 = tpu.memref_squeeze %dma_wait3A_286 : memref<1x128xi32, #tpu.memory_space<vmem>> -> memref<128xi32, #tpu.memory_space<vmem>>
        %dma_wait3A_288 = arith.constant 0 : i32
        %dma_wait3A_289 = arith.constant 0 : i32
        %dma_wait3A_290 = tpu.memref_slice %arg10[%dma_wait3A_288, %dma_wait3A_289] : memref<10112x128xf32, #tpu.memory_space<vmem_shared>> -> memref<10112x128xf32, #tpu.memory_space<vmem_shared>>
        tpu.wait_indirect_dma semaphore(%run_scoped3A_278 : memref<!tpu.dma_semaphore, #tpu.memory_space<semaphore_mem>>) src(%arg8 : memref<128x128xf32, #tpu.memory_space<vmem>>) dst(%dma_wait3A_290 : memref<10112x128xf32, #tpu.memory_space<vmem_shared>>)
        tpu.yield
      }) : () -> ()
      %dma_wait3A_237 = arith.constant 10 : i32
      %dma_wait3A_238 = arith.constant 0 : i32
      %dma_wait3A_239 = tpu.memref_slice %arg7[%dma_wait3A_237, %dma_wait3A_238] : memref<16x128xi32, #tpu.memory_space<vmem>> -> memref<1x128xi32, #tpu.memory_space<vmem>>
      %dma_wait3A_240 = tpu.memref_squeeze %dma_wait3A_239 : memref<1x128xi32, #tpu.memory_space<vmem>> -> memref<128xi32, #tpu.memory_space<vmem>>
      %dma_wait3A_241 = arith.constant 0 : i32
      %dma_wait3A_242 = arith.constant 0 : i32
      %dma_wait3A_243 = tpu.memref_slice %arg2[%dma_wait3A_241, %dma_wait3A_242] : memref<10000x128xf32, #tpu.memory_space<hbm>> -> memref<10000x128xf32, #tpu.memory_space<hbm>>
      tpu.wait_indirect_dma semaphore(%arg12 : memref<!tpu.dma_semaphore, #tpu.memory_space<semaphore_mem>>) src(%dma_wait3A_243 : memref<10000x128xf32, #tpu.memory_space<hbm>>) dst(%arg9 : memref<128x128xf32, #tpu.memory_space<vmem>>)
      %dma_start3A_244 = arith.constant 12 : i32
      %dma_start3A_245 = arith.constant 0 : i32
      %dma_start3A_246 = tpu.memref_slice %arg7[%dma_start3A_244, %dma_start3A_245] : memref<16x128xi32, #tpu.memory_space<vmem>> -> memref<1x128xi32, #tpu.memory_space<vmem>>
      %dma_start3A_247 = tpu.memref_squeeze %dma_start3A_246 : memref<1x128xi32, #tpu.memory_space<vmem>> -> memref<128xi32, #tpu.memory_space<vmem>>
      %dma_start3A_248 = arith.constant 0 : i32
      %dma_start3A_249 = arith.constant 0 : i32
      %dma_start3A_250 = tpu.memref_slice %arg2[%dma_start3A_248, %dma_start3A_249] : memref<10000x128xf32, #tpu.memory_space<hbm>> -> memref<10000x128xf32, #tpu.memory_space<hbm>>
      tpu.enqueue_indirect_dma source(%dma_start3A_250 : memref<10000x128xf32, #tpu.memory_space<hbm>>) target(%arg8 : memref<128x128xf32, #tpu.memory_space<vmem>>) offsets(%dma_start3A_247 : memref<128xi32, #tpu.memory_space<vmem>>) semaphore(%arg11 : memref<!tpu.dma_semaphore, #tpu.memory_space<semaphore_mem>>)
      %run_scoped3A_251 = arith.constant 11 : i32
      "tpu.region"() ({
        %run_scoped3A_278 = tpu.sem_alloc : memref<!tpu.dma_semaphore, #tpu.memory_space<semaphore_mem>>
        %dma_start3A_279 = arith.constant 0 : i32
        %dma_start3A_280 = tpu.memref_slice %arg7[%run_scoped3A_251, %dma_start3A_279] : memref<16x128xi32, #tpu.memory_space<vmem>> -> memref<1x128xi32, #tpu.memory_space<vmem>>
        %dma_start3A_281 = tpu.memref_squeeze %dma_start3A_280 : memref<1x128xi32, #tpu.memory_space<vmem>> -> memref<128xi32, #tpu.memory_space<vmem>>
        %dma_start3A_282 = arith.constant 0 : i32
        %dma_start3A_283 = arith.constant 0 : i32
        %dma_start3A_284 = tpu.memref_slice %arg10[%dma_start3A_282, %dma_start3A_283] : memref<10112x128xf32, #tpu.memory_space<vmem_shared>> -> memref<10112x128xf32, #tpu.memory_space<vmem_shared>>
        tpu.enqueue_indirect_dma source(%arg9 : memref<128x128xf32, #tpu.memory_space<vmem>>) target(%dma_start3A_284 : memref<10112x128xf32, #tpu.memory_space<vmem_shared>>) offsets(%dma_start3A_281 : memref<128xi32, #tpu.memory_space<vmem>>) semaphore(%run_scoped3A_278 : memref<!tpu.dma_semaphore, #tpu.memory_space<semaphore_mem>>) {add = true}
        %dma_wait3A_285 = arith.constant 0 : i32
        %dma_wait3A_286 = tpu.memref_slice %arg7[%run_scoped3A_251, %dma_wait3A_285] : memref<16x128xi32, #tpu.memory_space<vmem>> -> memref<1x128xi32, #tpu.memory_space<vmem>>
        %dma_wait3A_287 = tpu.memref_squeeze %dma_wait3A_286 : memref<1x128xi32, #tpu.memory_space<vmem>> -> memref<128xi32, #tpu.memory_space<vmem>>
        %dma_wait3A_288 = arith.constant 0 : i32
        %dma_wait3A_289 = arith.constant 0 : i32
        %dma_wait3A_290 = tpu.memref_slice %arg10[%dma_wait3A_288, %dma_wait3A_289] : memref<10112x128xf32, #tpu.memory_space<vmem_shared>> -> memref<10112x128xf32, #tpu.memory_space<vmem_shared>>
        tpu.wait_indirect_dma semaphore(%run_scoped3A_278 : memref<!tpu.dma_semaphore, #tpu.memory_space<semaphore_mem>>) src(%arg9 : memref<128x128xf32, #tpu.memory_space<vmem>>) dst(%dma_wait3A_290 : memref<10112x128xf32, #tpu.memory_space<vmem_shared>>)
        tpu.yield
      }) : () -> ()
      %dma_wait3A_252 = arith.constant 12 : i32
      %dma_wait3A_253 = arith.constant 0 : i32
      %dma_wait3A_254 = tpu.memref_slice %arg7[%dma_wait3A_252, %dma_wait3A_253] : memref<16x128xi32, #tpu.memory_space<vmem>> -> memref<1x128xi32, #tpu.memory_space<vmem>>
      %dma_wait3A_255 = tpu.memref_squeeze %dma_wait3A_254 : memref<1x128xi32, #tpu.memory_space<vmem>> -> memref<128xi32, #tpu.memory_space<vmem>>
      %dma_wait3A_256 = arith.constant 0 : i32
      %dma_wait3A_257 = arith.constant 0 : i32
      %dma_wait3A_258 = tpu.memref_slice %arg2[%dma_wait3A_256, %dma_wait3A_257] : memref<10000x128xf32, #tpu.memory_space<hbm>> -> memref<10000x128xf32, #tpu.memory_space<hbm>>
      tpu.wait_indirect_dma semaphore(%arg11 : memref<!tpu.dma_semaphore, #tpu.memory_space<semaphore_mem>>) src(%dma_wait3A_258 : memref<10000x128xf32, #tpu.memory_space<hbm>>) dst(%arg8 : memref<128x128xf32, #tpu.memory_space<vmem>>)
      %dma_start3A_259 = arith.constant 14 : i32
      %dma_start3A_260 = arith.constant 0 : i32
      %dma_start3A_261 = tpu.memref_slice %arg7[%dma_start3A_259, %dma_start3A_260] : memref<16x128xi32, #tpu.memory_space<vmem>> -> memref<1x128xi32, #tpu.memory_space<vmem>>
      %dma_start3A_262 = tpu.memref_squeeze %dma_start3A_261 : memref<1x128xi32, #tpu.memory_space<vmem>> -> memref<128xi32, #tpu.memory_space<vmem>>
      %dma_start3A_263 = arith.constant 0 : i32
      %dma_start3A_264 = arith.constant 0 : i32
      %dma_start3A_265 = tpu.memref_slice %arg2[%dma_start3A_263, %dma_start3A_264] : memref<10000x128xf32, #tpu.memory_space<hbm>> -> memref<10000x128xf32, #tpu.memory_space<hbm>>
      tpu.enqueue_indirect_dma source(%dma_start3A_265 : memref<10000x128xf32, #tpu.memory_space<hbm>>) target(%arg9 : memref<128x128xf32, #tpu.memory_space<vmem>>) offsets(%dma_start3A_262 : memref<128xi32, #tpu.memory_space<vmem>>) semaphore(%arg12 : memref<!tpu.dma_semaphore, #tpu.memory_space<semaphore_mem>>)
      %run_scoped3A_266 = arith.constant 13 : i32
      "tpu.region"() ({
        %run_scoped3A_278 = tpu.sem_alloc : memref<!tpu.dma_semaphore, #tpu.memory_space<semaphore_mem>>
        %dma_start3A_279 = arith.constant 0 : i32
        %dma_start3A_280 = tpu.memref_slice %arg7[%run_scoped3A_266, %dma_start3A_279] : memref<16x128xi32, #tpu.memory_space<vmem>> -> memref<1x128xi32, #tpu.memory_space<vmem>>
        %dma_start3A_281 = tpu.memref_squeeze %dma_start3A_280 : memref<1x128xi32, #tpu.memory_space<vmem>> -> memref<128xi32, #tpu.memory_space<vmem>>
        %dma_start3A_282 = arith.constant 0 : i32
        %dma_start3A_283 = arith.constant 0 : i32
        %dma_start3A_284 = tpu.memref_slice %arg10[%dma_start3A_282, %dma_start3A_283] : memref<10112x128xf32, #tpu.memory_space<vmem_shared>> -> memref<10112x128xf32, #tpu.memory_space<vmem_shared>>
        tpu.enqueue_indirect_dma source(%arg8 : memref<128x128xf32, #tpu.memory_space<vmem>>) target(%dma_start3A_284 : memref<10112x128xf32, #tpu.memory_space<vmem_shared>>) offsets(%dma_start3A_281 : memref<128xi32, #tpu.memory_space<vmem>>) semaphore(%run_scoped3A_278 : memref<!tpu.dma_semaphore, #tpu.memory_space<semaphore_mem>>) {add = true}
        %dma_wait3A_285 = arith.constant 0 : i32
        %dma_wait3A_286 = tpu.memref_slice %arg7[%run_scoped3A_266, %dma_wait3A_285] : memref<16x128xi32, #tpu.memory_space<vmem>> -> memref<1x128xi32, #tpu.memory_space<vmem>>
        %dma_wait3A_287 = tpu.memref_squeeze %dma_wait3A_286 : memref<1x128xi32, #tpu.memory_space<vmem>> -> memref<128xi32, #tpu.memory_space<vmem>>
        %dma_wait3A_288 = arith.constant 0 : i32
        %dma_wait3A_289 = arith.constant 0 : i32
        %dma_wait3A_290 = tpu.memref_slice %arg10[%dma_wait3A_288, %dma_wait3A_289] : memref<10112x128xf32, #tpu.memory_space<vmem_shared>> -> memref<10112x128xf32, #tpu.memory_space<vmem_shared>>
        tpu.wait_indirect_dma semaphore(%run_scoped3A_278 : memref<!tpu.dma_semaphore, #tpu.memory_space<semaphore_mem>>) src(%arg8 : memref<128x128xf32, #tpu.memory_space<vmem>>) dst(%dma_wait3A_290 : memref<10112x128xf32, #tpu.memory_space<vmem_shared>>)
        tpu.yield
      }) : () -> ()
      %dma_wait3A_267 = arith.constant 14 : i32
      %dma_wait3A_268 = arith.constant 0 : i32
      %dma_wait3A_269 = tpu.memref_slice %arg7[%dma_wait3A_267, %dma_wait3A_268] : memref<16x128xi32, #tpu.memory_space<vmem>> -> memref<1x128xi32, #tpu.memory_space<vmem>>
      %dma_wait3A_270 = tpu.memref_squeeze %dma_wait3A_269 : memref<1x128xi32, #tpu.memory_space<vmem>> -> memref<128xi32, #tpu.memory_space<vmem>>
      %dma_wait3A_271 = arith.constant 0 : i32
      %dma_wait3A_272 = arith.constant 0 : i32
      %dma_wait3A_273 = tpu.memref_slice %arg2[%dma_wait3A_271, %dma_wait3A_272] : memref<10000x128xf32, #tpu.memory_space<hbm>> -> memref<10000x128xf32, #tpu.memory_space<hbm>>
      tpu.wait_indirect_dma semaphore(%arg12 : memref<!tpu.dma_semaphore, #tpu.memory_space<semaphore_mem>>) src(%dma_wait3A_273 : memref<10000x128xf32, #tpu.memory_space<hbm>>) dst(%arg9 : memref<128x128xf32, #tpu.memory_space<vmem>>)
      %convert_element_type3A_274 = arith.extui %lt3A_156 : i1 to i32
      %cond3A_275 = arith.constant 0 : i32
      %cond3A_276 = arith.cmpi ne, %convert_element_type3A_274, %cond3A_275 : i32
      scf.if %cond3A_276 {
        %mul3A_278 = arith.constant 2 : i32
        %mul3A_279 = arith.muli %add3A_161, %mul3A_278 : i32
        %mul3A_280 = arith.constant 8 : i32
        %mul3A_281 = arith.muli %mul3A_279, %mul3A_280 : i32
        %dma_wait3A_282 = arith.constant 0 : i32
        %dma_wait3A_283 = tpu.memref_slice %arg3[%add3A, %mul3A_281, %dma_wait3A_282] : memref<32x320x128xi32, #tpu.memory_space<hbm>> -> memref<1x16x128xi32, #tpu.memory_space<hbm>>
        %dma_wait3A_284 = tpu.memref_squeeze %dma_wait3A_283 : memref<1x16x128xi32, #tpu.memory_space<hbm>> -> memref<16x128xi32, #tpu.memory_space<hbm>>
        %dma_wait3A_285 = arith.constant 0 : i32
        %dma_wait3A_286 = tpu.memref_slice %arg3[%add3A, %mul3A_281, %dma_wait3A_285] : memref<32x320x128xi32, #tpu.memory_space<hbm>> -> memref<1x16x128xi32, #tpu.memory_space<hbm>>
        %dma_wait3A_287 = tpu.memref_squeeze %dma_wait3A_286 : memref<1x16x128xi32, #tpu.memory_space<hbm>> -> memref<16x128xi32, #tpu.memory_space<hbm>>
        tpu.wait_dma2 semaphore(%arg13 : memref<!tpu.dma_semaphore, #tpu.memory_space<semaphore_mem>>) src(%dma_wait3A_287 : memref<16x128xi32, #tpu.memory_space<hbm>>) dst(%arg6 : memref<16x128xi32, #tpu.memory_space<vmem>>)
        %dma_start3A_288 = arith.constant 0 : i32
        %dma_start3A_289 = arith.constant 0 : i32
        %dma_start3A_290 = tpu.memref_slice %arg6[%dma_start3A_288, %dma_start3A_289] : memref<16x128xi32, #tpu.memory_space<vmem>> -> memref<1x128xi32, #tpu.memory_space<vmem>>
        %dma_start3A_291 = tpu.memref_squeeze %dma_start3A_290 : memref<1x128xi32, #tpu.memory_space<vmem>> -> memref<128xi32, #tpu.memory_space<vmem>>
        %dma_start3A_292 = arith.constant 0 : i32
        %dma_start3A_293 = arith.constant 0 : i32
        %dma_start3A_294 = tpu.memref_slice %arg2[%dma_start3A_292, %dma_start3A_293] : memref<10000x128xf32, #tpu.memory_space<hbm>> -> memref<10000x128xf32, #tpu.memory_space<hbm>>
        tpu.enqueue_indirect_dma source(%dma_start3A_294 : memref<10000x128xf32, #tpu.memory_space<hbm>>) target(%arg8 : memref<128x128xf32, #tpu.memory_space<vmem>>) offsets(%dma_start3A_291 : memref<128xi32, #tpu.memory_space<vmem>>) semaphore(%arg11 : memref<!tpu.dma_semaphore, #tpu.memory_space<semaphore_mem>>)
      } else {
      }
      %run_scoped3A_277 = arith.constant 15 : i32
      "tpu.region"() ({
        %run_scoped3A_278 = tpu.sem_alloc : memref<!tpu.dma_semaphore, #tpu.memory_space<semaphore_mem>>
        %dma_start3A_279 = arith.constant 0 : i32
        %dma_start3A_280 = tpu.memref_slice %arg7[%run_scoped3A_277, %dma_start3A_279] : memref<16x128xi32, #tpu.memory_space<vmem>> -> memref<1x128xi32, #tpu.memory_space<vmem>>
        %dma_start3A_281 = tpu.memref_squeeze %dma_start3A_280 : memref<1x128xi32, #tpu.memory_space<vmem>> -> memref<128xi32, #tpu.memory_space<vmem>>
        %dma_start3A_282 = arith.constant 0 : i32
        %dma_start3A_283 = arith.constant 0 : i32
        %dma_start3A_284 = tpu.memref_slice %arg10[%dma_start3A_282, %dma_start3A_283] : memref<10112x128xf32, #tpu.memory_space<vmem_shared>> -> memref<10112x128xf32, #tpu.memory_space<vmem_shared>>
        tpu.enqueue_indirect_dma source(%arg9 : memref<128x128xf32, #tpu.memory_space<vmem>>) target(%dma_start3A_284 : memref<10112x128xf32, #tpu.memory_space<vmem_shared>>) offsets(%dma_start3A_281 : memref<128xi32, #tpu.memory_space<vmem>>) semaphore(%run_scoped3A_278 : memref<!tpu.dma_semaphore, #tpu.memory_space<semaphore_mem>>) {add = true}
        %dma_wait3A_285 = arith.constant 0 : i32
        %dma_wait3A_286 = tpu.memref_slice %arg7[%run_scoped3A_277, %dma_wait3A_285] : memref<16x128xi32, #tpu.memory_space<vmem>> -> memref<1x128xi32, #tpu.memory_space<vmem>>
        %dma_wait3A_287 = tpu.memref_squeeze %dma_wait3A_286 : memref<1x128xi32, #tpu.memory_space<vmem>> -> memref<128xi32, #tpu.memory_space<vmem>>
        %dma_wait3A_288 = arith.constant 0 : i32
        %dma_wait3A_289 = arith.constant 0 : i32
        %dma_wait3A_290 = tpu.memref_slice %arg10[%dma_wait3A_288, %dma_wait3A_289] : memref<10112x128xf32, #tpu.memory_space<vmem_shared>> -> memref<10112x128xf32, #tpu.memory_space<vmem_shared>>
        tpu.wait_indirect_dma semaphore(%run_scoped3A_278 : memref<!tpu.dma_semaphore, #tpu.memory_space<semaphore_mem>>) src(%arg9 : memref<128x128xf32, #tpu.memory_space<vmem>>) dst(%dma_wait3A_290 : memref<10112x128xf32, #tpu.memory_space<vmem_shared>>)
        tpu.yield
      }) : () -> ()
    }
    %scan3A_15 = arith.constant 10 : i32
    %barrier3A_16 = arith.constant 0 : index
    tpu.barrier barrier_id(%barrier3A_16)
    %mul3A_17 = arith.constant 632 : i32
    %mul3A_18 = arith.muli %arg1, %mul3A_17 : i32
    %mul3A_19 = arith.constant 632 : i32
    %mul3A_20 = arith.muli %arg1, %mul3A_19 : i32
    "tpu.region"() ({
      %run_scoped3A = tpu.sem_alloc : memref<!tpu.dma_semaphore, #tpu.memory_space<semaphore_mem>>
      %dma_start3A_21 = arith.constant 0 : i32
      %dma_start3A_22 = tpu.memref_slice %arg5[%arg0, %mul3A_20, %dma_start3A_21] : memref<2x10112x128xf32, #tpu.memory_space<hbm>> -> memref<1x632x128xf32, #tpu.memory_space<hbm>>
      %dma_start3A_23 = tpu.memref_squeeze %dma_start3A_22 : memref<1x632x128xf32, #tpu.memory_space<hbm>> -> memref<632x128xf32, #tpu.memory_space<hbm>>
      %dma_start3A_24 = arith.constant 0 : i32
      %dma_start3A_25 = tpu.memref_slice %arg10[%mul3A_18, %dma_start3A_24] : memref<10112x128xf32, #tpu.memory_space<vmem_shared>> -> memref<632x128xf32, #tpu.memory_space<vmem_shared>>
      tpu.enqueue_dma source(%dma_start3A_25 : memref<632x128xf32, #tpu.memory_space<vmem_shared>>) target(%dma_start3A_23 : memref<632x128xf32, #tpu.memory_space<hbm>>) target_semaphore(%run_scoped3A : memref<!tpu.dma_semaphore, #tpu.memory_space<semaphore_mem>>)
      %dma_wait3A = arith.constant 0 : i32
      %dma_wait3A_26 = tpu.memref_slice %arg5[%arg0, %mul3A_20, %dma_wait3A] : memref<2x10112x128xf32, #tpu.memory_space<hbm>> -> memref<1x632x128xf32, #tpu.memory_space<hbm>>
      %dma_wait3A_27 = tpu.memref_squeeze %dma_wait3A_26 : memref<1x632x128xf32, #tpu.memory_space<hbm>> -> memref<632x128xf32, #tpu.memory_space<hbm>>
      %dma_wait3A_28 = arith.constant 0 : i32
      %dma_wait3A_29 = tpu.memref_slice %arg10[%mul3A_18, %dma_wait3A_28] : memref<10112x128xf32, #tpu.memory_space<vmem_shared>> -> memref<632x128xf32, #tpu.memory_space<vmem_shared>>
      tpu.wait_dma2 semaphore(%run_scoped3A : memref<!tpu.dma_semaphore, #tpu.memory_space<semaphore_mem>>) src(%dma_wait3A_29 : memref<632x128xf32, #tpu.memory_space<vmem_shared>>) dst(%dma_wait3A_27 : memref<632x128xf32, #tpu.memory_space<hbm>>)
      tpu.yield
    }) : () -> ()
    return
  }
}

#map = affine_map<(d0, d1) -> (0, 0, 0)>
#map1 = affine_map<(d0, d1) -> (0, 0)>
module attributes {stable_mosaic.version = 14 : i64} {
  func.func @kern(%arg0: i32, %arg1: i32, %arg2: memref<32x160x128xi32, #tpu.memory_space<hbm>>, %arg3: memref<128x8xf32, #tpu.memory_space<hbm>>, %arg4: memref<10112x8xf32, #tpu.memory_space<hbm>>, %arg5: memref<2x10112x8xf32, #tpu.memory_space<hbm>>, %arg6: memref<160x128xi32, #tpu.memory_space<vmem>>, %arg7: memref<128x8xf32, #tpu.memory_space<vmem>>, %arg8: memref<10112x8xf32, #tpu.memory_space<vmem_shared>>) attributes {dimension_semantics = [#tpu.dimension_semantics<core_parallel>, #tpu.dimension_semantics<subcore_parallel>], iteration_bounds = array<i64: 2, 16>, scalar_prefetch = 0 : i64, scratch_operands = 3 : i64, tpu.core_type = #tpu.core_type<sc_vector_subcore>, window_params = [{transform_indices = #map}, {transform_indices = #map1}, {transform_indices = #map1}, {transform_indices = #map}]} {
    %mul3A = arith.constant 2 : i32
    %mul3A_0 = arith.muli %arg1, %mul3A : i32
    %add3A = arith.addi %mul3A_0, %arg0 : i32
    "tpu.region"() ({
      %run_scoped3A = tpu.sem_alloc : memref<!tpu.dma_semaphore, #tpu.memory_space<semaphore_mem>>
      %dma_start3A = arith.constant 0 : i32
      %dma_start3A_15 = arith.constant 0 : i32
      %dma_start3A_16 = tpu.memref_slice %arg2[%add3A, %dma_start3A, %dma_start3A_15] : memref<32x160x128xi32, #tpu.memory_space<hbm>> -> memref<1x160x128xi32, #tpu.memory_space<hbm>>
      %dma_start3A_17 = tpu.memref_squeeze %dma_start3A_16 : memref<1x160x128xi32, #tpu.memory_space<hbm>> -> memref<160x128xi32, #tpu.memory_space<hbm>>
      %dma_start3A_18 = arith.constant 0 : i32
      %dma_start3A_19 = arith.constant 0 : i32
      %dma_start3A_20 = tpu.memref_slice %arg2[%add3A, %dma_start3A_18, %dma_start3A_19] : memref<32x160x128xi32, #tpu.memory_space<hbm>> -> memref<1x160x128xi32, #tpu.memory_space<hbm>>
      %dma_start3A_21 = tpu.memref_squeeze %dma_start3A_20 : memref<1x160x128xi32, #tpu.memory_space<hbm>> -> memref<160x128xi32, #tpu.memory_space<hbm>>
      tpu.enqueue_dma source(%dma_start3A_21 : memref<160x128xi32, #tpu.memory_space<hbm>>) target(%arg6 : memref<160x128xi32, #tpu.memory_space<vmem>>) target_semaphore(%run_scoped3A : memref<!tpu.dma_semaphore, #tpu.memory_space<semaphore_mem>>)
      %dma_wait3A = arith.constant 0 : i32
      %dma_wait3A_22 = arith.constant 0 : i32
      %dma_wait3A_23 = tpu.memref_slice %arg2[%add3A, %dma_wait3A, %dma_wait3A_22] : memref<32x160x128xi32, #tpu.memory_space<hbm>> -> memref<1x160x128xi32, #tpu.memory_space<hbm>>
      %dma_wait3A_24 = tpu.memref_squeeze %dma_wait3A_23 : memref<1x160x128xi32, #tpu.memory_space<hbm>> -> memref<160x128xi32, #tpu.memory_space<hbm>>
      %dma_wait3A_25 = arith.constant 0 : i32
      %dma_wait3A_26 = arith.constant 0 : i32
      %dma_wait3A_27 = tpu.memref_slice %arg2[%add3A, %dma_wait3A_25, %dma_wait3A_26] : memref<32x160x128xi32, #tpu.memory_space<hbm>> -> memref<1x160x128xi32, #tpu.memory_space<hbm>>
      %dma_wait3A_28 = tpu.memref_squeeze %dma_wait3A_27 : memref<1x160x128xi32, #tpu.memory_space<hbm>> -> memref<160x128xi32, #tpu.memory_space<hbm>>
      tpu.wait_dma2 semaphore(%run_scoped3A : memref<!tpu.dma_semaphore, #tpu.memory_space<semaphore_mem>>) src(%dma_wait3A_28 : memref<160x128xi32, #tpu.memory_space<hbm>>) dst(%arg6 : memref<160x128xi32, #tpu.memory_space<vmem>>)
      tpu.yield
    }) : () -> ()
    "tpu.region"() ({
      %run_scoped3A = tpu.sem_alloc : memref<!tpu.dma_semaphore, #tpu.memory_space<semaphore_mem>>
      tpu.enqueue_dma source(%arg3 : memref<128x8xf32, #tpu.memory_space<hbm>>) target(%arg7 : memref<128x8xf32, #tpu.memory_space<vmem>>) target_semaphore(%run_scoped3A : memref<!tpu.dma_semaphore, #tpu.memory_space<semaphore_mem>>)
      tpu.wait_dma2 semaphore(%run_scoped3A : memref<!tpu.dma_semaphore, #tpu.memory_space<semaphore_mem>>) src(%arg3 : memref<128x8xf32, #tpu.memory_space<hbm>>) dst(%arg7 : memref<128x8xf32, #tpu.memory_space<vmem>>)
      tpu.yield
    }) : () -> ()
    %mul3A_1 = arith.constant 632 : i32
    %mul3A_2 = arith.muli %arg1, %mul3A_1 : i32
    %mul3A_3 = arith.constant 632 : i32
    %mul3A_4 = arith.muli %arg1, %mul3A_3 : i32
    "tpu.region"() ({
      %run_scoped3A = tpu.sem_alloc : memref<!tpu.dma_semaphore, #tpu.memory_space<semaphore_mem>>
      %dma_start3A = arith.constant 0 : i32
      %dma_start3A_15 = tpu.memref_slice %arg8[%mul3A_4, %dma_start3A] : memref<10112x8xf32, #tpu.memory_space<vmem_shared>> -> memref<632x8xf32, #tpu.memory_space<vmem_shared>>
      %dma_start3A_16 = arith.constant 0 : i32
      %dma_start3A_17 = tpu.memref_slice %arg4[%mul3A_2, %dma_start3A_16] : memref<10112x8xf32, #tpu.memory_space<hbm>> -> memref<632x8xf32, #tpu.memory_space<hbm>>
      tpu.enqueue_dma source(%dma_start3A_17 : memref<632x8xf32, #tpu.memory_space<hbm>>) target(%dma_start3A_15 : memref<632x8xf32, #tpu.memory_space<vmem_shared>>) target_semaphore(%run_scoped3A : memref<!tpu.dma_semaphore, #tpu.memory_space<semaphore_mem>>)
      %dma_wait3A = arith.constant 0 : i32
      %dma_wait3A_18 = tpu.memref_slice %arg8[%mul3A_4, %dma_wait3A] : memref<10112x8xf32, #tpu.memory_space<vmem_shared>> -> memref<632x8xf32, #tpu.memory_space<vmem_shared>>
      %dma_wait3A_19 = arith.constant 0 : i32
      %dma_wait3A_20 = tpu.memref_slice %arg4[%mul3A_2, %dma_wait3A_19] : memref<10112x8xf32, #tpu.memory_space<hbm>> -> memref<632x8xf32, #tpu.memory_space<hbm>>
      tpu.wait_dma2 semaphore(%run_scoped3A : memref<!tpu.dma_semaphore, #tpu.memory_space<semaphore_mem>>) src(%dma_wait3A_20 : memref<632x8xf32, #tpu.memory_space<hbm>>) dst(%dma_wait3A_18 : memref<632x8xf32, #tpu.memory_space<vmem_shared>>)
      tpu.yield
    }) : () -> ()
    %barrier3A = arith.constant 0 : index
    tpu.barrier barrier_id(%barrier3A)
    %scan3A = arith.constant 0 : i32
    %scan3A_5 = arith.constant 0 : i32
    %scan3A_6 = arith.constant 160 : i32
    %scan3A_7 = arith.addi %scan3A_5, %scan3A_6 : i32
    %scan3A_8 = arith.constant 1 : i32
    scf.for %scan3A_15 = %scan3A_5 to %scan3A_7 step %scan3A_8  : i32 {
      "tpu.region"() ({
        %run_scoped3A = tpu.sem_alloc : memref<!tpu.dma_semaphore, #tpu.memory_space<semaphore_mem>>
        %dma_start3A = arith.constant 0 : i32
        %dma_start3A_16 = tpu.memref_slice %arg6[%scan3A_15, %dma_start3A] : memref<160x128xi32, #tpu.memory_space<vmem>> -> memref<1x128xi32, #tpu.memory_space<vmem>>
        %dma_start3A_17 = tpu.memref_squeeze %dma_start3A_16 : memref<1x128xi32, #tpu.memory_space<vmem>> -> memref<128xi32, #tpu.memory_space<vmem>>
        %dma_start3A_18 = arith.constant 0 : i32
        %dma_start3A_19 = arith.constant 0 : i32
        %dma_start3A_20 = tpu.memref_slice %arg8[%dma_start3A_18, %dma_start3A_19] : memref<10112x8xf32, #tpu.memory_space<vmem_shared>> -> memref<10112x8xf32, #tpu.memory_space<vmem_shared>>
        tpu.enqueue_indirect_dma source(%arg7 : memref<128x8xf32, #tpu.memory_space<vmem>>) target(%dma_start3A_20 : memref<10112x8xf32, #tpu.memory_space<vmem_shared>>) offsets(%dma_start3A_17 : memref<128xi32, #tpu.memory_space<vmem>>) semaphore(%run_scoped3A : memref<!tpu.dma_semaphore, #tpu.memory_space<semaphore_mem>>) {add = true}
        %dma_wait3A = arith.constant 0 : i32
        %dma_wait3A_21 = tpu.memref_slice %arg6[%scan3A_15, %dma_wait3A] : memref<160x128xi32, #tpu.memory_space<vmem>> -> memref<1x128xi32, #tpu.memory_space<vmem>>
        %dma_wait3A_22 = tpu.memref_squeeze %dma_wait3A_21 : memref<1x128xi32, #tpu.memory_space<vmem>> -> memref<128xi32, #tpu.memory_space<vmem>>
        %dma_wait3A_23 = arith.constant 0 : i32
        %dma_wait3A_24 = arith.constant 0 : i32
        %dma_wait3A_25 = tpu.memref_slice %arg8[%dma_wait3A_23, %dma_wait3A_24] : memref<10112x8xf32, #tpu.memory_space<vmem_shared>> -> memref<10112x8xf32, #tpu.memory_space<vmem_shared>>
        tpu.wait_indirect_dma semaphore(%run_scoped3A : memref<!tpu.dma_semaphore, #tpu.memory_space<semaphore_mem>>) src(%arg7 : memref<128x8xf32, #tpu.memory_space<vmem>>) dst(%dma_wait3A_25 : memref<10112x8xf32, #tpu.memory_space<vmem_shared>>)
        tpu.yield
      }) : () -> ()
    }
    %scan3A_9 = arith.constant 160 : i32
    %barrier3A_10 = arith.constant 0 : index
    tpu.barrier barrier_id(%barrier3A_10)
    %mul3A_11 = arith.constant 632 : i32
    %mul3A_12 = arith.muli %arg1, %mul3A_11 : i32
    %mul3A_13 = arith.constant 632 : i32
    %mul3A_14 = arith.muli %arg1, %mul3A_13 : i32
    "tpu.region"() ({
      %run_scoped3A = tpu.sem_alloc : memref<!tpu.dma_semaphore, #tpu.memory_space<semaphore_mem>>
      %dma_start3A = arith.constant 0 : i32
      %dma_start3A_15 = tpu.memref_slice %arg5[%arg0, %mul3A_14, %dma_start3A] : memref<2x10112x8xf32, #tpu.memory_space<hbm>> -> memref<1x632x8xf32, #tpu.memory_space<hbm>>
      %dma_start3A_16 = tpu.memref_squeeze %dma_start3A_15 : memref<1x632x8xf32, #tpu.memory_space<hbm>> -> memref<632x8xf32, #tpu.memory_space<hbm>>
      %dma_start3A_17 = arith.constant 0 : i32
      %dma_start3A_18 = tpu.memref_slice %arg8[%mul3A_12, %dma_start3A_17] : memref<10112x8xf32, #tpu.memory_space<vmem_shared>> -> memref<632x8xf32, #tpu.memory_space<vmem_shared>>
      tpu.enqueue_dma source(%dma_start3A_18 : memref<632x8xf32, #tpu.memory_space<vmem_shared>>) target(%dma_start3A_16 : memref<632x8xf32, #tpu.memory_space<hbm>>) target_semaphore(%run_scoped3A : memref<!tpu.dma_semaphore, #tpu.memory_space<semaphore_mem>>)
      %dma_wait3A = arith.constant 0 : i32
      %dma_wait3A_19 = tpu.memref_slice %arg5[%arg0, %mul3A_14, %dma_wait3A] : memref<2x10112x8xf32, #tpu.memory_space<hbm>> -> memref<1x632x8xf32, #tpu.memory_space<hbm>>
      %dma_wait3A_20 = tpu.memref_squeeze %dma_wait3A_19 : memref<1x632x8xf32, #tpu.memory_space<hbm>> -> memref<632x8xf32, #tpu.memory_space<hbm>>
      %dma_wait3A_21 = arith.constant 0 : i32
      %dma_wait3A_22 = tpu.memref_slice %arg8[%mul3A_12, %dma_wait3A_21] : memref<10112x8xf32, #tpu.memory_space<vmem_shared>> -> memref<632x8xf32, #tpu.memory_space<vmem_shared>>
      tpu.wait_dma2 semaphore(%run_scoped3A : memref<!tpu.dma_semaphore, #tpu.memory_space<semaphore_mem>>) src(%dma_wait3A_22 : memref<632x8xf32, #tpu.memory_space<vmem_shared>>) dst(%dma_wait3A_20 : memref<632x8xf32, #tpu.memory_space<hbm>>)
      tpu.yield
    }) : () -> ()
    return
  }
}

#map = affine_map<(d0, d1) -> (0, 0)>
#map1 = affine_map<(d0, d1) -> (0, 0, 0)>
module attributes {stable_mosaic.version = 14 : i64} {
  func.func @kern(%arg0: i32, %arg1: i32, %arg2: memref<10000x128xf32, #tpu.memory_space<hbm>>, %arg3: memref<32x320x128xi32, #tpu.memory_space<hbm>>, %arg4: memref<10112x128xf32, #tpu.memory_space<hbm>>, %arg5: memref<2x10112x128xf32, #tpu.memory_space<hbm>>, %arg6: memref<16x128xi32, #tpu.memory_space<vmem>>, %arg7: memref<16x128xi32, #tpu.memory_space<vmem>>, %arg8: memref<128x128xf32, #tpu.memory_space<vmem>>, %arg9: memref<128x128xf32, #tpu.memory_space<vmem>>, %arg10: memref<10112x128xf32, #tpu.memory_space<vmem_shared>>, %arg11: memref<!tpu.dma_semaphore, #tpu.memory_space<semaphore_mem>>, %arg12: memref<!tpu.dma_semaphore, #tpu.memory_space<semaphore_mem>>, %arg13: memref<!tpu.dma_semaphore, #tpu.memory_space<semaphore_mem>>, %arg14: memref<!tpu.dma_semaphore, #tpu.memory_space<semaphore_mem>>) attributes {dimension_semantics = [#tpu.dimension_semantics<core_parallel>, #tpu.dimension_semantics<subcore_parallel>], iteration_bounds = array<i64: 2, 16>, scalar_prefetch = 0 : i64, scratch_operands = 9 : i64, tpu.core_type = #tpu.core_type<sc_vector_subcore>, window_params = [{transform_indices = #map}, {transform_indices = #map1}, {transform_indices = #map}, {transform_indices = #map1}]} {
    %mul3A = arith.constant 2 : i32
    %mul3A_0 = arith.muli %arg1, %mul3A : i32
    %add3A = arith.addi %mul3A_0, %arg0 : i32
    %mul3A_1 = arith.constant 632 : i32
    %mul3A_2 = arith.muli %arg1, %mul3A_1 : i32
    %mul3A_3 = arith.constant 632 : i32
    %mul3A_4 = arith.muli %arg1, %mul3A_3 : i32
    "tpu.region"() ({
      %run_scoped3A = tpu.sem_alloc : memref<!tpu.dma_semaphore, #tpu.memory_space<semaphore_mem>>
      %dma_start3A_21 = arith.constant 0 : i32
      %dma_start3A_22 = tpu.memref_slice %arg10[%mul3A_4, %dma_start3A_21] : memref<10112x128xf32, #tpu.memory_space<vmem_shared>> -> memref<632x128xf32, #tpu.memory_space<vmem_shared>>
      %dma_start3A_23 = arith.constant 0 : i32
      %dma_start3A_24 = tpu.memref_slice %arg4[%mul3A_2, %dma_start3A_23] : memref<10112x128xf32, #tpu.memory_space<hbm>> -> memref<632x128xf32, #tpu.memory_space<hbm>>
      tpu.enqueue_dma source(%dma_start3A_24 : memref<632x128xf32, #tpu.memory_space<hbm>>) target(%dma_start3A_22 : memref<632x128xf32, #tpu.memory_space<vmem_shared>>) target_semaphore(%run_scoped3A : memref<!tpu.dma_semaphore, #tpu.memory_space<semaphore_mem>>)
      %dma_wait3A = arith.constant 0 : i32
      %dma_wait3A_25 = tpu.memref_slice %arg10[%mul3A_4, %dma_wait3A] : memref<10112x128xf32, #tpu.memory_space<vmem_shared>> -> memref<632x128xf32, #tpu.memory_space<vmem_shared>>
      %dma_wait3A_26 = arith.constant 0 : i32
      %dma_wait3A_27 = tpu.memref_slice %arg4[%mul3A_2, %dma_wait3A_26] : memref<10112x128xf32, #tpu.memory_space<hbm>> -> memref<632x128xf32, #tpu.memory_space<hbm>>
      tpu.wait_dma2 semaphore(%run_scoped3A : memref<!tpu.dma_semaphore, #tpu.memory_space<semaphore_mem>>) src(%dma_wait3A_27 : memref<632x128xf32, #tpu.memory_space<hbm>>) dst(%dma_wait3A_25 : memref<632x128xf32, #tpu.memory_space<vmem_shared>>)
      tpu.yield
    }) : () -> ()
    "tpu.region"() ({
      %run_scoped3A = tpu.sem_alloc : memref<!tpu.dma_semaphore, #tpu.memory_space<semaphore_mem>>
      %dma_start3A_21 = arith.constant 0 : i32
      %dma_start3A_22 = arith.constant 0 : i32
      %dma_start3A_23 = tpu.memref_slice %arg3[%add3A, %dma_start3A_21, %dma_start3A_22] : memref<32x320x128xi32, #tpu.memory_space<hbm>> -> memref<1x16x128xi32, #tpu.memory_space<hbm>>
      %dma_start3A_24 = tpu.memref_squeeze %dma_start3A_23 : memref<1x16x128xi32, #tpu.memory_space<hbm>> -> memref<16x128xi32, #tpu.memory_space<hbm>>
      %dma_start3A_25 = arith.constant 0 : i32
      %dma_start3A_26 = arith.constant 0 : i32
      %dma_start3A_27 = tpu.memref_slice %arg3[%add3A, %dma_start3A_25, %dma_start3A_26] : memref<32x320x128xi32, #tpu.memory_space<hbm>> -> memref<1x16x128xi32, #tpu.memory_space<hbm>>
      %dma_start3A_28 = tpu.memref_squeeze %dma_start3A_27 : memref<1x16x128xi32, #tpu.memory_space<hbm>> -> memref<16x128xi32, #tpu.memory_space<hbm>>
      tpu.enqueue_dma source(%dma_start3A_28 : memref<16x128xi32, #tpu.memory_space<hbm>>) target(%arg6 : memref<16x128xi32, #tpu.memory_space<vmem>>) target_semaphore(%run_scoped3A : memref<!tpu.dma_semaphore, #tpu.memory_space<semaphore_mem>>)
      %dma_wait3A = arith.constant 0 : i32
      %dma_wait3A_29 = arith.constant 0 : i32
      %dma_wait3A_30 = tpu.memref_slice %arg3[%add3A, %dma_wait3A, %dma_wait3A_29] : memref<32x320x128xi32, #tpu.memory_space<hbm>> -> memref<1x16x128xi32, #tpu.memory_space<hbm>>
      %dma_wait3A_31 = tpu.memref_squeeze %dma_wait3A_30 : memref<1x16x128xi32, #tpu.memory_space<hbm>> -> memref<16x128xi32, #tpu.memory_space<hbm>>
      %dma_wait3A_32 = arith.constant 0 : i32
      %dma_wait3A_33 = arith.constant 0 : i32
      %dma_wait3A_34 = tpu.memref_slice %arg3[%add3A, %dma_wait3A_32, %dma_wait3A_33] : memref<32x320x128xi32, #tpu.memory_space<hbm>> -> memref<1x16x128xi32, #tpu.memory_space<hbm>>
      %dma_wait3A_35 = tpu.memref_squeeze %dma_wait3A_34 : memref<1x16x128xi32, #tpu.memory_space<hbm>> -> memref<16x128xi32, #tpu.memory_space<hbm>>
      tpu.wait_dma2 semaphore(%run_scoped3A : memref<!tpu.dma_semaphore, #tpu.memory_space<semaphore_mem>>) src(%dma_wait3A_35 : memref<16x128xi32, #tpu.memory_space<hbm>>) dst(%arg6 : memref<16x128xi32, #tpu.memory_space<vmem>>)
      tpu.yield
    }) : () -> ()
    %barrier3A = arith.constant 0 : index
    tpu.barrier barrier_id(%barrier3A)
    %dma_start3A = arith.constant 0 : i32
    %dma_start3A_5 = arith.constant 0 : i32
    %dma_start3A_6 = tpu.memref_slice %arg6[%dma_start3A, %dma_start3A_5] : memref<16x128xi32, #tpu.memory_space<vmem>> -> memref<1x128xi32, #tpu.memory_space<vmem>>
    %dma_start3A_7 = tpu.memref_squeeze %dma_start3A_6 : memref<1x128xi32, #tpu.memory_space<vmem>> -> memref<128xi32, #tpu.memory_space<vmem>>
    %dma_start3A_8 = arith.constant 0 : i32
    %dma_start3A_9 = arith.constant 0 : i32
    %dma_start3A_10 = tpu.memref_slice %arg2[%dma_start3A_8, %dma_start3A_9] : memref<10000x128xf32, #tpu.memory_space<hbm>> -> memref<10000x128xf32, #tpu.memory_space<hbm>>
    tpu.enqueue_indirect_dma source(%dma_start3A_10 : memref<10000x128xf32, #tpu.memory_space<hbm>>) target(%arg8 : memref<128x128xf32, #tpu.memory_space<vmem>>) offsets(%dma_start3A_7 : memref<128xi32, #tpu.memory_space<vmem>>) semaphore(%arg11 : memref<!tpu.dma_semaphore, #tpu.memory_space<semaphore_mem>>)
    %scan3A = arith.constant 0 : i32
    %scan3A_11 = arith.constant 0 : i32
    %scan3A_12 = arith.constant 10 : i32
    %scan3A_13 = arith.addi %scan3A_11, %scan3A_12 : i32
    %scan3A_14 = arith.constant 1 : i32
    scf.for %scan3A_21 = %scan3A_11 to %scan3A_13 step %scan3A_14  : i32 {
      %mul3A_22 = arith.constant 2 : i32
      %mul3A_23 = arith.muli %mul3A_22, %scan3A_21 : i32
      %add3A_24 = arith.constant 1 : i32
      %add3A_25 = arith.addi %mul3A_23, %add3A_24 : i32
      %mul3A_26 = arith.constant 2 : i32
      %mul3A_27 = arith.muli %add3A_25, %mul3A_26 : i32
      %mul3A_28 = arith.constant 8 : i32
      %mul3A_29 = arith.muli %mul3A_27, %mul3A_28 : i32
      %dma_start3A_30 = arith.constant 0 : i32
      %dma_start3A_31 = tpu.memref_slice %arg3[%add3A, %mul3A_29, %dma_start3A_30] : memref<32x320x128xi32, #tpu.memory_space<hbm>> -> memref<1x16x128xi32, #tpu.memory_space<hbm>>
      %dma_start3A_32 = tpu.memref_squeeze %dma_start3A_31 : memref<1x16x128xi32, #tpu.memory_space<hbm>> -> memref<16x128xi32, #tpu.memory_space<hbm>>
      %dma_start3A_33 = arith.constant 0 : i32
      %dma_start3A_34 = tpu.memref_slice %arg3[%add3A, %mul3A_29, %dma_start3A_33] : memref<32x320x128xi32, #tpu.memory_space<hbm>> -> memref<1x16x128xi32, #tpu.memory_space<hbm>>
      %dma_start3A_35 = tpu.memref_squeeze %dma_start3A_34 : memref<1x16x128xi32, #tpu.memory_space<hbm>> -> memref<16x128xi32, #tpu.memory_space<hbm>>
      tpu.enqueue_dma source(%dma_start3A_35 : memref<16x128xi32, #tpu.memory_space<hbm>>) target(%arg7 : memref<16x128xi32, #tpu.memory_space<vmem>>) target_semaphore(%arg14 : memref<!tpu.dma_semaphore, #tpu.memory_space<semaphore_mem>>)
      %add3A_36 = arith.constant 1 : i32
      %add3A_37 = arith.addi %mul3A_23, %add3A_36 : i32
      %add3A_38 = arith.constant 1 : i32
      %add3A_39 = arith.addi %mul3A_23, %add3A_38 : i32
      %lt3A = arith.constant 20 : i32
      %lt3A_40 = arith.cmpi slt, %add3A_39, %lt3A : i32
      %dma_wait3A = arith.constant 0 : i32
      %dma_wait3A_41 = arith.constant 0 : i32
      %dma_wait3A_42 = tpu.memref_slice %arg6[%dma_wait3A, %dma_wait3A_41] : memref<16x128xi32, #tpu.memory_space<vmem>> -> memref<1x128xi32, #tpu.memory_space<vmem>>
      %dma_wait3A_43 = tpu.memref_squeeze %dma_wait3A_42 : memref<1x128xi32, #tpu.memory_space<vmem>> -> memref<128xi32, #tpu.memory_space<vmem>>
      %dma_wait3A_44 = arith.constant 0 : i32
      %dma_wait3A_45 = arith.constant 0 : i32
      %dma_wait3A_46 = tpu.memref_slice %arg2[%dma_wait3A_44, %dma_wait3A_45] : memref<10000x128xf32, #tpu.memory_space<hbm>> -> memref<10000x128xf32, #tpu.memory_space<hbm>>
      tpu.wait_indirect_dma semaphore(%arg11 : memref<!tpu.dma_semaphore, #tpu.memory_space<semaphore_mem>>) src(%dma_wait3A_46 : memref<10000x128xf32, #tpu.memory_space<hbm>>) dst(%arg8 : memref<128x128xf32, #tpu.memory_space<vmem>>)
      %dma_start3A_47 = arith.constant 2 : i32
      %dma_start3A_48 = arith.constant 0 : i32
      %dma_start3A_49 = tpu.memref_slice %arg6[%dma_start3A_47, %dma_start3A_48] : memref<16x128xi32, #tpu.memory_space<vmem>> -> memref<1x128xi32, #tpu.memory_space<vmem>>
      %dma_start3A_50 = tpu.memref_squeeze %dma_start3A_49 : memref<1x128xi32, #tpu.memory_space<vmem>> -> memref<128xi32, #tpu.memory_space<vmem>>
      %dma_start3A_51 = arith.constant 0 : i32
      %dma_start3A_52 = arith.constant 0 : i32
      %dma_start3A_53 = tpu.memref_slice %arg2[%dma_start3A_51, %dma_start3A_52] : memref<10000x128xf32, #tpu.memory_space<hbm>> -> memref<10000x128xf32, #tpu.memory_space<hbm>>
      tpu.enqueue_indirect_dma source(%dma_start3A_53 : memref<10000x128xf32, #tpu.memory_space<hbm>>) target(%arg9 : memref<128x128xf32, #tpu.memory_space<vmem>>) offsets(%dma_start3A_50 : memref<128xi32, #tpu.memory_space<vmem>>) semaphore(%arg12 : memref<!tpu.dma_semaphore, #tpu.memory_space<semaphore_mem>>)
      %run_scoped3A = arith.constant 1 : i32
      "tpu.region"() ({
        %run_scoped3A_278 = tpu.sem_alloc : memref<!tpu.dma_semaphore, #tpu.memory_space<semaphore_mem>>
        %dma_start3A_279 = arith.constant 0 : i32
        %dma_start3A_280 = tpu.memref_slice %arg6[%run_scoped3A, %dma_start3A_279] : memref<16x128xi32, #tpu.memory_space<vmem>> -> memref<1x128xi32, #tpu.memory_space<vmem>>
        %dma_start3A_281 = tpu.memref_squeeze %dma_start3A_280 : memref<1x128xi32, #tpu.memory_space<vmem>> -> memref<128xi32, #tpu.memory_space<vmem>>
        %dma_start3A_282 = arith.constant 0 : i32
        %dma_start3A_283 = arith.constant 0 : i32
        %dma_start3A_284 = tpu.memref_slice %arg10[%dma_start3A_282, %dma_start3A_283] : memref<10112x128xf32, #tpu.memory_space<vmem_shared>> -> memref<10112x128xf32, #tpu.memory_space<vmem_shared>>
        tpu.enqueue_indirect_dma source(%arg8 : memref<128x128xf32, #tpu.memory_space<vmem>>) target(%dma_start3A_284 : memref<10112x128xf32, #tpu.memory_space<vmem_shared>>) offsets(%dma_start3A_281 : memref<128xi32, #tpu.memory_space<vmem>>) semaphore(%run_scoped3A_278 : memref<!tpu.dma_semaphore, #tpu.memory_space<semaphore_mem>>) {add = true}
        %dma_wait3A_285 = arith.constant 0 : i32
        %dma_wait3A_286 = tpu.memref_slice %arg6[%run_scoped3A, %dma_wait3A_285] : memref<16x128xi32, #tpu.memory_space<vmem>> -> memref<1x128xi32, #tpu.memory_space<vmem>>
        %dma_wait3A_287 = tpu.memref_squeeze %dma_wait3A_286 : memref<1x128xi32, #tpu.memory_space<vmem>> -> memref<128xi32, #tpu.memory_space<vmem>>
        %dma_wait3A_288 = arith.constant 0 : i32
        %dma_wait3A_289 = arith.constant 0 : i32
        %dma_wait3A_290 = tpu.memref_slice %arg10[%dma_wait3A_288, %dma_wait3A_289] : memref<10112x128xf32, #tpu.memory_space<vmem_shared>> -> memref<10112x128xf32, #tpu.memory_space<vmem_shared>>
        tpu.wait_indirect_dma semaphore(%run_scoped3A_278 : memref<!tpu.dma_semaphore, #tpu.memory_space<semaphore_mem>>) src(%arg8 : memref<128x128xf32, #tpu.memory_space<vmem>>) dst(%dma_wait3A_290 : memref<10112x128xf32, #tpu.memory_space<vmem_shared>>)
        tpu.yield
      }) : () -> ()
      %dma_wait3A_54 = arith.constant 2 : i32
      %dma_wait3A_55 = arith.constant 0 : i32
      %dma_wait3A_56 = tpu.memref_slice %arg6[%dma_wait3A_54, %dma_wait3A_55] : memref<16x128xi32, #tpu.memory_space<vmem>> -> memref<1x128xi32, #tpu.memory_space<vmem>>
      %dma_wait3A_57 = tpu.memref_squeeze %dma_wait3A_56 : memref<1x128xi32, #tpu.memory_space<vmem>> -> memref<128xi32, #tpu.memory_space<vmem>>
      %dma_wait3A_58 = arith.constant 0 : i32
      %dma_wait3A_59 = arith.constant 0 : i32
      %dma_wait3A_60 = tpu.memref_slice %arg2[%dma_wait3A_58, %dma_wait3A_59] : memref<10000x128xf32, #tpu.memory_space<hbm>> -> memref<10000x128xf32, #tpu.memory_space<hbm>>
      tpu.wait_indirect_dma semaphore(%arg12 : memref<!tpu.dma_semaphore, #tpu.memory_space<semaphore_mem>>) src(%dma_wait3A_60 : memref<10000x128xf32, #tpu.memory_space<hbm>>) dst(%arg9 : memref<128x128xf32, #tpu.memory_space<vmem>>)
      %dma_start3A_61 = arith.constant 4 : i32
      %dma_start3A_62 = arith.constant 0 : i32
      %dma_start3A_63 = tpu.memref_slice %arg6[%dma_start3A_61, %dma_start3A_62] : memref<16x128xi32, #tpu.memory_space<vmem>> -> memref<1x128xi32, #tpu.memory_space<vmem>>
      %dma_start3A_64 = tpu.memref_squeeze %dma_start3A_63 : memref<1x128xi32, #tpu.memory_space<vmem>> -> memref<128xi32, #tpu.memory_space<vmem>>
      %dma_start3A_65 = arith.constant 0 : i32
      %dma_start3A_66 = arith.constant 0 : i32
      %dma_start3A_67 = tpu.memref_slice %arg2[%dma_start3A_65, %dma_start3A_66] : memref<10000x128xf32, #tpu.memory_space<hbm>> -> memref<10000x128xf32, #tpu.memory_space<hbm>>
      tpu.enqueue_indirect_dma source(%dma_start3A_67 : memref<10000x128xf32, #tpu.memory_space<hbm>>) target(%arg8 : memref<128x128xf32, #tpu.memory_space<vmem>>) offsets(%dma_start3A_64 : memref<128xi32, #tpu.memory_space<vmem>>) semaphore(%arg11 : memref<!tpu.dma_semaphore, #tpu.memory_space<semaphore_mem>>)
      %run_scoped3A_68 = arith.constant 3 : i32
      "tpu.region"() ({
        %run_scoped3A_278 = tpu.sem_alloc : memref<!tpu.dma_semaphore, #tpu.memory_space<semaphore_mem>>
        %dma_start3A_279 = arith.constant 0 : i32
        %dma_start3A_280 = tpu.memref_slice %arg6[%run_scoped3A_68, %dma_start3A_279] : memref<16x128xi32, #tpu.memory_space<vmem>> -> memref<1x128xi32, #tpu.memory_space<vmem>>
        %dma_start3A_281 = tpu.memref_squeeze %dma_start3A_280 : memref<1x128xi32, #tpu.memory_space<vmem>> -> memref<128xi32, #tpu.memory_space<vmem>>
        %dma_start3A_282 = arith.constant 0 : i32
        %dma_start3A_283 = arith.constant 0 : i32
        %dma_start3A_284 = tpu.memref_slice %arg10[%dma_start3A_282, %dma_start3A_283] : memref<10112x128xf32, #tpu.memory_space<vmem_shared>> -> memref<10112x128xf32, #tpu.memory_space<vmem_shared>>
        tpu.enqueue_indirect_dma source(%arg9 : memref<128x128xf32, #tpu.memory_space<vmem>>) target(%dma_start3A_284 : memref<10112x128xf32, #tpu.memory_space<vmem_shared>>) offsets(%dma_start3A_281 : memref<128xi32, #tpu.memory_space<vmem>>) semaphore(%run_scoped3A_278 : memref<!tpu.dma_semaphore, #tpu.memory_space<semaphore_mem>>) {add = true}
        %dma_wait3A_285 = arith.constant 0 : i32
        %dma_wait3A_286 = tpu.memref_slice %arg6[%run_scoped3A_68, %dma_wait3A_285] : memref<16x128xi32, #tpu.memory_space<vmem>> -> memref<1x128xi32, #tpu.memory_space<vmem>>
        %dma_wait3A_287 = tpu.memref_squeeze %dma_wait3A_286 : memref<1x128xi32, #tpu.memory_space<vmem>> -> memref<128xi32, #tpu.memory_space<vmem>>
        %dma_wait3A_288 = arith.constant 0 : i32
        %dma_wait3A_289 = arith.constant 0 : i32
        %dma_wait3A_290 = tpu.memref_slice %arg10[%dma_wait3A_288, %dma_wait3A_289] : memref<10112x128xf32, #tpu.memory_space<vmem_shared>> -> memref<10112x128xf32, #tpu.memory_space<vmem_shared>>
        tpu.wait_indirect_dma semaphore(%run_scoped3A_278 : memref<!tpu.dma_semaphore, #tpu.memory_space<semaphore_mem>>) src(%arg9 : memref<128x128xf32, #tpu.memory_space<vmem>>) dst(%dma_wait3A_290 : memref<10112x128xf32, #tpu.memory_space<vmem_shared>>)
        tpu.yield
      }) : () -> ()
      %dma_wait3A_69 = arith.constant 4 : i32
      %dma_wait3A_70 = arith.constant 0 : i32
      %dma_wait3A_71 = tpu.memref_slice %arg6[%dma_wait3A_69, %dma_wait3A_70] : memref<16x128xi32, #tpu.memory_space<vmem>> -> memref<1x128xi32, #tpu.memory_space<vmem>>
      %dma_wait3A_72 = tpu.memref_squeeze %dma_wait3A_71 : memref<1x128xi32, #tpu.memory_space<vmem>> -> memref<128xi32, #tpu.memory_space<vmem>>
      %dma_wait3A_73 = arith.constant 0 : i32
      %dma_wait3A_74 = arith.constant 0 : i32
      %dma_wait3A_75 = tpu.memref_slice %arg2[%dma_wait3A_73, %dma_wait3A_74] : memref<10000x128xf32, #tpu.memory_space<hbm>> -> memref<10000x128xf32, #tpu.memory_space<hbm>>
      tpu.wait_indirect_dma semaphore(%arg11 : memref<!tpu.dma_semaphore, #tpu.memory_space<semaphore_mem>>) src(%dma_wait3A_75 : memref<10000x128xf32, #tpu.memory_space<hbm>>) dst(%arg8 : memref<128x128xf32, #tpu.memory_space<vmem>>)
      %dma_start3A_76 = arith.constant 6 : i32
      %dma_start3A_77 = arith.constant 0 : i32
      %dma_start3A_78 = tpu.memref_slice %arg6[%dma_start3A_76, %dma_start3A_77] : memref<16x128xi32, #tpu.memory_space<vmem>> -> memref<1x128xi32, #tpu.memory_space<vmem>>
      %dma_start3A_79 = tpu.memref_squeeze %dma_start3A_78 : memref<1x128xi32, #tpu.memory_space<vmem>> -> memref<128xi32, #tpu.memory_space<vmem>>
      %dma_start3A_80 = arith.constant 0 : i32
      %dma_start3A_81 = arith.constant 0 : i32
      %dma_start3A_82 = tpu.memref_slice %arg2[%dma_start3A_80, %dma_start3A_81] : memref<10000x128xf32, #tpu.memory_space<hbm>> -> memref<10000x128xf32, #tpu.memory_space<hbm>>
      tpu.enqueue_indirect_dma source(%dma_start3A_82 : memref<10000x128xf32, #tpu.memory_space<hbm>>) target(%arg9 : memref<128x128xf32, #tpu.memory_space<vmem>>) offsets(%dma_start3A_79 : memref<128xi32, #tpu.memory_space<vmem>>) semaphore(%arg12 : memref<!tpu.dma_semaphore, #tpu.memory_space<semaphore_mem>>)
      %run_scoped3A_83 = arith.constant 5 : i32
      "tpu.region"() ({
        %run_scoped3A_278 = tpu.sem_alloc : memref<!tpu.dma_semaphore, #tpu.memory_space<semaphore_mem>>
        %dma_start3A_279 = arith.constant 0 : i32
        %dma_start3A_280 = tpu.memref_slice %arg6[%run_scoped3A_83, %dma_start3A_279] : memref<16x128xi32, #tpu.memory_space<vmem>> -> memref<1x128xi32, #tpu.memory_space<vmem>>
        %dma_start3A_281 = tpu.memref_squeeze %dma_start3A_280 : memref<1x128xi32, #tpu.memory_space<vmem>> -> memref<128xi32, #tpu.memory_space<vmem>>
        %dma_start3A_282 = arith.constant 0 : i32
        %dma_start3A_283 = arith.constant 0 : i32
        %dma_start3A_284 = tpu.memref_slice %arg10[%dma_start3A_282, %dma_start3A_283] : memref<10112x128xf32, #tpu.memory_space<vmem_shared>> -> memref<10112x128xf32, #tpu.memory_space<vmem_shared>>
        tpu.enqueue_indirect_dma source(%arg8 : memref<128x128xf32, #tpu.memory_space<vmem>>) target(%dma_start3A_284 : memref<10112x128xf32, #tpu.memory_space<vmem_shared>>) offsets(%dma_start3A_281 : memref<128xi32, #tpu.memory_space<vmem>>) semaphore(%run_scoped3A_278 : memref<!tpu.dma_semaphore, #tpu.memory_space<semaphore_mem>>) {add = true}
        %dma_wait3A_285 = arith.constant 0 : i32
        %dma_wait3A_286 = tpu.memref_slice %arg6[%run_scoped3A_83, %dma_wait3A_285] : memref<16x128xi32, #tpu.memory_space<vmem>> -> memref<1x128xi32, #tpu.memory_space<vmem>>
        %dma_wait3A_287 = tpu.memref_squeeze %dma_wait3A_286 : memref<1x128xi32, #tpu.memory_space<vmem>> -> memref<128xi32, #tpu.memory_space<vmem>>
        %dma_wait3A_288 = arith.constant 0 : i32
        %dma_wait3A_289 = arith.constant 0 : i32
        %dma_wait3A_290 = tpu.memref_slice %arg10[%dma_wait3A_288, %dma_wait3A_289] : memref<10112x128xf32, #tpu.memory_space<vmem_shared>> -> memref<10112x128xf32, #tpu.memory_space<vmem_shared>>
        tpu.wait_indirect_dma semaphore(%run_scoped3A_278 : memref<!tpu.dma_semaphore, #tpu.memory_space<semaphore_mem>>) src(%arg8 : memref<128x128xf32, #tpu.memory_space<vmem>>) dst(%dma_wait3A_290 : memref<10112x128xf32, #tpu.memory_space<vmem_shared>>)
        tpu.yield
      }) : () -> ()
      %dma_wait3A_84 = arith.constant 6 : i32
      %dma_wait3A_85 = arith.constant 0 : i32
      %dma_wait3A_86 = tpu.memref_slice %arg6[%dma_wait3A_84, %dma_wait3A_85] : memref<16x128xi32, #tpu.memory_space<vmem>> -> memref<1x128xi32, #tpu.memory_space<vmem>>
      %dma_wait3A_87 = tpu.memref_squeeze %dma_wait3A_86 : memref<1x128xi32, #tpu.memory_space<vmem>> -> memref<128xi32, #tpu.memory_space<vmem>>
      %dma_wait3A_88 = arith.constant 0 : i32
      %dma_wait3A_89 = arith.constant 0 : i32
      %dma_wait3A_90 = tpu.memref_slice %arg2[%dma_wait3A_88, %dma_wait3A_89] : memref<10000x128xf32, #tpu.memory_space<hbm>> -> memref<10000x128xf32, #tpu.memory_space<hbm>>
      tpu.wait_indirect_dma semaphore(%arg12 : memref<!tpu.dma_semaphore, #tpu.memory_space<semaphore_mem>>) src(%dma_wait3A_90 : memref<10000x128xf32, #tpu.memory_space<hbm>>) dst(%arg9 : memref<128x128xf32, #tpu.memory_space<vmem>>)
      %dma_start3A_91 = arith.constant 8 : i32
      %dma_start3A_92 = arith.constant 0 : i32
      %dma_start3A_93 = tpu.memref_slice %arg6[%dma_start3A_91, %dma_start3A_92] : memref<16x128xi32, #tpu.memory_space<vmem>> -> memref<1x128xi32, #tpu.memory_space<vmem>>
      %dma_start3A_94 = tpu.memref_squeeze %dma_start3A_93 : memref<1x128xi32, #tpu.memory_space<vmem>> -> memref<128xi32, #tpu.memory_space<vmem>>
      %dma_start3A_95 = arith.constant 0 : i32
      %dma_start3A_96 = arith.constant 0 : i32
      %dma_start3A_97 = tpu.memref_slice %arg2[%dma_start3A_95, %dma_start3A_96] : memref<10000x128xf32, #tpu.memory_space<hbm>> -> memref<10000x128xf32, #tpu.memory_space<hbm>>
      tpu.enqueue_indirect_dma source(%dma_start3A_97 : memref<10000x128xf32, #tpu.memory_space<hbm>>) target(%arg8 : memref<128x128xf32, #tpu.memory_space<vmem>>) offsets(%dma_start3A_94 : memref<128xi32, #tpu.memory_space<vmem>>) semaphore(%arg11 : memref<!tpu.dma_semaphore, #tpu.memory_space<semaphore_mem>>)
      %run_scoped3A_98 = arith.constant 7 : i32
      "tpu.region"() ({
        %run_scoped3A_278 = tpu.sem_alloc : memref<!tpu.dma_semaphore, #tpu.memory_space<semaphore_mem>>
        %dma_start3A_279 = arith.constant 0 : i32
        %dma_start3A_280 = tpu.memref_slice %arg6[%run_scoped3A_98, %dma_start3A_279] : memref<16x128xi32, #tpu.memory_space<vmem>> -> memref<1x128xi32, #tpu.memory_space<vmem>>
        %dma_start3A_281 = tpu.memref_squeeze %dma_start3A_280 : memref<1x128xi32, #tpu.memory_space<vmem>> -> memref<128xi32, #tpu.memory_space<vmem>>
        %dma_start3A_282 = arith.constant 0 : i32
        %dma_start3A_283 = arith.constant 0 : i32
        %dma_start3A_284 = tpu.memref_slice %arg10[%dma_start3A_282, %dma_start3A_283] : memref<10112x128xf32, #tpu.memory_space<vmem_shared>> -> memref<10112x128xf32, #tpu.memory_space<vmem_shared>>
        tpu.enqueue_indirect_dma source(%arg9 : memref<128x128xf32, #tpu.memory_space<vmem>>) target(%dma_start3A_284 : memref<10112x128xf32, #tpu.memory_space<vmem_shared>>) offsets(%dma_start3A_281 : memref<128xi32, #tpu.memory_space<vmem>>) semaphore(%run_scoped3A_278 : memref<!tpu.dma_semaphore, #tpu.memory_space<semaphore_mem>>) {add = true}
        %dma_wait3A_285 = arith.constant 0 : i32
        %dma_wait3A_286 = tpu.memref_slice %arg6[%run_scoped3A_98, %dma_wait3A_285] : memref<16x128xi32, #tpu.memory_space<vmem>> -> memref<1x128xi32, #tpu.memory_space<vmem>>
        %dma_wait3A_287 = tpu.memref_squeeze %dma_wait3A_286 : memref<1x128xi32, #tpu.memory_space<vmem>> -> memref<128xi32, #tpu.memory_space<vmem>>
        %dma_wait3A_288 = arith.constant 0 : i32
        %dma_wait3A_289 = arith.constant 0 : i32
        %dma_wait3A_290 = tpu.memref_slice %arg10[%dma_wait3A_288, %dma_wait3A_289] : memref<10112x128xf32, #tpu.memory_space<vmem_shared>> -> memref<10112x128xf32, #tpu.memory_space<vmem_shared>>
        tpu.wait_indirect_dma semaphore(%run_scoped3A_278 : memref<!tpu.dma_semaphore, #tpu.memory_space<semaphore_mem>>) src(%arg9 : memref<128x128xf32, #tpu.memory_space<vmem>>) dst(%dma_wait3A_290 : memref<10112x128xf32, #tpu.memory_space<vmem_shared>>)
        tpu.yield
      }) : () -> ()
      %dma_wait3A_99 = arith.constant 8 : i32
      %dma_wait3A_100 = arith.constant 0 : i32
      %dma_wait3A_101 = tpu.memref_slice %arg6[%dma_wait3A_99, %dma_wait3A_100] : memref<16x128xi32, #tpu.memory_space<vmem>> -> memref<1x128xi32, #tpu.memory_space<vmem>>
      %dma_wait3A_102 = tpu.memref_squeeze %dma_wait3A_101 : memref<1x128xi32, #tpu.memory_space<vmem>> -> memref<128xi32, #tpu.memory_space<vmem>>
      %dma_wait3A_103 = arith.constant 0 : i32
      %dma_wait3A_104 = arith.constant 0 : i32
      %dma_wait3A_105 = tpu.memref_slice %arg2[%dma_wait3A_103, %dma_wait3A_104] : memref<10000x128xf32, #tpu.memory_space<hbm>> -> memref<10000x128xf32, #tpu.memory_space<hbm>>
      tpu.wait_indirect_dma semaphore(%arg11 : memref<!tpu.dma_semaphore, #tpu.memory_space<semaphore_mem>>) src(%dma_wait3A_105 : memref<10000x128xf32, #tpu.memory_space<hbm>>) dst(%arg8 : memref<128x128xf32, #tpu.memory_space<vmem>>)
      %dma_start3A_106 = arith.constant 10 : i32
      %dma_start3A_107 = arith.constant 0 : i32
      %dma_start3A_108 = tpu.memref_slice %arg6[%dma_start3A_106, %dma_start3A_107] : memref<16x128xi32, #tpu.memory_space<vmem>> -> memref<1x128xi32, #tpu.memory_space<vmem>>
      %dma_start3A_109 = tpu.memref_squeeze %dma_start3A_108 : memref<1x128xi32, #tpu.memory_space<vmem>> -> memref<128xi32, #tpu.memory_space<vmem>>
      %dma_start3A_110 = arith.constant 0 : i32
      %dma_start3A_111 = arith.constant 0 : i32
      %dma_start3A_112 = tpu.memref_slice %arg2[%dma_start3A_110, %dma_start3A_111] : memref<10000x128xf32, #tpu.memory_space<hbm>> -> memref<10000x128xf32, #tpu.memory_space<hbm>>
      tpu.enqueue_indirect_dma source(%dma_start3A_112 : memref<10000x128xf32, #tpu.memory_space<hbm>>) target(%arg9 : memref<128x128xf32, #tpu.memory_space<vmem>>) offsets(%dma_start3A_109 : memref<128xi32, #tpu.memory_space<vmem>>) semaphore(%arg12 : memref<!tpu.dma_semaphore, #tpu.memory_space<semaphore_mem>>)
      %run_scoped3A_113 = arith.constant 9 : i32
      "tpu.region"() ({
        %run_scoped3A_278 = tpu.sem_alloc : memref<!tpu.dma_semaphore, #tpu.memory_space<semaphore_mem>>
        %dma_start3A_279 = arith.constant 0 : i32
        %dma_start3A_280 = tpu.memref_slice %arg6[%run_scoped3A_113, %dma_start3A_279] : memref<16x128xi32, #tpu.memory_space<vmem>> -> memref<1x128xi32, #tpu.memory_space<vmem>>
        %dma_start3A_281 = tpu.memref_squeeze %dma_start3A_280 : memref<1x128xi32, #tpu.memory_space<vmem>> -> memref<128xi32, #tpu.memory_space<vmem>>
        %dma_start3A_282 = arith.constant 0 : i32
        %dma_start3A_283 = arith.constant 0 : i32
        %dma_start3A_284 = tpu.memref_slice %arg10[%dma_start3A_282, %dma_start3A_283] : memref<10112x128xf32, #tpu.memory_space<vmem_shared>> -> memref<10112x128xf32, #tpu.memory_space<vmem_shared>>
        tpu.enqueue_indirect_dma source(%arg8 : memref<128x128xf32, #tpu.memory_space<vmem>>) target(%dma_start3A_284 : memref<10112x128xf32, #tpu.memory_space<vmem_shared>>) offsets(%dma_start3A_281 : memref<128xi32, #tpu.memory_space<vmem>>) semaphore(%run_scoped3A_278 : memref<!tpu.dma_semaphore, #tpu.memory_space<semaphore_mem>>) {add = true}
        %dma_wait3A_285 = arith.constant 0 : i32
        %dma_wait3A_286 = tpu.memref_slice %arg6[%run_scoped3A_113, %dma_wait3A_285] : memref<16x128xi32, #tpu.memory_space<vmem>> -> memref<1x128xi32, #tpu.memory_space<vmem>>
        %dma_wait3A_287 = tpu.memref_squeeze %dma_wait3A_286 : memref<1x128xi32, #tpu.memory_space<vmem>> -> memref<128xi32, #tpu.memory_space<vmem>>
        %dma_wait3A_288 = arith.constant 0 : i32
        %dma_wait3A_289 = arith.constant 0 : i32
        %dma_wait3A_290 = tpu.memref_slice %arg10[%dma_wait3A_288, %dma_wait3A_289] : memref<10112x128xf32, #tpu.memory_space<vmem_shared>> -> memref<10112x128xf32, #tpu.memory_space<vmem_shared>>
        tpu.wait_indirect_dma semaphore(%run_scoped3A_278 : memref<!tpu.dma_semaphore, #tpu.memory_space<semaphore_mem>>) src(%arg8 : memref<128x128xf32, #tpu.memory_space<vmem>>) dst(%dma_wait3A_290 : memref<10112x128xf32, #tpu.memory_space<vmem_shared>>)
        tpu.yield
      }) : () -> ()
      %dma_wait3A_114 = arith.constant 10 : i32
      %dma_wait3A_115 = arith.constant 0 : i32
      %dma_wait3A_116 = tpu.memref_slice %arg6[%dma_wait3A_114, %dma_wait3A_115] : memref<16x128xi32, #tpu.memory_space<vmem>> -> memref<1x128xi32, #tpu.memory_space<vmem>>
      %dma_wait3A_117 = tpu.memref_squeeze %dma_wait3A_116 : memref<1x128xi32, #tpu.memory_space<vmem>> -> memref<128xi32, #tpu.memory_space<vmem>>
      %dma_wait3A_118 = arith.constant 0 : i32
      %dma_wait3A_119 = arith.constant 0 : i32
      %dma_wait3A_120 = tpu.memref_slice %arg2[%dma_wait3A_118, %dma_wait3A_119] : memref<10000x128xf32, #tpu.memory_space<hbm>> -> memref<10000x128xf32, #tpu.memory_space<hbm>>
      tpu.wait_indirect_dma semaphore(%arg12 : memref<!tpu.dma_semaphore, #tpu.memory_space<semaphore_mem>>) src(%dma_wait3A_120 : memref<10000x128xf32, #tpu.memory_space<hbm>>) dst(%arg9 : memref<128x128xf32, #tpu.memory_space<vmem>>)
      %dma_start3A_121 = arith.constant 12 : i32
      %dma_start3A_122 = arith.constant 0 : i32
      %dma_start3A_123 = tpu.memref_slice %arg6[%dma_start3A_121, %dma_start3A_122] : memref<16x128xi32, #tpu.memory_space<vmem>> -> memref<1x128xi32, #tpu.memory_space<vmem>>
      %dma_start3A_124 = tpu.memref_squeeze %dma_start3A_123 : memref<1x128xi32, #tpu.memory_space<vmem>> -> memref<128xi32, #tpu.memory_space<vmem>>
      %dma_start3A_125 = arith.constant 0 : i32
      %dma_start3A_126 = arith.constant 0 : i32
      %dma_start3A_127 = tpu.memref_slice %arg2[%dma_start3A_125, %dma_start3A_126] : memref<10000x128xf32, #tpu.memory_space<hbm>> -> memref<10000x128xf32, #tpu.memory_space<hbm>>
      tpu.enqueue_indirect_dma source(%dma_start3A_127 : memref<10000x128xf32, #tpu.memory_space<hbm>>) target(%arg8 : memref<128x128xf32, #tpu.memory_space<vmem>>) offsets(%dma_start3A_124 : memref<128xi32, #tpu.memory_space<vmem>>) semaphore(%arg11 : memref<!tpu.dma_semaphore, #tpu.memory_space<semaphore_mem>>)
      %run_scoped3A_128 = arith.constant 11 : i32
      "tpu.region"() ({
        %run_scoped3A_278 = tpu.sem_alloc : memref<!tpu.dma_semaphore, #tpu.memory_space<semaphore_mem>>
        %dma_start3A_279 = arith.constant 0 : i32
        %dma_start3A_280 = tpu.memref_slice %arg6[%run_scoped3A_128, %dma_start3A_279] : memref<16x128xi32, #tpu.memory_space<vmem>> -> memref<1x128xi32, #tpu.memory_space<vmem>>
        %dma_start3A_281 = tpu.memref_squeeze %dma_start3A_280 : memref<1x128xi32, #tpu.memory_space<vmem>> -> memref<128xi32, #tpu.memory_space<vmem>>
        %dma_start3A_282 = arith.constant 0 : i32
        %dma_start3A_283 = arith.constant 0 : i32
        %dma_start3A_284 = tpu.memref_slice %arg10[%dma_start3A_282, %dma_start3A_283] : memref<10112x128xf32, #tpu.memory_space<vmem_shared>> -> memref<10112x128xf32, #tpu.memory_space<vmem_shared>>
        tpu.enqueue_indirect_dma source(%arg9 : memref<128x128xf32, #tpu.memory_space<vmem>>) target(%dma_start3A_284 : memref<10112x128xf32, #tpu.memory_space<vmem_shared>>) offsets(%dma_start3A_281 : memref<128xi32, #tpu.memory_space<vmem>>) semaphore(%run_scoped3A_278 : memref<!tpu.dma_semaphore, #tpu.memory_space<semaphore_mem>>) {add = true}
        %dma_wait3A_285 = arith.constant 0 : i32
        %dma_wait3A_286 = tpu.memref_slice %arg6[%run_scoped3A_128, %dma_wait3A_285] : memref<16x128xi32, #tpu.memory_space<vmem>> -> memref<1x128xi32, #tpu.memory_space<vmem>>
        %dma_wait3A_287 = tpu.memref_squeeze %dma_wait3A_286 : memref<1x128xi32, #tpu.memory_space<vmem>> -> memref<128xi32, #tpu.memory_space<vmem>>
        %dma_wait3A_288 = arith.constant 0 : i32
        %dma_wait3A_289 = arith.constant 0 : i32
        %dma_wait3A_290 = tpu.memref_slice %arg10[%dma_wait3A_288, %dma_wait3A_289] : memref<10112x128xf32, #tpu.memory_space<vmem_shared>> -> memref<10112x128xf32, #tpu.memory_space<vmem_shared>>
        tpu.wait_indirect_dma semaphore(%run_scoped3A_278 : memref<!tpu.dma_semaphore, #tpu.memory_space<semaphore_mem>>) src(%arg9 : memref<128x128xf32, #tpu.memory_space<vmem>>) dst(%dma_wait3A_290 : memref<10112x128xf32, #tpu.memory_space<vmem_shared>>)
        tpu.yield
      }) : () -> ()
      %dma_wait3A_129 = arith.constant 12 : i32
      %dma_wait3A_130 = arith.constant 0 : i32
      %dma_wait3A_131 = tpu.memref_slice %arg6[%dma_wait3A_129, %dma_wait3A_130] : memref<16x128xi32, #tpu.memory_space<vmem>> -> memref<1x128xi32, #tpu.memory_space<vmem>>
      %dma_wait3A_132 = tpu.memref_squeeze %dma_wait3A_131 : memref<1x128xi32, #tpu.memory_space<vmem>> -> memref<128xi32, #tpu.memory_space<vmem>>
      %dma_wait3A_133 = arith.constant 0 : i32
      %dma_wait3A_134 = arith.constant 0 : i32
      %dma_wait3A_135 = tpu.memref_slice %arg2[%dma_wait3A_133, %dma_wait3A_134] : memref<10000x128xf32, #tpu.memory_space<hbm>> -> memref<10000x128xf32, #tpu.memory_space<hbm>>
      tpu.wait_indirect_dma semaphore(%arg11 : memref<!tpu.dma_semaphore, #tpu.memory_space<semaphore_mem>>) src(%dma_wait3A_135 : memref<10000x128xf32, #tpu.memory_space<hbm>>) dst(%arg8 : memref<128x128xf32, #tpu.memory_space<vmem>>)
      %dma_start3A_136 = arith.constant 14 : i32
      %dma_start3A_137 = arith.constant 0 : i32
      %dma_start3A_138 = tpu.memref_slice %arg6[%dma_start3A_136, %dma_start3A_137] : memref<16x128xi32, #tpu.memory_space<vmem>> -> memref<1x128xi32, #tpu.memory_space<vmem>>
      %dma_start3A_139 = tpu.memref_squeeze %dma_start3A_138 : memref<1x128xi32, #tpu.memory_space<vmem>> -> memref<128xi32, #tpu.memory_space<vmem>>
      %dma_start3A_140 = arith.constant 0 : i32
      %dma_start3A_141 = arith.constant 0 : i32
      %dma_start3A_142 = tpu.memref_slice %arg2[%dma_start3A_140, %dma_start3A_141] : memref<10000x128xf32, #tpu.memory_space<hbm>> -> memref<10000x128xf32, #tpu.memory_space<hbm>>
      tpu.enqueue_indirect_dma source(%dma_start3A_142 : memref<10000x128xf32, #tpu.memory_space<hbm>>) target(%arg9 : memref<128x128xf32, #tpu.memory_space<vmem>>) offsets(%dma_start3A_139 : memref<128xi32, #tpu.memory_space<vmem>>) semaphore(%arg12 : memref<!tpu.dma_semaphore, #tpu.memory_space<semaphore_mem>>)
      %run_scoped3A_143 = arith.constant 13 : i32
      "tpu.region"() ({
        %run_scoped3A_278 = tpu.sem_alloc : memref<!tpu.dma_semaphore, #tpu.memory_space<semaphore_mem>>
        %dma_start3A_279 = arith.constant 0 : i32
        %dma_start3A_280 = tpu.memref_slice %arg6[%run_scoped3A_143, %dma_start3A_279] : memref<16x128xi32, #tpu.memory_space<vmem>> -> memref<1x128xi32, #tpu.memory_space<vmem>>
        %dma_start3A_281 = tpu.memref_squeeze %dma_start3A_280 : memref<1x128xi32, #tpu.memory_space<vmem>> -> memref<128xi32, #tpu.memory_space<vmem>>
        %dma_start3A_282 = arith.constant 0 : i32
        %dma_start3A_283 = arith.constant 0 : i32
        %dma_start3A_284 = tpu.memref_slice %arg10[%dma_start3A_282, %dma_start3A_283] : memref<10112x128xf32, #tpu.memory_space<vmem_shared>> -> memref<10112x128xf32, #tpu.memory_space<vmem_shared>>
        tpu.enqueue_indirect_dma source(%arg8 : memref<128x128xf32, #tpu.memory_space<vmem>>) target(%dma_start3A_284 : memref<10112x128xf32, #tpu.memory_space<vmem_shared>>) offsets(%dma_start3A_281 : memref<128xi32, #tpu.memory_space<vmem>>) semaphore(%run_scoped3A_278 : memref<!tpu.dma_semaphore, #tpu.memory_space<semaphore_mem>>) {add = true}
        %dma_wait3A_285 = arith.constant 0 : i32
        %dma_wait3A_286 = tpu.memref_slice %arg6[%run_scoped3A_143, %dma_wait3A_285] : memref<16x128xi32, #tpu.memory_space<vmem>> -> memref<1x128xi32, #tpu.memory_space<vmem>>
        %dma_wait3A_287 = tpu.memref_squeeze %dma_wait3A_286 : memref<1x128xi32, #tpu.memory_space<vmem>> -> memref<128xi32, #tpu.memory_space<vmem>>
        %dma_wait3A_288 = arith.constant 0 : i32
        %dma_wait3A_289 = arith.constant 0 : i32
        %dma_wait3A_290 = tpu.memref_slice %arg10[%dma_wait3A_288, %dma_wait3A_289] : memref<10112x128xf32, #tpu.memory_space<vmem_shared>> -> memref<10112x128xf32, #tpu.memory_space<vmem_shared>>
        tpu.wait_indirect_dma semaphore(%run_scoped3A_278 : memref<!tpu.dma_semaphore, #tpu.memory_space<semaphore_mem>>) src(%arg8 : memref<128x128xf32, #tpu.memory_space<vmem>>) dst(%dma_wait3A_290 : memref<10112x128xf32, #tpu.memory_space<vmem_shared>>)
        tpu.yield
      }) : () -> ()
      %dma_wait3A_144 = arith.constant 14 : i32
      %dma_wait3A_145 = arith.constant 0 : i32
      %dma_wait3A_146 = tpu.memref_slice %arg6[%dma_wait3A_144, %dma_wait3A_145] : memref<16x128xi32, #tpu.memory_space<vmem>> -> memref<1x128xi32, #tpu.memory_space<vmem>>
      %dma_wait3A_147 = tpu.memref_squeeze %dma_wait3A_146 : memref<1x128xi32, #tpu.memory_space<vmem>> -> memref<128xi32, #tpu.memory_space<vmem>>
      %dma_wait3A_148 = arith.constant 0 : i32
      %dma_wait3A_149 = arith.constant 0 : i32
      %dma_wait3A_150 = tpu.memref_slice %arg2[%dma_wait3A_148, %dma_wait3A_149] : memref<10000x128xf32, #tpu.memory_space<hbm>> -> memref<10000x128xf32, #tpu.memory_space<hbm>>
      tpu.wait_indirect_dma semaphore(%arg12 : memref<!tpu.dma_semaphore, #tpu.memory_space<semaphore_mem>>) src(%dma_wait3A_150 : memref<10000x128xf32, #tpu.memory_space<hbm>>) dst(%arg9 : memref<128x128xf32, #tpu.memory_space<vmem>>)
      %convert_element_type3A = arith.extui %lt3A_40 : i1 to i32
      %cond3A = arith.constant 0 : i32
      %cond3A_151 = arith.cmpi ne, %convert_element_type3A, %cond3A : i32
      scf.if %cond3A_151 {
        %mul3A_278 = arith.constant 2 : i32
        %mul3A_279 = arith.muli %add3A_37, %mul3A_278 : i32
        %mul3A_280 = arith.constant 8 : i32
        %mul3A_281 = arith.muli %mul3A_279, %mul3A_280 : i32
        %dma_wait3A_282 = arith.constant 0 : i32
        %dma_wait3A_283 = tpu.memref_slice %arg3[%add3A, %mul3A_281, %dma_wait3A_282] : memref<32x320x128xi32, #tpu.memory_space<hbm>> -> memref<1x16x128xi32, #tpu.memory_space<hbm>>
        %dma_wait3A_284 = tpu.memref_squeeze %dma_wait3A_283 : memref<1x16x128xi32, #tpu.memory_space<hbm>> -> memref<16x128xi32, #tpu.memory_space<hbm>>
        %dma_wait3A_285 = arith.constant 0 : i32
        %dma_wait3A_286 = tpu.memref_slice %arg3[%add3A, %mul3A_281, %dma_wait3A_285] : memref<32x320x128xi32, #tpu.memory_space<hbm>> -> memref<1x16x128xi32, #tpu.memory_space<hbm>>
        %dma_wait3A_287 = tpu.memref_squeeze %dma_wait3A_286 : memref<1x16x128xi32, #tpu.memory_space<hbm>> -> memref<16x128xi32, #tpu.memory_space<hbm>>
        tpu.wait_dma2 semaphore(%arg14 : memref<!tpu.dma_semaphore, #tpu.memory_space<semaphore_mem>>) src(%dma_wait3A_287 : memref<16x128xi32, #tpu.memory_space<hbm>>) dst(%arg7 : memref<16x128xi32, #tpu.memory_space<vmem>>)
        %dma_start3A_288 = arith.constant 0 : i32
        %dma_start3A_289 = arith.constant 0 : i32
        %dma_start3A_290 = tpu.memref_slice %arg7[%dma_start3A_288, %dma_start3A_289] : memref<16x128xi32, #tpu.memory_space<vmem>> -> memref<1x128xi32, #tpu.memory_space<vmem>>
        %dma_start3A_291 = tpu.memref_squeeze %dma_start3A_290 : memref<1x128xi32, #tpu.memory_space<vmem>> -> memref<128xi32, #tpu.memory_space<vmem>>
        %dma_start3A_292 = arith.constant 0 : i32
        %dma_start3A_293 = arith.constant 0 : i32
        %dma_start3A_294 = tpu.memref_slice %arg2[%dma_start3A_292, %dma_start3A_293] : memref<10000x128xf32, #tpu.memory_space<hbm>> -> memref<10000x128xf32, #tpu.memory_space<hbm>>
        tpu.enqueue_indirect_dma source(%dma_start3A_294 : memref<10000x128xf32, #tpu.memory_space<hbm>>) target(%arg8 : memref<128x128xf32, #tpu.memory_space<vmem>>) offsets(%dma_start3A_291 : memref<128xi32, #tpu.memory_space<vmem>>) semaphore(%arg11 : memref<!tpu.dma_semaphore, #tpu.memory_space<semaphore_mem>>)
      } else {
      }
      %run_scoped3A_152 = arith.constant 15 : i32
      "tpu.region"() ({
        %run_scoped3A_278 = tpu.sem_alloc : memref<!tpu.dma_semaphore, #tpu.memory_space<semaphore_mem>>
        %dma_start3A_279 = arith.constant 0 : i32
        %dma_start3A_280 = tpu.memref_slice %arg6[%run_scoped3A_152, %dma_start3A_279] : memref<16x128xi32, #tpu.memory_space<vmem>> -> memref<1x128xi32, #tpu.memory_space<vmem>>
        %dma_start3A_281 = tpu.memref_squeeze %dma_start3A_280 : memref<1x128xi32, #tpu.memory_space<vmem>> -> memref<128xi32, #tpu.memory_space<vmem>>
        %dma_start3A_282 = arith.constant 0 : i32
        %dma_start3A_283 = arith.constant 0 : i32
        %dma_start3A_284 = tpu.memref_slice %arg10[%dma_start3A_282, %dma_start3A_283] : memref<10112x128xf32, #tpu.memory_space<vmem_shared>> -> memref<10112x128xf32, #tpu.memory_space<vmem_shared>>
        tpu.enqueue_indirect_dma source(%arg9 : memref<128x128xf32, #tpu.memory_space<vmem>>) target(%dma_start3A_284 : memref<10112x128xf32, #tpu.memory_space<vmem_shared>>) offsets(%dma_start3A_281 : memref<128xi32, #tpu.memory_space<vmem>>) semaphore(%run_scoped3A_278 : memref<!tpu.dma_semaphore, #tpu.memory_space<semaphore_mem>>) {add = true}
        %dma_wait3A_285 = arith.constant 0 : i32
        %dma_wait3A_286 = tpu.memref_slice %arg6[%run_scoped3A_152, %dma_wait3A_285] : memref<16x128xi32, #tpu.memory_space<vmem>> -> memref<1x128xi32, #tpu.memory_space<vmem>>
        %dma_wait3A_287 = tpu.memref_squeeze %dma_wait3A_286 : memref<1x128xi32, #tpu.memory_space<vmem>> -> memref<128xi32, #tpu.memory_space<vmem>>
        %dma_wait3A_288 = arith.constant 0 : i32
        %dma_wait3A_289 = arith.constant 0 : i32
        %dma_wait3A_290 = tpu.memref_slice %arg10[%dma_wait3A_288, %dma_wait3A_289] : memref<10112x128xf32, #tpu.memory_space<vmem_shared>> -> memref<10112x128xf32, #tpu.memory_space<vmem_shared>>
        tpu.wait_indirect_dma semaphore(%run_scoped3A_278 : memref<!tpu.dma_semaphore, #tpu.memory_space<semaphore_mem>>) src(%arg9 : memref<128x128xf32, #tpu.memory_space<vmem>>) dst(%dma_wait3A_290 : memref<10112x128xf32, #tpu.memory_space<vmem_shared>>)
        tpu.yield
      }) : () -> ()
      %add3A_153 = arith.constant 2 : i32
      %add3A_154 = arith.addi %mul3A_23, %add3A_153 : i32
      %lt3A_155 = arith.constant 20 : i32
      %lt3A_156 = arith.cmpi slt, %add3A_154, %lt3A_155 : i32
      %convert_element_type3A_157 = arith.extui %lt3A_156 : i1 to i32
      %cond3A_158 = arith.constant 0 : i32
      %cond3A_159 = arith.cmpi ne, %convert_element_type3A_157, %cond3A_158 : i32
      scf.if %cond3A_159 {
        %add3A_278 = arith.constant 2 : i32
        %add3A_279 = arith.addi %mul3A_23, %add3A_278 : i32
        %mul3A_280 = arith.constant 2 : i32
        %mul3A_281 = arith.muli %add3A_279, %mul3A_280 : i32
        %mul3A_282 = arith.constant 8 : i32
        %mul3A_283 = arith.muli %mul3A_281, %mul3A_282 : i32
        %dma_start3A_284 = arith.constant 0 : i32
        %dma_start3A_285 = tpu.memref_slice %arg3[%add3A, %mul3A_283, %dma_start3A_284] : memref<32x320x128xi32, #tpu.memory_space<hbm>> -> memref<1x16x128xi32, #tpu.memory_space<hbm>>
        %dma_start3A_286 = tpu.memref_squeeze %dma_start3A_285 : memref<1x16x128xi32, #tpu.memory_space<hbm>> -> memref<16x128xi32, #tpu.memory_space<hbm>>
        %dma_start3A_287 = arith.constant 0 : i32
        %dma_start3A_288 = tpu.memref_slice %arg3[%add3A, %mul3A_283, %dma_start3A_287] : memref<32x320x128xi32, #tpu.memory_space<hbm>> -> memref<1x16x128xi32, #tpu.memory_space<hbm>>
        %dma_start3A_289 = tpu.memref_squeeze %dma_start3A_288 : memref<1x16x128xi32, #tpu.memory_space<hbm>> -> memref<16x128xi32, #tpu.memory_space<hbm>>
        tpu.enqueue_dma source(%dma_start3A_289 : memref<16x128xi32, #tpu.memory_space<hbm>>) target(%arg6 : memref<16x128xi32, #tpu.memory_space<vmem>>) target_semaphore(%arg13 : memref<!tpu.dma_semaphore, #tpu.memory_space<semaphore_mem>>)
      } else {
      }
      %add3A_160 = arith.constant 2 : i32
      %add3A_161 = arith.addi %mul3A_23, %add3A_160 : i32
      %dma_wait3A_162 = arith.constant 0 : i32
      %dma_wait3A_163 = arith.constant 0 : i32
      %dma_wait3A_164 = tpu.memref_slice %arg7[%dma_wait3A_162, %dma_wait3A_163] : memref<16x128xi32, #tpu.memory_space<vmem>> -> memref<1x128xi32, #tpu.memory_space<vmem>>
      %dma_wait3A_165 = tpu.memref_squeeze %dma_wait3A_164 : memref<1x128xi32, #tpu.memory_space<vmem>> -> memref<128xi32, #tpu.memory_space<vmem>>
      %dma_wait3A_166 = arith.constant 0 : i32
      %dma_wait3A_167 = arith.constant 0 : i32
      %dma_wait3A_168 = tpu.memref_slice %arg2[%dma_wait3A_166, %dma_wait3A_167] : memref<10000x128xf32, #tpu.memory_space<hbm>> -> memref<10000x128xf32, #tpu.memory_space<hbm>>
      tpu.wait_indirect_dma semaphore(%arg11 : memref<!tpu.dma_semaphore, #tpu.memory_space<semaphore_mem>>) src(%dma_wait3A_168 : memref<10000x128xf32, #tpu.memory_space<hbm>>) dst(%arg8 : memref<128x128xf32, #tpu.memory_space<vmem>>)
      %dma_start3A_169 = arith.constant 2 : i32
      %dma_start3A_170 = arith.constant 0 : i32
      %dma_start3A_171 = tpu.memref_slice %arg7[%dma_start3A_169, %dma_start3A_170] : memref<16x128xi32, #tpu.memory_space<vmem>> -> memref<1x128xi32, #tpu.memory_space<vmem>>
      %dma_start3A_172 = tpu.memref_squeeze %dma_start3A_171 : memref<1x128xi32, #tpu.memory_space<vmem>> -> memref<128xi32, #tpu.memory_space<vmem>>
      %dma_start3A_173 = arith.constant 0 : i32
      %dma_start3A_174 = arith.constant 0 : i32
      %dma_start3A_175 = tpu.memref_slice %arg2[%dma_start3A_173, %dma_start3A_174] : memref<10000x128xf32, #tpu.memory_space<hbm>> -> memref<10000x128xf32, #tpu.memory_space<hbm>>
      tpu.enqueue_indirect_dma source(%dma_start3A_175 : memref<10000x128xf32, #tpu.memory_space<hbm>>) target(%arg9 : memref<128x128xf32, #tpu.memory_space<vmem>>) offsets(%dma_start3A_172 : memref<128xi32, #tpu.memory_space<vmem>>) semaphore(%arg12 : memref<!tpu.dma_semaphore, #tpu.memory_space<semaphore_mem>>)
      %run_scoped3A_176 = arith.constant 1 : i32
      "tpu.region"() ({
        %run_scoped3A_278 = tpu.sem_alloc : memref<!tpu.dma_semaphore, #tpu.memory_space<semaphore_mem>>
        %dma_start3A_279 = arith.constant 0 : i32
        %dma_start3A_280 = tpu.memref_slice %arg7[%run_scoped3A_176, %dma_start3A_279] : memref<16x128xi32, #tpu.memory_space<vmem>> -> memref<1x128xi32, #tpu.memory_space<vmem>>
        %dma_start3A_281 = tpu.memref_squeeze %dma_start3A_280 : memref<1x128xi32, #tpu.memory_space<vmem>> -> memref<128xi32, #tpu.memory_space<vmem>>
        %dma_start3A_282 = arith.constant 0 : i32
        %dma_start3A_283 = arith.constant 0 : i32
        %dma_start3A_284 = tpu.memref_slice %arg10[%dma_start3A_282, %dma_start3A_283] : memref<10112x128xf32, #tpu.memory_space<vmem_shared>> -> memref<10112x128xf32, #tpu.memory_space<vmem_shared>>
        tpu.enqueue_indirect_dma source(%arg8 : memref<128x128xf32, #tpu.memory_space<vmem>>) target(%dma_start3A_284 : memref<10112x128xf32, #tpu.memory_space<vmem_shared>>) offsets(%dma_start3A_281 : memref<128xi32, #tpu.memory_space<vmem>>) semaphore(%run_scoped3A_278 : memref<!tpu.dma_semaphore, #tpu.memory_space<semaphore_mem>>) {add = true}
        %dma_wait3A_285 = arith.constant 0 : i32
        %dma_wait3A_286 = tpu.memref_slice %arg7[%run_scoped3A_176, %dma_wait3A_285] : memref<16x128xi32, #tpu.memory_space<vmem>> -> memref<1x128xi32, #tpu.memory_space<vmem>>
        %dma_wait3A_287 = tpu.memref_squeeze %dma_wait3A_286 : memref<1x128xi32, #tpu.memory_space<vmem>> -> memref<128xi32, #tpu.memory_space<vmem>>
        %dma_wait3A_288 = arith.constant 0 : i32
        %dma_wait3A_289 = arith.constant 0 : i32
        %dma_wait3A_290 = tpu.memref_slice %arg10[%dma_wait3A_288, %dma_wait3A_289] : memref<10112x128xf32, #tpu.memory_space<vmem_shared>> -> memref<10112x128xf32, #tpu.memory_space<vmem_shared>>
        tpu.wait_indirect_dma semaphore(%run_scoped3A_278 : memref<!tpu.dma_semaphore, #tpu.memory_space<semaphore_mem>>) src(%arg8 : memref<128x128xf32, #tpu.memory_space<vmem>>) dst(%dma_wait3A_290 : memref<10112x128xf32, #tpu.memory_space<vmem_shared>>)
        tpu.yield
      }) : () -> ()
      %dma_wait3A_177 = arith.constant 2 : i32
      %dma_wait3A_178 = arith.constant 0 : i32
      %dma_wait3A_179 = tpu.memref_slice %arg7[%dma_wait3A_177, %dma_wait3A_178] : memref<16x128xi32, #tpu.memory_space<vmem>> -> memref<1x128xi32, #tpu.memory_space<vmem>>
      %dma_wait3A_180 = tpu.memref_squeeze %dma_wait3A_179 : memref<1x128xi32, #tpu.memory_space<vmem>> -> memref<128xi32, #tpu.memory_space<vmem>>
      %dma_wait3A_181 = arith.constant 0 : i32
      %dma_wait3A_182 = arith.constant 0 : i32
      %dma_wait3A_183 = tpu.memref_slice %arg2[%dma_wait3A_181, %dma_wait3A_182] : memref<10000x128xf32, #tpu.memory_space<hbm>> -> memref<10000x128xf32, #tpu.memory_space<hbm>>
      tpu.wait_indirect_dma semaphore(%arg12 : memref<!tpu.dma_semaphore, #tpu.memory_space<semaphore_mem>>) src(%dma_wait3A_183 : memref<10000x128xf32, #tpu.memory_space<hbm>>) dst(%arg9 : memref<128x128xf32, #tpu.memory_space<vmem>>)
      %dma_start3A_184 = arith.constant 4 : i32
      %dma_start3A_185 = arith.constant 0 : i32
      %dma_start3A_186 = tpu.memref_slice %arg7[%dma_start3A_184, %dma_start3A_185] : memref<16x128xi32, #tpu.memory_space<vmem>> -> memref<1x128xi32, #tpu.memory_space<vmem>>
      %dma_start3A_187 = tpu.memref_squeeze %dma_start3A_186 : memref<1x128xi32, #tpu.memory_space<vmem>> -> memref<128xi32, #tpu.memory_space<vmem>>
      %dma_start3A_188 = arith.constant 0 : i32
      %dma_start3A_189 = arith.constant 0 : i32
      %dma_start3A_190 = tpu.memref_slice %arg2[%dma_start3A_188, %dma_start3A_189] : memref<10000x128xf32, #tpu.memory_space<hbm>> -> memref<10000x128xf32, #tpu.memory_space<hbm>>
      tpu.enqueue_indirect_dma source(%dma_start3A_190 : memref<10000x128xf32, #tpu.memory_space<hbm>>) target(%arg8 : memref<128x128xf32, #tpu.memory_space<vmem>>) offsets(%dma_start3A_187 : memref<128xi32, #tpu.memory_space<vmem>>) semaphore(%arg11 : memref<!tpu.dma_semaphore, #tpu.memory_space<semaphore_mem>>)
      %run_scoped3A_191 = arith.constant 3 : i32
      "tpu.region"() ({
        %run_scoped3A_278 = tpu.sem_alloc : memref<!tpu.dma_semaphore, #tpu.memory_space<semaphore_mem>>
        %dma_start3A_279 = arith.constant 0 : i32
        %dma_start3A_280 = tpu.memref_slice %arg7[%run_scoped3A_191, %dma_start3A_279] : memref<16x128xi32, #tpu.memory_space<vmem>> -> memref<1x128xi32, #tpu.memory_space<vmem>>
        %dma_start3A_281 = tpu.memref_squeeze %dma_start3A_280 : memref<1x128xi32, #tpu.memory_space<vmem>> -> memref<128xi32, #tpu.memory_space<vmem>>
        %dma_start3A_282 = arith.constant 0 : i32
        %dma_start3A_283 = arith.constant 0 : i32
        %dma_start3A_284 = tpu.memref_slice %arg10[%dma_start3A_282, %dma_start3A_283] : memref<10112x128xf32, #tpu.memory_space<vmem_shared>> -> memref<10112x128xf32, #tpu.memory_space<vmem_shared>>
        tpu.enqueue_indirect_dma source(%arg9 : memref<128x128xf32, #tpu.memory_space<vmem>>) target(%dma_start3A_284 : memref<10112x128xf32, #tpu.memory_space<vmem_shared>>) offsets(%dma_start3A_281 : memref<128xi32, #tpu.memory_space<vmem>>) semaphore(%run_scoped3A_278 : memref<!tpu.dma_semaphore, #tpu.memory_space<semaphore_mem>>) {add = true}
        %dma_wait3A_285 = arith.constant 0 : i32
        %dma_wait3A_286 = tpu.memref_slice %arg7[%run_scoped3A_191, %dma_wait3A_285] : memref<16x128xi32, #tpu.memory_space<vmem>> -> memref<1x128xi32, #tpu.memory_space<vmem>>
        %dma_wait3A_287 = tpu.memref_squeeze %dma_wait3A_286 : memref<1x128xi32, #tpu.memory_space<vmem>> -> memref<128xi32, #tpu.memory_space<vmem>>
        %dma_wait3A_288 = arith.constant 0 : i32
        %dma_wait3A_289 = arith.constant 0 : i32
        %dma_wait3A_290 = tpu.memref_slice %arg10[%dma_wait3A_288, %dma_wait3A_289] : memref<10112x128xf32, #tpu.memory_space<vmem_shared>> -> memref<10112x128xf32, #tpu.memory_space<vmem_shared>>
        tpu.wait_indirect_dma semaphore(%run_scoped3A_278 : memref<!tpu.dma_semaphore, #tpu.memory_space<semaphore_mem>>) src(%arg9 : memref<128x128xf32, #tpu.memory_space<vmem>>) dst(%dma_wait3A_290 : memref<10112x128xf32, #tpu.memory_space<vmem_shared>>)
        tpu.yield
      }) : () -> ()
      %dma_wait3A_192 = arith.constant 4 : i32
      %dma_wait3A_193 = arith.constant 0 : i32
      %dma_wait3A_194 = tpu.memref_slice %arg7[%dma_wait3A_192, %dma_wait3A_193] : memref<16x128xi32, #tpu.memory_space<vmem>> -> memref<1x128xi32, #tpu.memory_space<vmem>>
      %dma_wait3A_195 = tpu.memref_squeeze %dma_wait3A_194 : memref<1x128xi32, #tpu.memory_space<vmem>> -> memref<128xi32, #tpu.memory_space<vmem>>
      %dma_wait3A_196 = arith.constant 0 : i32
      %dma_wait3A_197 = arith.constant 0 : i32
      %dma_wait3A_198 = tpu.memref_slice %arg2[%dma_wait3A_196, %dma_wait3A_197] : memref<10000x128xf32, #tpu.memory_space<hbm>> -> memref<10000x128xf32, #tpu.memory_space<hbm>>
      tpu.wait_indirect_dma semaphore(%arg11 : memref<!tpu.dma_semaphore, #tpu.memory_space<semaphore_mem>>) src(%dma_wait3A_198 : memref<10000x128xf32, #tpu.memory_space<hbm>>) dst(%arg8 : memref<128x128xf32, #tpu.memory_space<vmem>>)
      %dma_start3A_199 = arith.constant 6 : i32
      %dma_start3A_200 = arith.constant 0 : i32
      %dma_start3A_201 = tpu.memref_slice %arg7[%dma_start3A_199, %dma_start3A_200] : memref<16x128xi32, #tpu.memory_space<vmem>> -> memref<1x128xi32, #tpu.memory_space<vmem>>
      %dma_start3A_202 = tpu.memref_squeeze %dma_start3A_201 : memref<1x128xi32, #tpu.memory_space<vmem>> -> memref<128xi32, #tpu.memory_space<vmem>>
      %dma_start3A_203 = arith.constant 0 : i32
      %dma_start3A_204 = arith.constant 0 : i32
      %dma_start3A_205 = tpu.memref_slice %arg2[%dma_start3A_203, %dma_start3A_204] : memref<10000x128xf32, #tpu.memory_space<hbm>> -> memref<10000x128xf32, #tpu.memory_space<hbm>>
      tpu.enqueue_indirect_dma source(%dma_start3A_205 : memref<10000x128xf32, #tpu.memory_space<hbm>>) target(%arg9 : memref<128x128xf32, #tpu.memory_space<vmem>>) offsets(%dma_start3A_202 : memref<128xi32, #tpu.memory_space<vmem>>) semaphore(%arg12 : memref<!tpu.dma_semaphore, #tpu.memory_space<semaphore_mem>>)
      %run_scoped3A_206 = arith.constant 5 : i32
      "tpu.region"() ({
        %run_scoped3A_278 = tpu.sem_alloc : memref<!tpu.dma_semaphore, #tpu.memory_space<semaphore_mem>>
        %dma_start3A_279 = arith.constant 0 : i32
        %dma_start3A_280 = tpu.memref_slice %arg7[%run_scoped3A_206, %dma_start3A_279] : memref<16x128xi32, #tpu.memory_space<vmem>> -> memref<1x128xi32, #tpu.memory_space<vmem>>
        %dma_start3A_281 = tpu.memref_squeeze %dma_start3A_280 : memref<1x128xi32, #tpu.memory_space<vmem>> -> memref<128xi32, #tpu.memory_space<vmem>>
        %dma_start3A_282 = arith.constant 0 : i32
        %dma_start3A_283 = arith.constant 0 : i32
        %dma_start3A_284 = tpu.memref_slice %arg10[%dma_start3A_282, %dma_start3A_283] : memref<10112x128xf32, #tpu.memory_space<vmem_shared>> -> memref<10112x128xf32, #tpu.memory_space<vmem_shared>>
        tpu.enqueue_indirect_dma source(%arg8 : memref<128x128xf32, #tpu.memory_space<vmem>>) target(%dma_start3A_284 : memref<10112x128xf32, #tpu.memory_space<vmem_shared>>) offsets(%dma_start3A_281 : memref<128xi32, #tpu.memory_space<vmem>>) semaphore(%run_scoped3A_278 : memref<!tpu.dma_semaphore, #tpu.memory_space<semaphore_mem>>) {add = true}
        %dma_wait3A_285 = arith.constant 0 : i32
        %dma_wait3A_286 = tpu.memref_slice %arg7[%run_scoped3A_206, %dma_wait3A_285] : memref<16x128xi32, #tpu.memory_space<vmem>> -> memref<1x128xi32, #tpu.memory_space<vmem>>
        %dma_wait3A_287 = tpu.memref_squeeze %dma_wait3A_286 : memref<1x128xi32, #tpu.memory_space<vmem>> -> memref<128xi32, #tpu.memory_space<vmem>>
        %dma_wait3A_288 = arith.constant 0 : i32
        %dma_wait3A_289 = arith.constant 0 : i32
        %dma_wait3A_290 = tpu.memref_slice %arg10[%dma_wait3A_288, %dma_wait3A_289] : memref<10112x128xf32, #tpu.memory_space<vmem_shared>> -> memref<10112x128xf32, #tpu.memory_space<vmem_shared>>
        tpu.wait_indirect_dma semaphore(%run_scoped3A_278 : memref<!tpu.dma_semaphore, #tpu.memory_space<semaphore_mem>>) src(%arg8 : memref<128x128xf32, #tpu.memory_space<vmem>>) dst(%dma_wait3A_290 : memref<10112x128xf32, #tpu.memory_space<vmem_shared>>)
        tpu.yield
      }) : () -> ()
      %dma_wait3A_207 = arith.constant 6 : i32
      %dma_wait3A_208 = arith.constant 0 : i32
      %dma_wait3A_209 = tpu.memref_slice %arg7[%dma_wait3A_207, %dma_wait3A_208] : memref<16x128xi32, #tpu.memory_space<vmem>> -> memref<1x128xi32, #tpu.memory_space<vmem>>
      %dma_wait3A_210 = tpu.memref_squeeze %dma_wait3A_209 : memref<1x128xi32, #tpu.memory_space<vmem>> -> memref<128xi32, #tpu.memory_space<vmem>>
      %dma_wait3A_211 = arith.constant 0 : i32
      %dma_wait3A_212 = arith.constant 0 : i32
      %dma_wait3A_213 = tpu.memref_slice %arg2[%dma_wait3A_211, %dma_wait3A_212] : memref<10000x128xf32, #tpu.memory_space<hbm>> -> memref<10000x128xf32, #tpu.memory_space<hbm>>
      tpu.wait_indirect_dma semaphore(%arg12 : memref<!tpu.dma_semaphore, #tpu.memory_space<semaphore_mem>>) src(%dma_wait3A_213 : memref<10000x128xf32, #tpu.memory_space<hbm>>) dst(%arg9 : memref<128x128xf32, #tpu.memory_space<vmem>>)
      %dma_start3A_214 = arith.constant 8 : i32
      %dma_start3A_215 = arith.constant 0 : i32
      %dma_start3A_216 = tpu.memref_slice %arg7[%dma_start3A_214, %dma_start3A_215] : memref<16x128xi32, #tpu.memory_space<vmem>> -> memref<1x128xi32, #tpu.memory_space<vmem>>
      %dma_start3A_217 = tpu.memref_squeeze %dma_start3A_216 : memref<1x128xi32, #tpu.memory_space<vmem>> -> memref<128xi32, #tpu.memory_space<vmem>>
      %dma_start3A_218 = arith.constant 0 : i32
      %dma_start3A_219 = arith.constant 0 : i32
      %dma_start3A_220 = tpu.memref_slice %arg2[%dma_start3A_218, %dma_start3A_219] : memref<10000x128xf32, #tpu.memory_space<hbm>> -> memref<10000x128xf32, #tpu.memory_space<hbm>>
      tpu.enqueue_indirect_dma source(%dma_start3A_220 : memref<10000x128xf32, #tpu.memory_space<hbm>>) target(%arg8 : memref<128x128xf32, #tpu.memory_space<vmem>>) offsets(%dma_start3A_217 : memref<128xi32, #tpu.memory_space<vmem>>) semaphore(%arg11 : memref<!tpu.dma_semaphore, #tpu.memory_space<semaphore_mem>>)
      %run_scoped3A_221 = arith.constant 7 : i32
      "tpu.region"() ({
        %run_scoped3A_278 = tpu.sem_alloc : memref<!tpu.dma_semaphore, #tpu.memory_space<semaphore_mem>>
        %dma_start3A_279 = arith.constant 0 : i32
        %dma_start3A_280 = tpu.memref_slice %arg7[%run_scoped3A_221, %dma_start3A_279] : memref<16x128xi32, #tpu.memory_space<vmem>> -> memref<1x128xi32, #tpu.memory_space<vmem>>
        %dma_start3A_281 = tpu.memref_squeeze %dma_start3A_280 : memref<1x128xi32, #tpu.memory_space<vmem>> -> memref<128xi32, #tpu.memory_space<vmem>>
        %dma_start3A_282 = arith.constant 0 : i32
        %dma_start3A_283 = arith.constant 0 : i32
        %dma_start3A_284 = tpu.memref_slice %arg10[%dma_start3A_282, %dma_start3A_283] : memref<10112x128xf32, #tpu.memory_space<vmem_shared>> -> memref<10112x128xf32, #tpu.memory_space<vmem_shared>>
        tpu.enqueue_indirect_dma source(%arg9 : memref<128x128xf32, #tpu.memory_space<vmem>>) target(%dma_start3A_284 : memref<10112x128xf32, #tpu.memory_space<vmem_shared>>) offsets(%dma_start3A_281 : memref<128xi32, #tpu.memory_space<vmem>>) semaphore(%run_scoped3A_278 : memref<!tpu.dma_semaphore, #tpu.memory_space<semaphore_mem>>) {add = true}
        %dma_wait3A_285 = arith.constant 0 : i32
        %dma_wait3A_286 = tpu.memref_slice %arg7[%run_scoped3A_221, %dma_wait3A_285] : memref<16x128xi32, #tpu.memory_space<vmem>> -> memref<1x128xi32, #tpu.memory_space<vmem>>
        %dma_wait3A_287 = tpu.memref_squeeze %dma_wait3A_286 : memref<1x128xi32, #tpu.memory_space<vmem>> -> memref<128xi32, #tpu.memory_space<vmem>>
        %dma_wait3A_288 = arith.constant 0 : i32
        %dma_wait3A_289 = arith.constant 0 : i32
        %dma_wait3A_290 = tpu.memref_slice %arg10[%dma_wait3A_288, %dma_wait3A_289] : memref<10112x128xf32, #tpu.memory_space<vmem_shared>> -> memref<10112x128xf32, #tpu.memory_space<vmem_shared>>
        tpu.wait_indirect_dma semaphore(%run_scoped3A_278 : memref<!tpu.dma_semaphore, #tpu.memory_space<semaphore_mem>>) src(%arg9 : memref<128x128xf32, #tpu.memory_space<vmem>>) dst(%dma_wait3A_290 : memref<10112x128xf32, #tpu.memory_space<vmem_shared>>)
        tpu.yield
      }) : () -> ()
      %dma_wait3A_222 = arith.constant 8 : i32
      %dma_wait3A_223 = arith.constant 0 : i32
      %dma_wait3A_224 = tpu.memref_slice %arg7[%dma_wait3A_222, %dma_wait3A_223] : memref<16x128xi32, #tpu.memory_space<vmem>> -> memref<1x128xi32, #tpu.memory_space<vmem>>
      %dma_wait3A_225 = tpu.memref_squeeze %dma_wait3A_224 : memref<1x128xi32, #tpu.memory_space<vmem>> -> memref<128xi32, #tpu.memory_space<vmem>>
      %dma_wait3A_226 = arith.constant 0 : i32
      %dma_wait3A_227 = arith.constant 0 : i32
      %dma_wait3A_228 = tpu.memref_slice %arg2[%dma_wait3A_226, %dma_wait3A_227] : memref<10000x128xf32, #tpu.memory_space<hbm>> -> memref<10000x128xf32, #tpu.memory_space<hbm>>
      tpu.wait_indirect_dma semaphore(%arg11 : memref<!tpu.dma_semaphore, #tpu.memory_space<semaphore_mem>>) src(%dma_wait3A_228 : memref<10000x128xf32, #tpu.memory_space<hbm>>) dst(%arg8 : memref<128x128xf32, #tpu.memory_space<vmem>>)
      %dma_start3A_229 = arith.constant 10 : i32
      %dma_start3A_230 = arith.constant 0 : i32
      %dma_start3A_231 = tpu.memref_slice %arg7[%dma_start3A_229, %dma_start3A_230] : memref<16x128xi32, #tpu.memory_space<vmem>> -> memref<1x128xi32, #tpu.memory_space<vmem>>
      %dma_start3A_232 = tpu.memref_squeeze %dma_start3A_231 : memref<1x128xi32, #tpu.memory_space<vmem>> -> memref<128xi32, #tpu.memory_space<vmem>>
      %dma_start3A_233 = arith.constant 0 : i32
      %dma_start3A_234 = arith.constant 0 : i32
      %dma_start3A_235 = tpu.memref_slice %arg2[%dma_start3A_233, %dma_start3A_234] : memref<10000x128xf32, #tpu.memory_space<hbm>> -> memref<10000x128xf32, #tpu.memory_space<hbm>>
      tpu.enqueue_indirect_dma source(%dma_start3A_235 : memref<10000x128xf32, #tpu.memory_space<hbm>>) target(%arg9 : memref<128x128xf32, #tpu.memory_space<vmem>>) offsets(%dma_start3A_232 : memref<128xi32, #tpu.memory_space<vmem>>) semaphore(%arg12 : memref<!tpu.dma_semaphore, #tpu.memory_space<semaphore_mem>>)
      %run_scoped3A_236 = arith.constant 9 : i32
      "tpu.region"() ({
        %run_scoped3A_278 = tpu.sem_alloc : memref<!tpu.dma_semaphore, #tpu.memory_space<semaphore_mem>>
        %dma_start3A_279 = arith.constant 0 : i32
        %dma_start3A_280 = tpu.memref_slice %arg7[%run_scoped3A_236, %dma_start3A_279] : memref<16x128xi32, #tpu.memory_space<vmem>> -> memref<1x128xi32, #tpu.memory_space<vmem>>
        %dma_start3A_281 = tpu.memref_squeeze %dma_start3A_280 : memref<1x128xi32, #tpu.memory_space<vmem>> -> memref<128xi32, #tpu.memory_space<vmem>>
        %dma_start3A_282 = arith.constant 0 : i32
        %dma_start3A_283 = arith.constant 0 : i32
        %dma_start3A_284 = tpu.memref_slice %arg10[%dma_start3A_282, %dma_start3A_283] : memref<10112x128xf32, #tpu.memory_space<vmem_shared>> -> memref<10112x128xf32, #tpu.memory_space<vmem_shared>>
        tpu.enqueue_indirect_dma source(%arg8 : memref<128x128xf32, #tpu.memory_space<vmem>>) target(%dma_start3A_284 : memref<10112x128xf32, #tpu.memory_space<vmem_shared>>) offsets(%dma_start3A_281 : memref<128xi32, #tpu.memory_space<vmem>>) semaphore(%run_scoped3A_278 : memref<!tpu.dma_semaphore, #tpu.memory_space<semaphore_mem>>) {add = true}
        %dma_wait3A_285 = arith.constant 0 : i32
        %dma_wait3A_286 = tpu.memref_slice %arg7[%run_scoped3A_236, %dma_wait3A_285] : memref<16x128xi32, #tpu.memory_space<vmem>> -> memref<1x128xi32, #tpu.memory_space<vmem>>
        %dma_wait3A_287 = tpu.memref_squeeze %dma_wait3A_286 : memref<1x128xi32, #tpu.memory_space<vmem>> -> memref<128xi32, #tpu.memory_space<vmem>>
        %dma_wait3A_288 = arith.constant 0 : i32
        %dma_wait3A_289 = arith.constant 0 : i32
        %dma_wait3A_290 = tpu.memref_slice %arg10[%dma_wait3A_288, %dma_wait3A_289] : memref<10112x128xf32, #tpu.memory_space<vmem_shared>> -> memref<10112x128xf32, #tpu.memory_space<vmem_shared>>
        tpu.wait_indirect_dma semaphore(%run_scoped3A_278 : memref<!tpu.dma_semaphore, #tpu.memory_space<semaphore_mem>>) src(%arg8 : memref<128x128xf32, #tpu.memory_space<vmem>>) dst(%dma_wait3A_290 : memref<10112x128xf32, #tpu.memory_space<vmem_shared>>)
        tpu.yield
      }) : () -> ()
      %dma_wait3A_237 = arith.constant 10 : i32
      %dma_wait3A_238 = arith.constant 0 : i32
      %dma_wait3A_239 = tpu.memref_slice %arg7[%dma_wait3A_237, %dma_wait3A_238] : memref<16x128xi32, #tpu.memory_space<vmem>> -> memref<1x128xi32, #tpu.memory_space<vmem>>
      %dma_wait3A_240 = tpu.memref_squeeze %dma_wait3A_239 : memref<1x128xi32, #tpu.memory_space<vmem>> -> memref<128xi32, #tpu.memory_space<vmem>>
      %dma_wait3A_241 = arith.constant 0 : i32
      %dma_wait3A_242 = arith.constant 0 : i32
      %dma_wait3A_243 = tpu.memref_slice %arg2[%dma_wait3A_241, %dma_wait3A_242] : memref<10000x128xf32, #tpu.memory_space<hbm>> -> memref<10000x128xf32, #tpu.memory_space<hbm>>
      tpu.wait_indirect_dma semaphore(%arg12 : memref<!tpu.dma_semaphore, #tpu.memory_space<semaphore_mem>>) src(%dma_wait3A_243 : memref<10000x128xf32, #tpu.memory_space<hbm>>) dst(%arg9 : memref<128x128xf32, #tpu.memory_space<vmem>>)
      %dma_start3A_244 = arith.constant 12 : i32
      %dma_start3A_245 = arith.constant 0 : i32
      %dma_start3A_246 = tpu.memref_slice %arg7[%dma_start3A_244, %dma_start3A_245] : memref<16x128xi32, #tpu.memory_space<vmem>> -> memref<1x128xi32, #tpu.memory_space<vmem>>
      %dma_start3A_247 = tpu.memref_squeeze %dma_start3A_246 : memref<1x128xi32, #tpu.memory_space<vmem>> -> memref<128xi32, #tpu.memory_space<vmem>>
      %dma_start3A_248 = arith.constant 0 : i32
      %dma_start3A_249 = arith.constant 0 : i32
      %dma_start3A_250 = tpu.memref_slice %arg2[%dma_start3A_248, %dma_start3A_249] : memref<10000x128xf32, #tpu.memory_space<hbm>> -> memref<10000x128xf32, #tpu.memory_space<hbm>>
      tpu.enqueue_indirect_dma source(%dma_start3A_250 : memref<10000x128xf32, #tpu.memory_space<hbm>>) target(%arg8 : memref<128x128xf32, #tpu.memory_space<vmem>>) offsets(%dma_start3A_247 : memref<128xi32, #tpu.memory_space<vmem>>) semaphore(%arg11 : memref<!tpu.dma_semaphore, #tpu.memory_space<semaphore_mem>>)
      %run_scoped3A_251 = arith.constant 11 : i32
      "tpu.region"() ({
        %run_scoped3A_278 = tpu.sem_alloc : memref<!tpu.dma_semaphore, #tpu.memory_space<semaphore_mem>>
        %dma_start3A_279 = arith.constant 0 : i32
        %dma_start3A_280 = tpu.memref_slice %arg7[%run_scoped3A_251, %dma_start3A_279] : memref<16x128xi32, #tpu.memory_space<vmem>> -> memref<1x128xi32, #tpu.memory_space<vmem>>
        %dma_start3A_281 = tpu.memref_squeeze %dma_start3A_280 : memref<1x128xi32, #tpu.memory_space<vmem>> -> memref<128xi32, #tpu.memory_space<vmem>>
        %dma_start3A_282 = arith.constant 0 : i32
        %dma_start3A_283 = arith.constant 0 : i32
        %dma_start3A_284 = tpu.memref_slice %arg10[%dma_start3A_282, %dma_start3A_283] : memref<10112x128xf32, #tpu.memory_space<vmem_shared>> -> memref<10112x128xf32, #tpu.memory_space<vmem_shared>>
        tpu.enqueue_indirect_dma source(%arg9 : memref<128x128xf32, #tpu.memory_space<vmem>>) target(%dma_start3A_284 : memref<10112x128xf32, #tpu.memory_space<vmem_shared>>) offsets(%dma_start3A_281 : memref<128xi32, #tpu.memory_space<vmem>>) semaphore(%run_scoped3A_278 : memref<!tpu.dma_semaphore, #tpu.memory_space<semaphore_mem>>) {add = true}
        %dma_wait3A_285 = arith.constant 0 : i32
        %dma_wait3A_286 = tpu.memref_slice %arg7[%run_scoped3A_251, %dma_wait3A_285] : memref<16x128xi32, #tpu.memory_space<vmem>> -> memref<1x128xi32, #tpu.memory_space<vmem>>
        %dma_wait3A_287 = tpu.memref_squeeze %dma_wait3A_286 : memref<1x128xi32, #tpu.memory_space<vmem>> -> memref<128xi32, #tpu.memory_space<vmem>>
        %dma_wait3A_288 = arith.constant 0 : i32
        %dma_wait3A_289 = arith.constant 0 : i32
        %dma_wait3A_290 = tpu.memref_slice %arg10[%dma_wait3A_288, %dma_wait3A_289] : memref<10112x128xf32, #tpu.memory_space<vmem_shared>> -> memref<10112x128xf32, #tpu.memory_space<vmem_shared>>
        tpu.wait_indirect_dma semaphore(%run_scoped3A_278 : memref<!tpu.dma_semaphore, #tpu.memory_space<semaphore_mem>>) src(%arg9 : memref<128x128xf32, #tpu.memory_space<vmem>>) dst(%dma_wait3A_290 : memref<10112x128xf32, #tpu.memory_space<vmem_shared>>)
        tpu.yield
      }) : () -> ()
      %dma_wait3A_252 = arith.constant 12 : i32
      %dma_wait3A_253 = arith.constant 0 : i32
      %dma_wait3A_254 = tpu.memref_slice %arg7[%dma_wait3A_252, %dma_wait3A_253] : memref<16x128xi32, #tpu.memory_space<vmem>> -> memref<1x128xi32, #tpu.memory_space<vmem>>
      %dma_wait3A_255 = tpu.memref_squeeze %dma_wait3A_254 : memref<1x128xi32, #tpu.memory_space<vmem>> -> memref<128xi32, #tpu.memory_space<vmem>>
      %dma_wait3A_256 = arith.constant 0 : i32
      %dma_wait3A_257 = arith.constant 0 : i32
      %dma_wait3A_258 = tpu.memref_slice %arg2[%dma_wait3A_256, %dma_wait3A_257] : memref<10000x128xf32, #tpu.memory_space<hbm>> -> memref<10000x128xf32, #tpu.memory_space<hbm>>
      tpu.wait_indirect_dma semaphore(%arg11 : memref<!tpu.dma_semaphore, #tpu.memory_space<semaphore_mem>>) src(%dma_wait3A_258 : memref<10000x128xf32, #tpu.memory_space<hbm>>) dst(%arg8 : memref<128x128xf32, #tpu.memory_space<vmem>>)
      %dma_start3A_259 = arith.constant 14 : i32
      %dma_start3A_260 = arith.constant 0 : i32
      %dma_start3A_261 = tpu.memref_slice %arg7[%dma_start3A_259, %dma_start3A_260] : memref<16x128xi32, #tpu.memory_space<vmem>> -> memref<1x128xi32, #tpu.memory_space<vmem>>
      %dma_start3A_262 = tpu.memref_squeeze %dma_start3A_261 : memref<1x128xi32, #tpu.memory_space<vmem>> -> memref<128xi32, #tpu.memory_space<vmem>>
      %dma_start3A_263 = arith.constant 0 : i32
      %dma_start3A_264 = arith.constant 0 : i32
      %dma_start3A_265 = tpu.memref_slice %arg2[%dma_start3A_263, %dma_start3A_264] : memref<10000x128xf32, #tpu.memory_space<hbm>> -> memref<10000x128xf32, #tpu.memory_space<hbm>>
      tpu.enqueue_indirect_dma source(%dma_start3A_265 : memref<10000x128xf32, #tpu.memory_space<hbm>>) target(%arg9 : memref<128x128xf32, #tpu.memory_space<vmem>>) offsets(%dma_start3A_262 : memref<128xi32, #tpu.memory_space<vmem>>) semaphore(%arg12 : memref<!tpu.dma_semaphore, #tpu.memory_space<semaphore_mem>>)
      %run_scoped3A_266 = arith.constant 13 : i32
      "tpu.region"() ({
        %run_scoped3A_278 = tpu.sem_alloc : memref<!tpu.dma_semaphore, #tpu.memory_space<semaphore_mem>>
        %dma_start3A_279 = arith.constant 0 : i32
        %dma_start3A_280 = tpu.memref_slice %arg7[%run_scoped3A_266, %dma_start3A_279] : memref<16x128xi32, #tpu.memory_space<vmem>> -> memref<1x128xi32, #tpu.memory_space<vmem>>
        %dma_start3A_281 = tpu.memref_squeeze %dma_start3A_280 : memref<1x128xi32, #tpu.memory_space<vmem>> -> memref<128xi32, #tpu.memory_space<vmem>>
        %dma_start3A_282 = arith.constant 0 : i32
        %dma_start3A_283 = arith.constant 0 : i32
        %dma_start3A_284 = tpu.memref_slice %arg10[%dma_start3A_282, %dma_start3A_283] : memref<10112x128xf32, #tpu.memory_space<vmem_shared>> -> memref<10112x128xf32, #tpu.memory_space<vmem_shared>>
        tpu.enqueue_indirect_dma source(%arg8 : memref<128x128xf32, #tpu.memory_space<vmem>>) target(%dma_start3A_284 : memref<10112x128xf32, #tpu.memory_space<vmem_shared>>) offsets(%dma_start3A_281 : memref<128xi32, #tpu.memory_space<vmem>>) semaphore(%run_scoped3A_278 : memref<!tpu.dma_semaphore, #tpu.memory_space<semaphore_mem>>) {add = true}
        %dma_wait3A_285 = arith.constant 0 : i32
        %dma_wait3A_286 = tpu.memref_slice %arg7[%run_scoped3A_266, %dma_wait3A_285] : memref<16x128xi32, #tpu.memory_space<vmem>> -> memref<1x128xi32, #tpu.memory_space<vmem>>
        %dma_wait3A_287 = tpu.memref_squeeze %dma_wait3A_286 : memref<1x128xi32, #tpu.memory_space<vmem>> -> memref<128xi32, #tpu.memory_space<vmem>>
        %dma_wait3A_288 = arith.constant 0 : i32
        %dma_wait3A_289 = arith.constant 0 : i32
        %dma_wait3A_290 = tpu.memref_slice %arg10[%dma_wait3A_288, %dma_wait3A_289] : memref<10112x128xf32, #tpu.memory_space<vmem_shared>> -> memref<10112x128xf32, #tpu.memory_space<vmem_shared>>
        tpu.wait_indirect_dma semaphore(%run_scoped3A_278 : memref<!tpu.dma_semaphore, #tpu.memory_space<semaphore_mem>>) src(%arg8 : memref<128x128xf32, #tpu.memory_space<vmem>>) dst(%dma_wait3A_290 : memref<10112x128xf32, #tpu.memory_space<vmem_shared>>)
        tpu.yield
      }) : () -> ()
      %dma_wait3A_267 = arith.constant 14 : i32
      %dma_wait3A_268 = arith.constant 0 : i32
      %dma_wait3A_269 = tpu.memref_slice %arg7[%dma_wait3A_267, %dma_wait3A_268] : memref<16x128xi32, #tpu.memory_space<vmem>> -> memref<1x128xi32, #tpu.memory_space<vmem>>
      %dma_wait3A_270 = tpu.memref_squeeze %dma_wait3A_269 : memref<1x128xi32, #tpu.memory_space<vmem>> -> memref<128xi32, #tpu.memory_space<vmem>>
      %dma_wait3A_271 = arith.constant 0 : i32
      %dma_wait3A_272 = arith.constant 0 : i32
      %dma_wait3A_273 = tpu.memref_slice %arg2[%dma_wait3A_271, %dma_wait3A_272] : memref<10000x128xf32, #tpu.memory_space<hbm>> -> memref<10000x128xf32, #tpu.memory_space<hbm>>
      tpu.wait_indirect_dma semaphore(%arg12 : memref<!tpu.dma_semaphore, #tpu.memory_space<semaphore_mem>>) src(%dma_wait3A_273 : memref<10000x128xf32, #tpu.memory_space<hbm>>) dst(%arg9 : memref<128x128xf32, #tpu.memory_space<vmem>>)
      %convert_element_type3A_274 = arith.extui %lt3A_156 : i1 to i32
      %cond3A_275 = arith.constant 0 : i32
      %cond3A_276 = arith.cmpi ne, %convert_element_type3A_274, %cond3A_275 : i32
      scf.if %cond3A_276 {
        %mul3A_278 = arith.constant 2 : i32
        %mul3A_279 = arith.muli %add3A_161, %mul3A_278 : i32
        %mul3A_280 = arith.constant 8 : i32
        %mul3A_281 = arith.muli %mul3A_279, %mul3A_280 : i32
        %dma_wait3A_282 = arith.constant 0 : i32
        %dma_wait3A_283 = tpu.memref_slice %arg3[%add3A, %mul3A_281, %dma_wait3A_282] : memref<32x320x128xi32, #tpu.memory_space<hbm>> -> memref<1x16x128xi32, #tpu.memory_space<hbm>>
        %dma_wait3A_284 = tpu.memref_squeeze %dma_wait3A_283 : memref<1x16x128xi32, #tpu.memory_space<hbm>> -> memref<16x128xi32, #tpu.memory_space<hbm>>
        %dma_wait3A_285 = arith.constant 0 : i32
        %dma_wait3A_286 = tpu.memref_slice %arg3[%add3A, %mul3A_281, %dma_wait3A_285] : memref<32x320x128xi32, #tpu.memory_space<hbm>> -> memref<1x16x128xi32, #tpu.memory_space<hbm>>
        %dma_wait3A_287 = tpu.memref_squeeze %dma_wait3A_286 : memref<1x16x128xi32, #tpu.memory_space<hbm>> -> memref<16x128xi32, #tpu.memory_space<hbm>>
        tpu.wait_dma2 semaphore(%arg13 : memref<!tpu.dma_semaphore, #tpu.memory_space<semaphore_mem>>) src(%dma_wait3A_287 : memref<16x128xi32, #tpu.memory_space<hbm>>) dst(%arg6 : memref<16x128xi32, #tpu.memory_space<vmem>>)
        %dma_start3A_288 = arith.constant 0 : i32
        %dma_start3A_289 = arith.constant 0 : i32
        %dma_start3A_290 = tpu.memref_slice %arg6[%dma_start3A_288, %dma_start3A_289] : memref<16x128xi32, #tpu.memory_space<vmem>> -> memref<1x128xi32, #tpu.memory_space<vmem>>
        %dma_start3A_291 = tpu.memref_squeeze %dma_start3A_290 : memref<1x128xi32, #tpu.memory_space<vmem>> -> memref<128xi32, #tpu.memory_space<vmem>>
        %dma_start3A_292 = arith.constant 0 : i32
        %dma_start3A_293 = arith.constant 0 : i32
        %dma_start3A_294 = tpu.memref_slice %arg2[%dma_start3A_292, %dma_start3A_293] : memref<10000x128xf32, #tpu.memory_space<hbm>> -> memref<10000x128xf32, #tpu.memory_space<hbm>>
        tpu.enqueue_indirect_dma source(%dma_start3A_294 : memref<10000x128xf32, #tpu.memory_space<hbm>>) target(%arg8 : memref<128x128xf32, #tpu.memory_space<vmem>>) offsets(%dma_start3A_291 : memref<128xi32, #tpu.memory_space<vmem>>) semaphore(%arg11 : memref<!tpu.dma_semaphore, #tpu.memory_space<semaphore_mem>>)
      } else {
      }
      %run_scoped3A_277 = arith.constant 15 : i32
      "tpu.region"() ({
        %run_scoped3A_278 = tpu.sem_alloc : memref<!tpu.dma_semaphore, #tpu.memory_space<semaphore_mem>>
        %dma_start3A_279 = arith.constant 0 : i32
        %dma_start3A_280 = tpu.memref_slice %arg7[%run_scoped3A_277, %dma_start3A_279] : memref<16x128xi32, #tpu.memory_space<vmem>> -> memref<1x128xi32, #tpu.memory_space<vmem>>
        %dma_start3A_281 = tpu.memref_squeeze %dma_start3A_280 : memref<1x128xi32, #tpu.memory_space<vmem>> -> memref<128xi32, #tpu.memory_space<vmem>>
        %dma_start3A_282 = arith.constant 0 : i32
        %dma_start3A_283 = arith.constant 0 : i32
        %dma_start3A_284 = tpu.memref_slice %arg10[%dma_start3A_282, %dma_start3A_283] : memref<10112x128xf32, #tpu.memory_space<vmem_shared>> -> memref<10112x128xf32, #tpu.memory_space<vmem_shared>>
        tpu.enqueue_indirect_dma source(%arg9 : memref<128x128xf32, #tpu.memory_space<vmem>>) target(%dma_start3A_284 : memref<10112x128xf32, #tpu.memory_space<vmem_shared>>) offsets(%dma_start3A_281 : memref<128xi32, #tpu.memory_space<vmem>>) semaphore(%run_scoped3A_278 : memref<!tpu.dma_semaphore, #tpu.memory_space<semaphore_mem>>) {add = true}
        %dma_wait3A_285 = arith.constant 0 : i32
        %dma_wait3A_286 = tpu.memref_slice %arg7[%run_scoped3A_277, %dma_wait3A_285] : memref<16x128xi32, #tpu.memory_space<vmem>> -> memref<1x128xi32, #tpu.memory_space<vmem>>
        %dma_wait3A_287 = tpu.memref_squeeze %dma_wait3A_286 : memref<1x128xi32, #tpu.memory_space<vmem>> -> memref<128xi32, #tpu.memory_space<vmem>>
        %dma_wait3A_288 = arith.constant 0 : i32
        %dma_wait3A_289 = arith.constant 0 : i32
        %dma_wait3A_290 = tpu.memref_slice %arg10[%dma_wait3A_288, %dma_wait3A_289] : memref<10112x128xf32, #tpu.memory_space<vmem_shared>> -> memref<10112x128xf32, #tpu.memory_space<vmem_shared>>
        tpu.wait_indirect_dma semaphore(%run_scoped3A_278 : memref<!tpu.dma_semaphore, #tpu.memory_space<semaphore_mem>>) src(%arg9 : memref<128x128xf32, #tpu.memory_space<vmem>>) dst(%dma_wait3A_290 : memref<10112x128xf32, #tpu.memory_space<vmem_shared>>)
        tpu.yield
      }) : () -> ()
    }
    %scan3A_15 = arith.constant 10 : i32
    %barrier3A_16 = arith.constant 0 : index
    tpu.barrier barrier_id(%barrier3A_16)
    %mul3A_17 = arith.constant 632 : i32
    %mul3A_18 = arith.muli %arg1, %mul3A_17 : i32
    %mul3A_19 = arith.constant 632 : i32
    %mul3A_20 = arith.muli %arg1, %mul3A_19 : i32
    "tpu.region"() ({
      %run_scoped3A = tpu.sem_alloc : memref<!tpu.dma_semaphore, #tpu.memory_space<semaphore_mem>>
      %dma_start3A_21 = arith.constant 0 : i32
      %dma_start3A_22 = tpu.memref_slice %arg5[%arg0, %mul3A_20, %dma_start3A_21] : memref<2x10112x128xf32, #tpu.memory_space<hbm>> -> memref<1x632x128xf32, #tpu.memory_space<hbm>>
      %dma_start3A_23 = tpu.memref_squeeze %dma_start3A_22 : memref<1x632x128xf32, #tpu.memory_space<hbm>> -> memref<632x128xf32, #tpu.memory_space<hbm>>
      %dma_start3A_24 = arith.constant 0 : i32
      %dma_start3A_25 = tpu.memref_slice %arg10[%mul3A_18, %dma_start3A_24] : memref<10112x128xf32, #tpu.memory_space<vmem_shared>> -> memref<632x128xf32, #tpu.memory_space<vmem_shared>>
      tpu.enqueue_dma source(%dma_start3A_25 : memref<632x128xf32, #tpu.memory_space<vmem_shared>>) target(%dma_start3A_23 : memref<632x128xf32, #tpu.memory_space<hbm>>) target_semaphore(%run_scoped3A : memref<!tpu.dma_semaphore, #tpu.memory_space<semaphore_mem>>)
      %dma_wait3A = arith.constant 0 : i32
      %dma_wait3A_26 = tpu.memref_slice %arg5[%arg0, %mul3A_20, %dma_wait3A] : memref<2x10112x128xf32, #tpu.memory_space<hbm>> -> memref<1x632x128xf32, #tpu.memory_space<hbm>>
      %dma_wait3A_27 = tpu.memref_squeeze %dma_wait3A_26 : memref<1x632x128xf32, #tpu.memory_space<hbm>> -> memref<632x128xf32, #tpu.memory_space<hbm>>
      %dma_wait3A_28 = arith.constant 0 : i32
      %dma_wait3A_29 = tpu.memref_slice %arg10[%mul3A_18, %dma_wait3A_28] : memref<10112x128xf32, #tpu.memory_space<vmem_shared>> -> memref<632x128xf32, #tpu.memory_space<vmem_shared>>
      tpu.wait_dma2 semaphore(%run_scoped3A : memref<!tpu.dma_semaphore, #tpu.memory_space<semaphore_mem>>) src(%dma_wait3A_29 : memref<632x128xf32, #tpu.memory_space<vmem_shared>>) dst(%dma_wait3A_27 : memref<632x128xf32, #tpu.memory_space<hbm>>)
      tpu.yield
    }) : () -> ()
    return
  }
}

module attributes {stable_mosaic.version = 14 : i64} {
  func.func @_scale_body(%arg0: i32, %arg1: memref<1000x128xf32, #tpu.memory_space<vmem>>, %arg2: memref<2x1000x8xf32, #tpu.memory_space<vmem>>, %arg3: memref<1000x128xf32, #tpu.memory_space<vmem>>) attributes {dimension_semantics = [#tpu.dimension_semantics<arbitrary>], iteration_bounds = array<i64: 10>, scalar_prefetch = 0 : i64, scratch_operands = 0 : i64, tpu.core_type = #tpu.core_type<tc>, window_params = [{transform_indices = @transform_0, window_bounds = array<i64: 1000, 128>}, {transform_indices = @transform_1, window_bounds = array<i64: 2, 1000, 8>}, {transform_indices = @transform_2, window_bounds = array<i64: 1000, 128>}]} {
    %get3A = arith.constant 0 : index
    %get3A_0 = arith.constant 0 : index
    %get3A_1 = arith.constant 0 : index
    %get3A_2 = vector.load %arg2[%get3A, %get3A_0, %get3A_1] : memref<2x1000x8xf32, #tpu.memory_space<vmem>>, vector<1x1000x1xf32>
    %get3A_3 = vector.shape_cast %get3A_2 : vector<1x1000x1xf32> to vector<1000x1xf32>
    %get3A_4 = arith.constant 1 : index
    %get3A_5 = arith.constant 0 : index
    %get3A_6 = arith.constant 0 : index
    %get3A_7 = vector.load %arg2[%get3A_4, %get3A_5, %get3A_6] : memref<2x1000x8xf32, #tpu.memory_space<vmem>>, vector<1x1000x1xf32>
    %get3A_8 = vector.shape_cast %get3A_7 : vector<1x1000x1xf32> to vector<1000x1xf32>
    %add3A = arith.addf %get3A_3, %get3A_8 : vector<1000x1xf32>
    %add3A_9 = arith.constant 1.000000e+00 : f32
    %add3A_10 = vector.broadcast %add3A_9 : f32 to vector<1000x1xf32>
    %add3A_11 = arith.addf %add3A, %add3A_10 : vector<1000x1xf32>
    %rsqrt3A = math.rsqrt %add3A_11 : vector<1000x1xf32>
    %get3A_12 = arith.constant 0 : index
    %get3A_13 = arith.constant 0 : index
    %get3A_14 = vector.load %arg1[%get3A_12, %get3A_13] : memref<1000x128xf32, #tpu.memory_space<vmem>>, vector<1000x128xf32>
    %mul3A = vector.broadcast %rsqrt3A : vector<1000x1xf32> to vector<1000x128xf32>
    %mul3A_15 = arith.mulf %get3A_14, %mul3A : vector<1000x128xf32>
    %swap3A = arith.constant 0 : index
    %swap3A_16 = arith.constant 0 : index
    %swap3A_17 = vector.load %arg3[%swap3A, %swap3A_16] : memref<1000x128xf32, #tpu.memory_space<vmem>>, vector<1000x128xf32>
    tpu.vector_store %arg3[%swap3A, %swap3A_16], %mul3A_15 {strides = array<i32>} : memref<1000x128xf32, #tpu.memory_space<vmem>>, vector<1000x128xf32>,
    return
  }
  func.func @transform_0(%arg0: i32) -> (i32, i32) {
    %c0_i32 = arith.constant 0 : i32
    %c0_i32_0 = arith.constant 0 : i32
    return %arg0, %c0_i32 : i32, i32
  }
  func.func @transform_1(%arg0: i32) -> (i32, i32, i32) {
    %c0_i32 = arith.constant 0 : i32
    %c0_i32_0 = arith.constant 0 : i32
    %c0_i32_1 = arith.constant 0 : i32
    return %c0_i32, %arg0, %c0_i32_0 : i32, i32, i32
  }
  func.func @transform_2(%arg0: i32) -> (i32, i32) {
    %c0_i32 = arith.constant 0 : i32
    %c0_i32_0 = arith.constant 0 : i32
    return %arg0, %c0_i32 : i32, i32
  }
}

module attributes {stable_mosaic.version = 14 : i64} {
  func.func @_fused_body(%arg0: i32, %arg1: memref<2x1000x128xf32, #tpu.memory_space<vmem>>, %arg2: memref<2x1000x8xf32, #tpu.memory_space<vmem>>, %arg3: memref<1000x128xf32, #tpu.memory_space<vmem>>, %arg4: memref<128x256xf32, #tpu.memory_space<vmem>>, %arg5: memref<1x256xf32, #tpu.memory_space<vmem>>, %arg6: memref<1000x128xf32, #tpu.memory_space<vmem>>, %arg7: memref<128x128xf32, #tpu.memory_space<vmem>>) attributes {dimension_semantics = [#tpu.dimension_semantics<arbitrary>], iteration_bounds = array<i64: 10>, scalar_prefetch = 0 : i64, scratch_operands = 0 : i64, tpu.core_type = #tpu.core_type<tc>, window_params = [{transform_indices = @transform_0, window_bounds = array<i64: 2, 1000, 128>}, {transform_indices = @transform_1, window_bounds = array<i64: 2, 1000, 8>}, {transform_indices = @transform_2, window_bounds = array<i64: 1000, 128>}, {pipeline_mode = #tpu.pipeline_mode<synchronous>, transform_indices = @transform_3, window_bounds = array<i64: 128, 256>}, {pipeline_mode = #tpu.pipeline_mode<synchronous>, transform_indices = @transform_4, window_bounds = array<i64: 1, 256>}, {transform_indices = @transform_5, window_bounds = array<i64: 1000, 128>}, {pipeline_mode = #tpu.pipeline_mode<synchronous>, transform_indices = @transform_6, window_bounds = array<i64: 128, 128>}]} {
    %get3A = arith.constant 0 : index
    %get3A_0 = arith.constant 0 : index
    %get3A_1 = arith.constant 0 : index
    %get3A_2 = vector.load %arg2[%get3A, %get3A_0, %get3A_1] : memref<2x1000x8xf32, #tpu.memory_space<vmem>>, vector<1x1000x1xf32>
    %get3A_3 = vector.shape_cast %get3A_2 : vector<1x1000x1xf32> to vector<1000x1xf32>
    %get3A_4 = arith.constant 1 : index
    %get3A_5 = arith.constant 0 : index
    %get3A_6 = arith.constant 0 : index
    %get3A_7 = vector.load %arg2[%get3A_4, %get3A_5, %get3A_6] : memref<2x1000x8xf32, #tpu.memory_space<vmem>>, vector<1x1000x1xf32>
    %get3A_8 = vector.shape_cast %get3A_7 : vector<1x1000x1xf32> to vector<1000x1xf32>
    %add3A = arith.addf %get3A_3, %get3A_8 : vector<1000x1xf32>
    %add3A_9 = arith.constant 1.000000e+00 : f32
    %add3A_10 = vector.broadcast %add3A_9 : f32 to vector<1000x1xf32>
    %add3A_11 = arith.addf %add3A, %add3A_10 : vector<1000x1xf32>
    %rsqrt3A = math.rsqrt %add3A_11 : vector<1000x1xf32>
    %get3A_12 = arith.constant 0 : index
    %get3A_13 = arith.constant 0 : index
    %get3A_14 = arith.constant 0 : index
    %get3A_15 = vector.load %arg1[%get3A_12, %get3A_13, %get3A_14] : memref<2x1000x128xf32, #tpu.memory_space<vmem>>, vector<1x1000x128xf32>
    %get3A_16 = vector.shape_cast %get3A_15 : vector<1x1000x128xf32> to vector<1000x128xf32>
    %get3A_17 = arith.constant 1 : index
    %get3A_18 = arith.constant 0 : index
    %get3A_19 = arith.constant 0 : index
    %get3A_20 = vector.load %arg1[%get3A_17, %get3A_18, %get3A_19] : memref<2x1000x128xf32, #tpu.memory_space<vmem>>, vector<1x1000x128xf32>
    %get3A_21 = vector.shape_cast %get3A_20 : vector<1x1000x128xf32> to vector<1000x128xf32>
    %add3A_22 = arith.addf %get3A_16, %get3A_21 : vector<1000x128xf32>
    %mul3A = vector.broadcast %rsqrt3A : vector<1000x1xf32> to vector<1000x128xf32>
    %mul3A_23 = arith.mulf %mul3A, %add3A_22 : vector<1000x128xf32>
    %mul3A_24 = arith.mulf %rsqrt3A, %rsqrt3A : vector<1000x1xf32>
    %get3A_25 = arith.constant 0 : index
    %get3A_26 = arith.constant 0 : index
    %get3A_27 = vector.load %arg3[%get3A_25, %get3A_26] : memref<1000x128xf32, #tpu.memory_space<vmem>>, vector<1000x128xf32>
    %mul3A_28 = vector.broadcast %mul3A_24 : vector<1000x1xf32> to vector<1000x128xf32>
    %mul3A_29 = arith.mulf %mul3A_28, %get3A_27 : vector<1000x128xf32>
    %add3A_30 = arith.addf %mul3A_23, %mul3A_29 : vector<1000x128xf32>
    %get3A_31 = arith.constant 0 : index
    %get3A_32 = arith.constant 0 : index
    %get3A_33 = vector.load %arg4[%get3A_31, %get3A_32] : memref<128x256xf32, #tpu.memory_space<vmem>>, vector<128x256xf32>
    %dot_general3A = arith.constant dense<0.000000e+00> : vector<1000x256xf32>
    %dot_general3A_34 = tpu.matmul %add3A_30, %get3A_33, %dot_general3A {dimension_numbers = #tpu.dot_dimension_numbers<[1], [0], [0], [1], [0, 0, 1, 1], [], []>, transpose_lhs_hint = false} : vector<1000x128xf32>, vector<128x256xf32>, vector<1000x256xf32> -> vector<1000x256xf32>
    %get3A_35 = arith.constant 0 : index
    %get3A_36 = arith.constant 0 : index
    %get3A_37 = vector.load %arg5[%get3A_35, %get3A_36] : memref<1x256xf32, #tpu.memory_space<vmem>>, vector<1x256xf32>
    %add3A_38 = vector.broadcast %get3A_37 : vector<1x256xf32> to vector<1000x256xf32>
    %add3A_39 = arith.addf %dot_general3A_34, %add3A_38 : vector<1000x256xf32>
    %slice3A = vector.extract_strided_slice %add3A_39 {offsets = [0, 0], sizes = [1000, 128], strides = [1, 1]} : vector<1000x256xf32> to vector<1000x128xf32>
    %max3A = arith.constant 0.000000e+00 : f32
    %max3A_40 = vector.broadcast %max3A : f32 to vector<1000x128xf32>
    %max3A_41 = arith.maximumf %slice3A, %max3A_40 : vector<1000x128xf32>
    %slice3A_42 = vector.extract_strided_slice %add3A_39 {offsets = [0, 128], sizes = [1000, 128], strides = [1, 1]} : vector<1000x256xf32> to vector<1000x128xf32>
    %reduce_max3A = arith.constant dense<0xFF800000> : vector<1000xf32>
    %reduce_max3A_43 = vector.multi_reduction <maximumf>, %slice3A_42, %reduce_max3A [1] : vector<1000x128xf32> to vector<1000xf32>
    %broadcast_in_dim3A = vector.shape_cast %reduce_max3A_43 : vector<1000xf32> to vector<1000x1xf32>
    %sub3A = vector.broadcast %broadcast_in_dim3A : vector<1000x1xf32> to vector<1000x128xf32>
    %sub3A_44 = arith.subf %slice3A_42, %sub3A : vector<1000x128xf32>
    %exp3A = math.exp %sub3A_44 : vector<1000x128xf32>
    %reduce_sum3A = arith.constant dense<0.000000e+00> : vector<1000xf32>
    %reduce_sum3A_45 = vector.multi_reduction <add>, %exp3A, %reduce_sum3A [1] : vector<1000x128xf32> to vector<1000xf32>
    %broadcast_in_dim3A_46 = vector.shape_cast %reduce_sum3A_45 : vector<1000xf32> to vector<1000x1xf32>
    %div3A = vector.broadcast %broadcast_in_dim3A_46 : vector<1000x1xf32> to vector<1000x128xf32>
    %div3A_47 = arith.divf %exp3A, %div3A : vector<1000x128xf32>
    %swap3A = arith.constant 0 : index
    %swap3A_48 = arith.constant 0 : index
    %swap3A_49 = vector.load %arg6[%swap3A, %swap3A_48] : memref<1000x128xf32, #tpu.memory_space<vmem>>, vector<1000x128xf32>
    tpu.vector_store %arg6[%swap3A, %swap3A_48], %div3A_47 {strides = array<i32>} : memref<1000x128xf32, #tpu.memory_space<vmem>>, vector<1000x128xf32>,
    %eq3A = arith.constant 0 : i32
    %eq3A_50 = arith.cmpi eq, %arg0, %eq3A : i32
    %convert_element_type3A = arith.extui %eq3A_50 : i1 to i32
    %cond3A = arith.constant 0 : i32
    %cond3A_51 = arith.cmpi ne, %convert_element_type3A, %cond3A : i32
    scf.if %cond3A_51 {
      %broadcast_in_dim3A_61 = arith.constant 0.000000e+00 : f32
      %broadcast_in_dim3A_62 = vector.broadcast %broadcast_in_dim3A_61 : f32 to vector<128x128xf32>
      %swap3A_63 = arith.constant 0 : index
      %swap3A_64 = arith.constant 0 : index
      %swap3A_65 = vector.load %arg7[%swap3A_63, %swap3A_64] : memref<128x128xf32, #tpu.memory_space<vmem>>, vector<128x128xf32>
      tpu.vector_store %arg7[%swap3A_63, %swap3A_64], %broadcast_in_dim3A_62 {strides = array<i32>} : memref<128x128xf32, #tpu.memory_space<vmem>>, vector<128x128xf32>,
    } else {
    }
    %get3A_52 = arith.constant 0 : index
    %get3A_53 = arith.constant 0 : index
    %get3A_54 = vector.load %arg7[%get3A_52, %get3A_53] : memref<128x128xf32, #tpu.memory_space<vmem>>, vector<128x128xf32>
    %dot_general3A_55 = arith.constant dense<0.000000e+00> : vector<128x128xf32>
    %dot_general3A_56 = tpu.matmul %div3A_47, %max3A_41, %dot_general3A_55 {dimension_numbers = #tpu.dot_dimension_numbers<[0], [0], [1], [1], [0, 1, 1, 1], [], []>, transpose_lhs_hint = false} : vector<1000x128xf32>, vector<1000x128xf32>, vector<128x128xf32> -> vector<128x128xf32>
    %add3A_57 = arith.addf %get3A_54, %dot_general3A_56 : vector<128x128xf32>
    %swap3A_58 = arith.constant 0 : index
    %swap3A_59 = arith.constant 0 : index
    %swap3A_60 = vector.load %arg7[%swap3A_58, %swap3A_59] : memref<128x128xf32, #tpu.memory_space<vmem>>, vector<128x128xf32>
    tpu.vector_store %arg7[%swap3A_58, %swap3A_59], %add3A_57 {strides = array<i32>} : memref<128x128xf32, #tpu.memory_space<vmem>>, vector<128x128xf32>,
    return
  }
  func.func @transform_0(%arg0: i32) -> (i32, i32, i32) {
    %c0_i32 = arith.constant 0 : i32
    %c0_i32_0 = arith.constant 0 : i32
    %c0_i32_1 = arith.constant 0 : i32
    return %c0_i32, %arg0, %c0_i32_0 : i32, i32, i32
  }
  func.func @transform_1(%arg0: i32) -> (i32, i32, i32) {
    %c0_i32 = arith.constant 0 : i32
    %c0_i32_0 = arith.constant 0 : i32
    %c0_i32_1 = arith.constant 0 : i32
    return %c0_i32, %arg0, %c0_i32_0 : i32, i32, i32
  }
  func.func @transform_2(%arg0: i32) -> (i32, i32) {
    %c0_i32 = arith.constant 0 : i32
    %c0_i32_0 = arith.constant 0 : i32
    return %arg0, %c0_i32 : i32, i32
  }
  func.func @transform_3(%arg0: i32) -> (i32, i32) {
    %c0_i32 = arith.constant 0 : i32
    %c0_i32_0 = arith.constant 0 : i32
    %c0_i32_1 = arith.constant 0 : i32
    return %c0_i32, %c0_i32_0 : i32, i32
  }
  func.func @transform_4(%arg0: i32) -> (i32, i32) {
    %c0_i32 = arith.constant 0 : i32
    %c0_i32_0 = arith.constant 0 : i32
    %c0_i32_1 = arith.constant 0 : i32
    return %c0_i32, %c0_i32_0 : i32, i32
  }
  func.func @transform_5(%arg0: i32) -> (i32, i32) {
    %c0_i32 = arith.constant 0 : i32
    %c0_i32_0 = arith.constant 0 : i32
    return %arg0, %c0_i32 : i32, i32
  }
  func.func @transform_6(%arg0: i32) -> (i32, i32) {
    %c0_i32 = arith.constant 0 : i32
    %c0_i32_0 = arith.constant 0 : i32
    %c0_i32_1 = arith.constant 0 : i32
    return %c0_i32, %c0_i32_0 : i32, i32
  }
}

module attributes {stable_mosaic.version = 14 : i64} {
  func.func @_mm_body(%arg0: i32, %arg1: memref<1000x128xf32, #tpu.memory_space<vmem>>, %arg2: memref<2x1000x128xf32, #tpu.memory_space<vmem>>, %arg3: memref<128x128xf32, #tpu.memory_space<vmem>>) attributes {dimension_semantics = [#tpu.dimension_semantics<arbitrary>], iteration_bounds = array<i64: 10>, scalar_prefetch = 0 : i64, scratch_operands = 0 : i64, tpu.core_type = #tpu.core_type<tc>, window_params = [{transform_indices = @transform_0, window_bounds = array<i64: 1000, 128>}, {transform_indices = @transform_1, window_bounds = array<i64: 2, 1000, 128>}, {pipeline_mode = #tpu.pipeline_mode<synchronous>, transform_indices = @transform_2, window_bounds = array<i64: 128, 128>}]} {
    %eq3A = arith.constant 0 : i32
    %eq3A_0 = arith.cmpi eq, %arg0, %eq3A : i32
    %convert_element_type3A = arith.extui %eq3A_0 : i1 to i32
    %cond3A = arith.constant 0 : i32
    %cond3A_1 = arith.cmpi ne, %convert_element_type3A, %cond3A : i32
    scf.if %cond3A_1 {
      %broadcast_in_dim3A = arith.constant 0.000000e+00 : f32
      %broadcast_in_dim3A_21 = vector.broadcast %broadcast_in_dim3A : f32 to vector<128x128xf32>
      %swap3A_22 = arith.constant 0 : index
      %swap3A_23 = arith.constant 0 : index
      %swap3A_24 = vector.load %arg3[%swap3A_22, %swap3A_23] : memref<128x128xf32, #tpu.memory_space<vmem>>, vector<128x128xf32>
      tpu.vector_store %arg3[%swap3A_22, %swap3A_23], %broadcast_in_dim3A_21 {strides = array<i32>} : memref<128x128xf32, #tpu.memory_space<vmem>>, vector<128x128xf32>,
    } else {
    }
    %get3A = arith.constant 0 : index
    %get3A_2 = arith.constant 0 : index
    %get3A_3 = arith.constant 0 : index
    %get3A_4 = vector.load %arg2[%get3A, %get3A_2, %get3A_3] : memref<2x1000x128xf32, #tpu.memory_space<vmem>>, vector<1x1000x128xf32>
    %get3A_5 = vector.shape_cast %get3A_4 : vector<1x1000x128xf32> to vector<1000x128xf32>
    %get3A_6 = arith.constant 1 : index
    %get3A_7 = arith.constant 0 : index
    %get3A_8 = arith.constant 0 : index
    %get3A_9 = vector.load %arg2[%get3A_6, %get3A_7, %get3A_8] : memref<2x1000x128xf32, #tpu.memory_space<vmem>>, vector<1x1000x128xf32>
    %get3A_10 = vector.shape_cast %get3A_9 : vector<1x1000x128xf32> to vector<1000x128xf32>
    %add3A = arith.addf %get3A_5, %get3A_10 : vector<1000x128xf32>
    %get3A_11 = arith.constant 0 : index
    %get3A_12 = arith.constant 0 : index
    %get3A_13 = vector.load %arg3[%get3A_11, %get3A_12] : memref<128x128xf32, #tpu.memory_space<vmem>>, vector<128x128xf32>
    %get3A_14 = arith.constant 0 : index
    %get3A_15 = arith.constant 0 : index
    %get3A_16 = vector.load %arg1[%get3A_14, %get3A_15] : memref<1000x128xf32, #tpu.memory_space<vmem>>, vector<1000x128xf32>
    %dot_general3A = arith.constant dense<0.000000e+00> : vector<128x128xf32>
    %dot_general3A_17 = tpu.matmul %get3A_16, %add3A, %dot_general3A {dimension_numbers = #tpu.dot_dimension_numbers<[0], [0], [1], [1], [0, 1, 1, 1], [], []>, transpose_lhs_hint = false} : vector<1000x128xf32>, vector<1000x128xf32>, vector<128x128xf32> -> vector<128x128xf32>
    %add3A_18 = arith.addf %get3A_13, %dot_general3A_17 : vector<128x128xf32>
    %swap3A = arith.constant 0 : index
    %swap3A_19 = arith.constant 0 : index
    %swap3A_20 = vector.load %arg3[%swap3A, %swap3A_19] : memref<128x128xf32, #tpu.memory_space<vmem>>, vector<128x128xf32>
    tpu.vector_store %arg3[%swap3A, %swap3A_19], %add3A_18 {strides = array<i32>} : memref<128x128xf32, #tpu.memory_space<vmem>>, vector<128x128xf32>,
    return
  }
  func.func @transform_0(%arg0: i32) -> (i32, i32) {
    %c0_i32 = arith.constant 0 : i32
    %c0_i32_0 = arith.constant 0 : i32
    return %arg0, %c0_i32 : i32, i32
  }
  func.func @transform_1(%arg0: i32) -> (i32, i32, i32) {
    %c0_i32 = arith.constant 0 : i32
    %c0_i32_0 = arith.constant 0 : i32
    %c0_i32_1 = arith.constant 0 : i32
    return %c0_i32, %arg0, %c0_i32_0 : i32, i32, i32
  }
  func.func @transform_2(%arg0: i32) -> (i32, i32) {
    %c0_i32 = arith.constant 0 : i32
    %c0_i32_0 = arith.constant 0 : i32
    %c0_i32_1 = arith.constant 0 : i32
    return %c0_i32, %c0_i32_0 : i32, i32
  }
}

</mosaic_0001>

<sc_bundles>
// kernel: kernel.11.cloned.1.call-start
scs
__scs_entry_jumppad:
0x0: {  	(pc) =	sbr.rel $0x88, $3  }
0x1: {  	(tag) =	ssettag $0x0;
	lr =	simm.s32 $0x1  }
0x2: {  	[smem:$0x3F9B] =	sst lr;
	_ =	strace $0xD0000000  }
0x3: {  	_ = 	snop  }
0x4: {  	_ = 	snop  }
0x5: {  	_ = 	snop  }
0x6: {  	_ = 	snop  }
0x7: {  	_ = 	snop  }
__scs_overlays_trampoline_lowered:
0x8: {  	[smem:$0x3FAA] =	sst s0  }
0x9: {  	[smem:$0x3FAB] =	sst s1  }
0xa: {  	[smem:$0x3FAC] =	sst s2  }
0xb: {  	[smem:$0x3FAD] =	sst s3  }
0xc: {  	[smem:$0x3FAE] =	sst s4  }
0xd: {  	[smem:$0x3FAF] =	sst s5  }
0xe: {  	[smem:$0x3FB0] =	sst s6  }
0xf: {  	[smem:$0x3FB1] =	sst s7  }
0x10: {  	[smem:$0x3FB2] =	sst s8  }
0x11: {  	[smem:$0x3FB3] =	sst s9;
	s0 =	simm.s32 @!p0 $0x0  }
0x12: {  	s1 =	sld [smem:$0x3F99];
	s0 =	simm.s32 @p0 $0x1  }
0x13: {  	[smem:$0x3FB4] =	sst s0;
	s0 =	simm.s32 @!p1 $0x0  }
0x14: {  	s2 =	sld [smem:$0x3F98];
	s0 =	simm.s32 @p1 $0x1  }
0x15: {  	[smem:$0x3FB5] =	sst s0;
	s0 =	simm.s32 @!p2 $0x0  }
0x16: {  	s3 =	sld [smem:$0x3FDB];
	s0 =	simm.s32 @p2 $0x1  }
0x17: {  	s4 =	simm.s32 $0x1BF5;
	[smem:$0x3FB7] =	sst s0  }
0x18: {  	s0 =	sld [smem:$0x3F9A];
	_ =	swait.ge [sflag:s4], $0x0  }
0x19: {  	s7 =	sld [smem:$0x3F9B]  }
0x1a: {  	s8 =	sadd.s32 $0xFFFFE003, lr  }
0x1b: {  	s9 =	sadd.s32 $0xFFFFFEF7, lr;
	s5 =	simm.s32 $0xFFFFFFFF;
	p2 =	slt.u32 s8, $0xFFFFF086  }
0x1c: {  	p1 =	slt.u32 s9, $0xF7A;
	s5 =	simm.s32 @!p2 $0x0  }
0x1d: {  	s5 =	simm.s32 @p1 $0x1;
	p0 =	seq.s32 s7, s2  }
0x1e: {  	s7 =	smul.u32 @!p0 $0xF7A, s2;
	p2 =	seq.s32 @!p0 s5, $0x0  }
0x1f: {  	s9 =	smul.u32 $0xF7A, s1;
	s8 =	simm.s32 @!p0 $0x1BF5;
	p2 =	por !p2, p0  }
0x20: {  	[sflag:s8] =	ssyncset.s32 @!p0 $0xFFFFF086;
	s6 =	sadd.s32 @!p0 s3, s7;
	s7 =	simm.s32 @!p0 $0x108  }
0x21: {  	s3 =	sadd.s32 s3, s9;
	s6 =	sadd.s32 @!p0 $0x88, s6;
	s7 =	simm.s32 @p2 $0x1082  }
0x22: {  	[simem:s7], [sflag:s8] =	dma.local @!p0 [hbm:s6], $0xF7A  }
0x23: {  	s9 =	sor.u32 $0xD0000000, s2;
	s6 =	simm.s32 $0x108;
	_ =	swait.ge @!p0 [sflag:s8], $0x0  }
0x24: {  	s3 =	sadd.s32 $0x88, s3;
	s6 =	simm.s32 @!p1 $0x1082;
	[sflag:s4] =	ssyncset.s32 $0xFFFFF086  }
0x25: {  	[simem:s6], [sflag:s4] =	dma.local [hbm:s3], $0xF7A  }
0x26: {  	[smem:$0x3F9B] =	sst s1;
	(tag) =	ssettag s2;
	_ =	strace s9  }
0x27: {  	s1 =	sld [smem:$0x3FAB]  }
0x28: {  	s2 =	sld [smem:$0x3FAC]  }
0x29: {  	s4 =	sld [smem:$0x3FAE]  }
0x2a: {  	p0 =	seq.s32 s5, $0x0;
	s5 =	sld [smem:$0x3FAF]  }
0x2b: {  	s6 =	sld [smem:$0x3FB0]  }
0x2c: {  	s7 =	sld [smem:$0x3FB1]  }
0x2d: {  	s3 =	simm.s32 $0x108;
	s8 =	sld [smem:$0x3FB2]  }
0x2e: {  	s3 =	simm.s32 @!p0 $0x1082;
	s9 =	sld [smem:$0x3FB3]  }
0x2f: {  	lr =	sadd.s32 s0, s3;
	s0 =	sld [smem:$0x3FAA]  }
0x30: {  	s3 =	sld [smem:$0x3FAD]  }
0x31: {  	[smem:$0x3FB6] =	sst s10  }
0x32: {  	s10 =	sld [smem:$0x3FB4];
	_ =	sdelay $0x3  }
0x33: {  	p0 =	seq.s32 s10, $0x1;
	s10 =	sld [smem:$0x3FB6];
	_ =	sdelay $0x3  }
0x34: {  	[smem:$0x3FB6] =	sst s10  }
0x35: {  	s10 =	sld [smem:$0x3FB5];
	_ =	sdelay $0x3  }
0x36: {  	p1 =	seq.s32 s10, $0x1;
	s10 =	sld [smem:$0x3FB6];
	_ =	sdelay $0x3  }
0x37: {  	[smem:$0x3FB6] =	sst s10  }
0x38: {  	s10 =	sld [smem:$0x3FB7]  }
0x39: {  	_ = 	snop;
	(pc) =	sbr.ind lr, $3  }
0x3a: {  	_ = 	snop  }
0x3b: {  	_ = 	snop  }
0x3c: {  	p2 =	seq.s32 s10, $0x1;
	s10 =	sld [smem:$0x3FB6]  }
0x3d: {  	_ =	shalt  }
0x3e: {  	_ =	shalt  }
0x3f: {  	_ =	shalt  }
0x40: {  	_ =	shalt  }
0x41: {  	_ =	shalt  }
0x42: {  	_ =	shalt  }
0x43: {  	_ =	shalt  }
0x44: {  	_ =	shalt  }
0x45: {  	_ =	shalt  }
0x46: {  	_ =	shalt  }
0x47: {  	_ =	shalt  }
0x48: {  	_ =	shalt  }
0x49: {  	_ =	shalt  }
0x4a: {  	_ =	shalt  }
0x4b: {  	_ =	shalt  }
0x4c: {  	_ =	shalt  }
0x4d: {  	_ =	shalt  }
0x4e: {  	_ =	shalt  }
0x4f: {  	_ =	shalt  }
0x50: {  	_ =	shalt  }
0x51: {  	_ =	shalt  }
0x52: {  	_ =	shalt  }
0x53: {  	_ =	shalt  }
0x54: {  	_ =	shalt  }
0x55: {  	_ =	shalt  }
0x56: {  	_ =	shalt  }
0x57: {  	_ =	shalt  }
0x58: {  	_ =	shalt  }
0x59: {  	_ =	shalt  }
0x5a: {  	_ =	shalt  }
0x5b: {  	_ =	shalt  }
0x5c: {  	_ =	shalt  }
0x5d: {  	_ =	shalt  }
0x5e: {  	_ =	shalt  }
0x5f: {  	_ =	shalt  }
0x60: {  	_ =	shalt  }
0x61: {  	_ =	shalt  }
0x62: {  	_ =	shalt  }
0x63: {  	_ =	shalt  }
0x64: {  	_ =	shalt  }
0x65: {  	_ =	shalt  }
0x66: {  	_ =	shalt  }
0x67: {  	_ =	shalt  }
0x68: {  	_ =	shalt  }
0x69: {  	_ =	shalt  }
0x6a: {  	_ =	shalt  }
0x6b: {  	_ =	shalt  }
0x6c: {  	_ =	shalt  }
0x6d: {  	_ =	shalt  }
0x6e: {  	_ =	shalt  }
0x6f: {  	_ =	shalt  }
0x70: {  	_ =	shalt  }
0x71: {  	_ =	shalt  }
0x72: {  	_ =	shalt  }
0x73: {  	_ =	shalt  }
0x74: {  	_ =	shalt  }
0x75: {  	_ =	shalt  }
0x76: {  	_ =	shalt  }
0x77: {  	_ =	shalt  }
0x78: {  	_ =	shalt  }
0x79: {  	_ =	shalt  }
0x7a: {  	_ =	shalt  }
0x7b: {  	_ =	shalt  }
0x7c: {  	_ =	shalt  }
0x7d: {  	_ =	shalt  }
0x7e: {  	_ =	shalt  }
0x7f: {  	_ =	shalt  }
0x80: {  	_ =	shalt  }
0x81: {  	_ =	shalt  }
0x82: {  	_ =	shalt  }
0x83: {  	_ =	shalt  }
0x84: {  	_ =	shalt  }
0x85: {  	_ =	shalt  }
0x86: {  	_ =	shalt  }
0x87: {  	_ =	shalt  }
.Lfunc_end0:
.L_simem_size_0:
called_computation.2_lowered:
.L_overlay_start_0:
0x88: {  	s2 =	sld [smem:$0x3FD9]  }
0x89: {  	s3 =	sld [smem:$0x3FFE];
	_ =	sdelay $0x1  }
0x8a: {  	s1 =	srdreg.scid  }
0x8b: {  	s0 =	sand.u32 $0x1, s1  }
0x8c: {  	s14 =	sshll.u32 s0, $0xA;
	s2 =	sadd.s32 s3, s2  }
0x8d: {  	s2 =	sadd.s32 s2, s14  }
0x8e: {  	[smem:$0x3FC2] =	sst s2  }
0x8f: {  	_ = 	snop  }
0x90: {  	s2 =	sld [smem:$0x3FD0];
	_ =	sdelay $0x2  }
0x91: {  	s15 =	simm.s32 $0xA;
	s4 =	simm.s32 $0x10  }
0x92: {  	[smem:s4], [sflag:s15] =	dma.local [hbm:s2], $0x1  }
0x93: {  	_ =	swait.eq [sflag:s15], $0x1  }
0x94: {  	[sflag:s15] =	ssyncset.done $0x0  }
0x95: {  	[sflag:s15] =	ssyncadd.s32 $0xFFFFFFFF  }
0x96: {  	s16 =	sld [smem:$0x12];
	(tm) =	ssettm $0x1  }
0x97: {  	s17 =	sld [smem:$0x3FFB];
	_ =	sdelay $0x3  }
0x98: {  	_ =	strace s17  }
0x99: {  	s3 =	sld [smem:$0x3FFC];
	_ =	sdelay $0x3  }
0x9a: {  	_ =	strace s3  }
0x9b: {  	s3 =	sld [smem:$0x3FFD];
	_ =	sdelay $0x3  }
0x9c: {  	_ =	strace s3  }
0x9d: {  	_ =	strace $0x8FFFFFFF  }
0x9e: {  	s18 =	sld [smem:$0x3FDB];
	_ =	sdelay $0x1  }
0x9f: {  	s19 =	simm.s32 $_scs_section_size  }
0xa0: {  	s5 =	simm.s32 $_size__tile_overlayer_lowered;
	s6 =	simm.s32 $_tile_overlayer_lowered  }
0xa1: {  	s22 =	simm.s32 $0x1BFF;
	s21 =	sshll.u32 s6, $0x1;
	s3 =	sadd.s32 s19, s18  }
0xa2: {  	s7 =	simm.s32 $0x0;
	s20 =	sshll.u32 s5, $0x1;
	s5 =	sadd.s32 s21, s3  }
0xa3: {  	[timem:s7], [sflag:s22] =	dma.local [hbm:s5], s20  }
0xa4: {  	_ =	swait.ge [sflag:s22], s20  }
0xa5: {  	s4 =	ssub.s32 $0x0, s20;
	[sflag:s22] =	ssyncset.done $0x0  }
0xa6: {  	[sflag:s22] =	ssyncadd.s32 s4;
	_ =	sdelay $0x1  }
0xa7: {  	s23 =	simm.s32 $0x1B8B  }
0xa8: {  	_ =	swait.ge [sflag:s23], $0x1  }
0xa9: {  	[sflag:s23] =	ssyncset.done $0x0  }
0xaa: {  	s25 =	simm.s32 $0x1B8E;
	s24 =	sld [smem:$0x3FFE];
	[sflag:s23] =	ssyncadd.s32 $0xFFFFFFFF  }
0xab: {  	s26 =	simm.s32 $execute0_lowered;
	[smem:$0x3FD2] =	sst s25  }
0xac: {  	s5 =	sshll.u32 s26, $0x1;
	_ =	strace $0x80000049;
	[dreg:$0x1] =	wrdreg $0xFFFFFFFF  }
0xad: {  	s28 =	simm.s32 $_size_execute0_lowered;
	s3 =	sadd.s32 s3, s5;
	[dreg:$0x0] =	wrdreg $0x0  }
0xae: {  	s5 =	sshll.u32 s28, $0x1;
	[dreg:$0x2] =	wrdreg s3  }
0xaf: {  	[dreg:$0x3] =	wrdreg s5  }
0xb0: {  	[dreg:$0x4] =	wrdreg $0xC0  }
0xb1: {  	_ =	task [dreg:s7], $0x5FFFF  }
0xb2: {  	[dreg:$0x1] =	wrdreg $0xFFFFFFFF  }
0xb3: {  	[dreg:$0x0] =	wrdreg $0x60  }
0xb4: {  	[dreg:$0x2] =	wrdreg s16  }
0xb5: {  	[dreg:$0x3] =	wrdreg s24  }
0xb6: {  	[dreg:$0x4] =	wrdreg $0x90000  }
0xb7: {  	[dreg:$0x5] =	wrdreg $0x9  }
0xb8: {  	_ =	task.clear_ibuf [dreg:s7], $0x6FFFF;
	_ =	strace $0x90000049  }
0xb9: {  	s29 =	simm.s32 $0x9;
	_ =	strace $0x8000004B  }
0xba: {  	_ =	swait.ge [sflag:s29], $0x1  }
0xbb: {  	[sflag:s29] =	ssyncadd.s32 $0xFFFFFFFF  }
0xbc: {  	_ =	strace $0x9000004B  }
0xbd: {  	_ =	sfence  }
0xbe: {  	s30 =	sld [smem:$0x0];
	_ =	sdelay $0x2  }
0xbf: {  	s31 =	sshll.u32 s1, $0xD;
	s1 =	sshrl.u32 s1, $0x2  }
0xc0: {  	s3 =	sand.u32 $0x4000, s31;
	s1 =	sadd.s32 s1, s30  }
0xc1: {  	s0 =	sor.u32 s3, s0;
	s1 =	sshll.u32 s1, $0x11  }
0xc2: {  	s0 =	sor.u32 s1, s0  }
0xc3: {  	s0 =	sadd.s32 $0x8F2B, s0  }
0xc4: {  	[sflag:s0] =	ssyncadd.remote.s32 $0x1  }
0xc5: {  	_ =	sfence.sel $0xFFFF  }
0xc6: {  	[dreg:$0x0] =	wrdreg $0xFFFFFFFF;
	(pc) =	sbr.abs _section_cstart, $3  }
0xc7: {  	[dreg:$0x1] =	wrdreg $0xFFFFFFFF  }
0xc8: {  	_ =	task.clear_ibuf [dreg:s7], $0x2FFFF;
	_ =	strace $0x9FFFFFFF  }
0xc9: {  	(tm) =	ssettm $0x7FFFFFFF  }
tec
execute0_lowered:
.L_overlay_start_1:
0x0: {  	(tag) =	ssettag $0x1  }
0x1: {  	s2 =	rddreg [dreg:$0x0]  }
0x2: {  	s0 =	rddreg [dreg:$0x1]  }
0x3: {  	s3 =	rddreg [dreg:$0x2]  }
0x4: {  	s12 =	stileid.u32;
	s1 =	srdreg.scid  }
0x5: {  	s4 =	simm.s32 $0x0;
	s13 =	simm.s32 $0x300;
	s5 =	smul.u32 $0x13C00, s12  }
0x6: {  	s14 =	simm.s32 $0x280;
	s15 =	simm.s32 $0x400;
	s7 =	smul.u32 $0x4F000, s12  }
0x7: {  	s17 =	simm.s32 $0x380;
	[smem:$0x7FF] =	sst s4;
	s9 =	smul.u32 $0x14000, s12  }
0x8: {  	s24 =	sshll.u32 s12, $0x1;
	s26 =	sshll.u32 s12, $0x6;
	s12 =	simm.s32 $0x180  }
0x9: {  	s18 =	simm.s32 $0x500;
	_ =	strace $0x8000004A;
	[dreg:$0x8] =	wrdreg s12  }
0xa: {  	s19 =	simm.s32 $0x480;
	s20 =	simm.s32 $0x600;
	[dreg:$0x9] =	wrdreg s13  }
0xb: {  	s28 =	simm.s32 $0xE00;
	s29 =	simm.s32 $0xD80;
	[dreg:$0xa] =	wrdreg s14  }
0xc: {  	s30 =	simm.s32 $0xF00;
	s1 =	sand.u32 $0x1, s1;
	[dreg:$0xb] =	wrdreg s15  }
0xd: {  	s31 =	simm.s32 $0xE80;
	s6 =	smul.u32 $0x13C000, s1;
	[dreg:$0xc] =	wrdreg s17  }
0xe: {  	s8 =	sadd.s32 $0x77600, s0;
	s10 =	smul.u32 $0xA000, s1;
	[dreg:$0xd] =	wrdreg s18  }
0xf: {  	s21 =	ssub.s32 $0x2, s1;
	s1 =	sor.u32 s1, s24;
	[dreg:$0xe] =	wrdreg s19  }
0x10: {  	s12 =	simm.s32 $0x80;
	s13 =	simm.s32 $0x1000;
	[dreg:$0xf] =	wrdreg s20  }
0x11: {  	s14 =	simm.s32 $0x800;
	s15 =	simm.s32 $0x1;
	s24 =	simm.s32 $0x780  }
0x12: {  	s17 =	simm.s32 $0x2;
	s18 =	simm.s32 $0x4;
	s19 =	simm.s32 $0xA00  }
0x13: {  	s20 =	simm.s32 $0x980;
	s11 =	sshrl.u32 s21, $0x1;
	s7 =	sshrl.u32 s7, $0x2  }
0x14: {  	s1 =	smul.u32 $0xA000, s1;
	[dreg:$0x13] =	wrdreg s24;
	s24 =	simm.s32 $0xB80  }
0x15: {  	s6 =	sadd.s32 s5, s6;
	s5 =	sshrl.u32 s5, $0x3;
	s9 =	sadd.s32 s10, s9  }
0x16: {  	s22 =	ssub.s32 s21, s11;
	s7 =	sadd.s32 s7, s3;
	s11 =	simm.s32 $0x200  }
0x17: {  	s21 =	simm.s32 $0x580;
	s6 =	sshrl.u32 s6, $0x3;
	s5 =	sadd.s32 s5, s0  }
0x18: {  	s23 =	sor.u32 $0x1000, s9;
	s9 =	sor.u32 $0x800, s9;
	[dreg:$0x7] =	wrdreg s11  }
0x19: {  	s1 =	sshrl.u32 s1, $0x3;
	s16 =	smax.u32 s22, $0x1;
	[dreg:$0x10] =	wrdreg s21  }
0x1a: {  	s7 =	sshrl.u32 s7, $0x3;
	s22 =	simm.s32 $0x700;
	[dreg:$0x19] =	wrdreg s16  }
0x1b: {  	s11 =	simm.s32 $0x5;
	s21 =	simm.s32 $0xB00;
	[dreg:$0x11] =	wrdreg s22  }
0x1c: {  	s0 =	sadd.s32 s6, s0;
	s5 =	sadd.s32 $0x4F000, s5;
	[dreg:$0x1a] =	wrdreg s7  }
0x1d: {  	s6 =	sshrl.u32 s23, $0x3;
	s1 =	sadd.s32 s8, s1;
	[dreg:$0x16] =	wrdreg s5  }
0x1e: {  	s9 =	sshrl.u32 s9, $0x3;
	s23 =	simm.s32 $0x680;
	[dreg:$0x17] =	wrdreg s1  }
0x1f: {  	s16 =	simm.s32 $0x5000;
	s6 =	sadd.s32 s6, s8;
	[dreg:$0x12] =	wrdreg s23  }
0x20: {  	s22 =	simm.s32 $0xA80;
	s25 =	sadd.s32 s9, s8;
	[dreg:$0x4] =	wrdreg s6  }
0x21: {  	s9 =	simm.s32 $0x100;
	s0 =	sadd.s32 $0x9F600, s0;
	[dreg:$0x5] =	wrdreg s25  }
0x22: {  	s23 =	simm.s32 $0xC00;
	s1 =	simm.s32 $0x0;
	[dreg:$0x6] =	wrdreg s9  }
0x23: {  	s6 =	sor.u32 $0x1C05, s26;
	[dreg:$0x18] =	wrdreg s0;
	s25 =	simm.s32 $0x900  }
0x24: {  	s26 =	simm.s32 $0x880;
	s0 =	simm.s32 $0xF80;
	[dreg:$0x14] =	wrdreg s25  }
0x25: {  	[dreg:$0x15] =	wrdreg s26;
	s25 =	simm.s32 $0xD00;
	s26 =	simm.s32 $0xC80  }
.LBB2_1:
0x26: {  	s5 =	rddreg [dreg:$0x16]  }
0x27: {  	[spmem:s7], [sflag:s6] =	dma.local [hbm:s5], $0x2780  }
0x28: {  	_ =	swait.ge [sflag:s11], $0x2780  }
0x29: {  	[sflag:s11] =	ssyncset.done $0x0  }
0x2a: {  	s8 =	rddreg [dreg:$0x17];
	[sflag:s11] =	ssyncadd.s32 $0xFFFFD880  }
0x2b: {  	[tilespmem:s4], [sflag:$0x5] =	stream.linear.gather [hbm4b:s8+s4], $0x800, $0x38;
	[tilespmem:$0x1CC00] =	vst v63  }
0x2c: {  	_ =	swait.ge [sflag:s11], $0x800  }
0x2d: {  	[sflag:s11] =	ssyncset.done $0x0  }
0x2e: {  	[sflag:s11] =	ssyncadd.s32 $0xFFFFF800  }
0x2f: {  	[bflag:$0x0] =	sbarrier.arrive $0xFFFF  }
0x30: {  	s9 =	rddreg [dreg:$0x5]  }
0x31: {  	[tilespmem:s13], [sflag:$0x1] =	stream.indirect.gather [hbm4b:s2+s12], $0x80, s4, s12, $0xb8;
	[tilespmem:$0x1CC00] =	vst v63  }
0x32: {  	s5 =	sadd.s32 $0x0, s9  }
0x33: {  	[tilespmem:s14], [sflag:$0x4] =	stream.linear.gather [hbm4b:s5+s4], $0x800, $0x38;
	[tilespmem:$0x1CC00] =	vst v63  }
0x34: {  	_ =	swait.ge [sflag:s15], $0x4000  }
0x35: {  	[sflag:s15] =	ssyncset.done $0x0  }
0x36: {  	s10 =	smov.u32 s6;
	s6 =	rddreg [dreg:$0x6];
	[sflag:s15] =	ssyncadd.s32 $0xFFFFC000  }
0x37: {  	[tilespmem:s16], [sflag:$0x2] =	stream.indirect.gather [hbm4b:s2+s12], $0x80, s6, s12, $0xb8;
	[tilespmem:$0x1CC00] =	vst v63  }
0x38: {  	_ = 	snop  }
0x39: {  	[spmem:s3] =	stream.indirect.scatter.add.f32 [tilespmem:s13], [sflag:$0x5], $0x80, s12, s12, $0xb8;
	[tilespmem:$0x1CC00] =	vst v63  }
0x3a: {  	_ =	swait.ge [sflag:s11], $0x4000  }
0x3b: {  	[sflag:s11] =	ssyncset.done $0x0  }
0x3c: {  	[sflag:s11] =	ssyncadd.s32 $0xFFFFC000  }
0x3d: {  	_ =	swait.ge [sflag:s17], $0x4000  }
0x3e: {  	[sflag:s17] =	ssyncset.done $0x0  }
0x3f: {  	s7 =	rddreg [dreg:$0x7];
	[sflag:s17] =	ssyncadd.s32 $0xFFFFC000  }
0x40: {  	[tilespmem:s13], [sflag:$0x1] =	stream.indirect.gather [hbm4b:s2+s12], $0x80, s7, s12, $0xb8;
	[tilespmem:$0x1CC00] =	vst v63  }
0x41: {  	s8 =	rddreg [dreg:$0x8]  }
0x42: {  	[spmem:s3] =	stream.indirect.scatter.add.f32 [tilespmem:s16], [sflag:$0x5], $0x80, s8, s12, $0xb8;
	[tilespmem:$0x1CC00] =	vst v63  }
0x43: {  	_ =	swait.ge [sflag:s11], $0x4000  }
0x44: {  	[sflag:s11] =	ssyncset.done $0x0  }
0x45: {  	[sflag:s11] =	ssyncadd.s32 $0xFFFFC000  }
0x46: {  	_ =	swait.ge [sflag:s15], $0x4000  }
0x47: {  	[sflag:s15] =	ssyncset.done $0x0  }
0x48: {  	s9 =	rddreg [dreg:$0x9];
	[sflag:s15] =	ssyncadd.s32 $0xFFFFC000  }
0x49: {  	[tilespmem:s16], [sflag:$0x2] =	stream.indirect.gather [hbm4b:s2+s12], $0x80, s9, s12, $0xb8;
	[tilespmem:$0x1CC00] =	vst v63  }
0x4a: {  	s6 =	rddreg [dreg:$0xa]  }
0x4b: {  	[spmem:s3] =	stream.indirect.scatter.add.f32 [tilespmem:s13], [sflag:$0x5], $0x80, s6, s12, $0xb8;
	[tilespmem:$0x1CC00] =	vst v63  }
0x4c: {  	_ =	swait.ge [sflag:s11], $0x4000  }
0x4d: {  	[sflag:s11] =	ssyncset.done $0x0  }
0x4e: {  	[sflag:s11] =	ssyncadd.s32 $0xFFFFC000  }
0x4f: {  	_ =	swait.ge [sflag:s17], $0x4000  }
0x50: {  	[sflag:s17] =	ssyncset.done $0x0  }
0x51: {  	s7 =	rddreg [dreg:$0xb];
	[sflag:s17] =	ssyncadd.s32 $0xFFFFC000  }
0x52: {  	[tilespmem:s13], [sflag:$0x1] =	stream.indirect.gather [hbm4b:s2+s12], $0x80, s7, s12, $0xb8;
	[tilespmem:$0x1CC00] =	vst v63  }
0x53: {  	s8 =	rddreg [dreg:$0xc]  }
0x54: {  	[spmem:s3] =	stream.indirect.scatter.add.f32 [tilespmem:s16], [sflag:$0x5], $0x80, s8, s12, $0xb8;
	[tilespmem:$0x1CC00] =	vst v63  }
0x55: {  	_ =	swait.ge [sflag:s11], $0x4000  }
0x56: {  	[sflag:s11] =	ssyncset.done $0x0  }
0x57: {  	[sflag:s11] =	ssyncadd.s32 $0xFFFFC000  }
0x58: {  	_ =	swait.ge [sflag:s15], $0x4000  }
0x59: {  	[sflag:s15] =	ssyncset.done $0x0  }
0x5a: {  	s9 =	rddreg [dreg:$0xd];
	[sflag:s15] =	ssyncadd.s32 $0xFFFFC000  }
0x5b: {  	[tilespmem:s16], [sflag:$0x2] =	stream.indirect.gather [hbm4b:s2+s12], $0x80, s9, s12, $0xb8;
	[tilespmem:$0x1CC00] =	vst v63  }
0x5c: {  	s6 =	rddreg [dreg:$0xe]  }
0x5d: {  	[spmem:s3] =	stream.indirect.scatter.add.f32 [tilespmem:s13], [sflag:$0x5], $0x80, s6, s12, $0xb8;
	[tilespmem:$0x1CC00] =	vst v63  }
0x5e: {  	_ =	swait.ge [sflag:s11], $0x4000  }
0x5f: {  	[sflag:s11] =	ssyncset.done $0x0  }
0x60: {  	[sflag:s11] =	ssyncadd.s32 $0xFFFFC000  }
0x61: {  	_ =	swait.ge [sflag:s17], $0x4000  }
0x62: {  	[sflag:s17] =	ssyncset.done $0x0  }
0x63: {  	s7 =	rddreg [dreg:$0xf];
	[sflag:s17] =	ssyncadd.s32 $0xFFFFC000  }
0x64: {  	[tilespmem:s13], [sflag:$0x1] =	stream.indirect.gather [hbm4b:s2+s12], $0x80, s7, s12, $0xb8;
	[tilespmem:$0x1CC00] =	vst v63  }
0x65: {  	s8 =	rddreg [dreg:$0x10]  }
0x66: {  	[spmem:s3] =	stream.indirect.scatter.add.f32 [tilespmem:s16], [sflag:$0x5], $0x80, s8, s12, $0xb8;
	[tilespmem:$0x1CC00] =	vst v63  }
0x67: {  	_ =	swait.ge [sflag:s11], $0x4000  }
0x68: {  	[sflag:s11] =	ssyncset.done $0x0  }
0x69: {  	[sflag:s11] =	ssyncadd.s32 $0xFFFFC000  }
0x6a: {  	_ =	swait.ge [sflag:s15], $0x4000  }
0x6b: {  	[sflag:s15] =	ssyncset.done $0x0  }
0x6c: {  	s9 =	rddreg [dreg:$0x11];
	[sflag:s15] =	ssyncadd.s32 $0xFFFFC000  }
0x6d: {  	[tilespmem:s16], [sflag:$0x2] =	stream.indirect.gather [hbm4b:s2+s12], $0x80, s9, s12, $0xb8;
	[tilespmem:$0x1CC00] =	vst v63  }
0x6e: {  	s6 =	rddreg [dreg:$0x12]  }
0x6f: {  	[spmem:s3] =	stream.indirect.scatter.add.f32 [tilespmem:s13], [sflag:$0x5], $0x80, s6, s12, $0xb8;
	[tilespmem:$0x1CC00] =	vst v63  }
0x70: {  	_ =	swait.ge [sflag:s11], $0x4000  }
0x71: {  	[sflag:s11] =	ssyncset.done $0x0  }
0x72: {  	[sflag:s11] =	ssyncadd.s32 $0xFFFFC000  }
0x73: {  	_ =	swait.ge [sflag:s17], $0x4000  }
0x74: {  	[sflag:s17] =	ssyncset.done $0x0  }
0x75: {  	[sflag:s17] =	ssyncadd.s32 $0xFFFFC000  }
0x76: {  	_ =	swait.ge [sflag:s18], $0x800  }
0x77: {  	[sflag:s18] =	ssyncset.done $0x0  }
0x78: {  	[sflag:s18] =	ssyncadd.s32 $0xFFFFF800  }
0x79: {  	[tilespmem:s13], [sflag:$0x1] =	stream.indirect.gather [hbm4b:s2+s12], $0x80, s14, s12, $0xb8;
	[tilespmem:$0x1CC00] =	vst v63  }
0x7a: {  	s8 =	rddreg [dreg:$0x13]  }
0x7b: {  	[spmem:s3] =	stream.indirect.scatter.add.f32 [tilespmem:s16], [sflag:$0x5], $0x80, s8, s12, $0xb8;
	[tilespmem:$0x1CC00] =	vst v63  }
0x7c: {  	_ =	swait.ge [sflag:s11], $0x4000  }
0x7d: {  	p0 =	por $0x0, $0x0;
	s5 =	rddreg [dreg:$0x4];
	[sflag:s11] =	ssyncset.done $0x0  }
0x7e: {  	[sflag:s11] =	ssyncadd.s32 $0xFFFFC000;
	s7 =	sadd.s32 @!p0 $0x0, s5;
	s5 =	simm.s32 @!p0 $0x0  }
0x7f: {  	[tilespmem:s5], [sflag:$0x3] =	stream.linear.gather @!p0 [hbm4b:s7+s5], $0x800, $0x38;
	[tilespmem:$0x1CC00] =	vst v63  }
0x80: {  	_ =	swait.ge [sflag:s15], $0x4000  }
0x81: {  	[sflag:s15] =	ssyncset.done $0x0  }
0x82: {  	s9 =	rddreg [dreg:$0x14];
	[sflag:s15] =	ssyncadd.s32 $0xFFFFC000  }
0x83: {  	[tilespmem:s16], [sflag:$0x2] =	stream.indirect.gather [hbm4b:s2+s12], $0x80, s9, s12, $0xb8;
	[tilespmem:$0x1CC00] =	vst v63  }
0x84: {  	s8 =	rddreg [dreg:$0x15]  }
0x85: {  	[spmem:s3] =	stream.indirect.scatter.add.f32 [tilespmem:s13], [sflag:$0x5], $0x80, s8, s12, $0xb8;
	[tilespmem:$0x1CC00] =	vst v63  }
0x86: {  	_ =	swait.ge [sflag:s11], $0x4000  }
0x87: {  	[sflag:s11] =	ssyncset.done $0x0  }
0x88: {  	[sflag:s11] =	ssyncadd.s32 $0xFFFFC000  }
0x89: {  	_ =	swait.ge [sflag:s17], $0x4000  }
0x8a: {  	[sflag:s17] =	ssyncset.done $0x0  }
0x8b: {  	[sflag:s17] =	ssyncadd.s32 $0xFFFFC000  }
0x8c: {  	[tilespmem:s13], [sflag:$0x1] =	stream.indirect.gather [hbm4b:s2+s12], $0x80, s19, s12, $0xb8;
	[tilespmem:$0x1CC00] =	vst v63  }
0x8d: {  	_ = 	snop  }
0x8e: {  	[spmem:s3] =	stream.indirect.scatter.add.f32 [tilespmem:s16], [sflag:$0x5], $0x80, s20, s12, $0xb8;
	[tilespmem:$0x1CC00] =	vst v63  }
0x8f: {  	_ =	swait.ge [sflag:s11], $0x4000  }
0x90: {  	[sflag:s11] =	ssyncset.done $0x0  }
0x91: {  	[sflag:s11] =	ssyncadd.s32 $0xFFFFC000  }
0x92: {  	_ =	swait.ge [sflag:s15], $0x4000  }
0x93: {  	[sflag:s15] =	ssyncset.done $0x0  }
0x94: {  	[sflag:s15] =	ssyncadd.s32 $0xFFFFC000  }
0x95: {  	[tilespmem:s16], [sflag:$0x2] =	stream.indirect.gather [hbm4b:s2+s12], $0x80, s21, s12, $0xb8;
	[tilespmem:$0x1CC00] =	vst v63  }
0x96: {  	_ = 	snop  }
0x97: {  	[spmem:s3] =	stream.indirect.scatter.add.f32 [tilespmem:s13], [sflag:$0x5], $0x80, s22, s12, $0xb8;
	[tilespmem:$0x1CC00] =	vst v63  }
0x98: {  	_ =	swait.ge [sflag:s11], $0x4000  }
0x99: {  	[sflag:s11] =	ssyncset.done $0x0  }
0x9a: {  	[sflag:s11] =	ssyncadd.s32 $0xFFFFC000  }
0x9b: {  	_ =	swait.ge [sflag:s17], $0x4000  }
0x9c: {  	[sflag:s17] =	ssyncset.done $0x0  }
0x9d: {  	[sflag:s17] =	ssyncadd.s32 $0xFFFFC000  }
0x9e: {  	[tilespmem:s13], [sflag:$0x1] =	stream.indirect.gather [hbm4b:s2+s12], $0x80, s23, s12, $0xb8;
	[tilespmem:$0x1CC00] =	vst v63  }
0x9f: {  	_ = 	snop  }
0xa0: {  	[spmem:s3] =	stream.indirect.scatter.add.f32 [tilespmem:s16], [sflag:$0x5], $0x80, s24, s12, $0xb8;
	[tilespmem:$0x1CC00] =	vst v63  }
0xa1: {  	_ =	swait.ge [sflag:s11], $0x4000  }
0xa2: {  	[sflag:s11] =	ssyncset.done $0x0  }
0xa3: {  	[sflag:s11] =	ssyncadd.s32 $0xFFFFC000  }
0xa4: {  	_ =	swait.ge [sflag:s15], $0x4000  }
0xa5: {  	[sflag:s15] =	ssyncset.done $0x0  }
0xa6: {  	[sflag:s15] =	ssyncadd.s32 $0xFFFFC000  }
0xa7: {  	[tilespmem:s16], [sflag:$0x2] =	stream.indirect.gather [hbm4b:s2+s12], $0x80, s25, s12, $0xb8;
	[tilespmem:$0x1CC00] =	vst v63  }
0xa8: {  	_ = 	snop  }
0xa9: {  	[spmem:s3] =	stream.indirect.scatter.add.f32 [tilespmem:s13], [sflag:$0x5], $0x80, s26, s12, $0xb8;
	[tilespmem:$0x1CC00] =	vst v63  }
0xaa: {  	_ =	swait.ge [sflag:s11], $0x4000  }
0xab: {  	[sflag:s11] =	ssyncset.done $0x0  }
0xac: {  	[sflag:s11] =	ssyncadd.s32 $0xFFFFC000  }
0xad: {  	_ =	swait.ge [sflag:s17], $0x4000  }
0xae: {  	[sflag:s17] =	ssyncset.done $0x0  }
0xaf: {  	[sflag:s17] =	ssyncadd.s32 $0xFFFFC000  }
0xb0: {  	[tilespmem:s13], [sflag:$0x1] =	stream.indirect.gather [hbm4b:s2+s12], $0x80, s28, s12, $0xb8;
	[tilespmem:$0x1CC00] =	vst v63  }
0xb1: {  	_ = 	snop  }
0xb2: {  	[spmem:s3] =	stream.indirect.scatter.add.f32 [tilespmem:s16], [sflag:$0x5], $0x80, s29, s12, $0xb8;
	[tilespmem:$0x1CC00] =	vst v63  }
0xb3: {  	_ =	swait.ge [sflag:s11], $0x4000  }
0xb4: {  	[sflag:s11] =	ssyncset.done $0x0  }
0xb5: {  	[sflag:s11] =	ssyncadd.s32 $0xFFFFC000  }
0xb6: {  	_ =	swait.ge [sflag:s15], $0x4000  }
0xb7: {  	[sflag:s15] =	ssyncset.done $0x0  }
0xb8: {  	[sflag:s15] =	ssyncadd.s32 $0xFFFFC000  }
0xb9: {  	[tilespmem:s16], [sflag:$0x2] =	stream.indirect.gather [hbm4b:s2+s12], $0x80, s30, s12, $0xb8;
	[tilespmem:$0x1CC00] =	vst v63  }
0xba: {  	_ = 	snop  }
0xbb: {  	[spmem:s3] =	stream.indirect.scatter.add.f32 [tilespmem:s13], [sflag:$0x5], $0x80, s31, s12, $0xb8;
	[tilespmem:$0x1CC00] =	vst v63  }
0xbc: {  	_ =	swait.ge [sflag:s11], $0x4000  }
0xbd: {  	[sflag:s11] =	ssyncset.done $0x0  }
0xbe: {  	[sflag:s11] =	ssyncadd.s32 $0xFFFFC000  }
0xbf: {  	_ =	swait.ge [sflag:s17], $0x4000  }
0xc0: {  	[sflag:s17] =	ssyncset.done $0x0  }
0xc1: {  	s7 =	simm.s32 @!p0 $0x3;
	[sflag:s17] =	ssyncadd.s32 $0xFFFFC000  }
0xc2: {  	_ =	swait.ge @!p0 [sflag:s7], $0x800  }
0xc3: {  	[sflag:s7] =	ssyncset.done @!p0 $0x0  }
0xc4: {  	s8 =	simm.s32 @!p0 $0x1000;
	[sflag:s7] =	ssyncadd.s32 @!p0 $0xFFFFF800;
	s7 =	simm.s32 @!p0 $0x80  }
0xc5: {  	[tilespmem:s8], [sflag:$0x1] =	stream.indirect.gather @!p0 [hbm4b:s2+s7], $0x80, s5, s7, $0xb8;
	[tilespmem:$0x1CC00] =	vst v63  }
0xc6: {  	_ = 	snop  }
0xc7: {  	[spmem:s3] =	stream.indirect.scatter.add.f32 [tilespmem:s16], [sflag:$0x5], $0x80, s0, s12, $0xb8;
	[tilespmem:$0x1CC00] =	vst v63  }
0xc8: {  	_ =	swait.ge [sflag:s11], $0x4000  }
0xc9: {  	s5 =	simm.s32 $0x200;
	s7 =	simm.s32 $0x400;
	[sflag:s11] =	ssyncset.done $0x0  }
.LBB2_2:
0xca: {  	s9 =	rddreg [dreg:$0x5]  }
0xcb: {  	[sflag:s11] =	ssyncadd.s32 $0xFFFFC000;
	s9 =	sadd.s32 s5, s9  }
0xcc: {  	[tilespmem:s14], [sflag:$0x4] =	stream.linear.gather [hbm4b:s9+s4], $0x800, $0x38;
	[tilespmem:$0x1CC00] =	vst v63  }
0xcd: {  	_ =	swait.ge [sflag:s15], $0x4000  }
0xce: {  	[sflag:s15] =	ssyncset.done $0x0  }
0xcf: {  	s6 =	rddreg [dreg:$0x6];
	[sflag:s15] =	ssyncadd.s32 $0xFFFFC000  }
0xd0: {  	[tilespmem:s16], [sflag:$0x2] =	stream.indirect.gather [hbm4b:s2+s12], $0x80, s6, s12, $0xb8;
	[tilespmem:$0x1CC00] =	vst v63  }
0xd1: {  	_ = 	snop  }
0xd2: {  	[spmem:s3] =	stream.indirect.scatter.add.f32 [tilespmem:s13], [sflag:$0x5], $0x80, s12, s12, $0xb8;
	[tilespmem:$0x1CC00] =	vst v63  }
0xd3: {  	_ =	swait.ge [sflag:s11], $0x4000  }
0xd4: {  	[sflag:s11] =	ssyncset.done $0x0  }
0xd5: {  	[sflag:s11] =	ssyncadd.s32 $0xFFFFC000  }
0xd6: {  	_ =	swait.ge [sflag:s17], $0x4000  }
0xd7: {  	[sflag:s17] =	ssyncset.done $0x0  }
0xd8: {  	s9 =	rddreg [dreg:$0x7];
	[sflag:s17] =	ssyncadd.s32 $0xFFFFC000  }
0xd9: {  	[tilespmem:s13], [sflag:$0x1] =	stream.indirect.gather [hbm4b:s2+s12], $0x80, s9, s12, $0xb8;
	[tilespmem:$0x1CC00] =	vst v63  }
0xda: {  	s6 =	rddreg [dreg:$0x8]  }
0xdb: {  	[spmem:s3] =	stream.indirect.scatter.add.f32 [tilespmem:s16], [sflag:$0x5], $0x80, s6, s12, $0xb8;
	[tilespmem:$0x1CC00] =	vst v63  }
0xdc: {  	_ =	swait.ge [sflag:s11], $0x4000  }
0xdd: {  	[sflag:s11] =	ssyncset.done $0x0  }
0xde: {  	[sflag:s11] =	ssyncadd.s32 $0xFFFFC000  }
0xdf: {  	_ =	swait.ge [sflag:s15], $0x4000  }
0xe0: {  	[sflag:s15] =	ssyncset.done $0x0  }
0xe1: {  	s6 =	rddreg [dreg:$0x9];
	[sflag:s15] =	ssyncadd.s32 $0xFFFFC000  }
0xe2: {  	[tilespmem:s16], [sflag:$0x2] =	stream.indirect.gather [hbm4b:s2+s12], $0x80, s6, s12, $0xb8;
	[tilespmem:$0x1CC00] =	vst v63  }
0xe3: {  	s9 =	rddreg [dreg:$0xa]  }
0xe4: {  	[spmem:s3] =	stream.indirect.scatter.add.f32 [tilespmem:s13], [sflag:$0x5], $0x80, s9, s12, $0xb8;
	[tilespmem:$0x1CC00] =	vst v63  }
0xe5: {  	_ =	swait.ge [sflag:s11], $0x4000  }
0xe6: {  	[sflag:s11] =	ssyncset.done $0x0  }
0xe7: {  	[sflag:s11] =	ssyncadd.s32 $0xFFFFC000  }
0xe8: {  	_ =	swait.ge [sflag:s17], $0x4000  }
0xe9: {  	[sflag:s17] =	ssyncset.done $0x0  }
0xea: {  	s6 =	rddreg [dreg:$0xb];
	[sflag:s17] =	ssyncadd.s32 $0xFFFFC000  }
0xeb: {  	[tilespmem:s13], [sflag:$0x1] =	stream.indirect.gather [hbm4b:s2+s12], $0x80, s6, s12, $0xb8;
	[tilespmem:$0x1CC00] =	vst v63  }
0xec: {  	s9 =	rddreg [dreg:$0xc]  }
0xed: {  	[spmem:s3] =	stream.indirect.scatter.add.f32 [tilespmem:s16], [sflag:$0x5], $0x80, s9, s12, $0xb8;
	[tilespmem:$0x1CC00] =	vst v63  }
0xee: {  	_ =	swait.ge [sflag:s11], $0x4000  }
0xef: {  	[sflag:s11] =	ssyncset.done $0x0  }
0xf0: {  	[sflag:s11] =	ssyncadd.s32 $0xFFFFC000  }
0xf1: {  	_ =	swait.ge [sflag:s15], $0x4000  }
0xf2: {  	[sflag:s15] =	ssyncset.done $0x0  }
0xf3: {  	s6 =	rddreg [dreg:$0xd];
	[sflag:s15] =	ssyncadd.s32 $0xFFFFC000  }
0xf4: {  	[tilespmem:s16], [sflag:$0x2] =	stream.indirect.gather [hbm4b:s2+s12], $0x80, s6, s12, $0xb8;
	[tilespmem:$0x1CC00] =	vst v63  }
0xf5: {  	s9 =	rddreg [dreg:$0xe]  }
0xf6: {  	[spmem:s3] =	stream.indirect.scatter.add.f32 [tilespmem:s13], [sflag:$0x5], $0x80, s9, s12, $0xb8;
	[tilespmem:$0x1CC00] =	vst v63  }
0xf7: {  	_ =	swait.ge [sflag:s11], $0x4000  }
0xf8: {  	[sflag:s11] =	ssyncset.done $0x0  }
0xf9: {  	[sflag:s11] =	ssyncadd.s32 $0xFFFFC000  }
0xfa: {  	_ =	swait.ge [sflag:s17], $0x4000  }
0xfb: {  	[sflag:s17] =	ssyncset.done $0x0  }
0xfc: {  	s6 =	rddreg [dreg:$0xf];
	[sflag:s17] =	ssyncadd.s32 $0xFFFFC000  }
0xfd: {  	[tilespmem:s13], [sflag:$0x1] =	stream.indirect.gather [hbm4b:s2+s12], $0x80, s6, s12, $0xb8;
	[tilespmem:$0x1CC00] =	vst v63  }
0xfe: {  	s9 =	rddreg [dreg:$0x10]  }
0xff: {  	[spmem:s3] =	stream.indirect.scatter.add.f32 [tilespmem:s16], [sflag:$0x5], $0x80, s9, s12, $0xb8;
	[tilespmem:$0x1CC00] =	vst v63  }
0x100: {  	_ =	swait.ge [sflag:s11], $0x4000  }
0x101: {  	[sflag:s11] =	ssyncset.done $0x0  }
0x102: {  	[sflag:s11] =	ssyncadd.s32 $0xFFFFC000  }
0x103: {  	_ =	swait.ge [sflag:s15], $0x4000  }
0x104: {  	[sflag:s15] =	ssyncset.done $0x0  }
0x105: {  	s6 =	rddreg [dreg:$0x11];
	[sflag:s15] =	ssyncadd.s32 $0xFFFFC000  }
0x106: {  	[tilespmem:s16], [sflag:$0x2] =	stream.indirect.gather [hbm4b:s2+s12], $0x80, s6, s12, $0xb8;
	[tilespmem:$0x1CC00] =	vst v63  }
0x107: {  	s9 =	rddreg [dreg:$0x12]  }
0x108: {  	[spmem:s3] =	stream.indirect.scatter.add.f32 [tilespmem:s13], [sflag:$0x5], $0x80, s9, s12, $0xb8;
	[tilespmem:$0x1CC00] =	vst v63  }
0x109: {  	_ =	swait.ge [sflag:s11], $0x4000  }
0x10a: {  	[sflag:s11] =	ssyncset.done $0x0  }
0x10b: {  	[sflag:s11] =	ssyncadd.s32 $0xFFFFC000  }
0x10c: {  	_ =	swait.ge [sflag:s17], $0x4000  }
0x10d: {  	[sflag:s17] =	ssyncset.done $0x0  }
0x10e: {  	[sflag:s17] =	ssyncadd.s32 $0xFFFFC000  }
0x10f: {  	_ =	swait.ge [sflag:s18], $0x800  }
0x110: {  	[sflag:s18] =	ssyncset.done $0x0  }
0x111: {  	[sflag:s18] =	ssyncadd.s32 $0xFFFFF800  }
0x112: {  	[tilespmem:s13], [sflag:$0x1] =	stream.indirect.gather [hbm4b:s2+s12], $0x80, s14, s12, $0xb8;
	[tilespmem:$0x1CC00] =	vst v63  }
0x113: {  	s9 =	rddreg [dreg:$0x13]  }
0x114: {  	[spmem:s3] =	stream.indirect.scatter.add.f32 [tilespmem:s16], [sflag:$0x5], $0x80, s9, s12, $0xb8;
	[tilespmem:$0x1CC00] =	vst v63  }
0x115: {  	_ =	swait.ge [sflag:s11], $0x4000  }
0x116: {  	p1 =	seq.s32 s5, $0x1200;
	s6 =	rddreg [dreg:$0x4];
	[sflag:s11] =	ssyncset.done $0x0  }
0x117: {  	s9 =	simm.s32 @!p1 $0x0;
	[sflag:s11] =	ssyncadd.s32 $0xFFFFC000;
	s5 =	sadd.s32 @!p1 s5, s6  }
0x118: {  	[tilespmem:s9], [sflag:$0x3] =	stream.linear.gather @!p1 [hbm4b:s5+s9], $0x800, $0x38;
	[tilespmem:$0x1CC00] =	vst v63  }
0x119: {  	_ =	swait.ge [sflag:s15], $0x4000  }
0x11a: {  	[sflag:s15] =	ssyncset.done $0x0  }
0x11b: {  	s8 =	smov.u32 s7;
	s6 =	rddreg [dreg:$0x14];
	[sflag:s15] =	ssyncadd.s32 $0xFFFFC000  }
0x11c: {  	[tilespmem:s16], [sflag:$0x2] =	stream.indirect.gather [hbm4b:s2+s12], $0x80, s6, s12, $0xb8;
	[tilespmem:$0x1CC00] =	vst v63  }
0x11d: {  	s5 =	smov.u32 s8;
	s8 =	rddreg [dreg:$0x15]  }
0x11e: {  	[spmem:s3] =	stream.indirect.scatter.add.f32 [tilespmem:s13], [sflag:$0x5], $0x80, s8, s12, $0xb8;
	[tilespmem:$0x1CC00] =	vst v63  }
0x11f: {  	_ =	swait.ge [sflag:s11], $0x4000  }
0x120: {  	[sflag:s11] =	ssyncset.done $0x0  }
0x121: {  	[sflag:s11] =	ssyncadd.s32 $0xFFFFC000  }
0x122: {  	_ =	swait.ge [sflag:s17], $0x4000  }
0x123: {  	[sflag:s17] =	ssyncset.done $0x0  }
0x124: {  	[sflag:s17] =	ssyncadd.s32 $0xFFFFC000  }
0x125: {  	[tilespmem:s13], [sflag:$0x1] =	stream.indirect.gather [hbm4b:s2+s12], $0x80, s19, s12, $0xb8;
	[tilespmem:$0x1CC00] =	vst v63  }
0x126: {  	_ = 	snop  }
0x127: {  	[spmem:s3] =	stream.indirect.scatter.add.f32 [tilespmem:s16], [sflag:$0x5], $0x80, s20, s12, $0xb8;
	[tilespmem:$0x1CC00] =	vst v63  }
0x128: {  	_ =	swait.ge [sflag:s11], $0x4000  }
0x129: {  	[sflag:s11] =	ssyncset.done $0x0  }
0x12a: {  	[sflag:s11] =	ssyncadd.s32 $0xFFFFC000  }
0x12b: {  	_ =	swait.ge [sflag:s15], $0x4000  }
0x12c: {  	[sflag:s15] =	ssyncset.done $0x0  }
0x12d: {  	[sflag:s15] =	ssyncadd.s32 $0xFFFFC000  }
0x12e: {  	[tilespmem:s16], [sflag:$0x2] =	stream.indirect.gather [hbm4b:s2+s12], $0x80, s21, s12, $0xb8;
	[tilespmem:$0x1CC00] =	vst v63  }
0x12f: {  	_ = 	snop  }
0x130: {  	[spmem:s3] =	stream.indirect.scatter.add.f32 [tilespmem:s13], [sflag:$0x5], $0x80, s22, s12, $0xb8;
	[tilespmem:$0x1CC00] =	vst v63  }
0x131: {  	_ =	swait.ge [sflag:s11], $0x4000  }
0x132: {  	[sflag:s11] =	ssyncset.done $0x0  }
0x133: {  	[sflag:s11] =	ssyncadd.s32 $0xFFFFC000  }
0x134: {  	_ =	swait.ge [sflag:s17], $0x4000  }
0x135: {  	[sflag:s17] =	ssyncset.done $0x0  }
0x136: {  	[sflag:s17] =	ssyncadd.s32 $0xFFFFC000  }
0x137: {  	[tilespmem:s13], [sflag:$0x1] =	stream.indirect.gather [hbm4b:s2+s12], $0x80, s23, s12, $0xb8;
	[tilespmem:$0x1CC00] =	vst v63  }
0x138: {  	_ = 	snop  }
0x139: {  	[spmem:s3] =	stream.indirect.scatter.add.f32 [tilespmem:s16], [sflag:$0x5], $0x80, s24, s12, $0xb8;
	[tilespmem:$0x1CC00] =	vst v63  }
0x13a: {  	_ =	swait.ge [sflag:s11], $0x4000  }
0x13b: {  	[sflag:s11] =	ssyncset.done $0x0  }
0x13c: {  	[sflag:s11] =	ssyncadd.s32 $0xFFFFC000  }
0x13d: {  	_ =	swait.ge [sflag:s15], $0x4000  }
0x13e: {  	[sflag:s15] =	ssyncset.done $0x0  }
0x13f: {  	[sflag:s15] =	ssyncadd.s32 $0xFFFFC000  }
0x140: {  	[tilespmem:s16], [sflag:$0x2] =	stream.indirect.gather [hbm4b:s2+s12], $0x80, s25, s12, $0xb8;
	[tilespmem:$0x1CC00] =	vst v63  }
0x141: {  	_ = 	snop  }
0x142: {  	[spmem:s3] =	stream.indirect.scatter.add.f32 [tilespmem:s13], [sflag:$0x5], $0x80, s26, s12, $0xb8;
	[tilespmem:$0x1CC00] =	vst v63  }
0x143: {  	_ =	swait.ge [sflag:s11], $0x4000  }
0x144: {  	[sflag:s11] =	ssyncset.done $0x0  }
0x145: {  	[sflag:s11] =	ssyncadd.s32 $0xFFFFC000  }
0x146: {  	_ =	swait.ge [sflag:s17], $0x4000  }
0x147: {  	[sflag:s17] =	ssyncset.done $0x0  }
0x148: {  	[sflag:s17] =	ssyncadd.s32 $0xFFFFC000  }
0x149: {  	[tilespmem:s13], [sflag:$0x1] =	stream.indirect.gather [hbm4b:s2+s12], $0x80, s28, s12, $0xb8;
	[tilespmem:$0x1CC00] =	vst v63  }
0x14a: {  	_ = 	snop  }
0x14b: {  	[spmem:s3] =	stream.indirect.scatter.add.f32 [tilespmem:s16], [sflag:$0x5], $0x80, s29, s12, $0xb8;
	[tilespmem:$0x1CC00] =	vst v63  }
0x14c: {  	_ =	swait.ge [sflag:s11], $0x4000  }
0x14d: {  	[sflag:s11] =	ssyncset.done $0x0  }
0x14e: {  	[sflag:s11] =	ssyncadd.s32 $0xFFFFC000  }
0x14f: {  	_ =	swait.ge [sflag:s15], $0x4000  }
0x150: {  	[sflag:s15] =	ssyncset.done $0x0  }
0x151: {  	[sflag:s15] =	ssyncadd.s32 $0xFFFFC000  }
0x152: {  	[tilespmem:s16], [sflag:$0x2] =	stream.indirect.gather [hbm4b:s2+s12], $0x80, s30, s12, $0xb8;
	[tilespmem:$0x1CC00] =	vst v63  }
0x153: {  	_ = 	snop  }
0x154: {  	[spmem:s3] =	stream.indirect.scatter.add.f32 [tilespmem:s13], [sflag:$0x5], $0x80, s31, s12, $0xb8;
	[tilespmem:$0x1CC00] =	vst v63  }
0x155: {  	_ =	swait.ge [sflag:s11], $0x4000  }
0x156: {  	[sflag:s11] =	ssyncset.done $0x0  }
0x157: {  	[sflag:s11] =	ssyncadd.s32 $0xFFFFC000  }
0x158: {  	_ =	swait.ge [sflag:s17], $0x4000  }
0x159: {  	[sflag:s17] =	ssyncset.done $0x0  }
0x15a: {  	s6 =	simm.s32 @!p1 $0x3;
	[sflag:s17] =	ssyncadd.s32 $0xFFFFC000  }
0x15b: {  	s7 =	sadd.s32 $0x200, s7;
	_ =	swait.ge @!p1 [sflag:s6], $0x800  }
0x15c: {  	p0 =	sne.s32 s7, $0x1400;
	[sflag:s6] =	ssyncset.done @!p1 $0x0  }
0x15d: {  	s8 =	simm.s32 @!p1 $0x1000;
	[sflag:s6] =	ssyncadd.s32 @!p1 $0xFFFFF800;
	s6 =	simm.s32 @!p1 $0x80  }
0x15e: {  	[tilespmem:s8], [sflag:$0x1] =	stream.indirect.gather @!p1 [hbm4b:s2+s6], $0x80, s9, s6, $0xb8;
	[tilespmem:$0x1CC00] =	vst v63  }
.Ltmp0:
0x15f: {  	_ = 	snop;
	(pc) =	sbr.rel @p0 .LBB2_2-.Ltmp0, $4  }
0x160: {  	_ = 	snop  }
0x161: {  	[spmem:s3] =	stream.indirect.scatter.add.f32 [tilespmem:s16], [sflag:$0x5], $0x80, s0, s12, $0xb8;
	[tilespmem:$0x1CC00] =	vst v63  }
0x162: {  	_ =	swait.ge [sflag:s11], $0x4000  }
0x163: {  	[sflag:s11] =	ssyncset.done $0x0  }
0x164: {  	s6 =	rddreg [dreg:$0x5]  }
0x165: {  	[sflag:s11] =	ssyncadd.s32 $0xFFFFC000;
	s6 =	sadd.s32 s5, s6  }
0x166: {  	[tilespmem:s14], [sflag:$0x4] =	stream.linear.gather [hbm4b:s6+s4], $0x800, $0x38;
	[tilespmem:$0x1CC00] =	vst v63  }
0x167: {  	_ =	swait.ge [sflag:s15], $0x4000  }
0x168: {  	[sflag:s15] =	ssyncset.done $0x0  }
0x169: {  	s8 =	rddreg [dreg:$0x6];
	[sflag:s15] =	ssyncadd.s32 $0xFFFFC000  }
0x16a: {  	[tilespmem:s16], [sflag:$0x2] =	stream.indirect.gather [hbm4b:s2+s12], $0x80, s8, s12, $0xb8;
	[tilespmem:$0x1CC00] =	vst v63  }
0x16b: {  	_ = 	snop  }
0x16c: {  	[spmem:s3] =	stream.indirect.scatter.add.f32 [tilespmem:s13], [sflag:$0x5], $0x80, s12, s12, $0xb8;
	[tilespmem:$0x1CC00] =	vst v63  }
0x16d: {  	_ =	swait.ge [sflag:s11], $0x4000  }
0x16e: {  	[sflag:s11] =	ssyncset.done $0x0  }
0x16f: {  	[sflag:s11] =	ssyncadd.s32 $0xFFFFC000  }
0x170: {  	_ =	swait.ge [sflag:s17], $0x4000  }
0x171: {  	[sflag:s17] =	ssyncset.done $0x0  }
0x172: {  	s9 =	rddreg [dreg:$0x7];
	[sflag:s17] =	ssyncadd.s32 $0xFFFFC000  }
0x173: {  	[tilespmem:s13], [sflag:$0x1] =	stream.indirect.gather [hbm4b:s2+s12], $0x80, s9, s12, $0xb8;
	[tilespmem:$0x1CC00] =	vst v63  }
0x174: {  	s7 =	rddreg [dreg:$0x8]  }
0x175: {  	[spmem:s3] =	stream.indirect.scatter.add.f32 [tilespmem:s16], [sflag:$0x5], $0x80, s7, s12, $0xb8;
	[tilespmem:$0x1CC00] =	vst v63  }
0x176: {  	_ =	swait.ge [sflag:s11], $0x4000  }
0x177: {  	[sflag:s11] =	ssyncset.done $0x0  }
0x178: {  	[sflag:s11] =	ssyncadd.s32 $0xFFFFC000  }
0x179: {  	_ =	swait.ge [sflag:s15], $0x4000  }
0x17a: {  	[sflag:s15] =	ssyncset.done $0x0  }
0x17b: {  	s8 =	rddreg [dreg:$0x9];
	[sflag:s15] =	ssyncadd.s32 $0xFFFFC000  }
0x17c: {  	[tilespmem:s16], [sflag:$0x2] =	stream.indirect.gather [hbm4b:s2+s12], $0x80, s8, s12, $0xb8;
	[tilespmem:$0x1CC00] =	vst v63  }
0x17d: {  	s9 =	rddreg [dreg:$0xa]  }
0x17e: {  	[spmem:s3] =	stream.indirect.scatter.add.f32 [tilespmem:s13], [sflag:$0x5], $0x80, s9, s12, $0xb8;
	[tilespmem:$0x1CC00] =	vst v63  }
0x17f: {  	_ =	swait.ge [sflag:s11], $0x4000  }
0x180: {  	[sflag:s11] =	ssyncset.done $0x0  }
0x181: {  	[sflag:s11] =	ssyncadd.s32 $0xFFFFC000  }
0x182: {  	_ =	swait.ge [sflag:s17], $0x4000  }
0x183: {  	[sflag:s17] =	ssyncset.done $0x0  }
0x184: {  	s8 =	rddreg [dreg:$0xb];
	[sflag:s17] =	ssyncadd.s32 $0xFFFFC000  }
0x185: {  	[tilespmem:s13], [sflag:$0x1] =	stream.indirect.gather [hbm4b:s2+s12], $0x80, s8, s12, $0xb8;
	[tilespmem:$0x1CC00] =	vst v63  }
0x186: {  	s9 =	rddreg [dreg:$0xc]  }
0x187: {  	[spmem:s3] =	stream.indirect.scatter.add.f32 [tilespmem:s16], [sflag:$0x5], $0x80, s9, s12, $0xb8;
	[tilespmem:$0x1CC00] =	vst v63  }
0x188: {  	_ =	swait.ge [sflag:s11], $0x4000  }
0x189: {  	[sflag:s11] =	ssyncset.done $0x0  }
0x18a: {  	[sflag:s11] =	ssyncadd.s32 $0xFFFFC000  }
0x18b: {  	_ =	swait.ge [sflag:s15], $0x4000  }
0x18c: {  	[sflag:s15] =	ssyncset.done $0x0  }
0x18d: {  	s8 =	rddreg [dreg:$0xd];
	[sflag:s15] =	ssyncadd.s32 $0xFFFFC000  }
0x18e: {  	[tilespmem:s16], [sflag:$0x2] =	stream.indirect.gather [hbm4b:s2+s12], $0x80, s8, s12, $0xb8;
	[tilespmem:$0x1CC00] =	vst v63  }
0x18f: {  	s9 =	rddreg [dreg:$0xe]  }
0x190: {  	[spmem:s3] =	stream.indirect.scatter.add.f32 [tilespmem:s13], [sflag:$0x5], $0x80, s9, s12, $0xb8;
	[tilespmem:$0x1CC00] =	vst v63  }
0x191: {  	_ =	swait.ge [sflag:s11], $0x4000  }
0x192: {  	[sflag:s11] =	ssyncset.done $0x0  }
0x193: {  	[sflag:s11] =	ssyncadd.s32 $0xFFFFC000  }
0x194: {  	_ =	swait.ge [sflag:s17], $0x4000  }
0x195: {  	[sflag:s17] =	ssyncset.done $0x0  }
0x196: {  	s8 =	rddreg [dreg:$0xf];
	[sflag:s17] =	ssyncadd.s32 $0xFFFFC000  }
0x197: {  	[tilespmem:s13], [sflag:$0x1] =	stream.indirect.gather [hbm4b:s2+s12], $0x80, s8, s12, $0xb8;
	[tilespmem:$0x1CC00] =	vst v63  }
0x198: {  	s9 =	rddreg [dreg:$0x10]  }
0x199: {  	[spmem:s3] =	stream.indirect.scatter.add.f32 [tilespmem:s16], [sflag:$0x5], $0x80, s9, s12, $0xb8;
	[tilespmem:$0x1CC00] =	vst v63  }
0x19a: {  	_ =	swait.ge [sflag:s11], $0x4000  }
0x19b: {  	[sflag:s11] =	ssyncset.done $0x0  }
0x19c: {  	[sflag:s11] =	ssyncadd.s32 $0xFFFFC000  }
0x19d: {  	_ =	swait.ge [sflag:s15], $0x4000  }
0x19e: {  	[sflag:s15] =	ssyncset.done $0x0  }
0x19f: {  	s7 =	rddreg [dreg:$0x11];
	[sflag:s15] =	ssyncadd.s32 $0xFFFFC000  }
0x1a0: {  	[tilespmem:s16], [sflag:$0x2] =	stream.indirect.gather [hbm4b:s2+s12], $0x80, s7, s12, $0xb8;
	[tilespmem:$0x1CC00] =	vst v63  }
0x1a1: {  	s8 =	rddreg [dreg:$0x12]  }
0x1a2: {  	[spmem:s3] =	stream.indirect.scatter.add.f32 [tilespmem:s13], [sflag:$0x5], $0x80, s8, s12, $0xb8;
	[tilespmem:$0x1CC00] =	vst v63  }
0x1a3: {  	_ =	swait.ge [sflag:s11], $0x4000  }
0x1a4: {  	[sflag:s11] =	ssyncset.done $0x0  }
0x1a5: {  	[sflag:s11] =	ssyncadd.s32 $0xFFFFC000  }
0x1a6: {  	_ =	swait.ge [sflag:s17], $0x4000  }
0x1a7: {  	[sflag:s17] =	ssyncset.done $0x0  }
0x1a8: {  	[sflag:s17] =	ssyncadd.s32 $0xFFFFC000  }
0x1a9: {  	_ =	swait.ge [sflag:s18], $0x800  }
0x1aa: {  	[sflag:s18] =	ssyncset.done $0x0  }
0x1ab: {  	[sflag:s18] =	ssyncadd.s32 $0xFFFFF800  }
0x1ac: {  	[tilespmem:s13], [sflag:$0x1] =	stream.indirect.gather [hbm4b:s2+s12], $0x80, s14, s12, $0xb8;
	[tilespmem:$0x1CC00] =	vst v63  }
0x1ad: {  	s9 =	rddreg [dreg:$0x13]  }
0x1ae: {  	[spmem:s3] =	stream.indirect.scatter.add.f32 [tilespmem:s16], [sflag:$0x5], $0x80, s9, s12, $0xb8;
	[tilespmem:$0x1CC00] =	vst v63  }
0x1af: {  	_ =	swait.ge [sflag:s11], $0x4000  }
0x1b0: {  	p0 =	seq.s32 s5, $0x1200;
	s6 =	rddreg [dreg:$0x4];
	[sflag:s11] =	ssyncset.done $0x0  }
0x1b1: {  	[sflag:s11] =	ssyncadd.s32 $0xFFFFC000;
	s6 =	sadd.s32 @!p0 s5, s6;
	s5 =	simm.s32 @!p0 $0x0  }
0x1b2: {  	[tilespmem:s5], [sflag:$0x3] =	stream.linear.gather @!p0 [hbm4b:s6+s5], $0x800, $0x38;
	[tilespmem:$0x1CC00] =	vst v63  }
0x1b3: {  	_ =	swait.ge [sflag:s15], $0x4000  }
0x1b4: {  	[sflag:s15] =	ssyncset.done $0x0  }
0x1b5: {  	s7 =	rddreg [dreg:$0x14];
	[sflag:s15] =	ssyncadd.s32 $0xFFFFC000  }
0x1b6: {  	[tilespmem:s16], [sflag:$0x2] =	stream.indirect.gather [hbm4b:s2+s12], $0x80, s7, s12, $0xb8;
	[tilespmem:$0x1CC00] =	vst v63  }
0x1b7: {  	s8 =	rddreg [dreg:$0x15]  }
0x1b8: {  	[spmem:s3] =	stream.indirect.scatter.add.f32 [tilespmem:s13], [sflag:$0x5], $0x80, s8, s12, $0xb8;
	[tilespmem:$0x1CC00] =	vst v63  }
0x1b9: {  	_ =	swait.ge [sflag:s11], $0x4000  }
0x1ba: {  	[sflag:s11] =	ssyncset.done $0x0  }
0x1bb: {  	[sflag:s11] =	ssyncadd.s32 $0xFFFFC000  }
0x1bc: {  	_ =	swait.ge [sflag:s17], $0x4000  }
0x1bd: {  	[sflag:s17] =	ssyncset.done $0x0  }
0x1be: {  	[sflag:s17] =	ssyncadd.s32 $0xFFFFC000  }
0x1bf: {  	[tilespmem:s13], [sflag:$0x1] =	stream.indirect.gather [hbm4b:s2+s12], $0x80, s19, s12, $0xb8;
	[tilespmem:$0x1CC00] =	vst v63  }
0x1c0: {  	_ = 	snop  }
0x1c1: {  	[spmem:s3] =	stream.indirect.scatter.add.f32 [tilespmem:s16], [sflag:$0x5], $0x80, s20, s12, $0xb8;
	[tilespmem:$0x1CC00] =	vst v63  }
0x1c2: {  	_ =	swait.ge [sflag:s11], $0x4000  }
0x1c3: {  	[sflag:s11] =	ssyncset.done $0x0  }
0x1c4: {  	[sflag:s11] =	ssyncadd.s32 $0xFFFFC000  }
0x1c5: {  	_ =	swait.ge [sflag:s15], $0x4000  }
0x1c6: {  	[sflag:s15] =	ssyncset.done $0x0  }
0x1c7: {  	[sflag:s15] =	ssyncadd.s32 $0xFFFFC000  }
0x1c8: {  	[tilespmem:s16], [sflag:$0x2] =	stream.indirect.gather [hbm4b:s2+s12], $0x80, s21, s12, $0xb8;
	[tilespmem:$0x1CC00] =	vst v63  }
0x1c9: {  	_ = 	snop  }
0x1ca: {  	[spmem:s3] =	stream.indirect.scatter.add.f32 [tilespmem:s13], [sflag:$0x5], $0x80, s22, s12, $0xb8;
	[tilespmem:$0x1CC00] =	vst v63  }
0x1cb: {  	_ =	swait.ge [sflag:s11], $0x4000  }
0x1cc: {  	[sflag:s11] =	ssyncset.done $0x0  }
0x1cd: {  	[sflag:s11] =	ssyncadd.s32 $0xFFFFC000  }
0x1ce: {  	_ =	swait.ge [sflag:s17], $0x4000  }
0x1cf: {  	[sflag:s17] =	ssyncset.done $0x0  }
0x1d0: {  	[sflag:s17] =	ssyncadd.s32 $0xFFFFC000  }
0x1d1: {  	[tilespmem:s13], [sflag:$0x1] =	stream.indirect.gather [hbm4b:s2+s12], $0x80, s23, s12, $0xb8;
	[tilespmem:$0x1CC00] =	vst v63  }
0x1d2: {  	_ = 	snop  }
0x1d3: {  	[spmem:s3] =	stream.indirect.scatter.add.f32 [tilespmem:s16], [sflag:$0x5], $0x80, s24, s12, $0xb8;
	[tilespmem:$0x1CC00] =	vst v63  }
0x1d4: {  	_ =	swait.ge [sflag:s11], $0x4000  }
0x1d5: {  	[sflag:s11] =	ssyncset.done $0x0  }
0x1d6: {  	[sflag:s11] =	ssyncadd.s32 $0xFFFFC000  }
0x1d7: {  	_ =	swait.ge [sflag:s15], $0x4000  }
0x1d8: {  	[sflag:s15] =	ssyncset.done $0x0  }
0x1d9: {  	[sflag:s15] =	ssyncadd.s32 $0xFFFFC000  }
0x1da: {  	[tilespmem:s16], [sflag:$0x2] =	stream.indirect.gather [hbm4b:s2+s12], $0x80, s25, s12, $0xb8;
	[tilespmem:$0x1CC00] =	vst v63  }
0x1db: {  	_ = 	snop  }
0x1dc: {  	[spmem:s3] =	stream.indirect.scatter.add.f32 [tilespmem:s13], [sflag:$0x5], $0x80, s26, s12, $0xb8;
	[tilespmem:$0x1CC00] =	vst v63  }
0x1dd: {  	_ =	swait.ge [sflag:s11], $0x4000  }
0x1de: {  	[sflag:s11] =	ssyncset.done $0x0  }
0x1df: {  	[sflag:s11] =	ssyncadd.s32 $0xFFFFC000  }
0x1e0: {  	_ =	swait.ge [sflag:s17], $0x4000  }
0x1e1: {  	[sflag:s17] =	ssyncset.done $0x0  }
0x1e2: {  	[sflag:s17] =	ssyncadd.s32 $0xFFFFC000  }
0x1e3: {  	[tilespmem:s13], [sflag:$0x1] =	stream.indirect.gather [hbm4b:s2+s12], $0x80, s28, s12, $0xb8;
	[tilespmem:$0x1CC00] =	vst v63  }
0x1e4: {  	_ = 	snop  }
0x1e5: {  	[spmem:s3] =	stream.indirect.scatter.add.f32 [tilespmem:s16], [sflag:$0x5], $0x80, s29, s12, $0xb8;
	[tilespmem:$0x1CC00] =	vst v63  }
0x1e6: {  	_ =	swait.ge [sflag:s11], $0x4000  }
0x1e7: {  	[sflag:s11] =	ssyncset.done $0x0  }
0x1e8: {  	[sflag:s11] =	ssyncadd.s32 $0xFFFFC000  }
0x1e9: {  	_ =	swait.ge [sflag:s15], $0x4000  }
0x1ea: {  	[sflag:s15] =	ssyncset.done $0x0  }
0x1eb: {  	[sflag:s15] =	ssyncadd.s32 $0xFFFFC000  }
0x1ec: {  	[tilespmem:s16], [sflag:$0x2] =	stream.indirect.gather [hbm4b:s2+s12], $0x80, s30, s12, $0xb8;
	[tilespmem:$0x1CC00] =	vst v63  }
0x1ed: {  	_ = 	snop  }
0x1ee: {  	[spmem:s3] =	stream.indirect.scatter.add.f32 [tilespmem:s13], [sflag:$0x5], $0x80, s31, s12, $0xb8;
	[tilespmem:$0x1CC00] =	vst v63  }
0x1ef: {  	_ =	swait.ge [sflag:s11], $0x4000  }
0x1f0: {  	[sflag:s11] =	ssyncset.done $0x0  }
0x1f1: {  	[sflag:s11] =	ssyncadd.s32 $0xFFFFC000  }
0x1f2: {  	_ =	swait.ge [sflag:s17], $0x4000  }
0x1f3: {  	[sflag:s17] =	ssyncset.done $0x0  }
0x1f4: {  	s6 =	simm.s32 @!p0 $0x3;
	[sflag:s17] =	ssyncadd.s32 $0xFFFFC000  }
0x1f5: {  	_ =	swait.ge @!p0 [sflag:s6], $0x800  }
0x1f6: {  	[sflag:s6] =	ssyncset.done @!p0 $0x0  }
0x1f7: {  	s7 =	simm.s32 @!p0 $0x1000;
	[sflag:s6] =	ssyncadd.s32 @!p0 $0xFFFFF800;
	s6 =	simm.s32 @!p0 $0x80  }
0x1f8: {  	[tilespmem:s7], [sflag:$0x1] =	stream.indirect.gather @!p0 [hbm4b:s2+s6], $0x80, s5, s6, $0xb8;
	[tilespmem:$0x1CC00] =	vst v63  }
0x1f9: {  	_ = 	snop  }
0x1fa: {  	[spmem:s3] =	stream.indirect.scatter.add.f32 [tilespmem:s16], [sflag:$0x5], $0x80, s0, s12, $0xb8;
	[tilespmem:$0x1CC00] =	vst v63  }
0x1fb: {  	_ =	swait.ge [sflag:s11], $0x4000  }
0x1fc: {  	[sflag:s11] =	ssyncset.done $0x0  }
0x1fd: {  	[sflag:s11] =	ssyncadd.s32 $0xFFFFC000  }
0x1fe: {  	[bflag:$0x0] =	sbarrier.arrive $0xFFFF  }
0x1ff: {  	s9 =	rddreg [dreg:$0x18]  }
0x200: {  	s7 =	rddreg [dreg:$0x1a]  }
0x201: {  	[hbm:s9], [sflag:s10] =	dma.local [spmem:s7], $0x2780  }
0x202: {  	_ =	swait.ge [sflag:s11], $0x2780  }
0x203: {  	s1 =	sadd.s32 $0x1, s1;
	s6 =	smov.u32 s10;
	s10 =	rddreg [dreg:$0x19]  }
0x204: {  	p0 =	sne.s32 s1, s10  }
.Ltmp1:
0x205: {  	_ = 	snop;
	(pc) =	sbr.rel @p0 .LBB2_1-.Ltmp1, $3  }
0x206: {  	_ =	sdelay $0x1  }
0x207: {  	[sflag:s11] =	ssyncset.done $0x0  }
0x208: {  	[sflag:s11] =	ssyncadd.s32 $0xFFFFD880  }
0x209: {  	_ =	sfence.sel $0x180000  }
0x20a: {  	[bflag:$0x0] =	sbarrier.arrive $0xFFFF  }
0x20b: {  	_ =	strace $0x9000004A  }
0x20c: {  	s0 =	stileid.u32;
	[bflag:$0x2] =	sbarrier.arrive $0xFFFF  }
0x20d: {  	p0 =	sne.s32 s0, $0x0;
	s0 =	rddreg [dreg:$0x3]  }
0x20e: {  	s0 =	sadd.s32 @!p0 $0x100000, s0  }
0x20f: {  	[sflag:s0] =	ssyncadd.tile.s32 @!p0 $0x1;
	_ =	shalt  }
.Lfunc_end2:
_tile_overlayer_lowered:
.L_overlay_start_2:
0x210: {  	(tag) =	ssettag $0x2  }
0x211: {  	s0 =	rddreg [dreg:$0x0];
	s2 =	stileid.u32  }
0x212: {  	s1 =	rddreg [dreg:$0x1];
	p0 =	sne.s32 s2, $0x0  }
0x213: {  	s3 =	rddreg [dreg:$0x2];
	[bflag:$0x3] =	sbarrier.arrive $0xFFFF;
	s2 =	simm.s32 @!p0 $0x1C05  }
0x214: {  	[timem:s3], [sflag:s2] =	dma.local @!p0 [hbm:s0], s1  }
0x215: {  	s0 =	simm.s32 @!p0 $0x5  }
0x216: {  	_ =	swait.ge @!p0 [sflag:s0], s1  }
0x217: {  	s1 =	ssub.s32 @!p0 $0x0, s1;
	[sflag:s0] =	ssyncset.done @!p0 $0x0  }
0x218: {  	[sflag:s0] =	ssyncadd.s32 @!p0 s1  }
0x219: {  	[bflag:$0x3] =	sbarrier.arrive $0xFFFF  }
0x21a: {  	_ =	shalt  }

// kernel: kernel.14.cloned.1.call-start
scs
__scs_entry_jumppad:
0x0: {  	(pc) =	sbr.rel $0x88, $3  }
0x1: {  	(tag) =	ssettag $0x0;
	lr =	simm.s32 $0x1  }
0x2: {  	[smem:$0x3F9B] =	sst lr;
	_ =	strace $0xD0000000  }
0x3: {  	_ = 	snop  }
0x4: {  	_ = 	snop  }
0x5: {  	_ = 	snop  }
0x6: {  	_ = 	snop  }
0x7: {  	_ = 	snop  }
__scs_overlays_trampoline_lowered:
0x8: {  	[smem:$0x3FAA] =	sst s0  }
0x9: {  	[smem:$0x3FAB] =	sst s1  }
0xa: {  	[smem:$0x3FAC] =	sst s2  }
0xb: {  	[smem:$0x3FAD] =	sst s3  }
0xc: {  	[smem:$0x3FAE] =	sst s4  }
0xd: {  	[smem:$0x3FAF] =	sst s5  }
0xe: {  	[smem:$0x3FB0] =	sst s6  }
0xf: {  	[smem:$0x3FB1] =	sst s7  }
0x10: {  	[smem:$0x3FB2] =	sst s8  }
0x11: {  	[smem:$0x3FB3] =	sst s9;
	s0 =	simm.s32 @!p0 $0x0  }
0x12: {  	s1 =	sld [smem:$0x3F99];
	s0 =	simm.s32 @p0 $0x1  }
0x13: {  	[smem:$0x3FB4] =	sst s0;
	s0 =	simm.s32 @!p1 $0x0  }
0x14: {  	s2 =	sld [smem:$0x3F98];
	s0 =	simm.s32 @p1 $0x1  }
0x15: {  	[smem:$0x3FB5] =	sst s0;
	s0 =	simm.s32 @!p2 $0x0  }
0x16: {  	s3 =	sld [smem:$0x3FDB];
	s0 =	simm.s32 @p2 $0x1  }
0x17: {  	s4 =	simm.s32 $0x1BF5;
	[smem:$0x3FB7] =	sst s0  }
0x18: {  	s0 =	sld [smem:$0x3F9A];
	_ =	swait.ge [sflag:s4], $0x0  }
0x19: {  	s7 =	sld [smem:$0x3F9B]  }
0x1a: {  	s8 =	sadd.s32 $0xFFFFE003, lr  }
0x1b: {  	s9 =	sadd.s32 $0xFFFFFEF7, lr;
	s5 =	simm.s32 $0xFFFFFFFF;
	p2 =	slt.u32 s8, $0xFFFFF086  }
0x1c: {  	p1 =	slt.u32 s9, $0xF7A;
	s5 =	simm.s32 @!p2 $0x0  }
0x1d: {  	s5 =	simm.s32 @p1 $0x1;
	p0 =	seq.s32 s7, s2  }
0x1e: {  	s7 =	smul.u32 @!p0 $0xF7A, s2;
	p2 =	seq.s32 @!p0 s5, $0x0  }
0x1f: {  	s9 =	smul.u32 $0xF7A, s1;
	s8 =	simm.s32 @!p0 $0x1BF5;
	p2 =	por !p2, p0  }
0x20: {  	[sflag:s8] =	ssyncset.s32 @!p0 $0xFFFFF086;
	s6 =	sadd.s32 @!p0 s3, s7;
	s7 =	simm.s32 @!p0 $0x108  }
0x21: {  	s3 =	sadd.s32 s3, s9;
	s6 =	sadd.s32 @!p0 $0x88, s6;
	s7 =	simm.s32 @p2 $0x1082  }
0x22: {  	[simem:s7], [sflag:s8] =	dma.local @!p0 [hbm:s6], $0xF7A  }
0x23: {  	s9 =	sor.u32 $0xD0000000, s2;
	s6 =	simm.s32 $0x108;
	_ =	swait.ge @!p0 [sflag:s8], $0x0  }
0x24: {  	s3 =	sadd.s32 $0x88, s3;
	s6 =	simm.s32 @!p1 $0x1082;
	[sflag:s4] =	ssyncset.s32 $0xFFFFF086  }
0x25: {  	[simem:s6], [sflag:s4] =	dma.local [hbm:s3], $0xF7A  }
0x26: {  	[smem:$0x3F9B] =	sst s1;
	(tag) =	ssettag s2;
	_ =	strace s9  }
0x27: {  	s1 =	sld [smem:$0x3FAB]  }
0x28: {  	s2 =	sld [smem:$0x3FAC]  }
0x29: {  	s4 =	sld [smem:$0x3FAE]  }
0x2a: {  	p0 =	seq.s32 s5, $0x0;
	s5 =	sld [smem:$0x3FAF]  }
0x2b: {  	s6 =	sld [smem:$0x3FB0]  }
0x2c: {  	s7 =	sld [smem:$0x3FB1]  }
0x2d: {  	s3 =	simm.s32 $0x108;
	s8 =	sld [smem:$0x3FB2]  }
0x2e: {  	s3 =	simm.s32 @!p0 $0x1082;
	s9 =	sld [smem:$0x3FB3]  }
0x2f: {  	lr =	sadd.s32 s0, s3;
	s0 =	sld [smem:$0x3FAA]  }
0x30: {  	s3 =	sld [smem:$0x3FAD]  }
0x31: {  	[smem:$0x3FB6] =	sst s10  }
0x32: {  	s10 =	sld [smem:$0x3FB4];
	_ =	sdelay $0x3  }
0x33: {  	p0 =	seq.s32 s10, $0x1;
	s10 =	sld [smem:$0x3FB6];
	_ =	sdelay $0x3  }
0x34: {  	[smem:$0x3FB6] =	sst s10  }
0x35: {  	s10 =	sld [smem:$0x3FB5];
	_ =	sdelay $0x3  }
0x36: {  	p1 =	seq.s32 s10, $0x1;
	s10 =	sld [smem:$0x3FB6];
	_ =	sdelay $0x3  }
0x37: {  	[smem:$0x3FB6] =	sst s10  }
0x38: {  	s10 =	sld [smem:$0x3FB7]  }
0x39: {  	_ = 	snop;
	(pc) =	sbr.ind lr, $3  }
0x3a: {  	_ = 	snop  }
0x3b: {  	_ = 	snop  }
0x3c: {  	p2 =	seq.s32 s10, $0x1;
	s10 =	sld [smem:$0x3FB6]  }
0x3d: {  	_ =	shalt  }
0x3e: {  	_ =	shalt  }
0x3f: {  	_ =	shalt  }
0x40: {  	_ =	shalt  }
0x41: {  	_ =	shalt  }
0x42: {  	_ =	shalt  }
0x43: {  	_ =	shalt  }
0x44: {  	_ =	shalt  }
0x45: {  	_ =	shalt  }
0x46: {  	_ =	shalt  }
0x47: {  	_ =	shalt  }
0x48: {  	_ =	shalt  }
0x49: {  	_ =	shalt  }
0x4a: {  	_ =	shalt  }
0x4b: {  	_ =	shalt  }
0x4c: {  	_ =	shalt  }
0x4d: {  	_ =	shalt  }
0x4e: {  	_ =	shalt  }
0x4f: {  	_ =	shalt  }
0x50: {  	_ =	shalt  }
0x51: {  	_ =	shalt  }
0x52: {  	_ =	shalt  }
0x53: {  	_ =	shalt  }
0x54: {  	_ =	shalt  }
0x55: {  	_ =	shalt  }
0x56: {  	_ =	shalt  }
0x57: {  	_ =	shalt  }
0x58: {  	_ =	shalt  }
0x59: {  	_ =	shalt  }
0x5a: {  	_ =	shalt  }
0x5b: {  	_ =	shalt  }
0x5c: {  	_ =	shalt  }
0x5d: {  	_ =	shalt  }
0x5e: {  	_ =	shalt  }
0x5f: {  	_ =	shalt  }
0x60: {  	_ =	shalt  }
0x61: {  	_ =	shalt  }
0x62: {  	_ =	shalt  }
0x63: {  	_ =	shalt  }
0x64: {  	_ =	shalt  }
0x65: {  	_ =	shalt  }
0x66: {  	_ =	shalt  }
0x67: {  	_ =	shalt  }
0x68: {  	_ =	shalt  }
0x69: {  	_ =	shalt  }
0x6a: {  	_ =	shalt  }
0x6b: {  	_ =	shalt  }
0x6c: {  	_ =	shalt  }
0x6d: {  	_ =	shalt  }
0x6e: {  	_ =	shalt  }
0x6f: {  	_ =	shalt  }
0x70: {  	_ =	shalt  }
0x71: {  	_ =	shalt  }
0x72: {  	_ =	shalt  }
0x73: {  	_ =	shalt  }
0x74: {  	_ =	shalt  }
0x75: {  	_ =	shalt  }
0x76: {  	_ =	shalt  }
0x77: {  	_ =	shalt  }
0x78: {  	_ =	shalt  }
0x79: {  	_ =	shalt  }
0x7a: {  	_ =	shalt  }
0x7b: {  	_ =	shalt  }
0x7c: {  	_ =	shalt  }
0x7d: {  	_ =	shalt  }
0x7e: {  	_ =	shalt  }
0x7f: {  	_ =	shalt  }
0x80: {  	_ =	shalt  }
0x81: {  	_ =	shalt  }
0x82: {  	_ =	shalt  }
0x83: {  	_ =	shalt  }
0x84: {  	_ =	shalt  }
0x85: {  	_ =	shalt  }
0x86: {  	_ =	shalt  }
0x87: {  	_ =	shalt  }
.Lfunc_end0:
.L_simem_size_0:
called_computation.3_lowered:
.L_overlay_start_0:
0x88: {  	s2 =	sld [smem:$0x3FD9]  }
0x89: {  	s3 =	sld [smem:$0x3FFE];
	_ =	sdelay $0x1  }
0x8a: {  	s1 =	srdreg.scid  }
0x8b: {  	s0 =	sand.u32 $0x1, s1  }
0x8c: {  	s14 =	sshll.u32 s0, $0xA;
	s2 =	sadd.s32 s3, s2  }
0x8d: {  	s2 =	sadd.s32 s2, s14  }
0x8e: {  	[smem:$0x3FC2] =	sst s2  }
0x8f: {  	_ = 	snop  }
0x90: {  	s2 =	sld [smem:$0x3FD0];
	_ =	sdelay $0x2  }
0x91: {  	s15 =	simm.s32 $0xA;
	s4 =	simm.s32 $0x10  }
0x92: {  	[smem:s4], [sflag:s15] =	dma.local [hbm:s2], $0x1  }
0x93: {  	_ =	swait.eq [sflag:s15], $0x1  }
0x94: {  	[sflag:s15] =	ssyncset.done $0x0  }
0x95: {  	[sflag:s15] =	ssyncadd.s32 $0xFFFFFFFF  }
0x96: {  	s16 =	sld [smem:$0x12];
	(tm) =	ssettm $0x1  }
0x97: {  	s17 =	sld [smem:$0x3FFB];
	_ =	sdelay $0x3  }
0x98: {  	_ =	strace s17  }
0x99: {  	s3 =	sld [smem:$0x3FFC];
	_ =	sdelay $0x3  }
0x9a: {  	_ =	strace s3  }
0x9b: {  	s3 =	sld [smem:$0x3FFD];
	_ =	sdelay $0x3  }
0x9c: {  	_ =	strace s3  }
0x9d: {  	_ =	strace $0x8FFFFFFF  }
0x9e: {  	s18 =	sld [smem:$0x3FDB];
	_ =	sdelay $0x1  }
0x9f: {  	s19 =	simm.s32 $_scs_section_size  }
0xa0: {  	s5 =	simm.s32 $_size__tile_overlayer_lowered;
	s6 =	simm.s32 $_tile_overlayer_lowered  }
0xa1: {  	s22 =	simm.s32 $0x1BFF;
	s21 =	sshll.u32 s6, $0x1;
	s3 =	sadd.s32 s19, s18  }
0xa2: {  	s7 =	simm.s32 $0x0;
	s20 =	sshll.u32 s5, $0x1;
	s5 =	sadd.s32 s21, s3  }
0xa3: {  	[timem:s7], [sflag:s22] =	dma.local [hbm:s5], s20  }
0xa4: {  	_ =	swait.ge [sflag:s22], s20  }
0xa5: {  	s4 =	ssub.s32 $0x0, s20;
	[sflag:s22] =	ssyncset.done $0x0  }
0xa6: {  	[sflag:s22] =	ssyncadd.s32 s4;
	_ =	sdelay $0x1  }
0xa7: {  	s23 =	simm.s32 $0x1B8B  }
0xa8: {  	_ =	swait.ge [sflag:s23], $0x1  }
0xa9: {  	[sflag:s23] =	ssyncset.done $0x0  }
0xaa: {  	s25 =	simm.s32 $0x1B8E;
	s24 =	sld [smem:$0x3FFE];
	[sflag:s23] =	ssyncadd.s32 $0xFFFFFFFF  }
0xab: {  	s26 =	simm.s32 $execute0_lowered;
	[smem:$0x3FD2] =	sst s25  }
0xac: {  	s5 =	sshll.u32 s26, $0x1;
	_ =	strace $0x8000004C;
	[dreg:$0x1] =	wrdreg $0xFFFFFFFF  }
0xad: {  	s28 =	simm.s32 $_size_execute0_lowered;
	s3 =	sadd.s32 s3, s5;
	[dreg:$0x0] =	wrdreg $0x0  }
0xae: {  	s5 =	sshll.u32 s28, $0x1;
	[dreg:$0x2] =	wrdreg s3  }
0xaf: {  	[dreg:$0x3] =	wrdreg s5  }
0xb0: {  	[dreg:$0x4] =	wrdreg $0xC0  }
0xb1: {  	_ =	task [dreg:s7], $0x5FFFF  }
0xb2: {  	[dreg:$0x1] =	wrdreg $0xFFFFFFFF  }
0xb3: {  	[dreg:$0x0] =	wrdreg $0x60  }
0xb4: {  	[dreg:$0x2] =	wrdreg s16  }
0xb5: {  	[dreg:$0x3] =	wrdreg s24  }
0xb6: {  	[dreg:$0x4] =	wrdreg $0x90000  }
0xb7: {  	[dreg:$0x5] =	wrdreg $0x9  }
0xb8: {  	_ =	task.clear_ibuf [dreg:s7], $0x6FFFF;
	_ =	strace $0x9000004C  }
0xb9: {  	s29 =	simm.s32 $0x9;
	_ =	strace $0x8000004E  }
0xba: {  	_ =	swait.ge [sflag:s29], $0x1  }
0xbb: {  	[sflag:s29] =	ssyncadd.s32 $0xFFFFFFFF  }
0xbc: {  	_ =	strace $0x9000004E  }
0xbd: {  	_ =	sfence  }
0xbe: {  	s30 =	sld [smem:$0x0];
	_ =	sdelay $0x2  }
0xbf: {  	s31 =	sshll.u32 s1, $0xD;
	s1 =	sshrl.u32 s1, $0x2  }
0xc0: {  	s3 =	sand.u32 $0x4000, s31;
	s1 =	sadd.s32 s1, s30  }
0xc1: {  	s0 =	sor.u32 s3, s0;
	s1 =	sshll.u32 s1, $0x11  }
0xc2: {  	s0 =	sor.u32 s1, s0  }
0xc3: {  	s0 =	sadd.s32 $0x8F2B, s0  }
0xc4: {  	[sflag:s0] =	ssyncadd.remote.s32 $0x1  }
0xc5: {  	_ =	sfence.sel $0xFFFF  }
0xc6: {  	[dreg:$0x0] =	wrdreg $0xFFFFFFFF;
	(pc) =	sbr.abs _section_cstart, $3  }
0xc7: {  	[dreg:$0x1] =	wrdreg $0xFFFFFFFF  }
0xc8: {  	_ =	task.clear_ibuf [dreg:s7], $0x2FFFF;
	_ =	strace $0x9FFFFFFF  }
0xc9: {  	(tm) =	ssettm $0x7FFFFFFF  }
tec
execute0_lowered:
.L_overlay_start_1:
0x0: {  	(tag) =	ssettag $0x1  }
0x1: {  	s2 =	rddreg [dreg:$0x0]  }
0x2: {  	s0 =	rddreg [dreg:$0x1]  }
0x3: {  	s3 =	rddreg [dreg:$0x2]  }
0x4: {  	s12 =	stileid.u32;
	s1 =	srdreg.scid  }
0x5: {  	s4 =	simm.s32 $0x0;
	s13 =	simm.s32 $0x300;
	s5 =	smul.u32 $0x13C00, s12  }
0x6: {  	s14 =	simm.s32 $0x280;
	s15 =	simm.s32 $0x400;
	s7 =	smul.u32 $0x4F000, s12  }
0x7: {  	s17 =	simm.s32 $0x380;
	[smem:$0x7FF] =	sst s4;
	s9 =	smul.u32 $0x14000, s12  }
0x8: {  	s24 =	sshll.u32 s12, $0x1;
	s26 =	sshll.u32 s12, $0x6;
	s12 =	simm.s32 $0x180  }
0x9: {  	s18 =	simm.s32 $0x500;
	_ =	strace $0x8000004D;
	[dreg:$0x8] =	wrdreg s12  }
0xa: {  	s19 =	simm.s32 $0x480;
	s20 =	simm.s32 $0x600;
	[dreg:$0x9] =	wrdreg s13  }
0xb: {  	s28 =	simm.s32 $0xE00;
	s29 =	simm.s32 $0xD80;
	[dreg:$0xa] =	wrdreg s14  }
0xc: {  	s30 =	simm.s32 $0xF00;
	s1 =	sand.u32 $0x1, s1;
	[dreg:$0xb] =	wrdreg s15  }
0xd: {  	s31 =	simm.s32 $0xE80;
	s6 =	smul.u32 $0x13C000, s1;
	[dreg:$0xc] =	wrdreg s17  }
0xe: {  	s8 =	sadd.s32 $0xEE600, s0;
	s10 =	smul.u32 $0xA000, s1;
	[dreg:$0xd] =	wrdreg s18  }
0xf: {  	s21 =	ssub.s32 $0x2, s1;
	s1 =	sor.u32 s1, s24;
	[dreg:$0xe] =	wrdreg s19  }
0x10: {  	s12 =	simm.s32 $0x80;
	s13 =	simm.s32 $0x1000;
	[dreg:$0xf] =	wrdreg s20  }
0x11: {  	s14 =	simm.s32 $0x800;
	s15 =	simm.s32 $0x1;
	s24 =	simm.s32 $0x780  }
0x12: {  	s17 =	simm.s32 $0x2;
	s18 =	simm.s32 $0x4;
	s19 =	simm.s32 $0xA00  }
0x13: {  	s20 =	simm.s32 $0x980;
	s11 =	sshrl.u32 s21, $0x1;
	s7 =	sshrl.u32 s7, $0x2  }
0x14: {  	s1 =	smul.u32 $0xA000, s1;
	[dreg:$0x13] =	wrdreg s24;
	s24 =	simm.s32 $0xB80  }
0x15: {  	s6 =	sadd.s32 s5, s6;
	s5 =	sshrl.u32 s5, $0x3;
	s9 =	sadd.s32 s10, s9  }
0x16: {  	s22 =	ssub.s32 s21, s11;
	s7 =	sadd.s32 s7, s3;
	s11 =	simm.s32 $0x200  }
0x17: {  	s21 =	simm.s32 $0x580;
	s6 =	sshrl.u32 s6, $0x3;
	s5 =	sadd.s32 s5, s0  }
0x18: {  	s23 =	sor.u32 $0x1000, s9;
	s9 =	sor.u32 $0x800, s9;
	[dreg:$0x7] =	wrdreg s11  }
0x19: {  	s1 =	sshrl.u32 s1, $0x3;
	s16 =	smax.u32 s22, $0x1;
	[dreg:$0x10] =	wrdreg s21  }
0x1a: {  	s7 =	sshrl.u32 s7, $0x3;
	s22 =	simm.s32 $0x700;
	[dreg:$0x19] =	wrdreg s16  }
0x1b: {  	s11 =	simm.s32 $0x5;
	s21 =	simm.s32 $0xB00;
	[dreg:$0x11] =	wrdreg s22  }
0x1c: {  	s0 =	sadd.s32 s6, s0;
	s5 =	sadd.s32 $0x4F000, s5;
	[dreg:$0x1a] =	wrdreg s7  }
0x1d: {  	s6 =	sshrl.u32 s23, $0x3;
	s1 =	sadd.s32 s8, s1;
	[dreg:$0x16] =	wrdreg s5  }
0x1e: {  	s9 =	sshrl.u32 s9, $0x3;
	s23 =	simm.s32 $0x680;
	[dreg:$0x17] =	wrdreg s1  }
0x1f: {  	s16 =	simm.s32 $0x5000;
	s6 =	sadd.s32 s6, s8;
	[dreg:$0x12] =	wrdreg s23  }
0x20: {  	s22 =	simm.s32 $0xA80;
	s25 =	sadd.s32 s9, s8;
	[dreg:$0x4] =	wrdreg s6  }
0x21: {  	s9 =	simm.s32 $0x100;
	s0 =	sadd.s32 $0x76800, s0;
	[dreg:$0x5] =	wrdreg s25  }
0x22: {  	s23 =	simm.s32 $0xC00;
	s1 =	simm.s32 $0x0;
	[dreg:$0x6] =	wrdreg s9  }
0x23: {  	s6 =	sor.u32 $0x1C05, s26;
	[dreg:$0x18] =	wrdreg s0;
	s25 =	simm.s32 $0x900  }
0x24: {  	s26 =	simm.s32 $0x880;
	s0 =	simm.s32 $0xF80;
	[dreg:$0x14] =	wrdreg s25  }
0x25: {  	[dreg:$0x15] =	wrdreg s26;
	s25 =	simm.s32 $0xD00;
	s26 =	simm.s32 $0xC80  }
.LBB2_1:
0x26: {  	s5 =	rddreg [dreg:$0x16]  }
0x27: {  	[spmem:s7], [sflag:s6] =	dma.local [hbm:s5], $0x2780  }
0x28: {  	_ =	swait.ge [sflag:s11], $0x2780  }
0x29: {  	[sflag:s11] =	ssyncset.done $0x0  }
0x2a: {  	s8 =	rddreg [dreg:$0x17];
	[sflag:s11] =	ssyncadd.s32 $0xFFFFD880  }
0x2b: {  	[tilespmem:s4], [sflag:$0x5] =	stream.linear.gather [hbm4b:s8+s4], $0x800, $0x38;
	[tilespmem:$0x1CC00] =	vst v63  }
0x2c: {  	_ =	swait.ge [sflag:s11], $0x800  }
0x2d: {  	[sflag:s11] =	ssyncset.done $0x0  }
0x2e: {  	[sflag:s11] =	ssyncadd.s32 $0xFFFFF800  }
0x2f: {  	[bflag:$0x0] =	sbarrier.arrive $0xFFFF  }
0x30: {  	s9 =	rddreg [dreg:$0x5]  }
0x31: {  	[tilespmem:s13], [sflag:$0x1] =	stream.indirect.gather [hbm4b:s2+s12], $0x80, s4, s12, $0xb8;
	[tilespmem:$0x1CC00] =	vst v63  }
0x32: {  	s5 =	sadd.s32 $0x0, s9  }
0x33: {  	[tilespmem:s14], [sflag:$0x4] =	stream.linear.gather [hbm4b:s5+s4], $0x800, $0x38;
	[tilespmem:$0x1CC00] =	vst v63  }
0x34: {  	_ =	swait.ge [sflag:s15], $0x4000  }
0x35: {  	[sflag:s15] =	ssyncset.done $0x0  }
0x36: {  	s10 =	smov.u32 s6;
	s6 =	rddreg [dreg:$0x6];
	[sflag:s15] =	ssyncadd.s32 $0xFFFFC000  }
0x37: {  	[tilespmem:s16], [sflag:$0x2] =	stream.indirect.gather [hbm4b:s2+s12], $0x80, s6, s12, $0xb8;
	[tilespmem:$0x1CC00] =	vst v63  }
0x38: {  	_ = 	snop  }
0x39: {  	[spmem:s3] =	stream.indirect.scatter.add.f32 [tilespmem:s13], [sflag:$0x5], $0x80, s12, s12, $0xb8;
	[tilespmem:$0x1CC00] =	vst v63  }
0x3a: {  	_ =	swait.ge [sflag:s11], $0x4000  }
0x3b: {  	[sflag:s11] =	ssyncset.done $0x0  }
0x3c: {  	[sflag:s11] =	ssyncadd.s32 $0xFFFFC000  }
0x3d: {  	_ =	swait.ge [sflag:s17], $0x4000  }
0x3e: {  	[sflag:s17] =	ssyncset.done $0x0  }
0x3f: {  	s7 =	rddreg [dreg:$0x7];
	[sflag:s17] =	ssyncadd.s32 $0xFFFFC000  }
0x40: {  	[tilespmem:s13], [sflag:$0x1] =	stream.indirect.gather [hbm4b:s2+s12], $0x80, s7, s12, $0xb8;
	[tilespmem:$0x1CC00] =	vst v63  }
0x41: {  	s8 =	rddreg [dreg:$0x8]  }
0x42: {  	[spmem:s3] =	stream.indirect.scatter.add.f32 [tilespmem:s16], [sflag:$0x5], $0x80, s8, s12, $0xb8;
	[tilespmem:$0x1CC00] =	vst v63  }
0x43: {  	_ =	swait.ge [sflag:s11], $0x4000  }
0x44: {  	[sflag:s11] =	ssyncset.done $0x0  }
0x45: {  	[sflag:s11] =	ssyncadd.s32 $0xFFFFC000  }
0x46: {  	_ =	swait.ge [sflag:s15], $0x4000  }
0x47: {  	[sflag:s15] =	ssyncset.done $0x0  }
0x48: {  	s9 =	rddreg [dreg:$0x9];
	[sflag:s15] =	ssyncadd.s32 $0xFFFFC000  }
0x49: {  	[tilespmem:s16], [sflag:$0x2] =	stream.indirect.gather [hbm4b:s2+s12], $0x80, s9, s12, $0xb8;
	[tilespmem:$0x1CC00] =	vst v63  }
0x4a: {  	s6 =	rddreg [dreg:$0xa]  }
0x4b: {  	[spmem:s3] =	stream.indirect.scatter.add.f32 [tilespmem:s13], [sflag:$0x5], $0x80, s6, s12, $0xb8;
	[tilespmem:$0x1CC00] =	vst v63  }
0x4c: {  	_ =	swait.ge [sflag:s11], $0x4000  }
0x4d: {  	[sflag:s11] =	ssyncset.done $0x0  }
0x4e: {  	[sflag:s11] =	ssyncadd.s32 $0xFFFFC000  }
0x4f: {  	_ =	swait.ge [sflag:s17], $0x4000  }
0x50: {  	[sflag:s17] =	ssyncset.done $0x0  }
0x51: {  	s7 =	rddreg [dreg:$0xb];
	[sflag:s17] =	ssyncadd.s32 $0xFFFFC000  }
0x52: {  	[tilespmem:s13], [sflag:$0x1] =	stream.indirect.gather [hbm4b:s2+s12], $0x80, s7, s12, $0xb8;
	[tilespmem:$0x1CC00] =	vst v63  }
0x53: {  	s8 =	rddreg [dreg:$0xc]  }
0x54: {  	[spmem:s3] =	stream.indirect.scatter.add.f32 [tilespmem:s16], [sflag:$0x5], $0x80, s8, s12, $0xb8;
	[tilespmem:$0x1CC00] =	vst v63  }
0x55: {  	_ =	swait.ge [sflag:s11], $0x4000  }
0x56: {  	[sflag:s11] =	ssyncset.done $0x0  }
0x57: {  	[sflag:s11] =	ssyncadd.s32 $0xFFFFC000  }
0x58: {  	_ =	swait.ge [sflag:s15], $0x4000  }
0x59: {  	[sflag:s15] =	ssyncset.done $0x0  }
0x5a: {  	s9 =	rddreg [dreg:$0xd];
	[sflag:s15] =	ssyncadd.s32 $0xFFFFC000  }
0x5b: {  	[tilespmem:s16], [sflag:$0x2] =	stream.indirect.gather [hbm4b:s2+s12], $0x80, s9, s12, $0xb8;
	[tilespmem:$0x1CC00] =	vst v63  }
0x5c: {  	s6 =	rddreg [dreg:$0xe]  }
0x5d: {  	[spmem:s3] =	stream.indirect.scatter.add.f32 [tilespmem:s13], [sflag:$0x5], $0x80, s6, s12, $0xb8;
	[tilespmem:$0x1CC00] =	vst v63  }
0x5e: {  	_ =	swait.ge [sflag:s11], $0x4000  }
0x5f: {  	[sflag:s11] =	ssyncset.done $0x0  }
0x60: {  	[sflag:s11] =	ssyncadd.s32 $0xFFFFC000  }
0x61: {  	_ =	swait.ge [sflag:s17], $0x4000  }
0x62: {  	[sflag:s17] =	ssyncset.done $0x0  }
0x63: {  	s7 =	rddreg [dreg:$0xf];
	[sflag:s17] =	ssyncadd.s32 $0xFFFFC000  }
0x64: {  	[tilespmem:s13], [sflag:$0x1] =	stream.indirect.gather [hbm4b:s2+s12], $0x80, s7, s12, $0xb8;
	[tilespmem:$0x1CC00] =	vst v63  }
0x65: {  	s8 =	rddreg [dreg:$0x10]  }
0x66: {  	[spmem:s3] =	stream.indirect.scatter.add.f32 [tilespmem:s16], [sflag:$0x5], $0x80, s8, s12, $0xb8;
	[tilespmem:$0x1CC00] =	vst v63  }
0x67: {  	_ =	swait.ge [sflag:s11], $0x4000  }
0x68: {  	[sflag:s11] =	ssyncset.done $0x0  }
0x69: {  	[sflag:s11] =	ssyncadd.s32 $0xFFFFC000  }
0x6a: {  	_ =	swait.ge [sflag:s15], $0x4000  }
0x6b: {  	[sflag:s15] =	ssyncset.done $0x0  }
0x6c: {  	s9 =	rddreg [dreg:$0x11];
	[sflag:s15] =	ssyncadd.s32 $0xFFFFC000  }
0x6d: {  	[tilespmem:s16], [sflag:$0x2] =	stream.indirect.gather [hbm4b:s2+s12], $0x80, s9, s12, $0xb8;
	[tilespmem:$0x1CC00] =	vst v63  }
0x6e: {  	s6 =	rddreg [dreg:$0x12]  }
0x6f: {  	[spmem:s3] =	stream.indirect.scatter.add.f32 [tilespmem:s13], [sflag:$0x5], $0x80, s6, s12, $0xb8;
	[tilespmem:$0x1CC00] =	vst v63  }
0x70: {  	_ =	swait.ge [sflag:s11], $0x4000  }
0x71: {  	[sflag:s11] =	ssyncset.done $0x0  }
0x72: {  	[sflag:s11] =	ssyncadd.s32 $0xFFFFC000  }
0x73: {  	_ =	swait.ge [sflag:s17], $0x4000  }
0x74: {  	[sflag:s17] =	ssyncset.done $0x0  }
0x75: {  	[sflag:s17] =	ssyncadd.s32 $0xFFFFC000  }
0x76: {  	_ =	swait.ge [sflag:s18], $0x800  }
0x77: {  	[sflag:s18] =	ssyncset.done $0x0  }
0x78: {  	[sflag:s18] =	ssyncadd.s32 $0xFFFFF800  }
0x79: {  	[tilespmem:s13], [sflag:$0x1] =	stream.indirect.gather [hbm4b:s2+s12], $0x80, s14, s12, $0xb8;
	[tilespmem:$0x1CC00] =	vst v63  }
0x7a: {  	s8 =	rddreg [dreg:$0x13]  }
0x7b: {  	[spmem:s3] =	stream.indirect.scatter.add.f32 [tilespmem:s16], [sflag:$0x5], $0x80, s8, s12, $0xb8;
	[tilespmem:$0x1CC00] =	vst v63  }
0x7c: {  	_ =	swait.ge [sflag:s11], $0x4000  }
0x7d: {  	p0 =	por $0x0, $0x0;
	s5 =	rddreg [dreg:$0x4];
	[sflag:s11] =	ssyncset.done $0x0  }
0x7e: {  	[sflag:s11] =	ssyncadd.s32 $0xFFFFC000;
	s7 =	sadd.s32 @!p0 $0x0, s5;
	s5 =	simm.s32 @!p0 $0x0  }
0x7f: {  	[tilespmem:s5], [sflag:$0x3] =	stream.linear.gather @!p0 [hbm4b:s7+s5], $0x800, $0x38;
	[tilespmem:$0x1CC00] =	vst v63  }
0x80: {  	_ =	swait.ge [sflag:s15], $0x4000  }
0x81: {  	[sflag:s15] =	ssyncset.done $0x0  }
0x82: {  	s9 =	rddreg [dreg:$0x14];
	[sflag:s15] =	ssyncadd.s32 $0xFFFFC000  }
0x83: {  	[tilespmem:s16], [sflag:$0x2] =	stream.indirect.gather [hbm4b:s2+s12], $0x80, s9, s12, $0xb8;
	[tilespmem:$0x1CC00] =	vst v63  }
0x84: {  	s8 =	rddreg [dreg:$0x15]  }
0x85: {  	[spmem:s3] =	stream.indirect.scatter.add.f32 [tilespmem:s13], [sflag:$0x5], $0x80, s8, s12, $0xb8;
	[tilespmem:$0x1CC00] =	vst v63  }
0x86: {  	_ =	swait.ge [sflag:s11], $0x4000  }
0x87: {  	[sflag:s11] =	ssyncset.done $0x0  }
0x88: {  	[sflag:s11] =	ssyncadd.s32 $0xFFFFC000  }
0x89: {  	_ =	swait.ge [sflag:s17], $0x4000  }
0x8a: {  	[sflag:s17] =	ssyncset.done $0x0  }
0x8b: {  	[sflag:s17] =	ssyncadd.s32 $0xFFFFC000  }
0x8c: {  	[tilespmem:s13], [sflag:$0x1] =	stream.indirect.gather [hbm4b:s2+s12], $0x80, s19, s12, $0xb8;
	[tilespmem:$0x1CC00] =	vst v63  }
0x8d: {  	_ = 	snop  }
0x8e: {  	[spmem:s3] =	stream.indirect.scatter.add.f32 [tilespmem:s16], [sflag:$0x5], $0x80, s20, s12, $0xb8;
	[tilespmem:$0x1CC00] =	vst v63  }
0x8f: {  	_ =	swait.ge [sflag:s11], $0x4000  }
0x90: {  	[sflag:s11] =	ssyncset.done $0x0  }
0x91: {  	[sflag:s11] =	ssyncadd.s32 $0xFFFFC000  }
0x92: {  	_ =	swait.ge [sflag:s15], $0x4000  }
0x93: {  	[sflag:s15] =	ssyncset.done $0x0  }
0x94: {  	[sflag:s15] =	ssyncadd.s32 $0xFFFFC000  }
0x95: {  	[tilespmem:s16], [sflag:$0x2] =	stream.indirect.gather [hbm4b:s2+s12], $0x80, s21, s12, $0xb8;
	[tilespmem:$0x1CC00] =	vst v63  }
0x96: {  	_ = 	snop  }
0x97: {  	[spmem:s3] =	stream.indirect.scatter.add.f32 [tilespmem:s13], [sflag:$0x5], $0x80, s22, s12, $0xb8;
	[tilespmem:$0x1CC00] =	vst v63  }
0x98: {  	_ =	swait.ge [sflag:s11], $0x4000  }
0x99: {  	[sflag:s11] =	ssyncset.done $0x0  }
0x9a: {  	[sflag:s11] =	ssyncadd.s32 $0xFFFFC000  }
0x9b: {  	_ =	swait.ge [sflag:s17], $0x4000  }
0x9c: {  	[sflag:s17] =	ssyncset.done $0x0  }
0x9d: {  	[sflag:s17] =	ssyncadd.s32 $0xFFFFC000  }
0x9e: {  	[tilespmem:s13], [sflag:$0x1] =	stream.indirect.gather [hbm4b:s2+s12], $0x80, s23, s12, $0xb8;
	[tilespmem:$0x1CC00] =	vst v63  }
0x9f: {  	_ = 	snop  }
0xa0: {  	[spmem:s3] =	stream.indirect.scatter.add.f32 [tilespmem:s16], [sflag:$0x5], $0x80, s24, s12, $0xb8;
	[tilespmem:$0x1CC00] =	vst v63  }
0xa1: {  	_ =	swait.ge [sflag:s11], $0x4000  }
0xa2: {  	[sflag:s11] =	ssyncset.done $0x0  }
0xa3: {  	[sflag:s11] =	ssyncadd.s32 $0xFFFFC000  }
0xa4: {  	_ =	swait.ge [sflag:s15], $0x4000  }
0xa5: {  	[sflag:s15] =	ssyncset.done $0x0  }
0xa6: {  	[sflag:s15] =	ssyncadd.s32 $0xFFFFC000  }
0xa7: {  	[tilespmem:s16], [sflag:$0x2] =	stream.indirect.gather [hbm4b:s2+s12], $0x80, s25, s12, $0xb8;
	[tilespmem:$0x1CC00] =	vst v63  }
0xa8: {  	_ = 	snop  }
0xa9: {  	[spmem:s3] =	stream.indirect.scatter.add.f32 [tilespmem:s13], [sflag:$0x5], $0x80, s26, s12, $0xb8;
	[tilespmem:$0x1CC00] =	vst v63  }
0xaa: {  	_ =	swait.ge [sflag:s11], $0x4000  }
0xab: {  	[sflag:s11] =	ssyncset.done $0x0  }
0xac: {  	[sflag:s11] =	ssyncadd.s32 $0xFFFFC000  }
0xad: {  	_ =	swait.ge [sflag:s17], $0x4000  }
0xae: {  	[sflag:s17] =	ssyncset.done $0x0  }
0xaf: {  	[sflag:s17] =	ssyncadd.s32 $0xFFFFC000  }
0xb0: {  	[tilespmem:s13], [sflag:$0x1] =	stream.indirect.gather [hbm4b:s2+s12], $0x80, s28, s12, $0xb8;
	[tilespmem:$0x1CC00] =	vst v63  }
0xb1: {  	_ = 	snop  }
0xb2: {  	[spmem:s3] =	stream.indirect.scatter.add.f32 [tilespmem:s16], [sflag:$0x5], $0x80, s29, s12, $0xb8;
	[tilespmem:$0x1CC00] =	vst v63  }
0xb3: {  	_ =	swait.ge [sflag:s11], $0x4000  }
0xb4: {  	[sflag:s11] =	ssyncset.done $0x0  }
0xb5: {  	[sflag:s11] =	ssyncadd.s32 $0xFFFFC000  }
0xb6: {  	_ =	swait.ge [sflag:s15], $0x4000  }
0xb7: {  	[sflag:s15] =	ssyncset.done $0x0  }
0xb8: {  	[sflag:s15] =	ssyncadd.s32 $0xFFFFC000  }
0xb9: {  	[tilespmem:s16], [sflag:$0x2] =	stream.indirect.gather [hbm4b:s2+s12], $0x80, s30, s12, $0xb8;
	[tilespmem:$0x1CC00] =	vst v63  }
0xba: {  	_ = 	snop  }
0xbb: {  	[spmem:s3] =	stream.indirect.scatter.add.f32 [tilespmem:s13], [sflag:$0x5], $0x80, s31, s12, $0xb8;
	[tilespmem:$0x1CC00] =	vst v63  }
0xbc: {  	_ =	swait.ge [sflag:s11], $0x4000  }
0xbd: {  	[sflag:s11] =	ssyncset.done $0x0  }
0xbe: {  	[sflag:s11] =	ssyncadd.s32 $0xFFFFC000  }
0xbf: {  	_ =	swait.ge [sflag:s17], $0x4000  }
0xc0: {  	[sflag:s17] =	ssyncset.done $0x0  }
0xc1: {  	s7 =	simm.s32 @!p0 $0x3;
	[sflag:s17] =	ssyncadd.s32 $0xFFFFC000  }
0xc2: {  	_ =	swait.ge @!p0 [sflag:s7], $0x800  }
0xc3: {  	[sflag:s7] =	ssyncset.done @!p0 $0x0  }
0xc4: {  	s8 =	simm.s32 @!p0 $0x1000;
	[sflag:s7] =	ssyncadd.s32 @!p0 $0xFFFFF800;
	s7 =	simm.s32 @!p0 $0x80  }
0xc5: {  	[tilespmem:s8], [sflag:$0x1] =	stream.indirect.gather @!p0 [hbm4b:s2+s7], $0x80, s5, s7, $0xb8;
	[tilespmem:$0x1CC00] =	vst v63  }
0xc6: {  	_ = 	snop  }
0xc7: {  	[spmem:s3] =	stream.indirect.scatter.add.f32 [tilespmem:s16], [sflag:$0x5], $0x80, s0, s12, $0xb8;
	[tilespmem:$0x1CC00] =	vst v63  }
0xc8: {  	_ =	swait.ge [sflag:s11], $0x4000  }
0xc9: {  	s5 =	simm.s32 $0x200;
	s7 =	simm.s32 $0x400;
	[sflag:s11] =	ssyncset.done $0x0  }
.LBB2_2:
0xca: {  	s9 =	rddreg [dreg:$0x5]  }
0xcb: {  	[sflag:s11] =	ssyncadd.s32 $0xFFFFC000;
	s9 =	sadd.s32 s5, s9  }
0xcc: {  	[tilespmem:s14], [sflag:$0x4] =	stream.linear.gather [hbm4b:s9+s4], $0x800, $0x38;
	[tilespmem:$0x1CC00] =	vst v63  }
0xcd: {  	_ =	swait.ge [sflag:s15], $0x4000  }
0xce: {  	[sflag:s15] =	ssyncset.done $0x0  }
0xcf: {  	s6 =	rddreg [dreg:$0x6];
	[sflag:s15] =	ssyncadd.s32 $0xFFFFC000  }
0xd0: {  	[tilespmem:s16], [sflag:$0x2] =	stream.indirect.gather [hbm4b:s2+s12], $0x80, s6, s12, $0xb8;
	[tilespmem:$0x1CC00] =	vst v63  }
0xd1: {  	_ = 	snop  }
0xd2: {  	[spmem:s3] =	stream.indirect.scatter.add.f32 [tilespmem:s13], [sflag:$0x5], $0x80, s12, s12, $0xb8;
	[tilespmem:$0x1CC00] =	vst v63  }
0xd3: {  	_ =	swait.ge [sflag:s11], $0x4000  }
0xd4: {  	[sflag:s11] =	ssyncset.done $0x0  }
0xd5: {  	[sflag:s11] =	ssyncadd.s32 $0xFFFFC000  }
0xd6: {  	_ =	swait.ge [sflag:s17], $0x4000  }
0xd7: {  	[sflag:s17] =	ssyncset.done $0x0  }
0xd8: {  	s9 =	rddreg [dreg:$0x7];
	[sflag:s17] =	ssyncadd.s32 $0xFFFFC000  }
0xd9: {  	[tilespmem:s13], [sflag:$0x1] =	stream.indirect.gather [hbm4b:s2+s12], $0x80, s9, s12, $0xb8;
	[tilespmem:$0x1CC00] =	vst v63  }
0xda: {  	s6 =	rddreg [dreg:$0x8]  }
0xdb: {  	[spmem:s3] =	stream.indirect.scatter.add.f32 [tilespmem:s16], [sflag:$0x5], $0x80, s6, s12, $0xb8;
	[tilespmem:$0x1CC00] =	vst v63  }
0xdc: {  	_ =	swait.ge [sflag:s11], $0x4000  }
0xdd: {  	[sflag:s11] =	ssyncset.done $0x0  }
0xde: {  	[sflag:s11] =	ssyncadd.s32 $0xFFFFC000  }
0xdf: {  	_ =	swait.ge [sflag:s15], $0x4000  }
0xe0: {  	[sflag:s15] =	ssyncset.done $0x0  }
0xe1: {  	s6 =	rddreg [dreg:$0x9];
	[sflag:s15] =	ssyncadd.s32 $0xFFFFC000  }
0xe2: {  	[tilespmem:s16], [sflag:$0x2] =	stream.indirect.gather [hbm4b:s2+s12], $0x80, s6, s12, $0xb8;
	[tilespmem:$0x1CC00] =	vst v63  }
0xe3: {  	s9 =	rddreg [dreg:$0xa]  }
0xe4: {  	[spmem:s3] =	stream.indirect.scatter.add.f32 [tilespmem:s13], [sflag:$0x5], $0x80, s9, s12, $0xb8;
	[tilespmem:$0x1CC00] =	vst v63  }
0xe5: {  	_ =	swait.ge [sflag:s11], $0x4000  }
0xe6: {  	[sflag:s11] =	ssyncset.done $0x0  }
0xe7: {  	[sflag:s11] =	ssyncadd.s32 $0xFFFFC000  }
0xe8: {  	_ =	swait.ge [sflag:s17], $0x4000  }
0xe9: {  	[sflag:s17] =	ssyncset.done $0x0  }
0xea: {  	s6 =	rddreg [dreg:$0xb];
	[sflag:s17] =	ssyncadd.s32 $0xFFFFC000  }
0xeb: {  	[tilespmem:s13], [sflag:$0x1] =	stream.indirect.gather [hbm4b:s2+s12], $0x80, s6, s12, $0xb8;
	[tilespmem:$0x1CC00] =	vst v63  }
0xec: {  	s9 =	rddreg [dreg:$0xc]  }
0xed: {  	[spmem:s3] =	stream.indirect.scatter.add.f32 [tilespmem:s16], [sflag:$0x5], $0x80, s9, s12, $0xb8;
	[tilespmem:$0x1CC00] =	vst v63  }
0xee: {  	_ =	swait.ge [sflag:s11], $0x4000  }
0xef: {  	[sflag:s11] =	ssyncset.done $0x0  }
0xf0: {  	[sflag:s11] =	ssyncadd.s32 $0xFFFFC000  }
0xf1: {  	_ =	swait.ge [sflag:s15], $0x4000  }
0xf2: {  	[sflag:s15] =	ssyncset.done $0x0  }
0xf3: {  	s6 =	rddreg [dreg:$0xd];
	[sflag:s15] =	ssyncadd.s32 $0xFFFFC000  }
0xf4: {  	[tilespmem:s16], [sflag:$0x2] =	stream.indirect.gather [hbm4b:s2+s12], $0x80, s6, s12, $0xb8;
	[tilespmem:$0x1CC00] =	vst v63  }
0xf5: {  	s9 =	rddreg [dreg:$0xe]  }
0xf6: {  	[spmem:s3] =	stream.indirect.scatter.add.f32 [tilespmem:s13], [sflag:$0x5], $0x80, s9, s12, $0xb8;
	[tilespmem:$0x1CC00] =	vst v63  }
0xf7: {  	_ =	swait.ge [sflag:s11], $0x4000  }
0xf8: {  	[sflag:s11] =	ssyncset.done $0x0  }
0xf9: {  	[sflag:s11] =	ssyncadd.s32 $0xFFFFC000  }
0xfa: {  	_ =	swait.ge [sflag:s17], $0x4000  }
0xfb: {  	[sflag:s17] =	ssyncset.done $0x0  }
0xfc: {  	s6 =	rddreg [dreg:$0xf];
	[sflag:s17] =	ssyncadd.s32 $0xFFFFC000  }
0xfd: {  	[tilespmem:s13], [sflag:$0x1] =	stream.indirect.gather [hbm4b:s2+s12], $0x80, s6, s12, $0xb8;
	[tilespmem:$0x1CC00] =	vst v63  }
0xfe: {  	s9 =	rddreg [dreg:$0x10]  }
0xff: {  	[spmem:s3] =	stream.indirect.scatter.add.f32 [tilespmem:s16], [sflag:$0x5], $0x80, s9, s12, $0xb8;
	[tilespmem:$0x1CC00] =	vst v63  }
0x100: {  	_ =	swait.ge [sflag:s11], $0x4000  }
0x101: {  	[sflag:s11] =	ssyncset.done $0x0  }
0x102: {  	[sflag:s11] =	ssyncadd.s32 $0xFFFFC000  }
0x103: {  	_ =	swait.ge [sflag:s15], $0x4000  }
0x104: {  	[sflag:s15] =	ssyncset.done $0x0  }
0x105: {  	s6 =	rddreg [dreg:$0x11];
	[sflag:s15] =	ssyncadd.s32 $0xFFFFC000  }
0x106: {  	[tilespmem:s16], [sflag:$0x2] =	stream.indirect.gather [hbm4b:s2+s12], $0x80, s6, s12, $0xb8;
	[tilespmem:$0x1CC00] =	vst v63  }
0x107: {  	s9 =	rddreg [dreg:$0x12]  }
0x108: {  	[spmem:s3] =	stream.indirect.scatter.add.f32 [tilespmem:s13], [sflag:$0x5], $0x80, s9, s12, $0xb8;
	[tilespmem:$0x1CC00] =	vst v63  }
0x109: {  	_ =	swait.ge [sflag:s11], $0x4000  }
0x10a: {  	[sflag:s11] =	ssyncset.done $0x0  }
0x10b: {  	[sflag:s11] =	ssyncadd.s32 $0xFFFFC000  }
0x10c: {  	_ =	swait.ge [sflag:s17], $0x4000  }
0x10d: {  	[sflag:s17] =	ssyncset.done $0x0  }
0x10e: {  	[sflag:s17] =	ssyncadd.s32 $0xFFFFC000  }
0x10f: {  	_ =	swait.ge [sflag:s18], $0x800  }
0x110: {  	[sflag:s18] =	ssyncset.done $0x0  }
0x111: {  	[sflag:s18] =	ssyncadd.s32 $0xFFFFF800  }
0x112: {  	[tilespmem:s13], [sflag:$0x1] =	stream.indirect.gather [hbm4b:s2+s12], $0x80, s14, s12, $0xb8;
	[tilespmem:$0x1CC00] =	vst v63  }
0x113: {  	s9 =	rddreg [dreg:$0x13]  }
0x114: {  	[spmem:s3] =	stream.indirect.scatter.add.f32 [tilespmem:s16], [sflag:$0x5], $0x80, s9, s12, $0xb8;
	[tilespmem:$0x1CC00] =	vst v63  }
0x115: {  	_ =	swait.ge [sflag:s11], $0x4000  }
0x116: {  	p1 =	seq.s32 s5, $0x1200;
	s6 =	rddreg [dreg:$0x4];
	[sflag:s11] =	ssyncset.done $0x0  }
0x117: {  	s9 =	simm.s32 @!p1 $0x0;
	[sflag:s11] =	ssyncadd.s32 $0xFFFFC000;
	s5 =	sadd.s32 @!p1 s5, s6  }
0x118: {  	[tilespmem:s9], [sflag:$0x3] =	stream.linear.gather @!p1 [hbm4b:s5+s9], $0x800, $0x38;
	[tilespmem:$0x1CC00] =	vst v63  }
0x119: {  	_ =	swait.ge [sflag:s15], $0x4000  }
0x11a: {  	[sflag:s15] =	ssyncset.done $0x0  }
0x11b: {  	s8 =	smov.u32 s7;
	s6 =	rddreg [dreg:$0x14];
	[sflag:s15] =	ssyncadd.s32 $0xFFFFC000  }
0x11c: {  	[tilespmem:s16], [sflag:$0x2] =	stream.indirect.gather [hbm4b:s2+s12], $0x80, s6, s12, $0xb8;
	[tilespmem:$0x1CC00] =	vst v63  }
0x11d: {  	s5 =	smov.u32 s8;
	s8 =	rddreg [dreg:$0x15]  }
0x11e: {  	[spmem:s3] =	stream.indirect.scatter.add.f32 [tilespmem:s13], [sflag:$0x5], $0x80, s8, s12, $0xb8;
	[tilespmem:$0x1CC00] =	vst v63  }
0x11f: {  	_ =	swait.ge [sflag:s11], $0x4000  }
0x120: {  	[sflag:s11] =	ssyncset.done $0x0  }
0x121: {  	[sflag:s11] =	ssyncadd.s32 $0xFFFFC000  }
0x122: {  	_ =	swait.ge [sflag:s17], $0x4000  }
0x123: {  	[sflag:s17] =	ssyncset.done $0x0  }
0x124: {  	[sflag:s17] =	ssyncadd.s32 $0xFFFFC000  }
0x125: {  	[tilespmem:s13], [sflag:$0x1] =	stream.indirect.gather [hbm4b:s2+s12], $0x80, s19, s12, $0xb8;
	[tilespmem:$0x1CC00] =	vst v63  }
0x126: {  	_ = 	snop  }
0x127: {  	[spmem:s3] =	stream.indirect.scatter.add.f32 [tilespmem:s16], [sflag:$0x5], $0x80, s20, s12, $0xb8;
	[tilespmem:$0x1CC00] =	vst v63  }
0x128: {  	_ =	swait.ge [sflag:s11], $0x4000  }
0x129: {  	[sflag:s11] =	ssyncset.done $0x0  }
0x12a: {  	[sflag:s11] =	ssyncadd.s32 $0xFFFFC000  }
0x12b: {  	_ =	swait.ge [sflag:s15], $0x4000  }
0x12c: {  	[sflag:s15] =	ssyncset.done $0x0  }
0x12d: {  	[sflag:s15] =	ssyncadd.s32 $0xFFFFC000  }
0x12e: {  	[tilespmem:s16], [sflag:$0x2] =	stream.indirect.gather [hbm4b:s2+s12], $0x80, s21, s12, $0xb8;
	[tilespmem:$0x1CC00] =	vst v63  }
0x12f: {  	_ = 	snop  }
0x130: {  	[spmem:s3] =	stream.indirect.scatter.add.f32 [tilespmem:s13], [sflag:$0x5], $0x80, s22, s12, $0xb8;
	[tilespmem:$0x1CC00] =	vst v63  }
0x131: {  	_ =	swait.ge [sflag:s11], $0x4000  }
0x132: {  	[sflag:s11] =	ssyncset.done $0x0  }
0x133: {  	[sflag:s11] =	ssyncadd.s32 $0xFFFFC000  }
0x134: {  	_ =	swait.ge [sflag:s17], $0x4000  }
0x135: {  	[sflag:s17] =	ssyncset.done $0x0  }
0x136: {  	[sflag:s17] =	ssyncadd.s32 $0xFFFFC000  }
0x137: {  	[tilespmem:s13], [sflag:$0x1] =	stream.indirect.gather [hbm4b:s2+s12], $0x80, s23, s12, $0xb8;
	[tilespmem:$0x1CC00] =	vst v63  }
0x138: {  	_ = 	snop  }
0x139: {  	[spmem:s3] =	stream.indirect.scatter.add.f32 [tilespmem:s16], [sflag:$0x5], $0x80, s24, s12, $0xb8;
	[tilespmem:$0x1CC00] =	vst v63  }
0x13a: {  	_ =	swait.ge [sflag:s11], $0x4000  }
0x13b: {  	[sflag:s11] =	ssyncset.done $0x0  }
0x13c: {  	[sflag:s11] =	ssyncadd.s32 $0xFFFFC000  }
0x13d: {  	_ =	swait.ge [sflag:s15], $0x4000  }
0x13e: {  	[sflag:s15] =	ssyncset.done $0x0  }
0x13f: {  	[sflag:s15] =	ssyncadd.s32 $0xFFFFC000  }
0x140: {  	[tilespmem:s16], [sflag:$0x2] =	stream.indirect.gather [hbm4b:s2+s12], $0x80, s25, s12, $0xb8;
	[tilespmem:$0x1CC00] =	vst v63  }
0x141: {  	_ = 	snop  }
0x142: {  	[spmem:s3] =	stream.indirect.scatter.add.f32 [tilespmem:s13], [sflag:$0x5], $0x80, s26, s12, $0xb8;
	[tilespmem:$0x1CC00] =	vst v63  }
0x143: {  	_ =	swait.ge [sflag:s11], $0x4000  }
0x144: {  	[sflag:s11] =	ssyncset.done $0x0  }
0x145: {  	[sflag:s11] =	ssyncadd.s32 $0xFFFFC000  }
0x146: {  	_ =	swait.ge [sflag:s17], $0x4000  }
0x147: {  	[sflag:s17] =	ssyncset.done $0x0  }
0x148: {  	[sflag:s17] =	ssyncadd.s32 $0xFFFFC000  }
0x149: {  	[tilespmem:s13], [sflag:$0x1] =	stream.indirect.gather [hbm4b:s2+s12], $0x80, s28, s12, $0xb8;
	[tilespmem:$0x1CC00] =	vst v63  }
0x14a: {  	_ = 	snop  }
0x14b: {  	[spmem:s3] =	stream.indirect.scatter.add.f32 [tilespmem:s16], [sflag:$0x5], $0x80, s29, s12, $0xb8;
	[tilespmem:$0x1CC00] =	vst v63  }
0x14c: {  	_ =	swait.ge [sflag:s11], $0x4000  }
0x14d: {  	[sflag:s11] =	ssyncset.done $0x0  }
0x14e: {  	[sflag:s11] =	ssyncadd.s32 $0xFFFFC000  }
0x14f: {  	_ =	swait.ge [sflag:s15], $0x4000  }
0x150: {  	[sflag:s15] =	ssyncset.done $0x0  }
0x151: {  	[sflag:s15] =	ssyncadd.s32 $0xFFFFC000  }
0x152: {  	[tilespmem:s16], [sflag:$0x2] =	stream.indirect.gather [hbm4b:s2+s12], $0x80, s30, s12, $0xb8;
	[tilespmem:$0x1CC00] =	vst v63  }
0x153: {  	_ = 	snop  }
0x154: {  	[spmem:s3] =	stream.indirect.scatter.add.f32 [tilespmem:s13], [sflag:$0x5], $0x80, s31, s12, $0xb8;
	[tilespmem:$0x1CC00] =	vst v63  }
0x155: {  	_ =	swait.ge [sflag:s11], $0x4000  }
0x156: {  	[sflag:s11] =	ssyncset.done $0x0  }
0x157: {  	[sflag:s11] =	ssyncadd.s32 $0xFFFFC000  }
0x158: {  	_ =	swait.ge [sflag:s17], $0x4000  }
0x159: {  	[sflag:s17] =	ssyncset.done $0x0  }
0x15a: {  	s6 =	simm.s32 @!p1 $0x3;
	[sflag:s17] =	ssyncadd.s32 $0xFFFFC000  }
0x15b: {  	s7 =	sadd.s32 $0x200, s7;
	_ =	swait.ge @!p1 [sflag:s6], $0x800  }
0x15c: {  	p0 =	sne.s32 s7, $0x1400;
	[sflag:s6] =	ssyncset.done @!p1 $0x0  }
0x15d: {  	s8 =	simm.s32 @!p1 $0x1000;
	[sflag:s6] =	ssyncadd.s32 @!p1 $0xFFFFF800;
	s6 =	simm.s32 @!p1 $0x80  }
0x15e: {  	[tilespmem:s8], [sflag:$0x1] =	stream.indirect.gather @!p1 [hbm4b:s2+s6], $0x80, s9, s6, $0xb8;
	[tilespmem:$0x1CC00] =	vst v63  }
.Ltmp0:
0x15f: {  	_ = 	snop;
	(pc) =	sbr.rel @p0 .LBB2_2-.Ltmp0, $4  }
0x160: {  	_ = 	snop  }
0x161: {  	[spmem:s3] =	stream.indirect.scatter.add.f32 [tilespmem:s16], [sflag:$0x5], $0x80, s0, s12, $0xb8;
	[tilespmem:$0x1CC00] =	vst v63  }
0x162: {  	_ =	swait.ge [sflag:s11], $0x4000  }
0x163: {  	[sflag:s11] =	ssyncset.done $0x0  }
0x164: {  	s6 =	rddreg [dreg:$0x5]  }
0x165: {  	[sflag:s11] =	ssyncadd.s32 $0xFFFFC000;
	s6 =	sadd.s32 s5, s6  }
0x166: {  	[tilespmem:s14], [sflag:$0x4] =	stream.linear.gather [hbm4b:s6+s4], $0x800, $0x38;
	[tilespmem:$0x1CC00] =	vst v63  }
0x167: {  	_ =	swait.ge [sflag:s15], $0x4000  }
0x168: {  	[sflag:s15] =	ssyncset.done $0x0  }
0x169: {  	s8 =	rddreg [dreg:$0x6];
	[sflag:s15] =	ssyncadd.s32 $0xFFFFC000  }
0x16a: {  	[tilespmem:s16], [sflag:$0x2] =	stream.indirect.gather [hbm4b:s2+s12], $0x80, s8, s12, $0xb8;
	[tilespmem:$0x1CC00] =	vst v63  }
0x16b: {  	_ = 	snop  }
0x16c: {  	[spmem:s3] =	stream.indirect.scatter.add.f32 [tilespmem:s13], [sflag:$0x5], $0x80, s12, s12, $0xb8;
	[tilespmem:$0x1CC00] =	vst v63  }
0x16d: {  	_ =	swait.ge [sflag:s11], $0x4000  }
0x16e: {  	[sflag:s11] =	ssyncset.done $0x0  }
0x16f: {  	[sflag:s11] =	ssyncadd.s32 $0xFFFFC000  }
0x170: {  	_ =	swait.ge [sflag:s17], $0x4000  }
0x171: {  	[sflag:s17] =	ssyncset.done $0x0  }
0x172: {  	s9 =	rddreg [dreg:$0x7];
	[sflag:s17] =	ssyncadd.s32 $0xFFFFC000  }
0x173: {  	[tilespmem:s13], [sflag:$0x1] =	stream.indirect.gather [hbm4b:s2+s12], $0x80, s9, s12, $0xb8;
	[tilespmem:$0x1CC00] =	vst v63  }
0x174: {  	s7 =	rddreg [dreg:$0x8]  }
0x175: {  	[spmem:s3] =	stream.indirect.scatter.add.f32 [tilespmem:s16], [sflag:$0x5], $0x80, s7, s12, $0xb8;
	[tilespmem:$0x1CC00] =	vst v63  }
0x176: {  	_ =	swait.ge [sflag:s11], $0x4000  }
0x177: {  	[sflag:s11] =	ssyncset.done $0x0  }
0x178: {  	[sflag:s11] =	ssyncadd.s32 $0xFFFFC000  }
0x179: {  	_ =	swait.ge [sflag:s15], $0x4000  }
0x17a: {  	[sflag:s15] =	ssyncset.done $0x0  }
0x17b: {  	s8 =	rddreg [dreg:$0x9];
	[sflag:s15] =	ssyncadd.s32 $0xFFFFC000  }
0x17c: {  	[tilespmem:s16], [sflag:$0x2] =	stream.indirect.gather [hbm4b:s2+s12], $0x80, s8, s12, $0xb8;
	[tilespmem:$0x1CC00] =	vst v63  }
0x17d: {  	s9 =	rddreg [dreg:$0xa]  }
0x17e: {  	[spmem:s3] =	stream.indirect.scatter.add.f32 [tilespmem:s13], [sflag:$0x5], $0x80, s9, s12, $0xb8;
	[tilespmem:$0x1CC00] =	vst v63  }
0x17f: {  	_ =	swait.ge [sflag:s11], $0x4000  }
0x180: {  	[sflag:s11] =	ssyncset.done $0x0  }
0x181: {  	[sflag:s11] =	ssyncadd.s32 $0xFFFFC000  }
0x182: {  	_ =	swait.ge [sflag:s17], $0x4000  }
0x183: {  	[sflag:s17] =	ssyncset.done $0x0  }
0x184: {  	s8 =	rddreg [dreg:$0xb];
	[sflag:s17] =	ssyncadd.s32 $0xFFFFC000  }
0x185: {  	[tilespmem:s13], [sflag:$0x1] =	stream.indirect.gather [hbm4b:s2+s12], $0x80, s8, s12, $0xb8;
	[tilespmem:$0x1CC00] =	vst v63  }
0x186: {  	s9 =	rddreg [dreg:$0xc]  }
0x187: {  	[spmem:s3] =	stream.indirect.scatter.add.f32 [tilespmem:s16], [sflag:$0x5], $0x80, s9, s12, $0xb8;
	[tilespmem:$0x1CC00] =	vst v63  }
0x188: {  	_ =	swait.ge [sflag:s11], $0x4000  }
0x189: {  	[sflag:s11] =	ssyncset.done $0x0  }
0x18a: {  	[sflag:s11] =	ssyncadd.s32 $0xFFFFC000  }
0x18b: {  	_ =	swait.ge [sflag:s15], $0x4000  }
0x18c: {  	[sflag:s15] =	ssyncset.done $0x0  }
0x18d: {  	s8 =	rddreg [dreg:$0xd];
	[sflag:s15] =	ssyncadd.s32 $0xFFFFC000  }
0x18e: {  	[tilespmem:s16], [sflag:$0x2] =	stream.indirect.gather [hbm4b:s2+s12], $0x80, s8, s12, $0xb8;
	[tilespmem:$0x1CC00] =	vst v63  }
0x18f: {  	s9 =	rddreg [dreg:$0xe]  }
0x190: {  	[spmem:s3] =	stream.indirect.scatter.add.f32 [tilespmem:s13], [sflag:$0x5], $0x80, s9, s12, $0xb8;
	[tilespmem:$0x1CC00] =	vst v63  }
0x191: {  	_ =	swait.ge [sflag:s11], $0x4000  }
0x192: {  	[sflag:s11] =	ssyncset.done $0x0  }
0x193: {  	[sflag:s11] =	ssyncadd.s32 $0xFFFFC000  }
0x194: {  	_ =	swait.ge [sflag:s17], $0x4000  }
0x195: {  	[sflag:s17] =	ssyncset.done $0x0  }
0x196: {  	s8 =	rddreg [dreg:$0xf];
	[sflag:s17] =	ssyncadd.s32 $0xFFFFC000  }
0x197: {  	[tilespmem:s13], [sflag:$0x1] =	stream.indirect.gather [hbm4b:s2+s12], $0x80, s8, s12, $0xb8;
	[tilespmem:$0x1CC00] =	vst v63  }
0x198: {  	s9 =	rddreg [dreg:$0x10]  }
0x199: {  	[spmem:s3] =	stream.indirect.scatter.add.f32 [tilespmem:s16], [sflag:$0x5], $0x80, s9, s12, $0xb8;
	[tilespmem:$0x1CC00] =	vst v63  }
0x19a: {  	_ =	swait.ge [sflag:s11], $0x4000  }
0x19b: {  	[sflag:s11] =	ssyncset.done $0x0  }
0x19c: {  	[sflag:s11] =	ssyncadd.s32 $0xFFFFC000  }
0x19d: {  	_ =	swait.ge [sflag:s15], $0x4000  }
0x19e: {  	[sflag:s15] =	ssyncset.done $0x0  }
0x19f: {  	s7 =	rddreg [dreg:$0x11];
	[sflag:s15] =	ssyncadd.s32 $0xFFFFC000  }
0x1a0: {  	[tilespmem:s16], [sflag:$0x2] =	stream.indirect.gather [hbm4b:s2+s12], $0x80, s7, s12, $0xb8;
	[tilespmem:$0x1CC00] =	vst v63  }
0x1a1: {  	s8 =	rddreg [dreg:$0x12]  }
0x1a2: {  	[spmem:s3] =	stream.indirect.scatter.add.f32 [tilespmem:s13], [sflag:$0x5], $0x80, s8, s12, $0xb8;
	[tilespmem:$0x1CC00] =	vst v63  }
0x1a3: {  	_ =	swait.ge [sflag:s11], $0x4000  }
0x1a4: {  	[sflag:s11] =	ssyncset.done $0x0  }
0x1a5: {  	[sflag:s11] =	ssyncadd.s32 $0xFFFFC000  }
0x1a6: {  	_ =	swait.ge [sflag:s17], $0x4000  }
0x1a7: {  	[sflag:s17] =	ssyncset.done $0x0  }
0x1a8: {  	[sflag:s17] =	ssyncadd.s32 $0xFFFFC000  }
0x1a9: {  	_ =	swait.ge [sflag:s18], $0x800  }
0x1aa: {  	[sflag:s18] =	ssyncset.done $0x0  }
0x1ab: {  	[sflag:s18] =	ssyncadd.s32 $0xFFFFF800  }
0x1ac: {  	[tilespmem:s13], [sflag:$0x1] =	stream.indirect.gather [hbm4b:s2+s12], $0x80, s14, s12, $0xb8;
	[tilespmem:$0x1CC00] =	vst v63  }
0x1ad: {  	s9 =	rddreg [dreg:$0x13]  }
0x1ae: {  	[spmem:s3] =	stream.indirect.scatter.add.f32 [tilespmem:s16], [sflag:$0x5], $0x80, s9, s12, $0xb8;
	[tilespmem:$0x1CC00] =	vst v63  }
0x1af: {  	_ =	swait.ge [sflag:s11], $0x4000  }
0x1b0: {  	p0 =	seq.s32 s5, $0x1200;
	s6 =	rddreg [dreg:$0x4];
	[sflag:s11] =	ssyncset.done $0x0  }
0x1b1: {  	[sflag:s11] =	ssyncadd.s32 $0xFFFFC000;
	s6 =	sadd.s32 @!p0 s5, s6;
	s5 =	simm.s32 @!p0 $0x0  }
0x1b2: {  	[tilespmem:s5], [sflag:$0x3] =	stream.linear.gather @!p0 [hbm4b:s6+s5], $0x800, $0x38;
	[tilespmem:$0x1CC00] =	vst v63  }
0x1b3: {  	_ =	swait.ge [sflag:s15], $0x4000  }
0x1b4: {  	[sflag:s15] =	ssyncset.done $0x0  }
0x1b5: {  	s7 =	rddreg [dreg:$0x14];
	[sflag:s15] =	ssyncadd.s32 $0xFFFFC000  }
0x1b6: {  	[tilespmem:s16], [sflag:$0x2] =	stream.indirect.gather [hbm4b:s2+s12], $0x80, s7, s12, $0xb8;
	[tilespmem:$0x1CC00] =	vst v63  }
0x1b7: {  	s8 =	rddreg [dreg:$0x15]  }
0x1b8: {  	[spmem:s3] =	stream.indirect.scatter.add.f32 [tilespmem:s13], [sflag:$0x5], $0x80, s8, s12, $0xb8;
	[tilespmem:$0x1CC00] =	vst v63  }
0x1b9: {  	_ =	swait.ge [sflag:s11], $0x4000  }
0x1ba: {  	[sflag:s11] =	ssyncset.done $0x0  }
0x1bb: {  	[sflag:s11] =	ssyncadd.s32 $0xFFFFC000  }
0x1bc: {  	_ =	swait.ge [sflag:s17], $0x4000  }
0x1bd: {  	[sflag:s17] =	ssyncset.done $0x0  }
0x1be: {  	[sflag:s17] =	ssyncadd.s32 $0xFFFFC000  }
0x1bf: {  	[tilespmem:s13], [sflag:$0x1] =	stream.indirect.gather [hbm4b:s2+s12], $0x80, s19, s12, $0xb8;
	[tilespmem:$0x1CC00] =	vst v63  }
0x1c0: {  	_ = 	snop  }
0x1c1: {  	[spmem:s3] =	stream.indirect.scatter.add.f32 [tilespmem:s16], [sflag:$0x5], $0x80, s20, s12, $0xb8;
	[tilespmem:$0x1CC00] =	vst v63  }
0x1c2: {  	_ =	swait.ge [sflag:s11], $0x4000  }
0x1c3: {  	[sflag:s11] =	ssyncset.done $0x0  }
0x1c4: {  	[sflag:s11] =	ssyncadd.s32 $0xFFFFC000  }
0x1c5: {  	_ =	swait.ge [sflag:s15], $0x4000  }
0x1c6: {  	[sflag:s15] =	ssyncset.done $0x0  }
0x1c7: {  	[sflag:s15] =	ssyncadd.s32 $0xFFFFC000  }
0x1c8: {  	[tilespmem:s16], [sflag:$0x2] =	stream.indirect.gather [hbm4b:s2+s12], $0x80, s21, s12, $0xb8;
	[tilespmem:$0x1CC00] =	vst v63  }
0x1c9: {  	_ = 	snop  }
0x1ca: {  	[spmem:s3] =	stream.indirect.scatter.add.f32 [tilespmem:s13], [sflag:$0x5], $0x80, s22, s12, $0xb8;
	[tilespmem:$0x1CC00] =	vst v63  }
0x1cb: {  	_ =	swait.ge [sflag:s11], $0x4000  }
0x1cc: {  	[sflag:s11] =	ssyncset.done $0x0  }
0x1cd: {  	[sflag:s11] =	ssyncadd.s32 $0xFFFFC000  }
0x1ce: {  	_ =	swait.ge [sflag:s17], $0x4000  }
0x1cf: {  	[sflag:s17] =	ssyncset.done $0x0  }
0x1d0: {  	[sflag:s17] =	ssyncadd.s32 $0xFFFFC000  }
0x1d1: {  	[tilespmem:s13], [sflag:$0x1] =	stream.indirect.gather [hbm4b:s2+s12], $0x80, s23, s12, $0xb8;
	[tilespmem:$0x1CC00] =	vst v63  }
0x1d2: {  	_ = 	snop  }
0x1d3: {  	[spmem:s3] =	stream.indirect.scatter.add.f32 [tilespmem:s16], [sflag:$0x5], $0x80, s24, s12, $0xb8;
	[tilespmem:$0x1CC00] =	vst v63  }
0x1d4: {  	_ =	swait.ge [sflag:s11], $0x4000  }
0x1d5: {  	[sflag:s11] =	ssyncset.done $0x0  }
0x1d6: {  	[sflag:s11] =	ssyncadd.s32 $0xFFFFC000  }
0x1d7: {  	_ =	swait.ge [sflag:s15], $0x4000  }
0x1d8: {  	[sflag:s15] =	ssyncset.done $0x0  }
0x1d9: {  	[sflag:s15] =	ssyncadd.s32 $0xFFFFC000  }
0x1da: {  	[tilespmem:s16], [sflag:$0x2] =	stream.indirect.gather [hbm4b:s2+s12], $0x80, s25, s12, $0xb8;
	[tilespmem:$0x1CC00] =	vst v63  }
0x1db: {  	_ = 	snop  }
0x1dc: {  	[spmem:s3] =	stream.indirect.scatter.add.f32 [tilespmem:s13], [sflag:$0x5], $0x80, s26, s12, $0xb8;
	[tilespmem:$0x1CC00] =	vst v63  }
0x1dd: {  	_ =	swait.ge [sflag:s11], $0x4000  }
0x1de: {  	[sflag:s11] =	ssyncset.done $0x0  }
0x1df: {  	[sflag:s11] =	ssyncadd.s32 $0xFFFFC000  }
0x1e0: {  	_ =	swait.ge [sflag:s17], $0x4000  }
0x1e1: {  	[sflag:s17] =	ssyncset.done $0x0  }
0x1e2: {  	[sflag:s17] =	ssyncadd.s32 $0xFFFFC000  }
0x1e3: {  	[tilespmem:s13], [sflag:$0x1] =	stream.indirect.gather [hbm4b:s2+s12], $0x80, s28, s12, $0xb8;
	[tilespmem:$0x1CC00] =	vst v63  }
0x1e4: {  	_ = 	snop  }
0x1e5: {  	[spmem:s3] =	stream.indirect.scatter.add.f32 [tilespmem:s16], [sflag:$0x5], $0x80, s29, s12, $0xb8;
	[tilespmem:$0x1CC00] =	vst v63  }
0x1e6: {  	_ =	swait.ge [sflag:s11], $0x4000  }
0x1e7: {  	[sflag:s11] =	ssyncset.done $0x0  }
0x1e8: {  	[sflag:s11] =	ssyncadd.s32 $0xFFFFC000  }
0x1e9: {  	_ =	swait.ge [sflag:s15], $0x4000  }
0x1ea: {  	[sflag:s15] =	ssyncset.done $0x0  }
0x1eb: {  	[sflag:s15] =	ssyncadd.s32 $0xFFFFC000  }
0x1ec: {  	[tilespmem:s16], [sflag:$0x2] =	stream.indirect.gather [hbm4b:s2+s12], $0x80, s30, s12, $0xb8;
	[tilespmem:$0x1CC00] =	vst v63  }
0x1ed: {  	_ = 	snop  }
0x1ee: {  	[spmem:s3] =	stream.indirect.scatter.add.f32 [tilespmem:s13], [sflag:$0x5], $0x80, s31, s12, $0xb8;
	[tilespmem:$0x1CC00] =	vst v63  }
0x1ef: {  	_ =	swait.ge [sflag:s11], $0x4000  }
0x1f0: {  	[sflag:s11] =	ssyncset.done $0x0  }
0x1f1: {  	[sflag:s11] =	ssyncadd.s32 $0xFFFFC000  }
0x1f2: {  	_ =	swait.ge [sflag:s17], $0x4000  }
0x1f3: {  	[sflag:s17] =	ssyncset.done $0x0  }
0x1f4: {  	s6 =	simm.s32 @!p0 $0x3;
	[sflag:s17] =	ssyncadd.s32 $0xFFFFC000  }
0x1f5: {  	_ =	swait.ge @!p0 [sflag:s6], $0x800  }
0x1f6: {  	[sflag:s6] =	ssyncset.done @!p0 $0x0  }
0x1f7: {  	s7 =	simm.s32 @!p0 $0x1000;
	[sflag:s6] =	ssyncadd.s32 @!p0 $0xFFFFF800;
	s6 =	simm.s32 @!p0 $0x80  }
0x1f8: {  	[tilespmem:s7], [sflag:$0x1] =	stream.indirect.gather @!p0 [hbm4b:s2+s6], $0x80, s5, s6, $0xb8;
	[tilespmem:$0x1CC00] =	vst v63  }
0x1f9: {  	_ = 	snop  }
0x1fa: {  	[spmem:s3] =	stream.indirect.scatter.add.f32 [tilespmem:s16], [sflag:$0x5], $0x80, s0, s12, $0xb8;
	[tilespmem:$0x1CC00] =	vst v63  }
0x1fb: {  	_ =	swait.ge [sflag:s11], $0x4000  }
0x1fc: {  	[sflag:s11] =	ssyncset.done $0x0  }
0x1fd: {  	[sflag:s11] =	ssyncadd.s32 $0xFFFFC000  }
0x1fe: {  	[bflag:$0x0] =	sbarrier.arrive $0xFFFF  }
0x1ff: {  	s9 =	rddreg [dreg:$0x18]  }
0x200: {  	s7 =	rddreg [dreg:$0x1a]  }
0x201: {  	[hbm:s9], [sflag:s10] =	dma.local [spmem:s7], $0x2780  }
0x202: {  	_ =	swait.ge [sflag:s11], $0x2780  }
0x203: {  	s1 =	sadd.s32 $0x1, s1;
	s6 =	smov.u32 s10;
	s10 =	rddreg [dreg:$0x19]  }
0x204: {  	p0 =	sne.s32 s1, s10  }
.Ltmp1:
0x205: {  	_ = 	snop;
	(pc) =	sbr.rel @p0 .LBB2_1-.Ltmp1, $3  }
0x206: {  	_ =	sdelay $0x1  }
0x207: {  	[sflag:s11] =	ssyncset.done $0x0  }
0x208: {  	[sflag:s11] =	ssyncadd.s32 $0xFFFFD880  }
0x209: {  	_ =	sfence.sel $0x180000  }
0x20a: {  	[bflag:$0x0] =	sbarrier.arrive $0xFFFF  }
0x20b: {  	_ =	strace $0x9000004D  }
0x20c: {  	s0 =	stileid.u32;
	[bflag:$0x2] =	sbarrier.arrive $0xFFFF  }
0x20d: {  	p0 =	sne.s32 s0, $0x0;
	s0 =	rddreg [dreg:$0x3]  }
0x20e: {  	s0 =	sadd.s32 @!p0 $0x100000, s0  }
0x20f: {  	[sflag:s0] =	ssyncadd.tile.s32 @!p0 $0x1;
	_ =	shalt  }
.Lfunc_end2:
_tile_overlayer_lowered:
.L_overlay_start_2:
0x210: {  	(tag) =	ssettag $0x2  }
0x211: {  	s0 =	rddreg [dreg:$0x0];
	s2 =	stileid.u32  }
0x212: {  	s1 =	rddreg [dreg:$0x1];
	p0 =	sne.s32 s2, $0x0  }
0x213: {  	s3 =	rddreg [dreg:$0x2];
	[bflag:$0x3] =	sbarrier.arrive $0xFFFF;
	s2 =	simm.s32 @!p0 $0x1C05  }
0x214: {  	[timem:s3], [sflag:s2] =	dma.local @!p0 [hbm:s0], s1  }
0x215: {  	s0 =	simm.s32 @!p0 $0x5  }
0x216: {  	_ =	swait.ge @!p0 [sflag:s0], s1  }
0x217: {  	s1 =	ssub.s32 @!p0 $0x0, s1;
	[sflag:s0] =	ssyncset.done @!p0 $0x0  }
0x218: {  	[sflag:s0] =	ssyncadd.s32 @!p0 s1  }
0x219: {  	[bflag:$0x3] =	sbarrier.arrive $0xFFFF  }
0x21a: {  	_ =	shalt  }

// kernel: kernel.8.cloned.1.call-start
scs
__scs_entry_jumppad:
0x0: {  	(pc) =	sbr.rel $0x88, $3  }
0x1: {  	(tag) =	ssettag $0x0;
	lr =	simm.s32 $0x1  }
0x2: {  	[smem:$0x3F9B] =	sst lr;
	_ =	strace $0xD0000000  }
0x3: {  	_ = 	snop  }
0x4: {  	_ = 	snop  }
0x5: {  	_ = 	snop  }
0x6: {  	_ = 	snop  }
0x7: {  	_ = 	snop  }
__scs_overlays_trampoline_lowered:
0x8: {  	[smem:$0x3FAA] =	sst s0  }
0x9: {  	[smem:$0x3FAB] =	sst s1  }
0xa: {  	[smem:$0x3FAC] =	sst s2  }
0xb: {  	[smem:$0x3FAD] =	sst s3  }
0xc: {  	[smem:$0x3FAE] =	sst s4  }
0xd: {  	[smem:$0x3FAF] =	sst s5  }
0xe: {  	[smem:$0x3FB0] =	sst s6  }
0xf: {  	[smem:$0x3FB1] =	sst s7  }
0x10: {  	[smem:$0x3FB2] =	sst s8  }
0x11: {  	[smem:$0x3FB3] =	sst s9;
	s0 =	simm.s32 @!p0 $0x0  }
0x12: {  	s1 =	sld [smem:$0x3F99];
	s0 =	simm.s32 @p0 $0x1  }
0x13: {  	[smem:$0x3FB4] =	sst s0;
	s0 =	simm.s32 @!p1 $0x0  }
0x14: {  	s2 =	sld [smem:$0x3F98];
	s0 =	simm.s32 @p1 $0x1  }
0x15: {  	[smem:$0x3FB5] =	sst s0;
	s0 =	simm.s32 @!p2 $0x0  }
0x16: {  	s3 =	sld [smem:$0x3FDB];
	s0 =	simm.s32 @p2 $0x1  }
0x17: {  	s4 =	simm.s32 $0x1BF5;
	[smem:$0x3FB7] =	sst s0  }
0x18: {  	s0 =	sld [smem:$0x3F9A];
	_ =	swait.ge [sflag:s4], $0x0  }
0x19: {  	s7 =	sld [smem:$0x3F9B]  }
0x1a: {  	s8 =	sadd.s32 $0xFFFFE003, lr  }
0x1b: {  	s9 =	sadd.s32 $0xFFFFFEF7, lr;
	s5 =	simm.s32 $0xFFFFFFFF;
	p2 =	slt.u32 s8, $0xFFFFF086  }
0x1c: {  	p1 =	slt.u32 s9, $0xF7A;
	s5 =	simm.s32 @!p2 $0x0  }
0x1d: {  	s5 =	simm.s32 @p1 $0x1;
	p0 =	seq.s32 s7, s2  }
0x1e: {  	s7 =	smul.u32 @!p0 $0xF7A, s2;
	p2 =	seq.s32 @!p0 s5, $0x0  }
0x1f: {  	s9 =	smul.u32 $0xF7A, s1;
	s8 =	simm.s32 @!p0 $0x1BF5;
	p2 =	por !p2, p0  }
0x20: {  	[sflag:s8] =	ssyncset.s32 @!p0 $0xFFFFF086;
	s6 =	sadd.s32 @!p0 s3, s7;
	s7 =	simm.s32 @!p0 $0x108  }
0x21: {  	s3 =	sadd.s32 s3, s9;
	s6 =	sadd.s32 @!p0 $0x88, s6;
	s7 =	simm.s32 @p2 $0x1082  }
0x22: {  	[simem:s7], [sflag:s8] =	dma.local @!p0 [hbm:s6], $0xF7A  }
0x23: {  	s9 =	sor.u32 $0xD0000000, s2;
	s6 =	simm.s32 $0x108;
	_ =	swait.ge @!p0 [sflag:s8], $0x0  }
0x24: {  	s3 =	sadd.s32 $0x88, s3;
	s6 =	simm.s32 @!p1 $0x1082;
	[sflag:s4] =	ssyncset.s32 $0xFFFFF086  }
0x25: {  	[simem:s6], [sflag:s4] =	dma.local [hbm:s3], $0xF7A  }
0x26: {  	[smem:$0x3F9B] =	sst s1;
	(tag) =	ssettag s2;
	_ =	strace s9  }
0x27: {  	s1 =	sld [smem:$0x3FAB]  }
0x28: {  	s2 =	sld [smem:$0x3FAC]  }
0x29: {  	s4 =	sld [smem:$0x3FAE]  }
0x2a: {  	p0 =	seq.s32 s5, $0x0;
	s5 =	sld [smem:$0x3FAF]  }
0x2b: {  	s6 =	sld [smem:$0x3FB0]  }
0x2c: {  	s7 =	sld [smem:$0x3FB1]  }
0x2d: {  	s3 =	simm.s32 $0x108;
	s8 =	sld [smem:$0x3FB2]  }
0x2e: {  	s3 =	simm.s32 @!p0 $0x1082;
	s9 =	sld [smem:$0x3FB3]  }
0x2f: {  	lr =	sadd.s32 s0, s3;
	s0 =	sld [smem:$0x3FAA]  }
0x30: {  	s3 =	sld [smem:$0x3FAD]  }
0x31: {  	[smem:$0x3FB6] =	sst s10  }
0x32: {  	s10 =	sld [smem:$0x3FB4];
	_ =	sdelay $0x3  }
0x33: {  	p0 =	seq.s32 s10, $0x1;
	s10 =	sld [smem:$0x3FB6];
	_ =	sdelay $0x3  }
0x34: {  	[smem:$0x3FB6] =	sst s10  }
0x35: {  	s10 =	sld [smem:$0x3FB5];
	_ =	sdelay $0x3  }
0x36: {  	p1 =	seq.s32 s10, $0x1;
	s10 =	sld [smem:$0x3FB6];
	_ =	sdelay $0x3  }
0x37: {  	[smem:$0x3FB6] =	sst s10  }
0x38: {  	s10 =	sld [smem:$0x3FB7]  }
0x39: {  	_ = 	snop;
	(pc) =	sbr.ind lr, $3  }
0x3a: {  	_ = 	snop  }
0x3b: {  	_ = 	snop  }
0x3c: {  	p2 =	seq.s32 s10, $0x1;
	s10 =	sld [smem:$0x3FB6]  }
0x3d: {  	_ =	shalt  }
0x3e: {  	_ =	shalt  }
0x3f: {  	_ =	shalt  }
0x40: {  	_ =	shalt  }
0x41: {  	_ =	shalt  }
0x42: {  	_ =	shalt  }
0x43: {  	_ =	shalt  }
0x44: {  	_ =	shalt  }
0x45: {  	_ =	shalt  }
0x46: {  	_ =	shalt  }
0x47: {  	_ =	shalt  }
0x48: {  	_ =	shalt  }
0x49: {  	_ =	shalt  }
0x4a: {  	_ =	shalt  }
0x4b: {  	_ =	shalt  }
0x4c: {  	_ =	shalt  }
0x4d: {  	_ =	shalt  }
0x4e: {  	_ =	shalt  }
0x4f: {  	_ =	shalt  }
0x50: {  	_ =	shalt  }
0x51: {  	_ =	shalt  }
0x52: {  	_ =	shalt  }
0x53: {  	_ =	shalt  }
0x54: {  	_ =	shalt  }
0x55: {  	_ =	shalt  }
0x56: {  	_ =	shalt  }
0x57: {  	_ =	shalt  }
0x58: {  	_ =	shalt  }
0x59: {  	_ =	shalt  }
0x5a: {  	_ =	shalt  }
0x5b: {  	_ =	shalt  }
0x5c: {  	_ =	shalt  }
0x5d: {  	_ =	shalt  }
0x5e: {  	_ =	shalt  }
0x5f: {  	_ =	shalt  }
0x60: {  	_ =	shalt  }
0x61: {  	_ =	shalt  }
0x62: {  	_ =	shalt  }
0x63: {  	_ =	shalt  }
0x64: {  	_ =	shalt  }
0x65: {  	_ =	shalt  }
0x66: {  	_ =	shalt  }
0x67: {  	_ =	shalt  }
0x68: {  	_ =	shalt  }
0x69: {  	_ =	shalt  }
0x6a: {  	_ =	shalt  }
0x6b: {  	_ =	shalt  }
0x6c: {  	_ =	shalt  }
0x6d: {  	_ =	shalt  }
0x6e: {  	_ =	shalt  }
0x6f: {  	_ =	shalt  }
0x70: {  	_ =	shalt  }
0x71: {  	_ =	shalt  }
0x72: {  	_ =	shalt  }
0x73: {  	_ =	shalt  }
0x74: {  	_ =	shalt  }
0x75: {  	_ =	shalt  }
0x76: {  	_ =	shalt  }
0x77: {  	_ =	shalt  }
0x78: {  	_ =	shalt  }
0x79: {  	_ =	shalt  }
0x7a: {  	_ =	shalt  }
0x7b: {  	_ =	shalt  }
0x7c: {  	_ =	shalt  }
0x7d: {  	_ =	shalt  }
0x7e: {  	_ =	shalt  }
0x7f: {  	_ =	shalt  }
0x80: {  	_ =	shalt  }
0x81: {  	_ =	shalt  }
0x82: {  	_ =	shalt  }
0x83: {  	_ =	shalt  }
0x84: {  	_ =	shalt  }
0x85: {  	_ =	shalt  }
0x86: {  	_ =	shalt  }
0x87: {  	_ =	shalt  }
.Lfunc_end0:
.L_simem_size_0:
called_computation.1_lowered:
.L_overlay_start_0:
0x88: {  	s2 =	sld [smem:$0x3FD9]  }
0x89: {  	s3 =	sld [smem:$0x3FFE];
	_ =	sdelay $0x1  }
0x8a: {  	s1 =	srdreg.scid  }
0x8b: {  	s0 =	sand.u32 $0x1, s1  }
0x8c: {  	s14 =	sshll.u32 s0, $0xA;
	s2 =	sadd.s32 s3, s2  }
0x8d: {  	s2 =	sadd.s32 s2, s14  }
0x8e: {  	[smem:$0x3FC2] =	sst s2  }
0x8f: {  	_ = 	snop  }
0x90: {  	s2 =	sld [smem:$0x3FD0];
	_ =	sdelay $0x2  }
0x91: {  	s15 =	simm.s32 $0xA;
	s4 =	simm.s32 $0x10  }
0x92: {  	[smem:s4], [sflag:s15] =	dma.local [hbm:s2], $0x1  }
0x93: {  	_ =	swait.eq [sflag:s15], $0x1  }
0x94: {  	[sflag:s15] =	ssyncset.done $0x0  }
0x95: {  	s16 =	sld [smem:$0x10];
	[sflag:s15] =	ssyncadd.s32 $0xFFFFFFFF  }
0x96: {  	s17 =	sld [smem:$0x12];
	(tm) =	ssettm $0x1  }
0x97: {  	s18 =	sld [smem:$0x3FFB];
	_ =	sdelay $0x3  }
0x98: {  	_ =	strace s18  }
0x99: {  	s4 =	sld [smem:$0x3FFC];
	_ =	sdelay $0x3  }
0x9a: {  	_ =	strace s4  }
0x9b: {  	s4 =	sld [smem:$0x3FFD];
	_ =	sdelay $0x3  }
0x9c: {  	_ =	strace s4  }
0x9d: {  	_ =	strace $0x8FFFFFFF  }
0x9e: {  	s19 =	sld [smem:$0x3FDB];
	_ =	sdelay $0x1  }
0x9f: {  	s5 =	simm.s32 $_scs_section_size  }
0xa0: {  	s6 =	simm.s32 $_size__tile_overlayer_lowered;
	s7 =	simm.s32 $_tile_overlayer_lowered  }
0xa1: {  	s22 =	simm.s32 $0x1BFF;
	s21 =	sshll.u32 s7, $0x1;
	s4 =	sadd.s32 s5, s19  }
0xa2: {  	s8 =	simm.s32 $0x0;
	s20 =	sshll.u32 s6, $0x1;
	s6 =	sadd.s32 s21, s4  }
0xa3: {  	[timem:s8], [sflag:s22] =	dma.local [hbm:s6], s20  }
0xa4: {  	_ =	swait.ge [sflag:s22], s20  }
0xa5: {  	s5 =	ssub.s32 $0x0, s20;
	[sflag:s22] =	ssyncset.done $0x0  }
0xa6: {  	[sflag:s22] =	ssyncadd.s32 s5;
	_ =	sdelay $0x1  }
0xa7: {  	s23 =	simm.s32 $0x1B8B  }
0xa8: {  	_ =	swait.ge [sflag:s23], $0x1  }
0xa9: {  	[sflag:s23] =	ssyncset.done $0x0  }
0xaa: {  	s25 =	simm.s32 $0x1B8E;
	s24 =	sld [smem:$0x3FFE];
	[sflag:s23] =	ssyncadd.s32 $0xFFFFFFFF  }
0xab: {  	s26 =	simm.s32 $execute0_lowered;
	[smem:$0x3FD2] =	sst s25  }
0xac: {  	s6 =	sshll.u32 s26, $0x1;
	_ =	strace $0x80000046;
	[dreg:$0x1] =	wrdreg $0xFFFFFFFF  }
0xad: {  	s28 =	simm.s32 $_size_execute0_lowered;
	s4 =	sadd.s32 s4, s6;
	[dreg:$0x0] =	wrdreg $0x0  }
0xae: {  	s6 =	sshll.u32 s28, $0x1;
	[dreg:$0x2] =	wrdreg s4  }
0xaf: {  	[dreg:$0x3] =	wrdreg s6  }
0xb0: {  	[dreg:$0x4] =	wrdreg $0xC0  }
0xb1: {  	_ =	task [dreg:s8], $0x5FFFF  }
0xb2: {  	[dreg:$0x1] =	wrdreg $0xFFFFFFFF  }
0xb3: {  	[dreg:$0x0] =	wrdreg $0x60  }
0xb4: {  	[dreg:$0x2] =	wrdreg s17  }
0xb5: {  	[dreg:$0x3] =	wrdreg s16  }
0xb6: {  	[dreg:$0x4] =	wrdreg s24  }
0xb7: {  	[dreg:$0x5] =	wrdreg $0x90000  }
0xb8: {  	[dreg:$0x6] =	wrdreg $0x9  }
0xb9: {  	_ =	task.clear_ibuf [dreg:s8], $0x7FFFF;
	_ =	strace $0x90000046  }
0xba: {  	s29 =	simm.s32 $0x9;
	_ =	strace $0x80000048  }
0xbb: {  	_ =	swait.ge [sflag:s29], $0x1  }
0xbc: {  	[sflag:s29] =	ssyncadd.s32 $0xFFFFFFFF  }
0xbd: {  	_ =	strace $0x90000048  }
0xbe: {  	_ =	sfence  }
0xbf: {  	s30 =	sld [smem:$0x0];
	_ =	sdelay $0x2  }
0xc0: {  	s31 =	sshll.u32 s1, $0xD;
	s1 =	sshrl.u32 s1, $0x2  }
0xc1: {  	s3 =	sand.u32 $0x4000, s31;
	s1 =	sadd.s32 s1, s30  }
0xc2: {  	s0 =	sor.u32 s3, s0;
	s1 =	sshll.u32 s1, $0x11  }
0xc3: {  	s0 =	sor.u32 s1, s0  }
0xc4: {  	s0 =	sadd.s32 $0x8F2B, s0  }
0xc5: {  	[sflag:s0] =	ssyncadd.remote.s32 $0x1  }
0xc6: {  	_ =	sfence.sel $0xFFFF  }
0xc7: {  	[dreg:$0x0] =	wrdreg $0xFFFFFFFF;
	(pc) =	sbr.abs _section_cstart, $3  }
0xc8: {  	[dreg:$0x1] =	wrdreg $0xFFFFFFFF  }
0xc9: {  	_ =	task.clear_ibuf [dreg:s8], $0x2FFFF;
	_ =	strace $0x9FFFFFFF  }
0xca: {  	(tm) =	ssettm $0x7FFFFFFF  }
0xcb: {  	_ =	shalt  }
tec
execute0_lowered:
.L_overlay_start_1:
0x0: {  	(tag) =	ssettag $0x1  }
0x1: {  	s5 =	rddreg [dreg:$0x0]  }
0x2: {  	s2 =	rddreg [dreg:$0x1]  }
0x3: {  	s6 =	rddreg [dreg:$0x2]  }
0x4: {  	s3 =	rddreg [dreg:$0x3]  }
0x5: {  	s0 =	rddreg [dreg:$0x4]  }
0x6: {  	s1 =	stileid.u32;
	s7 =	srdreg.scid;
	s4 =	simm.s32 $0x0  }
0x7: {  	s13 =	simm.s32 $0x80;
	s14 =	simm.s32 $0x0;
	s8 =	smul.u32 $0x13C00, s1  }
0x8: {  	s7 =	sand.u32 $0x1, s7;
	[smem:$0x7FF] =	sst s4;
	s28 =	smul.u32 $0x4F000, s1  }
0x9: {  	s26 =	sshll.u32 s1, $0x1;
	s31 =	sshll.u32 s1, $0x6;
	s9 =	smul.u32 $0x13C000, s7  }
0xa: {  	_ =	strace $0x80000047;
	s11 =	ssub.s32 $0x2, s7;
	s7 =	sor.u32 s7, s26  }
0xb: {  	s10 =	sshrl.u32 s8, $0x3;
	s12 =	sshrl.u32 s11, $0x1;
	s7 =	smul.u32 $0xA00, s7  }
0xc: {  	s29 =	sshrl.u32 s28, $0x2;
	s10 =	sadd.s32 s10, s6;
	s8 =	sadd.s32 s8, s9  }
0xd: {  	s11 =	ssub.s32 s11, s12;
	s30 =	sadd.s32 s29, s3;
	s9 =	simm.s32 $0x1  }
0xe: {  	s8 =	sshrl.u32 s8, $0x3;
	s5 =	sadd.s32 s5, s7;
	s12 =	sshrl.u32 s30, $0x3  }
0xf: {  	s8 =	sadd.s32 s8, s6;
	s6 =	sadd.s32 $0xE00, s10;
	s10 =	simm.s32 $0x5000  }
0x10: {  	s7 =	sadd.s32 $0x28600, s8;
	s8 =	smax.u32 s11, $0x1;
	s11 =	sor.u32 $0x1C01, s31  }
.LBB2_1:
0x11: {  	[tilespmem:s4], [sflag:$0x1] =	stream.linear.gather [hbm4b:s5+s4], $0x5000, $0x38;
	[tilespmem:$0xA3C0] =	vst v63  }
0x12: {  	_ =	swait.ge [sflag:s9], $0x5000  }
0x13: {  	[sflag:s9] =	ssyncset.done $0x0  }
0x14: {  	[sflag:s9] =	ssyncadd.s32 $0xFFFFB000  }
0x15: {  	[tilespmem:s10], [sflag:$0x1] =	stream.linear.gather [hbm4b:s2+s4], $0x4000, $0x38;
	[tilespmem:$0xA3C0] =	vst v63  }
0x16: {  	_ =	swait.ge [sflag:s9], $0x4000  }
0x17: {  	[sflag:s9] =	ssyncset.done $0x0  }
0x18: {  	[sflag:s9] =	ssyncadd.s32 $0xFFFFC000  }
0x19: {  	[spmem:s12], [sflag:s11] =	dma.local [hbm:s6], $0x2780  }
0x1a: {  	_ =	swait.ge [sflag:s9], $0x2780  }
0x1b: {  	[sflag:s9] =	ssyncset.done $0x0  }
0x1c: {  	[sflag:s9] =	ssyncadd.s32 $0xFFFFD880  }
0x1d: {  	s15 =	simm.s32 $0x0;
	[bflag:$0x0] =	sbarrier.arrive $0xFFFF  }
0x1e: {  	[spmem:s3] =	stream.indirect.scatter.add.f32 [tilespmem:s10], [sflag:$0x1], $0x8, s15, s13, $0xb8;
	[tilespmem:$0xA3C0] =	vst v63  }
0x1f: {  	_ =	swait.ge [sflag:s9], $0x400  }
0x20: {  	s15 =	simm.s32 $0x200;
	[sflag:s9] =	ssyncset.done $0x0  }
.LBB2_2:
0x21: {  	s16 =	sshra.s32 s15, $0x2;
	[sflag:s9] =	ssyncadd.s32 $0xFFFFFC00;
	p0 =	sne.s32 s15, $0x13E00  }
0x22: {  	[spmem:s3] =	stream.indirect.scatter.add.f32 [tilespmem:s10], [sflag:$0x1], $0x8, s16, s13, $0xb8;
	[tilespmem:$0xA3C0] =	vst v63  }
.Ltmp0:
0x23: {  	_ = 	snop;
	(pc) =	sbr.rel @p0 .LBB2_2-.Ltmp0, $4  }
0x24: {  	_ = 	snop  }
0x25: {  	s15 =	sadd.s32 $0x200, s15  }
0x26: {  	_ =	swait.ge [sflag:s9], $0x400  }
0x27: {  	[sflag:s9] =	ssyncset.done $0x0  }
0x28: {  	s14 =	sadd.s32 $0x1, s14  }
0x29: {  	[sflag:s9] =	ssyncadd.s32 $0xFFFFFC00;
	p0 =	sne.s32 s14, s8  }
.Ltmp1:
0x2a: {  	[bflag:$0x0] =	sbarrier.arrive $0xFFFF;
	(pc) =	sbr.rel @p0 .LBB2_1-.Ltmp1, $4  }
0x2b: {  	[hbm:s7], [sflag:s11] =	dma.local [spmem:s12], $0x2780  }
0x2c: {  	_ =	swait.ge [sflag:s9], $0x2780  }
0x2d: {  	[sflag:s9] =	ssyncset.done $0x0  }
0x2e: {  	[sflag:s9] =	ssyncadd.s32 $0xFFFFD880  }
0x2f: {  	_ =	sfence.sel $0x180000  }
0x30: {  	[bflag:$0x0] =	sbarrier.arrive $0xFFFF  }
0x31: {  	p0 =	sne.s32 s1, $0x0;
	_ =	strace $0x90000047  }
0x32: {  	s0 =	sadd.s32 @!p0 $0x100000, s0;
	[bflag:$0x2] =	sbarrier.arrive $0xFFFF  }
0x33: {  	[sflag:s0] =	ssyncadd.tile.s32 @!p0 $0x1;
	_ =	shalt  }
.Lfunc_end2:
_tile_overlayer_lowered:
.L_overlay_start_2:
0x34: {  	(tag) =	ssettag $0x2  }
0x35: {  	s0 =	rddreg [dreg:$0x0];
	s2 =	stileid.u32  }
0x36: {  	s1 =	rddreg [dreg:$0x1];
	p0 =	sne.s32 s2, $0x0  }
0x37: {  	s3 =	rddreg [dreg:$0x2];
	[bflag:$0x3] =	sbarrier.arrive $0xFFFF;
	s2 =	simm.s32 @!p0 $0x1C01  }
0x38: {  	[timem:s3], [sflag:s2] =	dma.local @!p0 [hbm:s0], s1  }
0x39: {  	s0 =	simm.s32 @!p0 $0x1  }
0x3a: {  	_ =	swait.ge @!p0 [sflag:s0], s1  }
0x3b: {  	s1 =	ssub.s32 @!p0 $0x0, s1;
	[sflag:s0] =	ssyncset.done @!p0 $0x0  }
0x3c: {  	[sflag:s0] =	ssyncadd.s32 @!p0 s1  }
0x3d: {  	[bflag:$0x3] =	sbarrier.arrive $0xFFFF  }
0x3e: {  	_ =	shalt  }

// kernel: scatter_offload_async_start
scs
__scs_entry_jumppad:
0x0: {  	(pc) =	sbr.rel $0x88, $3  }
0x1: {  	(tag) =	ssettag $0x0;
	lr =	simm.s32 $0x1  }
0x2: {  	[smem:$0x3F9B] =	sst lr;
	_ =	strace $0xD0000000  }
0x3: {  	_ = 	snop  }
0x4: {  	_ = 	snop  }
0x5: {  	_ = 	snop  }
0x6: {  	_ = 	snop  }
0x7: {  	_ = 	snop  }
__scs_overlays_trampoline_lowered:
0x8: {  	[smem:$0x3FAA] =	sst s0  }
0x9: {  	[smem:$0x3FAB] =	sst s1  }
0xa: {  	[smem:$0x3FAC] =	sst s2  }
0xb: {  	[smem:$0x3FAD] =	sst s3  }
0xc: {  	[smem:$0x3FAE] =	sst s4  }
0xd: {  	[smem:$0x3FAF] =	sst s5  }
0xe: {  	[smem:$0x3FB0] =	sst s6  }
0xf: {  	[smem:$0x3FB1] =	sst s7  }
0x10: {  	[smem:$0x3FB2] =	sst s8  }
0x11: {  	[smem:$0x3FB3] =	sst s9;
	s0 =	simm.s32 @!p0 $0x0  }
0x12: {  	s1 =	sld [smem:$0x3F99];
	s0 =	simm.s32 @p0 $0x1  }
0x13: {  	[smem:$0x3FB4] =	sst s0;
	s0 =	simm.s32 @!p1 $0x0  }
0x14: {  	s2 =	sld [smem:$0x3F98];
	s0 =	simm.s32 @p1 $0x1  }
0x15: {  	[smem:$0x3FB5] =	sst s0;
	s0 =	simm.s32 @!p2 $0x0  }
0x16: {  	s3 =	sld [smem:$0x3FDB];
	s0 =	simm.s32 @p2 $0x1  }
0x17: {  	s4 =	simm.s32 $0x1BF5;
	[smem:$0x3FB7] =	sst s0  }
0x18: {  	s0 =	sld [smem:$0x3F9A];
	_ =	swait.ge [sflag:s4], $0x0  }
0x19: {  	s7 =	sld [smem:$0x3F9B]  }
0x1a: {  	s8 =	sadd.s32 $0xFFFFE003, lr  }
0x1b: {  	s9 =	sadd.s32 $0xFFFFFEF7, lr;
	s5 =	simm.s32 $0xFFFFFFFF;
	p2 =	slt.u32 s8, $0xFFFFF086  }
0x1c: {  	p1 =	slt.u32 s9, $0xF7A;
	s5 =	simm.s32 @!p2 $0x0  }
0x1d: {  	s5 =	simm.s32 @p1 $0x1;
	p0 =	seq.s32 s7, s2  }
0x1e: {  	s7 =	smul.u32 @!p0 $0xF7A, s2;
	p2 =	seq.s32 @!p0 s5, $0x0  }
0x1f: {  	s9 =	smul.u32 $0xF7A, s1;
	s8 =	simm.s32 @!p0 $0x1BF5;
	p2 =	por !p2, p0  }
0x20: {  	[sflag:s8] =	ssyncset.s32 @!p0 $0xFFFFF086;
	s6 =	sadd.s32 @!p0 s3, s7;
	s7 =	simm.s32 @!p0 $0x108  }
0x21: {  	s3 =	sadd.s32 s3, s9;
	s6 =	sadd.s32 @!p0 $0x88, s6;
	s7 =	simm.s32 @p2 $0x1082  }
0x22: {  	[simem:s7], [sflag:s8] =	dma.local @!p0 [hbm:s6], $0xF7A  }
0x23: {  	s9 =	sor.u32 $0xD0000000, s2;
	s6 =	simm.s32 $0x108;
	_ =	swait.ge @!p0 [sflag:s8], $0x0  }
0x24: {  	s3 =	sadd.s32 $0x88, s3;
	s6 =	simm.s32 @!p1 $0x1082;
	[sflag:s4] =	ssyncset.s32 $0xFFFFF086  }
0x25: {  	[simem:s6], [sflag:s4] =	dma.local [hbm:s3], $0xF7A  }
0x26: {  	[smem:$0x3F9B] =	sst s1;
	(tag) =	ssettag s2;
	_ =	strace s9  }
0x27: {  	s1 =	sld [smem:$0x3FAB]  }
0x28: {  	s2 =	sld [smem:$0x3FAC]  }
0x29: {  	s4 =	sld [smem:$0x3FAE]  }
0x2a: {  	p0 =	seq.s32 s5, $0x0;
	s5 =	sld [smem:$0x3FAF]  }
0x2b: {  	s6 =	sld [smem:$0x3FB0]  }
0x2c: {  	s7 =	sld [smem:$0x3FB1]  }
0x2d: {  	s3 =	simm.s32 $0x108;
	s8 =	sld [smem:$0x3FB2]  }
0x2e: {  	s3 =	simm.s32 @!p0 $0x1082;
	s9 =	sld [smem:$0x3FB3]  }
0x2f: {  	lr =	sadd.s32 s0, s3;
	s0 =	sld [smem:$0x3FAA]  }
0x30: {  	s3 =	sld [smem:$0x3FAD]  }
0x31: {  	[smem:$0x3FB6] =	sst s10  }
0x32: {  	s10 =	sld [smem:$0x3FB4];
	_ =	sdelay $0x3  }
0x33: {  	p0 =	seq.s32 s10, $0x1;
	s10 =	sld [smem:$0x3FB6];
	_ =	sdelay $0x3  }
0x34: {  	[smem:$0x3FB6] =	sst s10  }
0x35: {  	s10 =	sld [smem:$0x3FB5];
	_ =	sdelay $0x3  }
0x36: {  	p1 =	seq.s32 s10, $0x1;
	s10 =	sld [smem:$0x3FB6];
	_ =	sdelay $0x3  }
0x37: {  	[smem:$0x3FB6] =	sst s10  }
0x38: {  	s10 =	sld [smem:$0x3FB7]  }
0x39: {  	_ = 	snop;
	(pc) =	sbr.ind lr, $3  }
0x3a: {  	_ = 	snop  }
0x3b: {  	_ = 	snop  }
0x3c: {  	p2 =	seq.s32 s10, $0x1;
	s10 =	sld [smem:$0x3FB6]  }
0x3d: {  	_ =	shalt  }
0x3e: {  	_ =	shalt  }
0x3f: {  	_ =	shalt  }
0x40: {  	_ =	shalt  }
0x41: {  	_ =	shalt  }
0x42: {  	_ =	shalt  }
0x43: {  	_ =	shalt  }
0x44: {  	_ =	shalt  }
0x45: {  	_ =	shalt  }
0x46: {  	_ =	shalt  }
0x47: {  	_ =	shalt  }
0x48: {  	_ =	shalt  }
0x49: {  	_ =	shalt  }
0x4a: {  	_ =	shalt  }
0x4b: {  	_ =	shalt  }
0x4c: {  	_ =	shalt  }
0x4d: {  	_ =	shalt  }
0x4e: {  	_ =	shalt  }
0x4f: {  	_ =	shalt  }
0x50: {  	_ =	shalt  }
0x51: {  	_ =	shalt  }
0x52: {  	_ =	shalt  }
0x53: {  	_ =	shalt  }
0x54: {  	_ =	shalt  }
0x55: {  	_ =	shalt  }
0x56: {  	_ =	shalt  }
0x57: {  	_ =	shalt  }
0x58: {  	_ =	shalt  }
0x59: {  	_ =	shalt  }
0x5a: {  	_ =	shalt  }
0x5b: {  	_ =	shalt  }
0x5c: {  	_ =	shalt  }
0x5d: {  	_ =	shalt  }
0x5e: {  	_ =	shalt  }
0x5f: {  	_ =	shalt  }
0x60: {  	_ =	shalt  }
0x61: {  	_ =	shalt  }
0x62: {  	_ =	shalt  }
0x63: {  	_ =	shalt  }
0x64: {  	_ =	shalt  }
0x65: {  	_ =	shalt  }
0x66: {  	_ =	shalt  }
0x67: {  	_ =	shalt  }
0x68: {  	_ =	shalt  }
0x69: {  	_ =	shalt  }
0x6a: {  	_ =	shalt  }
0x6b: {  	_ =	shalt  }
0x6c: {  	_ =	shalt  }
0x6d: {  	_ =	shalt  }
0x6e: {  	_ =	shalt  }
0x6f: {  	_ =	shalt  }
0x70: {  	_ =	shalt  }
0x71: {  	_ =	shalt  }
0x72: {  	_ =	shalt  }
0x73: {  	_ =	shalt  }
0x74: {  	_ =	shalt  }
0x75: {  	_ =	shalt  }
0x76: {  	_ =	shalt  }
0x77: {  	_ =	shalt  }
0x78: {  	_ =	shalt  }
0x79: {  	_ =	shalt  }
0x7a: {  	_ =	shalt  }
0x7b: {  	_ =	shalt  }
0x7c: {  	_ =	shalt  }
0x7d: {  	_ =	shalt  }
0x7e: {  	_ =	shalt  }
0x7f: {  	_ =	shalt  }
0x80: {  	_ =	shalt  }
0x81: {  	_ =	shalt  }
0x82: {  	_ =	shalt  }
0x83: {  	_ =	shalt  }
0x84: {  	_ =	shalt  }
0x85: {  	_ =	shalt  }
0x86: {  	_ =	shalt  }
0x87: {  	_ =	shalt  }
.Lfunc_end0:
.L_simem_size_0:
called_computation_lowered:
.L_overlay_start_0:
0x88: {  	s0 =	sld [smem:$0x3FD9]  }
0x89: {  	s1 =	sld [smem:$0x3FFE];
	_ =	sdelay $0x3  }
0x8a: {  	s0 =	sadd.s32 s1, s0  }
0x8b: {  	[smem:$0x3FC2] =	sst s0  }
0x8c: {  	_ = 	snop  }
0x8d: {  	s0 =	sld [smem:$0x3FD0];
	_ =	sdelay $0x2  }
0x8e: {  	s13 =	simm.s32 $0xA;
	s2 =	simm.s32 $0x10  }
0x8f: {  	[smem:s2], [sflag:s13] =	dma.local [hbm:s0], $0x1  }
0x90: {  	_ =	swait.eq [sflag:s13], $0x1  }
0x91: {  	[sflag:s13] =	ssyncset.done $0x0  }
0x92: {  	[sflag:s13] =	ssyncadd.s32 $0xFFFFFFFF  }
0x93: {  	s14 =	sld [smem:$0x11];
	(tm) =	ssettm $0x1  }
0x94: {  	s15 =	sld [smem:$0x3FFB];
	_ =	sdelay $0x3  }
0x95: {  	_ =	strace s15  }
0x96: {  	s1 =	sld [smem:$0x3FFC];
	_ =	sdelay $0x3  }
0x97: {  	_ =	strace s1  }
0x98: {  	s1 =	sld [smem:$0x3FFD];
	_ =	sdelay $0x3  }
0x99: {  	_ =	strace s1  }
0x9a: {  	_ =	strace $0x8FFFFFFF  }
0x9b: {  	s16 =	sld [smem:$0x3FDB];
	_ =	sdelay $0x1  }
0x9c: {  	s17 =	simm.s32 $_scs_section_size  }
0x9d: {  	s3 =	simm.s32 $_size__tile_overlayer_lowered;
	s4 =	simm.s32 $_tile_overlayer_lowered  }
0x9e: {  	s20 =	simm.s32 $0x1BFF;
	s19 =	sshll.u32 s4, $0x1;
	s1 =	sadd.s32 s17, s16  }
0x9f: {  	s5 =	simm.s32 $0x0;
	s18 =	sshll.u32 s3, $0x1;
	s3 =	sadd.s32 s19, s1  }
0xa0: {  	[timem:s5], [sflag:s20] =	dma.local [hbm:s3], s18  }
0xa1: {  	_ =	swait.ge [sflag:s20], s18  }
0xa2: {  	s2 =	ssub.s32 $0x0, s18;
	[sflag:s20] =	ssyncset.done $0x0  }
0xa3: {  	[sflag:s20] =	ssyncadd.s32 s2;
	_ =	sdelay $0x1  }
0xa4: {  	s21 =	simm.s32 $0x1B8B  }
0xa5: {  	_ =	swait.ge [sflag:s21], $0x1  }
0xa6: {  	[sflag:s21] =	ssyncset.done $0x0  }
0xa7: {  	s23 =	simm.s32 $0x1B8E;
	s22 =	sld [smem:$0x3FFE];
	[sflag:s21] =	ssyncadd.s32 $0xFFFFFFFF  }
0xa8: {  	s24 =	simm.s32 $execute0_lowered;
	[smem:$0x3FD2] =	sst s23  }
0xa9: {  	s3 =	sshll.u32 s24, $0x1;
	_ =	strace $0x8000004F;
	[dreg:$0x1] =	wrdreg $0xFFFFFFFF  }
0xaa: {  	s25 =	simm.s32 $_size_execute0_lowered;
	s1 =	sadd.s32 s1, s3;
	[dreg:$0x0] =	wrdreg $0x0  }
0xab: {  	s3 =	sshll.u32 s25, $0x1;
	[dreg:$0x2] =	wrdreg s1  }
0xac: {  	[dreg:$0x3] =	wrdreg s3  }
0xad: {  	[dreg:$0x4] =	wrdreg $0xC0  }
0xae: {  	_ =	task [dreg:s5], $0x5FFFF  }
0xaf: {  	[dreg:$0x1] =	wrdreg $0xFFFFFFFF  }
0xb0: {  	[dreg:$0x0] =	wrdreg $0x60  }
0xb1: {  	[dreg:$0x2] =	wrdreg s14  }
0xb2: {  	[dreg:$0x3] =	wrdreg s22  }
0xb3: {  	[dreg:$0x4] =	wrdreg $0x9  }
0xb4: {  	_ =	task.clear_ibuf [dreg:s5], $0x5FFFF;
	_ =	strace $0x9000004F  }
0xb5: {  	s26 =	simm.s32 $0x9;
	_ =	strace $0x80000051  }
0xb6: {  	_ =	swait.ge [sflag:s26], $0x1  }
0xb7: {  	[sflag:s26] =	ssyncadd.s32 $0xFFFFFFFF  }
0xb8: {  	_ =	strace $0x90000051  }
0xb9: {  	_ =	sfence  }
0xba: {  	s28 =	sld [smem:$0x0];
	_ =	sdelay $0x1  }
0xbb: {  	s29 =	srdreg.scid  }
0xbc: {  	s30 =	sshll.u32 s29, $0xD;
	s31 =	sshrl.u32 s29, $0x2  }
0xbd: {  	s2 =	sand.u32 $0x4000, s30;
	s1 =	sand.u32 $0x1, s29;
	s0 =	sadd.s32 s31, s28  }
0xbe: {  	s1 =	sor.u32 s2, s1;
	s0 =	sshll.u32 s0, $0x11  }
0xbf: {  	s0 =	sor.u32 s0, s1  }
0xc0: {  	s0 =	sadd.s32 $0x8F2B, s0  }
0xc1: {  	[sflag:s0] =	ssyncadd.remote.s32 $0x1  }
0xc2: {  	_ =	sfence.sel $0xFFFF  }
0xc3: {  	[dreg:$0x0] =	wrdreg $0xFFFFFFFF;
	(pc) =	sbr.abs _section_cstart, $3  }
0xc4: {  	[dreg:$0x1] =	wrdreg $0xFFFFFFFF  }
0xc5: {  	_ =	task.clear_ibuf [dreg:s5], $0x2FFFF;
	_ =	strace $0x9FFFFFFF  }
0xc6: {  	(tm) =	ssettm $0x7FFFFFFF  }
0xc7: {  	_ =	shalt  }
tec
execute0_lowered:
.L_overlay_start_1:
0x0: {  	(tag) =	ssettag $0x1  }
0x1: {  	s1 =	rddreg [dreg:$0x0]  }
0x2: {  	s2 =	rddreg [dreg:$0x1]  }
0x3: {  	s0 =	rddreg [dreg:$0x2];
	s3 =	stileid.u32  }
0x4: {  	_ =	strace $0x80000050;
	s4 =	simm.s32 $0x3E;
	p0 =	sne.s32 s3, $0x0  }
0x5: {  	[sflag:s4] =	ssyncpa.u1 $0x0;
	s5 =	simm.s32 @!p0 $0x1C3E;
	s6 =	simm.s32 @!p0 $0x0  }
0x6: {  	[spmem:s6], [sflag:s5] =	dma.local @!p0 [hbm:s1], $0x800  }
0x7: {  	s5 =	simm.s32 @!p0 $0x3E  }
0x8: {  	_ =	swait.ge @!p0 [sflag:s5], $0x800  }
0x9: {  	[sflag:s5] =	ssyncset.done @!p0 $0x0  }
0xa: {  	s26 =	simm.s32 $0x1;
	[sflag:s5] =	ssyncadd.s32 @!p0 $0xFFFFF800  }
0xb: {  	s29 =	simm.s32 $0x2;
	s7 =	simm.s32 $0x800;
	[bflag:$0x0] =	sbarrier.arrive $0xFFFF  }
0xc: {  	s28 =	sadd.s32 $0xE00, s2;
	s30 =	sadd.s32 $0x1600, s2;
	[sflag:s4] =	ssyncpa.u1 $0x1  }
0xd: {  	s3 =	sshll.u32 s3, $0x7;
	s2 =	simm.s32 $0x0;
	[sflag:s26] =	ssyncpa.u1 $0x0  }
0xe: {  	s4 =	sadd.s32 s28, s3;
	(ifvalue) =	ssetifvalue $0x4000;
	[sflag:s29] =	ssyncpa.u1 $0x0  }
0xf: {  	[tilespmem:s7], [sflag:$0x2] =	stream.linear.gather [hbm4b:s4+s2], $0x400, $0x38;
	[tilespmem:$0x1400] =	vst v63  }
0x10: {  	s31 =	sadd.s32 s30, s3;
	s3 =	simm.s32 $0x1000  }
0x11: {  	[tilespmem:s3], [sflag:$0x2] =	stream.linear.gather [hbm4b:s31+s2], $0x400, $0x38;
	[tilespmem:$0x1400] =	vst v63  }
0x12: {  	_ =	swait.ge [sflag:s29], $0x800  }
0x13: {  	[sflag:s29] =	ssyncset.done $0x0  }
0x14: {  	[sflag:s29] =	ssyncadd.s32 $0xFFFFF800  }
0x15: {  	v0 =	vld.msk [tilespmem:s7+$0x0 ss:$0x1], $0xffff;
	_ =	sdelay $0x4  }
0x16: {  	v0 =	vmin.u32 v0, $0x4000;
	_ =	sdelay $0x3  }
0x17: {  	vm0 =	vmmov $0xffff;
	s5 =	simm.s32 $0x810;
	s4 =	simm.s32 $0x0  }
0x18: {  	[spmem:s2] =	stream.indirect_vreg.scatter.add.s32 [tilespmem:s3], [sflag:$0x1], $0x1, v0, vm0, $0x4038;
	[tilespmem:$0x1400] =	vst v63  }
.LBB2_1:
0x19: {  	v0 =	vld.msk [tilespmem:s5+$0x0 ss:$0x1], $0xffff;
	s4 =	sadd.s32 $0x10, s4  }
0x1a: {  	p1 =	slt.u32 s4, $0x3F0;
	_ =	sdelay $0x4  }
0x1b: {  	v0 =	vmin.u32 v0, $0x4000  }
.Ltmp0:
0x1c: {  	(pc) =	sbr.rel @p1 .LBB2_1-.Ltmp0, $3  }
0x1d: {  	_ =	sdelay $0x1  }
0x1e: {  	s5 =	sadd.s32 $0x10, s5;
	s3 =	sadd.s32 $0x10, s3  }
0x1f: {  	[spmem:s2] =	stream.indirect_vreg.scatter.add.s32 [tilespmem:s3], [sflag:$0x1], $0x1, v0, vm0, $0x4038;
	[tilespmem:$0x1400] =	vst v63  }
0x20: {  	s2 =	simm.s32 $0x1  }
0x21: {  	_ =	swait.ge [sflag:s2], $0x400  }
0x22: {  	[sflag:s2] =	ssyncset.done $0x0  }
0x23: {  	[sflag:s2] =	ssyncadd.s32 $0xFFFFFC00  }
0x24: {  	_ =	sfence.sel $0x180000  }
0x25: {  	s3 =	simm.s32 $0x2;
	[bflag:$0x0] =	sbarrier.arrive $0xFFFF  }
0x26: {  	[sflag:s3] =	ssyncpa.u1 $0x1  }
0x27: {  	[sflag:s2] =	ssyncpa.u1 $0x1  }
0x28: {  	_ =	sfence.stream.spmem  }
0x29: {  	s31 =	simm.s32 $0x3D;
	[bflag:$0x0] =	sbarrier.arrive $0xFFFF  }
0x2a: {  	s2 =	simm.s32 @p0 $0x3D;
	[sflag:s31] =	ssyncpa.u1 $0x0  }
0x2b: {  	[sflag:s2] =	ssyncpa.u1 @p0 $0x1  }
0x2c: {  	[bflag:$0x0] =	sbarrier.arrive @p0 $0xFFFF  }
0x2d: {  	_ =	strace @p0 $0x90000050  }
0x2e: {  	s3 =	simm.s32 @!p0 $0x1C3D;
	s2 =	simm.s32 @!p0 $0x0;
	[bflag:$0x2] =	sbarrier.arrive @p0 $0xFFFF  }
0x2f: {  	[hbm:s1], [sflag:s3] =	dma.local @!p0 [spmem:s2], $0x800  }
0x30: {  	s1 =	simm.s32 @!p0 $0x3D  }
0x31: {  	_ =	swait.ge @!p0 [sflag:s1], $0x800  }
0x32: {  	[sflag:s1] =	ssyncset.done @!p0 $0x0  }
0x33: {  	[sflag:s1] =	ssyncadd.s32 @!p0 $0xFFFFF800  }
0x34: {  	[sflag:s1] =	ssyncpa.u1 @!p0 $0x1  }
0x35: {  	[bflag:$0x0] =	sbarrier.arrive @!p0 $0xFFFF  }
0x36: {  	_ =	strace @!p0 $0x90000050  }
0x37: {  	s0 =	sadd.s32 @!p0 $0x100000, s0;
	[bflag:$0x2] =	sbarrier.arrive @!p0 $0xFFFF  }
0x38: {  	[sflag:s0] =	ssyncadd.tile.s32 @!p0 $0x1;
	_ =	shalt  }
.Lfunc_end2:
_tile_overlayer_lowered:
.L_overlay_start_2:
0x39: {  	(tag) =	ssettag $0x2  }
0x3a: {  	s0 =	rddreg [dreg:$0x0];
	s2 =	stileid.u32  }
0x3b: {  	s1 =	rddreg [dreg:$0x1];
	p0 =	sne.s32 s2, $0x0  }
0x3c: {  	s3 =	rddreg [dreg:$0x2];
	[bflag:$0x3] =	sbarrier.arrive $0xFFFF;
	s2 =	simm.s32 @!p0 $0x1C01  }
0x3d: {  	[timem:s3], [sflag:s2] =	dma.local @!p0 [hbm:s0], s1  }
0x3e: {  	s0 =	simm.s32 @!p0 $0x1  }
0x3f: {  	_ =	swait.ge @!p0 [sflag:s0], s1  }
0x40: {  	s1 =	ssub.s32 @!p0 $0x0, s1;
	[sflag:s0] =	ssyncset.done @!p0 $0x0  }
0x41: {  	[sflag:s0] =	ssyncadd.s32 @!p0 s1  }
0x42: {  	[bflag:$0x3] =	sbarrier.arrive $0xFFFF  }
0x43: {  	_ =	shalt  }

</sc_bundles>
